<compile_context>
chip_gen: v7x
topology: tpu7x:2x2x1
jax: 0.10.2.dev20260603
libtpu: 0.0.44.dev20260713+nightly
codegen_flags: <defaults>
</compile_context>

<pallas_src>
import functools

import jax
import jax.numpy as jnp
from jax import lax
from jax.experimental import pallas as pl
from jax.experimental.pallas import tpu as pltpu
from jax.experimental.pallas import tpu_sc as plsc

N = 10000
E = 160000
D = 256
H = 512
C = 16
G = 64
BN_EPS = 1e-5

R = 1000
NT = N // R
EB = 125
ROWS_PER_TILE = E // 16 // EB
HALF = ROWS_PER_TILE // 2
NODES_PER_TILE = N // 16
BF = jnp.bfloat16


def _bdot(a, b):
    return jnp.dot(a.astype(BF), b.astype(BF),
                   preferred_element_type=jnp.float32)


def _sc_agg_body(npc, xf, xf3, srcm, dstm, sf3, src_v, dst_v, buf0, buf1, spmem,
                 gsem0, gsem1, ssem0, ssem1):
    ci = lax.axis_index("c")
    si = lax.axis_index("s")
    slots = ((buf0, gsem0, ssem0), (buf1, gsem1, ssem1))
    pltpu.sync_copy(dstm.at[si], dst_v)
    for t in range(npc):
        chunk = ci * npc + t
        pltpu.sync_copy(xf3.at[chunk * 16 + si],
                        spmem.at[pl.ds(si * NODES_PER_TILE, NODES_PER_TILE)])
        plsc.subcore_barrier()

        for h in range(2):
            pltpu.sync_copy(srcm.at[(chunk * 16 + si) * 2 + h], src_v)
            hb = h * HALF
            pltpu.async_copy(xf.at[src_v.at[0]], buf0, gsem0)
            pltpu.async_copy(xf.at[src_v.at[1]], buf1, gsem1)

            def pair(i, carry):
                for j in range(2):
                    buf, gs, ss = slots[j]
                    b = 2 * i + j
                    pltpu.make_async_copy(xf.at[src_v.at[b]], buf, gs).wait()
                    pltpu.async_copy(buf, spmem.at[dst_v.at[hb + b]], ss,
                                     add=True)
                    pltpu.make_async_copy(buf, spmem.at[dst_v.at[hb + b]],
                                          ss).wait()

                    @pl.when(b + 2 < HALF)
                    def _():
                        pltpu.async_copy(xf.at[src_v.at[b + 2]], buf, gs)

                return carry

            lax.fori_loop(0, HALF // 2, pair, 0)

        plsc.subcore_barrier()
        pltpu.sync_copy(spmem.at[pl.ds(si * NODES_PER_TILE, NODES_PER_TILE)],
                        sf3.at[chunk * 16 + si])
        if t + 1 < npc:
            plsc.subcore_barrier()


def _sc_agg(xf, srcm, dstm, nc):
    npc = nc // 2
    mesh = plsc.VectorSubcoreMesh(core_axis_name="c", subcore_axis_name="s")
    xf3 = xf.reshape(nc * 16, NODES_PER_TILE, 128)
    out = pl.kernel(
        functools.partial(_sc_agg_body, npc),
        out_type=jax.ShapeDtypeStruct((nc * 16, NODES_PER_TILE, 128),
                                      jnp.float32),
        mesh=mesh,
        scratch_types=[
            pltpu.VMEM((HALF, EB), jnp.int32),
            pltpu.VMEM((ROWS_PER_TILE, EB), jnp.int32),
            pltpu.VMEM((EB, 128), jnp.float32),
            pltpu.VMEM((EB, 128), jnp.float32),
            pltpu.VMEM_SHARED((N, 128), jnp.float32),
            pltpu.SemaphoreType.DMA,
            pltpu.SemaphoreType.DMA,
            pltpu.SemaphoreType.DMA,
            pltpu.SemaphoreType.DMA,
        ],
    )(xf, xf3, srcm, dstm)
    return out.reshape(nc * N, 128)


def _sc_deg_body(dstm, deg_out, dst_v, zbuf, spdeg, s0, s1):
    ci = lax.axis_index("c")
    si = lax.axis_index("s")
    pltpu.sync_copy(dstm.at[si], dst_v)

    def fill(val):
        def body(r, c):
            for k in range(8):
                zbuf[r, pl.ds(k * 16, 16)] = jnp.full((16,), val, jnp.float32)
            return c
        lax.fori_loop(0, EB, body, 0)

    fill(0.0)
    for k in range(5):
        pltpu.sync_copy(zbuf, spdeg.at[pl.ds(si * NODES_PER_TILE + k * EB, EB)])
    fill(1.0)
    plsc.subcore_barrier()
    bo = ci * HALF
    pltpu.async_copy(zbuf, spdeg.at[dst_v.at[bo]], s0, add=True)
    pltpu.async_copy(zbuf, spdeg.at[dst_v.at[bo + 1]], s1, add=True)

    def pair(i, carry):
        b = bo + 2 * i
        for j, sem in ((0, s0), (1, s1)):
            pltpu.make_async_copy(zbuf, spdeg.at[dst_v.at[b + j]], sem).wait()

            @pl.when(b + j + 2 < bo + HALF)
            def _():
                pltpu.async_copy(zbuf, spdeg.at[dst_v.at[b + j + 2]], sem,
                                 add=True)

        return carry

    lax.fori_loop(0, HALF // 2, pair, 0)
    plsc.subcore_barrier()
    pltpu.sync_copy(spdeg.at[pl.ds(si * NODES_PER_TILE, NODES_PER_TILE)],
                    deg_out.at[ci * 16 + si])


def _sc_deg(dstm):
    mesh = plsc.VectorSubcoreMesh(core_axis_name="c", subcore_axis_name="s")
    out = pl.kernel(
        _sc_deg_body,
        out_type=jax.ShapeDtypeStruct((32, NODES_PER_TILE, 128), jnp.float32),
        mesh=mesh,
        scratch_types=[
            pltpu.VMEM((ROWS_PER_TILE, EB), jnp.int32),
            pltpu.VMEM((EB, 128), jnp.float32),
            pltpu.VMEM_SHARED((N, 128), jnp.float32),
            pltpu.SemaphoreType.DMA,
            pltpu.SemaphoreType.DMA,
        ],
    )(dstm)
    return out.reshape(2, N, 128)


def _k1_body(s_ref, w_ref, b_ref, h_ref, st_ref, acc, stacc):
    c = pl.program_id(1)
    nc = pl.num_programs(1)
    i = pl.program_id(0)
    ni = pl.num_programs(0)

    @pl.when(c == 0)
    def _():
        acc[...] = jnp.zeros_like(acc)

    acc[...] += _bdot(s_ref[...], w_ref[0])

    @pl.when(c == nc - 1)
    def _():
        h = jnp.maximum(acc[...] + b_ref[...], 0.0)
        h_ref[...] = h.astype(BF)

        @pl.when(i == 0)
        def _():
            stacc[...] = jnp.zeros_like(stacc)

        stacc[0:1, :] += jnp.sum(h, axis=0, keepdims=True)
        stacc[1:2, :] += jnp.sum(h * h, axis=0, keepdims=True)

        @pl.when(i == ni - 1)
        def _():
            st_ref[...] = stacc[...]


def _k1(s, w, b, nc):
    return pl.pallas_call(
        _k1_body,
        grid=(NT, nc),
        in_specs=[
            pl.BlockSpec((R, 128), lambda i, c: (c * NT + i, 0)),
            pl.BlockSpec((1, 128, H), lambda i, c: (c, 0, 0)),
            pl.BlockSpec((1, H), lambda i, c: (0, 0)),
        ],
        out_specs=[
            pl.BlockSpec((R, H), lambda i, c: (i, 0)),
            pl.BlockSpec((8, H), lambda i, c: (0, 0)),
        ],
        out_shape=[
            jax.ShapeDtypeStruct((N, H), BF),
            jax.ShapeDtypeStruct((8, H), jnp.float32),
        ],
        scratch_shapes=[
            pltpu.VMEM((R, H), jnp.float32),
            pltpu.VMEM((8, H), jnp.float32),
        ],
    )(s, w, b)


def _k1n_body(s_ref, w_ref, b_ref, stp_ref, gp_ref, bep_ref, deg_ref,
              h_ref, st_ref, acc, vacc, stacc):
    c = pl.program_id(1)
    nc = pl.num_programs(1)
    i = pl.program_id(0)
    ni = pl.num_programs(0)
    mean = stp_ref[0, 0:1, :] * (1.0 / N)
    var = stp_ref[0, 1:2, :] * (1.0 / N) - mean * mean
    a = gp_ref[0] * lax.rsqrt(var + BN_EPS)
    cc = bep_ref[0] - mean * a

    @pl.when(c == 0)
    def _():
        acc[...] = jnp.zeros_like(acc)
        vacc[...] = jnp.zeros_like(vacc)

    acc[...] += _bdot(s_ref[...] * a, w_ref[0])
    vacc[...] += _bdot(cc, w_ref[0])

    @pl.when(c == nc - 1)
    def _():
        degc = deg_ref[0, :, 0:1] + deg_ref[1, :, 0:1] + 1.0
        h = jnp.maximum(acc[...] + degc * vacc[...] + b_ref[...], 0.0)
        h_ref[...] = h.astype(BF)

        @pl.when(i == 0)
        def _():
            stacc[...] = jnp.zeros_like(stacc)

        stacc[0:1, :] += jnp.sum(h, axis=0, keepdims=True)
        stacc[1:2, :] += jnp.sum(h * h, axis=0, keepdims=True)

        @pl.when(i == ni - 1)
        def _():
            st_ref[...] = stacc[...]


def _k1n(s, w, b, stp, gp, bep, deg, nc):
    return pl.pallas_call(
        _k1n_body,
        grid=(NT, nc),
        in_specs=[
            pl.BlockSpec((R, 128), lambda i, c: (c * NT + i, 0)),
            pl.BlockSpec((1, 128, H), lambda i, c: (c, 0, 0)),
            pl.BlockSpec((1, H), lambda i, c: (0, 0)),
            pl.BlockSpec((1, 8, 128), lambda i, c: (c, 0, 0)),
            pl.BlockSpec((1, 1, 128), lambda i, c: (c, 0, 0)),
            pl.BlockSpec((1, 1, 128), lambda i, c: (c, 0, 0)),
            pl.BlockSpec((2, R, 128), lambda i, c: (0, i, 0)),
        ],
        out_specs=[
            pl.BlockSpec((R, H), lambda i, c: (i, 0)),
            pl.BlockSpec((8, H), lambda i, c: (0, 0)),
        ],
        out_shape=[
            jax.ShapeDtypeStruct((N, H), BF),
            jax.ShapeDtypeStruct((8, H), jnp.float32),
        ],
        scratch_shapes=[
            pltpu.VMEM((R, H), jnp.float32),
            pltpu.VMEM((1, H), jnp.float32),
            pltpu.VMEM((8, H), jnp.float32),
        ],
    )(s, w, b, jnp.transpose(stp.reshape(8, nc, 128), (1, 0, 2)),
      gp.reshape(nc, 1, 128), bep.reshape(nc, 1, 128), deg)


def _k2_body(h_ref, st_ref, g_ref, be_ref, w_ref, b_ref, out_ref, sto_ref, stacc):
    i = pl.program_id(0)
    ni = pl.num_programs(0)
    mean = st_ref[0:1, :] * (1.0 / N)
    var = st_ref[1:2, :] * (1.0 / N) - mean * mean
    a = g_ref[...] * lax.rsqrt(var + BN_EPS)
    cc = be_ref[...] - mean * a
    hn = h_ref[...].astype(jnp.float32) * a + cc
    h2 = jnp.maximum(_bdot(hn, w_ref[...]) + b_ref[...], 0.0)
    for c in range(4):
        out_ref[c] = h2[:, c * 128:(c + 1) * 128]

    @pl.when(i == 0)
    def _():
        stacc[...] = jnp.zeros_like(stacc)

    stacc[0:1, :] += jnp.sum(h2, axis=0, keepdims=True)
    stacc[1:2, :] += jnp.sum(h2 * h2, axis=0, keepdims=True)

    @pl.when(i == ni - 1)
    def _():
        sto_ref[...] = stacc[...]


def _k2(h, st, g, be, w, b):
    return pl.pallas_call(
        _k2_body,
        grid=(NT,),
        in_specs=[
            pl.BlockSpec((R, H), lambda i: (i, 0)),
            pl.BlockSpec((8, H), lambda i: (0, 0)),
            pl.BlockSpec((1, H), lambda i: (0, 0)),
            pl.BlockSpec((1, H), lambda i: (0, 0)),
            pl.BlockSpec((H, H), lambda i: (0, 0)),
            pl.BlockSpec((1, H), lambda i: (0, 0)),
        ],
        out_specs=[
            pl.BlockSpec((4, R, 128), lambda i: (0, i, 0)),
            pl.BlockSpec((8, H), lambda i: (0, 0)),
        ],
        out_shape=[
            jax.ShapeDtypeStruct((4, N, 128), jnp.float32),
            jax.ShapeDtypeStruct((8, H), jnp.float32),
        ],
        scratch_shapes=[pltpu.VMEM((8, H), jnp.float32)],
    )(h, st, g, be, w, b)


def _k3_body(h_ref, b_ref, st_ref, g_ref, be_ref, w0_ref, b0_ref, w1_ref,
             b1_ref, out_ref, psum, cnt):
    i = pl.program_id(0)
    ni = pl.num_programs(0)

    @pl.when(i == 0)
    def _():
        psum[...] = jnp.zeros_like(psum)
        cnt[...] = jnp.zeros_like(cnt)

    bt = b_ref[0]
    gids = lax.broadcasted_iota(jnp.int32, (G, 1), 0)
    oh = (bt == gids).astype(jnp.float32)
    for c in range(4):
        psum[c] += _bdot(oh, h_ref[c])
    cnt[...] += jnp.sum(oh, axis=1, keepdims=True)

    @pl.when(i == ni - 1)
    def _():
        mean = st_ref[0:1, :] * (1.0 / N)
        var = st_ref[1:2, :] * (1.0 / N) - mean * mean
        a = g_ref[...] * lax.rsqrt(var + BN_EPS)
        cc = be_ref[...] - mean * a
        inv = 1.0 / jnp.maximum(cnt[...], 1.0)
        z1 = b0_ref[...] + jnp.zeros((G, H), jnp.float32)
        for c in range(4):
            sl = slice(c * 128, (c + 1) * 128)
            pn = psum[c] * inv * a[:, sl] + cc[:, sl]
            z1 += _bdot(pn, w0_ref[sl, :])
        z1 = jnp.maximum(z1, 0.0)
        z = _bdot(z1, w1_ref[...]) + b1_ref[...]
        mx = jnp.max(z, axis=1, keepdims=True)
        lse = jnp.log(jnp.sum(jnp.exp(z - mx), axis=1, keepdims=True)) + mx
        out_ref[...] = z - lse


def _k3(hc, batch3, st, g, be, w0, b0, w1, b1):
    return pl.pallas_call(
        _k3_body,
        grid=(NT,),
        in_specs=[
            pl.BlockSpec((4, R, 128), lambda i: (0, i, 0)),
            pl.BlockSpec((1, 1, R), lambda i: (i, 0, 0)),
            pl.BlockSpec((8, H), lambda i: (0, 0)),
            pl.BlockSpec((1, H), lambda i: (0, 0)),
            pl.BlockSpec((1, H), lambda i: (0, 0)),
            pl.BlockSpec((H, H), lambda i: (0, 0)),
            pl.BlockSpec((1, H), lambda i: (0, 0)),
            pl.BlockSpec((H, C), lambda i: (0, 0)),
            pl.BlockSpec((1, C), lambda i: (0, 0)),
        ],
        out_specs=pl.BlockSpec((G, C), lambda i: (0, 0)),
        out_shape=jax.ShapeDtypeStruct((G, C), jnp.float32),
        scratch_shapes=[
            pltpu.VMEM((4, G, 128), jnp.float32),
            pltpu.VMEM((G, 1), jnp.float32),
        ],
    )(hc, batch3, st, g, be, w0, b0, w1, b1)


def kernel(x, edge_index, batch,
           init_W0, init_b0, init_g0, init_be0, init_W1, init_b1, init_g1, init_be1,
           mp_W0, mp_b0, mp_g0, mp_be0, mp_W1, mp_b1, mp_g1, mp_be1,
           head_W0, head_b0, head_W1, head_b1):
    src = edge_index[0]
    dst = edge_index[1]
    x2 = jnp.transpose(x.reshape(N, 2, 128), (1, 0, 2)).reshape(2 * N, 128)
    offs2 = (jnp.arange(2, dtype=jnp.int32) * N)[:, None]
    offs4 = (jnp.arange(4, dtype=jnp.int32) * N)[:, None]
    srcm2 = (src[None, :] + offs2).reshape(2 * 32, HALF, EB)
    srcm4 = (src[None, :] + offs4).reshape(4 * 32, HALF, EB)
    dstm = dst.reshape(16, ROWS_PER_TILE, EB)
    batch3 = batch.reshape(NT, 1, R)

    deg = _sc_deg(dstm)
    s = _sc_agg(x2, srcm2, dstm, 2)
    h1, st0 = _k1(s, init_W0.reshape(2, 128, H), init_b0.reshape(1, H), 2)
    h2c, st1 = _k2(h1, st0, init_g0.reshape(1, H), init_be0.reshape(1, H),
                   init_W1, init_b1.reshape(1, H))
    gp, bep = init_g1.reshape(1, H), init_be1.reshape(1, H)
    for i in range(3):
        s = _sc_agg(h2c.reshape(4 * N, 128), srcm4, dstm, 4)
        h1, st0 = _k1n(s, mp_W0[i].reshape(4, 128, H), mp_b0[i].reshape(1, H),
                       st1, gp, bep, deg, 4)
        h2c, st1 = _k2(h1, st0, mp_g0[i].reshape(1, H), mp_be0[i].reshape(1, H),
                       mp_W1[i], mp_b1[i].reshape(1, H))
        gp, bep = mp_g1[i].reshape(1, H), mp_be1[i].reshape(1, H)
    return _k3(h2c, batch3, st1, gp, bep, head_W0, head_b0.reshape(1, H),
               head_W1, head_b1.reshape(1, C))

# --- scband reference (transcript-rebuilt; emitter-appended) ---
"""Pipeline reference for scband-gin-47828755808669 (READ-ONLY COPY).

The authoritative reference and input builder live on the scoring server;
editing this copy changes nothing except your own understanding.
"""

import jax, jax.numpy as jnp
import numpy as np

N = 10000
E = 160000
D = 256
H = 512
C = 16
G = 64
L = 4  # num_layers
BN_EPS = 1e-5


def _bn(h, gamma, beta):
    # BatchNorm1d forward with batch statistics (training-mode normalization),
    # deterministic given the batch. torch uses biased variance for normalization.
    m = jnp.mean(h, axis=0)
    v = jnp.var(h, axis=0)
    return (h - m) / jnp.sqrt(v + BN_EPS) * gamma + beta


def _gin_layer(x, edge_index, W0, b0, g0, be0, W1, b1, g1, be1):
    # GINConv with eps=0 (train_eps=False): h_i = MLP((1+eps)*x_i + sum_{j->i} x_j)
    src = edge_index[0]
    dst = edge_index[1]
    agg = jnp.zeros_like(x).at[dst].add(x[src])
    h = x + agg
    h = jax.nn.relu(h @ W0 + b0)
    h = _bn(h, g0, be0)
    h = jax.nn.relu(h @ W1 + b1)
    h = _bn(h, g1, be1)
    return h


def setup_inputs(seed: int = 0) -> dict:
    key = jax.random.key(seed)
    ks = jax.random.split(key, 40)
    inp = {}
    inp["x"] = jax.random.normal(ks[0], (N, D), dtype=jnp.float32)
    inp["edge_index"] = jax.random.randint(ks[1], (2, E), 0, N, dtype=jnp.int32)
    inp["batch"] = jnp.sort(jax.random.randint(ks[2], (N,), 0, G, dtype=jnp.int32))
    # initialization GINConv MLP params
    inp["init_W0"] = 0.05 * jax.random.normal(ks[3], (D, H), dtype=jnp.float32)
    inp["init_b0"] = jnp.zeros((H,), dtype=jnp.float32)
    inp["init_g0"] = jnp.ones((H,), dtype=jnp.float32)
    inp["init_be0"] = jnp.zeros((H,), dtype=jnp.float32)
    inp["init_W1"] = 0.05 * jax.random.normal(ks[4], (H, H), dtype=jnp.float32)
    inp["init_b1"] = jnp.zeros((H,), dtype=jnp.float32)
    inp["init_g1"] = jnp.ones((H,), dtype=jnp.float32)
    inp["init_be1"] = jnp.zeros((H,), dtype=jnp.float32)
    # remaining (L-1) GINConv layers, stacked
    M = L - 1
    inp["mp_W0"] = 0.05 * jax.random.normal(ks[5], (M, H, H), dtype=jnp.float32)
    inp["mp_b0"] = jnp.zeros((M, H), dtype=jnp.float32)
    inp["mp_g0"] = jnp.ones((M, H), dtype=jnp.float32)
    inp["mp_be0"] = jnp.zeros((M, H), dtype=jnp.float32)
    inp["mp_W1"] = 0.05 * jax.random.normal(ks[6], (M, H, H), dtype=jnp.float32)
    inp["mp_b1"] = jnp.zeros((M, H), dtype=jnp.float32)
    inp["mp_g1"] = jnp.ones((M, H), dtype=jnp.float32)
    inp["mp_be1"] = jnp.zeros((M, H), dtype=jnp.float32)
    # classification head
    inp["head_W0"] = 0.05 * jax.random.normal(ks[7], (H, H), dtype=jnp.float32)
    inp["head_b0"] = jnp.zeros((H,), dtype=jnp.float32)
    inp["head_W1"] = 0.05 * jax.random.normal(ks[8], (H, C), dtype=jnp.float32)
    inp["head_b1"] = jnp.zeros((C,), dtype=jnp.float32)
    return inp


def reference(x, edge_index, batch,
              init_W0, init_b0, init_g0, init_be0, init_W1, init_b1, init_g1, init_be1,
              mp_W0, mp_b0, mp_g0, mp_be0, mp_W1, mp_b1, mp_g1, mp_be1,
              head_W0, head_b0, head_W1, head_b1):
    h = _gin_layer(x, edge_index, init_W0, init_b0, init_g0, init_be0,
                   init_W1, init_b1, init_g1, init_be1)
    for i in range(L - 1):
        h = _gin_layer(h, edge_index, mp_W0[i], mp_b0[i], mp_g0[i], mp_be0[i],
                       mp_W1[i], mp_b1[i], mp_g1[i], mp_be1[i])
    # global mean pool over graphs
    sums = jax.ops.segment_sum(h, batch, num_segments=G)
    counts = jax.ops.segment_sum(jnp.ones((h.shape[0], 1), dtype=h.dtype), batch, num_segments=G)
    pooled = sums / jnp.maximum(counts, 1.0)
    # classification head (dropout is identity in eval / deterministic reference)
    z = jax.nn.relu(pooled @ head_W0 + head_b0)
    z = z @ head_W1 + head_b1
    return jax.nn.log_softmax(z, axis=-1)

if __name__ == "__main__":
    import jax
    _d = setup_inputs()
    print(jax.jit(kernel)(*tuple(_d.values())))

</pallas_src>

<mosaic_0001>
#map = affine_map<(d0, d1) -> (0, 0)>
#map1 = affine_map<(d0, d1) -> (0, 0, 0)>
module attributes {stable_mosaic.version = 14 : i64} {
  func.func @_sc_agg_body(%arg0: i32, %arg1: i32, %arg2: memref<20000x128xf32, #tpu.memory_space<hbm>>, %arg3: memref<32x625x128xf32, #tpu.memory_space<hbm>>, %arg4: memref<64x40x125xi32, #tpu.memory_space<hbm>>, %arg5: memref<16x80x125xi32, #tpu.memory_space<hbm>>, %arg6: memref<32x625x128xf32, #tpu.memory_space<hbm>>, %arg7: memref<40x125xi32, #tpu.memory_space<vmem>>, %arg8: memref<80x125xi32, #tpu.memory_space<vmem>>, %arg9: memref<125x128xf32, #tpu.memory_space<vmem>>, %arg10: memref<125x128xf32, #tpu.memory_space<vmem>>, %arg11: memref<10000x128xf32, #tpu.memory_space<vmem_shared>>, %arg12: memref<!tpu.dma_semaphore, #tpu.memory_space<semaphore_mem>>, %arg13: memref<!tpu.dma_semaphore, #tpu.memory_space<semaphore_mem>>, %arg14: memref<!tpu.dma_semaphore, #tpu.memory_space<semaphore_mem>>, %arg15: memref<!tpu.dma_semaphore, #tpu.memory_space<semaphore_mem>>) attributes {dimension_semantics = [#tpu.dimension_semantics<core_parallel>, #tpu.dimension_semantics<subcore_parallel>], iteration_bounds = array<i64: 2, 16>, scalar_prefetch = 0 : i64, scratch_operands = 9 : i64, tpu.core_type = #tpu.core_type<sc_vector_subcore>, window_params = [{transform_indices = #map}, {transform_indices = #map1}, {transform_indices = #map1}, {transform_indices = #map1}, {transform_indices = #map1}]} {
    "tpu.region"() ({
      %run_scoped3A = tpu.sem_alloc : memref<!tpu.dma_semaphore, #tpu.memory_space<semaphore_mem>>
      %dma_start3A_65 = arith.constant 0 : i32
      %dma_start3A_66 = arith.constant 0 : i32
      %dma_start3A_67 = tpu.memref_slice %arg5[%arg1, %dma_start3A_65, %dma_start3A_66] : memref<16x80x125xi32, #tpu.memory_space<hbm>> -> memref<1x80x125xi32, #tpu.memory_space<hbm>>
      %dma_start3A_68 = tpu.memref_squeeze %dma_start3A_67 : memref<1x80x125xi32, #tpu.memory_space<hbm>> -> memref<80x125xi32, #tpu.memory_space<hbm>>
      %dma_start3A_69 = arith.constant 0 : i32
      %dma_start3A_70 = arith.constant 0 : i32
      %dma_start3A_71 = tpu.memref_slice %arg5[%arg1, %dma_start3A_69, %dma_start3A_70] : memref<16x80x125xi32, #tpu.memory_space<hbm>> -> memref<1x80x125xi32, #tpu.memory_space<hbm>>
      %dma_start3A_72 = tpu.memref_squeeze %dma_start3A_71 : memref<1x80x125xi32, #tpu.memory_space<hbm>> -> memref<80x125xi32, #tpu.memory_space<hbm>>
      tpu.enqueue_dma source(%dma_start3A_72 : memref<80x125xi32, #tpu.memory_space<hbm>>) target(%arg8 : memref<80x125xi32, #tpu.memory_space<vmem>>) target_semaphore(%run_scoped3A : memref<!tpu.dma_semaphore, #tpu.memory_space<semaphore_mem>>)
      %dma_wait3A = arith.constant 0 : i32
      %dma_wait3A_73 = arith.constant 0 : i32
      %dma_wait3A_74 = tpu.memref_slice %arg5[%arg1, %dma_wait3A, %dma_wait3A_73] : memref<16x80x125xi32, #tpu.memory_space<hbm>> -> memref<1x80x125xi32, #tpu.memory_space<hbm>>
      %dma_wait3A_75 = tpu.memref_squeeze %dma_wait3A_74 : memref<1x80x125xi32, #tpu.memory_space<hbm>> -> memref<80x125xi32, #tpu.memory_space<hbm>>
      %dma_wait3A_76 = arith.constant 0 : i32
      %dma_wait3A_77 = arith.constant 0 : i32
      %dma_wait3A_78 = tpu.memref_slice %arg5[%arg1, %dma_wait3A_76, %dma_wait3A_77] : memref<16x80x125xi32, #tpu.memory_space<hbm>> -> memref<1x80x125xi32, #tpu.memory_space<hbm>>
      %dma_wait3A_79 = tpu.memref_squeeze %dma_wait3A_78 : memref<1x80x125xi32, #tpu.memory_space<hbm>> -> memref<80x125xi32, #tpu.memory_space<hbm>>
      tpu.wait_dma2 semaphore(%run_scoped3A : memref<!tpu.dma_semaphore, #tpu.memory_space<semaphore_mem>>) src(%dma_wait3A_79 : memref<80x125xi32, #tpu.memory_space<hbm>>) dst(%arg8 : memref<80x125xi32, #tpu.memory_space<vmem>>)
      tpu.yield
    }) : () -> ()
    %mul3A = arith.constant 1 : i32
    %mul3A_0 = arith.muli %arg0, %mul3A : i32
    %add3A = arith.constant 0 : i32
    %add3A_1 = arith.addi %mul3A_0, %add3A : i32
    %mul3A_2 = arith.constant 16 : i32
    %mul3A_3 = arith.muli %add3A_1, %mul3A_2 : i32
    %add3A_4 = arith.addi %mul3A_3, %arg1 : i32
    %mul3A_5 = arith.constant 625 : i32
    %mul3A_6 = arith.muli %arg1, %mul3A_5 : i32
    "tpu.region"() ({
      %run_scoped3A = tpu.sem_alloc : memref<!tpu.dma_semaphore, #tpu.memory_space<semaphore_mem>>
      %dma_start3A_65 = arith.constant 0 : i32
      %dma_start3A_66 = tpu.memref_slice %arg11[%mul3A_6, %dma_start3A_65] : memref<10000x128xf32, #tpu.memory_space<vmem_shared>> -> memref<625x128xf32, #tpu.memory_space<vmem_shared>>
      %dma_start3A_67 = arith.constant 0 : i32
      %dma_start3A_68 = arith.constant 0 : i32
      %dma_start3A_69 = tpu.memref_slice %arg3[%add3A_4, %dma_start3A_67, %dma_start3A_68] : memref<32x625x128xf32, #tpu.memory_space<hbm>> -> memref<1x625x128xf32, #tpu.memory_space<hbm>>
      %dma_start3A_70 = tpu.memref_squeeze %dma_start3A_69 : memref<1x625x128xf32, #tpu.memory_space<hbm>> -> memref<625x128xf32, #tpu.memory_space<hbm>>
      tpu.enqueue_dma source(%dma_start3A_70 : memref<625x128xf32, #tpu.memory_space<hbm>>) target(%dma_start3A_66 : memref<625x128xf32, #tpu.memory_space<vmem_shared>>) target_semaphore(%run_scoped3A : memref<!tpu.dma_semaphore, #tpu.memory_space<semaphore_mem>>)
      %dma_wait3A = arith.constant 0 : i32
      %dma_wait3A_71 = tpu.memref_slice %arg11[%mul3A_6, %dma_wait3A] : memref<10000x128xf32, #tpu.memory_space<vmem_shared>> -> memref<625x128xf32, #tpu.memory_space<vmem_shared>>
      %dma_wait3A_72 = arith.constant 0 : i32
      %dma_wait3A_73 = arith.constant 0 : i32
      %dma_wait3A_74 = tpu.memref_slice %arg3[%add3A_4, %dma_wait3A_72, %dma_wait3A_73] : memref<32x625x128xf32, #tpu.memory_space<hbm>> -> memref<1x625x128xf32, #tpu.memory_space<hbm>>
      %dma_wait3A_75 = tpu.memref_squeeze %dma_wait3A_74 : memref<1x625x128xf32, #tpu.memory_space<hbm>> -> memref<625x128xf32, #tpu.memory_space<hbm>>
      tpu.wait_dma2 semaphore(%run_scoped3A : memref<!tpu.dma_semaphore, #tpu.memory_space<semaphore_mem>>) src(%dma_wait3A_75 : memref<625x128xf32, #tpu.memory_space<hbm>>) dst(%dma_wait3A_71 : memref<625x128xf32, #tpu.memory_space<vmem_shared>>)
      tpu.yield
    }) : () -> ()
    %barrier3A = arith.constant 0 : index
    tpu.barrier barrier_id(%barrier3A)
    %mul3A_7 = arith.constant 16 : i32
    %mul3A_8 = arith.muli %add3A_1, %mul3A_7 : i32
    %add3A_9 = arith.addi %mul3A_8, %arg1 : i32
    %mul3A_10 = arith.constant 2 : i32
    %mul3A_11 = arith.muli %add3A_9, %mul3A_10 : i32
    %add3A_12 = arith.constant 0 : i32
    %add3A_13 = arith.addi %mul3A_11, %add3A_12 : i32
    "tpu.region"() ({
      %run_scoped3A = tpu.sem_alloc : memref<!tpu.dma_semaphore, #tpu.memory_space<semaphore_mem>>
      %dma_start3A_65 = arith.constant 0 : i32
      %dma_start3A_66 = arith.constant 0 : i32
      %dma_start3A_67 = tpu.memref_slice %arg4[%add3A_13, %dma_start3A_65, %dma_start3A_66] : memref<64x40x125xi32, #tpu.memory_space<hbm>> -> memref<1x40x125xi32, #tpu.memory_space<hbm>>
      %dma_start3A_68 = tpu.memref_squeeze %dma_start3A_67 : memref<1x40x125xi32, #tpu.memory_space<hbm>> -> memref<40x125xi32, #tpu.memory_space<hbm>>
      %dma_start3A_69 = arith.constant 0 : i32
      %dma_start3A_70 = arith.constant 0 : i32
      %dma_start3A_71 = tpu.memref_slice %arg4[%add3A_13, %dma_start3A_69, %dma_start3A_70] : memref<64x40x125xi32, #tpu.memory_space<hbm>> -> memref<1x40x125xi32, #tpu.memory_space<hbm>>
      %dma_start3A_72 = tpu.memref_squeeze %dma_start3A_71 : memref<1x40x125xi32, #tpu.memory_space<hbm>> -> memref<40x125xi32, #tpu.memory_space<hbm>>
      tpu.enqueue_dma source(%dma_start3A_72 : memref<40x125xi32, #tpu.memory_space<hbm>>) target(%arg7 : memref<40x125xi32, #tpu.memory_space<vmem>>) target_semaphore(%run_scoped3A : memref<!tpu.dma_semaphore, #tpu.memory_space<semaphore_mem>>)
      %dma_wait3A = arith.constant 0 : i32
      %dma_wait3A_73 = arith.constant 0 : i32
      %dma_wait3A_74 = tpu.memref_slice %arg4[%add3A_13, %dma_wait3A, %dma_wait3A_73] : memref<64x40x125xi32, #tpu.memory_space<hbm>> -> memref<1x40x125xi32, #tpu.memory_space<hbm>>
      %dma_wait3A_75 = tpu.memref_squeeze %dma_wait3A_74 : memref<1x40x125xi32, #tpu.memory_space<hbm>> -> memref<40x125xi32, #tpu.memory_space<hbm>>
      %dma_wait3A_76 = arith.constant 0 : i32
      %dma_wait3A_77 = arith.constant 0 : i32
      %dma_wait3A_78 = tpu.memref_slice %arg4[%add3A_13, %dma_wait3A_76, %dma_wait3A_77] : memref<64x40x125xi32, #tpu.memory_space<hbm>> -> memref<1x40x125xi32, #tpu.memory_space<hbm>>
      %dma_wait3A_79 = tpu.memref_squeeze %dma_wait3A_78 : memref<1x40x125xi32, #tpu.memory_space<hbm>> -> memref<40x125xi32, #tpu.memory_space<hbm>>
      tpu.wait_dma2 semaphore(%run_scoped3A : memref<!tpu.dma_semaphore, #tpu.memory_space<semaphore_mem>>) src(%dma_wait3A_79 : memref<40x125xi32, #tpu.memory_space<hbm>>) dst(%arg7 : memref<40x125xi32, #tpu.memory_space<vmem>>)
      tpu.yield
    }) : () -> ()
    %dma_start3A = arith.constant 0 : i32
    %dma_start3A_14 = arith.constant 0 : i32
    %dma_start3A_15 = tpu.memref_slice %arg7[%dma_start3A, %dma_start3A_14] : memref<40x125xi32, #tpu.memory_space<vmem>> -> memref<1x125xi32, #tpu.memory_space<vmem>>
    %dma_start3A_16 = tpu.memref_squeeze %dma_start3A_15 : memref<1x125xi32, #tpu.memory_space<vmem>> -> memref<125xi32, #tpu.memory_space<vmem>>
    %dma_start3A_17 = arith.constant 0 : i32
    %dma_start3A_18 = arith.constant 0 : i32
    %dma_start3A_19 = tpu.memref_slice %arg2[%dma_start3A_17, %dma_start3A_18] : memref<20000x128xf32, #tpu.memory_space<hbm>> -> memref<20000x128xf32, #tpu.memory_space<hbm>>
    tpu.enqueue_indirect_dma source(%dma_start3A_19 : memref<20000x128xf32, #tpu.memory_space<hbm>>) target(%arg9 : memref<125x128xf32, #tpu.memory_space<vmem>>) offsets(%dma_start3A_16 : memref<125xi32, #tpu.memory_space<vmem>>) semaphore(%arg12 : memref<!tpu.dma_semaphore, #tpu.memory_space<semaphore_mem>>)
    %dma_start3A_20 = arith.constant 1 : i32
    %dma_start3A_21 = arith.constant 0 : i32
    %dma_start3A_22 = tpu.memref_slice %arg7[%dma_start3A_20, %dma_start3A_21] : memref<40x125xi32, #tpu.memory_space<vmem>> -> memref<1x125xi32, #tpu.memory_space<vmem>>
    %dma_start3A_23 = tpu.memref_squeeze %dma_start3A_22 : memref<1x125xi32, #tpu.memory_space<vmem>> -> memref<125xi32, #tpu.memory_space<vmem>>
    %dma_start3A_24 = arith.constant 0 : i32
    %dma_start3A_25 = arith.constant 0 : i32
    %dma_start3A_26 = tpu.memref_slice %arg2[%dma_start3A_24, %dma_start3A_25] : memref<20000x128xf32, #tpu.memory_space<hbm>> -> memref<20000x128xf32, #tpu.memory_space<hbm>>
    tpu.enqueue_indirect_dma source(%dma_start3A_26 : memref<20000x128xf32, #tpu.memory_space<hbm>>) target(%arg10 : memref<125x128xf32, #tpu.memory_space<vmem>>) offsets(%dma_start3A_23 : memref<125xi32, #tpu.memory_space<vmem>>) semaphore(%arg13 : memref<!tpu.dma_semaphore, #tpu.memory_space<semaphore_mem>>)
    %scan3A = arith.constant 0 : i32
    %scan3A_27 = arith.constant 0 : i32
    %scan3A_28 = arith.constant 20 : i32
    %scan3A_29 = arith.addi %scan3A_27, %scan3A_28 : i32
    %scan3A_30 = arith.constant 1 : i32
    scf.for %scan3A_65 = %scan3A_27 to %scan3A_29 step %scan3A_30  : i32 {
      %mul3A_66 = arith.constant 2 : i32
      %mul3A_67 = arith.muli %mul3A_66, %scan3A_65 : i32
      %add3A_68 = arith.constant 0 : i32
      %add3A_69 = arith.addi %mul3A_67, %add3A_68 : i32
      %dma_wait3A = arith.constant 0 : i32
      %dma_wait3A_70 = tpu.memref_slice %arg7[%add3A_69, %dma_wait3A] : memref<40x125xi32, #tpu.memory_space<vmem>> -> memref<1x125xi32, #tpu.memory_space<vmem>>
      %dma_wait3A_71 = tpu.memref_squeeze %dma_wait3A_70 : memref<1x125xi32, #tpu.memory_space<vmem>> -> memref<125xi32, #tpu.memory_space<vmem>>
      %dma_wait3A_72 = arith.constant 0 : i32
      %dma_wait3A_73 = arith.constant 0 : i32
      %dma_wait3A_74 = tpu.memref_slice %arg2[%dma_wait3A_72, %dma_wait3A_73] : memref<20000x128xf32, #tpu.memory_space<hbm>> -> memref<20000x128xf32, #tpu.memory_space<hbm>>
      tpu.wait_indirect_dma semaphore(%arg12 : memref<!tpu.dma_semaphore, #tpu.memory_space<semaphore_mem>>) src(%dma_wait3A_74 : memref<20000x128xf32, #tpu.memory_space<hbm>>) dst(%arg9 : memref<125x128xf32, #tpu.memory_space<vmem>>)
      %add3A_75 = arith.constant 0 : i32
      %add3A_76 = arith.addi %add3A_75, %add3A_69 : i32
      %dma_start3A_77 = arith.constant 0 : i32
      %dma_start3A_78 = tpu.memref_slice %arg8[%add3A_76, %dma_start3A_77] : memref<80x125xi32, #tpu.memory_space<vmem>> -> memref<1x125xi32, #tpu.memory_space<vmem>>
      %dma_start3A_79 = tpu.memref_squeeze %dma_start3A_78 : memref<1x125xi32, #tpu.memory_space<vmem>> -> memref<125xi32, #tpu.memory_space<vmem>>
      %dma_start3A_80 = arith.constant 0 : i32
      %dma_start3A_81 = arith.constant 0 : i32
      %dma_start3A_82 = tpu.memref_slice %arg11[%dma_start3A_80, %dma_start3A_81] : memref<10000x128xf32, #tpu.memory_space<vmem_shared>> -> memref<10000x128xf32, #tpu.memory_space<vmem_shared>>
      tpu.enqueue_indirect_dma source(%arg9 : memref<125x128xf32, #tpu.memory_space<vmem>>) target(%dma_start3A_82 : memref<10000x128xf32, #tpu.memory_space<vmem_shared>>) offsets(%dma_start3A_79 : memref<125xi32, #tpu.memory_space<vmem>>) semaphore(%arg14 : memref<!tpu.dma_semaphore, #tpu.memory_space<semaphore_mem>>) {add = true}
      %add3A_83 = arith.constant 0 : i32
      %add3A_84 = arith.addi %add3A_83, %add3A_69 : i32
      %dma_wait3A_85 = arith.constant 0 : i32
      %dma_wait3A_86 = tpu.memref_slice %arg8[%add3A_84, %dma_wait3A_85] : memref<80x125xi32, #tpu.memory_space<vmem>> -> memref<1x125xi32, #tpu.memory_space<vmem>>
      %dma_wait3A_87 = tpu.memref_squeeze %dma_wait3A_86 : memref<1x125xi32, #tpu.memory_space<vmem>> -> memref<125xi32, #tpu.memory_space<vmem>>
      %dma_wait3A_88 = arith.constant 0 : i32
      %dma_wait3A_89 = arith.constant 0 : i32
      %dma_wait3A_90 = tpu.memref_slice %arg11[%dma_wait3A_88, %dma_wait3A_89] : memref<10000x128xf32, #tpu.memory_space<vmem_shared>> -> memref<10000x128xf32, #tpu.memory_space<vmem_shared>>
      tpu.wait_indirect_dma semaphore(%arg14 : memref<!tpu.dma_semaphore, #tpu.memory_space<semaphore_mem>>) src(%arg9 : memref<125x128xf32, #tpu.memory_space<vmem>>) dst(%dma_wait3A_90 : memref<10000x128xf32, #tpu.memory_space<vmem_shared>>)
      %add3A_91 = arith.constant 2 : i32
      %add3A_92 = arith.addi %add3A_69, %add3A_91 : i32
      %lt3A = arith.constant 40 : i32
      %lt3A_93 = arith.cmpi slt, %add3A_92, %lt3A : i32
      %convert_element_type3A = arith.extui %lt3A_93 : i1 to i32
      %cond3A = arith.constant 0 : i32
      %cond3A_94 = arith.cmpi ne, %convert_element_type3A, %cond3A : i32
      scf.if %cond3A_94 {
        %add3A_128 = arith.constant 2 : i32
        %add3A_129 = arith.addi %add3A_69, %add3A_128 : i32
        %dma_start3A_130 = arith.constant 0 : i32
        %dma_start3A_131 = tpu.memref_slice %arg7[%add3A_129, %dma_start3A_130] : memref<40x125xi32, #tpu.memory_space<vmem>> -> memref<1x125xi32, #tpu.memory_space<vmem>>
        %dma_start3A_132 = tpu.memref_squeeze %dma_start3A_131 : memref<1x125xi32, #tpu.memory_space<vmem>> -> memref<125xi32, #tpu.memory_space<vmem>>
        %dma_start3A_133 = arith.constant 0 : i32
        %dma_start3A_134 = arith.constant 0 : i32
        %dma_start3A_135 = tpu.memref_slice %arg2[%dma_start3A_133, %dma_start3A_134] : memref<20000x128xf32, #tpu.memory_space<hbm>> -> memref<20000x128xf32, #tpu.memory_space<hbm>>
        tpu.enqueue_indirect_dma source(%dma_start3A_135 : memref<20000x128xf32, #tpu.memory_space<hbm>>) target(%arg9 : memref<125x128xf32, #tpu.memory_space<vmem>>) offsets(%dma_start3A_132 : memref<125xi32, #tpu.memory_space<vmem>>) semaphore(%arg12 : memref<!tpu.dma_semaphore, #tpu.memory_space<semaphore_mem>>)
      } else {
      }
      %mul3A_95 = arith.constant 2 : i32
      %mul3A_96 = arith.muli %mul3A_95, %scan3A_65 : i32
      %add3A_97 = arith.constant 1 : i32
      %add3A_98 = arith.addi %mul3A_96, %add3A_97 : i32
      %dma_wait3A_99 = arith.constant 0 : i32
      %dma_wait3A_100 = tpu.memref_slice %arg7[%add3A_98, %dma_wait3A_99] : memref<40x125xi32, #tpu.memory_space<vmem>> -> memref<1x125xi32, #tpu.memory_space<vmem>>
      %dma_wait3A_101 = tpu.memref_squeeze %dma_wait3A_100 : memref<1x125xi32, #tpu.memory_space<vmem>> -> memref<125xi32, #tpu.memory_space<vmem>>
      %dma_wait3A_102 = arith.constant 0 : i32
      %dma_wait3A_103 = arith.constant 0 : i32
      %dma_wait3A_104 = tpu.memref_slice %arg2[%dma_wait3A_102, %dma_wait3A_103] : memref<20000x128xf32, #tpu.memory_space<hbm>> -> memref<20000x128xf32, #tpu.memory_space<hbm>>
      tpu.wait_indirect_dma semaphore(%arg13 : memref<!tpu.dma_semaphore, #tpu.memory_space<semaphore_mem>>) src(%dma_wait3A_104 : memref<20000x128xf32, #tpu.memory_space<hbm>>) dst(%arg10 : memref<125x128xf32, #tpu.memory_space<vmem>>)
      %add3A_105 = arith.constant 0 : i32
      %add3A_106 = arith.addi %add3A_105, %add3A_98 : i32
      %dma_start3A_107 = arith.constant 0 : i32
      %dma_start3A_108 = tpu.memref_slice %arg8[%add3A_106, %dma_start3A_107] : memref<80x125xi32, #tpu.memory_space<vmem>> -> memref<1x125xi32, #tpu.memory_space<vmem>>
      %dma_start3A_109 = tpu.memref_squeeze %dma_start3A_108 : memref<1x125xi32, #tpu.memory_space<vmem>> -> memref<125xi32, #tpu.memory_space<vmem>>
      %dma_start3A_110 = arith.constant 0 : i32
      %dma_start3A_111 = arith.constant 0 : i32
      %dma_start3A_112 = tpu.memref_slice %arg11[%dma_start3A_110, %dma_start3A_111] : memref<10000x128xf32, #tpu.memory_space<vmem_shared>> -> memref<10000x128xf32, #tpu.memory_space<vmem_shared>>
      tpu.enqueue_indirect_dma source(%arg10 : memref<125x128xf32, #tpu.memory_space<vmem>>) target(%dma_start3A_112 : memref<10000x128xf32, #tpu.memory_space<vmem_shared>>) offsets(%dma_start3A_109 : memref<125xi32, #tpu.memory_space<vmem>>) semaphore(%arg15 : memref<!tpu.dma_semaphore, #tpu.memory_space<semaphore_mem>>) {add = true}
      %add3A_113 = arith.constant 0 : i32
      %add3A_114 = arith.addi %add3A_113, %add3A_98 : i32
      %dma_wait3A_115 = arith.constant 0 : i32
      %dma_wait3A_116 = tpu.memref_slice %arg8[%add3A_114, %dma_wait3A_115] : memref<80x125xi32, #tpu.memory_space<vmem>> -> memref<1x125xi32, #tpu.memory_space<vmem>>
      %dma_wait3A_117 = tpu.memref_squeeze %dma_wait3A_116 : memref<1x125xi32, #tpu.memory_space<vmem>> -> memref<125xi32, #tpu.memory_space<vmem>>
      %dma_wait3A_118 = arith.constant 0 : i32
      %dma_wait3A_119 = arith.constant 0 : i32
      %dma_wait3A_120 = tpu.memref_slice %arg11[%dma_wait3A_118, %dma_wait3A_119] : memref<10000x128xf32, #tpu.memory_space<vmem_shared>> -> memref<10000x128xf32, #tpu.memory_space<vmem_shared>>
      tpu.wait_indirect_dma semaphore(%arg15 : memref<!tpu.dma_semaphore, #tpu.memory_space<semaphore_mem>>) src(%arg10 : memref<125x128xf32, #tpu.memory_space<vmem>>) dst(%dma_wait3A_120 : memref<10000x128xf32, #tpu.memory_space<vmem_shared>>)
      %add3A_121 = arith.constant 2 : i32
      %add3A_122 = arith.addi %add3A_98, %add3A_121 : i32
      %lt3A_123 = arith.constant 40 : i32
      %lt3A_124 = arith.cmpi slt, %add3A_122, %lt3A_123 : i32
      %convert_element_type3A_125 = arith.extui %lt3A_124 : i1 to i32
      %cond3A_126 = arith.constant 0 : i32
      %cond3A_127 = arith.cmpi ne, %convert_element_type3A_125, %cond3A_126 : i32
      scf.if %cond3A_127 {
        %add3A_128 = arith.constant 2 : i32
        %add3A_129 = arith.addi %add3A_98, %add3A_128 : i32
        %dma_start3A_130 = arith.constant 0 : i32
        %dma_start3A_131 = tpu.memref_slice %arg7[%add3A_129, %dma_start3A_130] : memref<40x125xi32, #tpu.memory_space<vmem>> -> memref<1x125xi32, #tpu.memory_space<vmem>>
        %dma_start3A_132 = tpu.memref_squeeze %dma_start3A_131 : memref<1x125xi32, #tpu.memory_space<vmem>> -> memref<125xi32, #tpu.memory_space<vmem>>
        %dma_start3A_133 = arith.constant 0 : i32
        %dma_start3A_134 = arith.constant 0 : i32
        %dma_start3A_135 = tpu.memref_slice %arg2[%dma_start3A_133, %dma_start3A_134] : memref<20000x128xf32, #tpu.memory_space<hbm>> -> memref<20000x128xf32, #tpu.memory_space<hbm>>
        tpu.enqueue_indirect_dma source(%dma_start3A_135 : memref<20000x128xf32, #tpu.memory_space<hbm>>) target(%arg10 : memref<125x128xf32, #tpu.memory_space<vmem>>) offsets(%dma_start3A_132 : memref<125xi32, #tpu.memory_space<vmem>>) semaphore(%arg13 : memref<!tpu.dma_semaphore, #tpu.memory_space<semaphore_mem>>)
      } else {
      }
    }
    %scan3A_31 = arith.constant 20 : i32
    %mul3A_32 = arith.constant 16 : i32
    %mul3A_33 = arith.muli %add3A_1, %mul3A_32 : i32
    %add3A_34 = arith.addi %mul3A_33, %arg1 : i32
    %mul3A_35 = arith.constant 2 : i32
    %mul3A_36 = arith.muli %add3A_34, %mul3A_35 : i32
    %add3A_37 = arith.constant 1 : i32
    %add3A_38 = arith.addi %mul3A_36, %add3A_37 : i32
    "tpu.region"() ({
      %run_scoped3A = tpu.sem_alloc : memref<!tpu.dma_semaphore, #tpu.memory_space<semaphore_mem>>
      %dma_start3A_65 = arith.constant 0 : i32
      %dma_start3A_66 = arith.constant 0 : i32
      %dma_start3A_67 = tpu.memref_slice %arg4[%add3A_38, %dma_start3A_65, %dma_start3A_66] : memref<64x40x125xi32, #tpu.memory_space<hbm>> -> memref<1x40x125xi32, #tpu.memory_space<hbm>>
      %dma_start3A_68 = tpu.memref_squeeze %dma_start3A_67 : memref<1x40x125xi32, #tpu.memory_space<hbm>> -> memref<40x125xi32, #tpu.memory_space<hbm>>
      %dma_start3A_69 = arith.constant 0 : i32
      %dma_start3A_70 = arith.constant 0 : i32
      %dma_start3A_71 = tpu.memref_slice %arg4[%add3A_38, %dma_start3A_69, %dma_start3A_70] : memref<64x40x125xi32, #tpu.memory_space<hbm>> -> memref<1x40x125xi32, #tpu.memory_space<hbm>>
      %dma_start3A_72 = tpu.memref_squeeze %dma_start3A_71 : memref<1x40x125xi32, #tpu.memory_space<hbm>> -> memref<40x125xi32, #tpu.memory_space<hbm>>
      tpu.enqueue_dma source(%dma_start3A_72 : memref<40x125xi32, #tpu.memory_space<hbm>>) target(%arg7 : memref<40x125xi32, #tpu.memory_space<vmem>>) target_semaphore(%run_scoped3A : memref<!tpu.dma_semaphore, #tpu.memory_space<semaphore_mem>>)
      %dma_wait3A = arith.constant 0 : i32
      %dma_wait3A_73 = arith.constant 0 : i32
      %dma_wait3A_74 = tpu.memref_slice %arg4[%add3A_38, %dma_wait3A, %dma_wait3A_73] : memref<64x40x125xi32, #tpu.memory_space<hbm>> -> memref<1x40x125xi32, #tpu.memory_space<hbm>>
      %dma_wait3A_75 = tpu.memref_squeeze %dma_wait3A_74 : memref<1x40x125xi32, #tpu.memory_space<hbm>> -> memref<40x125xi32, #tpu.memory_space<hbm>>
      %dma_wait3A_76 = arith.constant 0 : i32
      %dma_wait3A_77 = arith.constant 0 : i32
      %dma_wait3A_78 = tpu.memref_slice %arg4[%add3A_38, %dma_wait3A_76, %dma_wait3A_77] : memref<64x40x125xi32, #tpu.memory_space<hbm>> -> memref<1x40x125xi32, #tpu.memory_space<hbm>>
      %dma_wait3A_79 = tpu.memref_squeeze %dma_wait3A_78 : memref<1x40x125xi32, #tpu.memory_space<hbm>> -> memref<40x125xi32, #tpu.memory_space<hbm>>
      tpu.wait_dma2 semaphore(%run_scoped3A : memref<!tpu.dma_semaphore, #tpu.memory_space<semaphore_mem>>) src(%dma_wait3A_79 : memref<40x125xi32, #tpu.memory_space<hbm>>) dst(%arg7 : memref<40x125xi32, #tpu.memory_space<vmem>>)
      tpu.yield
    }) : () -> ()
    %dma_start3A_39 = arith.constant 0 : i32
    %dma_start3A_40 = arith.constant 0 : i32
    %dma_start3A_41 = tpu.memref_slice %arg7[%dma_start3A_39, %dma_start3A_40] : memref<40x125xi32, #tpu.memory_space<vmem>> -> memref<1x125xi32, #tpu.memory_space<vmem>>
    %dma_start3A_42 = tpu.memref_squeeze %dma_start3A_41 : memref<1x125xi32, #tpu.memory_space<vmem>> -> memref<125xi32, #tpu.memory_space<vmem>>
    %dma_start3A_43 = arith.constant 0 : i32
    %dma_start3A_44 = arith.constant 0 : i32
    %dma_start3A_45 = tpu.memref_slice %arg2[%dma_start3A_43, %dma_start3A_44] : memref<20000x128xf32, #tpu.memory_space<hbm>> -> memref<20000x128xf32, #tpu.memory_space<hbm>>
    tpu.enqueue_indirect_dma source(%dma_start3A_45 : memref<20000x128xf32, #tpu.memory_space<hbm>>) target(%arg9 : memref<125x128xf32, #tpu.memory_space<vmem>>) offsets(%dma_start3A_42 : memref<125xi32, #tpu.memory_space<vmem>>) semaphore(%arg12 : memref<!tpu.dma_semaphore, #tpu.memory_space<semaphore_mem>>)
    %dma_start3A_46 = arith.constant 1 : i32
    %dma_start3A_47 = arith.constant 0 : i32
    %dma_start3A_48 = tpu.memref_slice %arg7[%dma_start3A_46, %dma_start3A_47] : memref<40x125xi32, #tpu.memory_space<vmem>> -> memref<1x125xi32, #tpu.memory_space<vmem>>
    %dma_start3A_49 = tpu.memref_squeeze %dma_start3A_48 : memref<1x125xi32, #tpu.memory_space<vmem>> -> memref<125xi32, #tpu.memory_space<vmem>>
    %dma_start3A_50 = arith.constant 0 : i32
    %dma_start3A_51 = arith.constant 0 : i32
    %dma_start3A_52 = tpu.memref_slice %arg2[%dma_start3A_50, %dma_start3A_51] : memref<20000x128xf32, #tpu.memory_space<hbm>> -> memref<20000x128xf32, #tpu.memory_space<hbm>>
    tpu.enqueue_indirect_dma source(%dma_start3A_52 : memref<20000x128xf32, #tpu.memory_space<hbm>>) target(%arg10 : memref<125x128xf32, #tpu.memory_space<vmem>>) offsets(%dma_start3A_49 : memref<125xi32, #tpu.memory_space<vmem>>) semaphore(%arg13 : memref<!tpu.dma_semaphore, #tpu.memory_space<semaphore_mem>>)
    %scan3A_53 = arith.constant 0 : i32
    %scan3A_54 = arith.constant 0 : i32
    %scan3A_55 = arith.constant 20 : i32
    %scan3A_56 = arith.addi %scan3A_54, %scan3A_55 : i32
    %scan3A_57 = arith.constant 1 : i32
    scf.for %scan3A_65 = %scan3A_54 to %scan3A_56 step %scan3A_57  : i32 {
      %mul3A_66 = arith.constant 2 : i32
      %mul3A_67 = arith.muli %mul3A_66, %scan3A_65 : i32
      %add3A_68 = arith.constant 0 : i32
      %add3A_69 = arith.addi %mul3A_67, %add3A_68 : i32
      %dma_wait3A = arith.constant 0 : i32
      %dma_wait3A_70 = tpu.memref_slice %arg7[%add3A_69, %dma_wait3A] : memref<40x125xi32, #tpu.memory_space<vmem>> -> memref<1x125xi32, #tpu.memory_space<vmem>>
      %dma_wait3A_71 = tpu.memref_squeeze %dma_wait3A_70 : memref<1x125xi32, #tpu.memory_space<vmem>> -> memref<125xi32, #tpu.memory_space<vmem>>
      %dma_wait3A_72 = arith.constant 0 : i32
      %dma_wait3A_73 = arith.constant 0 : i32
      %dma_wait3A_74 = tpu.memref_slice %arg2[%dma_wait3A_72, %dma_wait3A_73] : memref<20000x128xf32, #tpu.memory_space<hbm>> -> memref<20000x128xf32, #tpu.memory_space<hbm>>
      tpu.wait_indirect_dma semaphore(%arg12 : memref<!tpu.dma_semaphore, #tpu.memory_space<semaphore_mem>>) src(%dma_wait3A_74 : memref<20000x128xf32, #tpu.memory_space<hbm>>) dst(%arg9 : memref<125x128xf32, #tpu.memory_space<vmem>>)
      %add3A_75 = arith.constant 40 : i32
      %add3A_76 = arith.addi %add3A_75, %add3A_69 : i32
      %dma_start3A_77 = arith.constant 0 : i32
      %dma_start3A_78 = tpu.memref_slice %arg8[%add3A_76, %dma_start3A_77] : memref<80x125xi32, #tpu.memory_space<vmem>> -> memref<1x125xi32, #tpu.memory_space<vmem>>
      %dma_start3A_79 = tpu.memref_squeeze %dma_start3A_78 : memref<1x125xi32, #tpu.memory_space<vmem>> -> memref<125xi32, #tpu.memory_space<vmem>>
      %dma_start3A_80 = arith.constant 0 : i32
      %dma_start3A_81 = arith.constant 0 : i32
      %dma_start3A_82 = tpu.memref_slice %arg11[%dma_start3A_80, %dma_start3A_81] : memref<10000x128xf32, #tpu.memory_space<vmem_shared>> -> memref<10000x128xf32, #tpu.memory_space<vmem_shared>>
      tpu.enqueue_indirect_dma source(%arg9 : memref<125x128xf32, #tpu.memory_space<vmem>>) target(%dma_start3A_82 : memref<10000x128xf32, #tpu.memory_space<vmem_shared>>) offsets(%dma_start3A_79 : memref<125xi32, #tpu.memory_space<vmem>>) semaphore(%arg14 : memref<!tpu.dma_semaphore, #tpu.memory_space<semaphore_mem>>) {add = true}
      %add3A_83 = arith.constant 40 : i32
      %add3A_84 = arith.addi %add3A_83, %add3A_69 : i32
      %dma_wait3A_85 = arith.constant 0 : i32
      %dma_wait3A_86 = tpu.memref_slice %arg8[%add3A_84, %dma_wait3A_85] : memref<80x125xi32, #tpu.memory_space<vmem>> -> memref<1x125xi32, #tpu.memory_space<vmem>>
      %dma_wait3A_87 = tpu.memref_squeeze %dma_wait3A_86 : memref<1x125xi32, #tpu.memory_space<vmem>> -> memref<125xi32, #tpu.memory_space<vmem>>
      %dma_wait3A_88 = arith.constant 0 : i32
      %dma_wait3A_89 = arith.constant 0 : i32
      %dma_wait3A_90 = tpu.memref_slice %arg11[%dma_wait3A_88, %dma_wait3A_89] : memref<10000x128xf32, #tpu.memory_space<vmem_shared>> -> memref<10000x128xf32, #tpu.memory_space<vmem_shared>>
      tpu.wait_indirect_dma semaphore(%arg14 : memref<!tpu.dma_semaphore, #tpu.memory_space<semaphore_mem>>) src(%arg9 : memref<125x128xf32, #tpu.memory_space<vmem>>) dst(%dma_wait3A_90 : memref<10000x128xf32, #tpu.memory_space<vmem_shared>>)
      %add3A_91 = arith.constant 2 : i32
      %add3A_92 = arith.addi %add3A_69, %add3A_91 : i32
      %lt3A = arith.constant 40 : i32
      %lt3A_93 = arith.cmpi slt, %add3A_92, %lt3A : i32
      %convert_element_type3A = arith.extui %lt3A_93 : i1 to i32
      %cond3A = arith.constant 0 : i32
      %cond3A_94 = arith.cmpi ne, %convert_element_type3A, %cond3A : i32
      scf.if %cond3A_94 {
        %add3A_128 = arith.constant 2 : i32
        %add3A_129 = arith.addi %add3A_69, %add3A_128 : i32
        %dma_start3A_130 = arith.constant 0 : i32
        %dma_start3A_131 = tpu.memref_slice %arg7[%add3A_129, %dma_start3A_130] : memref<40x125xi32, #tpu.memory_space<vmem>> -> memref<1x125xi32, #tpu.memory_space<vmem>>
        %dma_start3A_132 = tpu.memref_squeeze %dma_start3A_131 : memref<1x125xi32, #tpu.memory_space<vmem>> -> memref<125xi32, #tpu.memory_space<vmem>>
        %dma_start3A_133 = arith.constant 0 : i32
        %dma_start3A_134 = arith.constant 0 : i32
        %dma_start3A_135 = tpu.memref_slice %arg2[%dma_start3A_133, %dma_start3A_134] : memref<20000x128xf32, #tpu.memory_space<hbm>> -> memref<20000x128xf32, #tpu.memory_space<hbm>>
        tpu.enqueue_indirect_dma source(%dma_start3A_135 : memref<20000x128xf32, #tpu.memory_space<hbm>>) target(%arg9 : memref<125x128xf32, #tpu.memory_space<vmem>>) offsets(%dma_start3A_132 : memref<125xi32, #tpu.memory_space<vmem>>) semaphore(%arg12 : memref<!tpu.dma_semaphore, #tpu.memory_space<semaphore_mem>>)
      } else {
      }
      %mul3A_95 = arith.constant 2 : i32
      %mul3A_96 = arith.muli %mul3A_95, %scan3A_65 : i32
      %add3A_97 = arith.constant 1 : i32
      %add3A_98 = arith.addi %mul3A_96, %add3A_97 : i32
      %dma_wait3A_99 = arith.constant 0 : i32
      %dma_wait3A_100 = tpu.memref_slice %arg7[%add3A_98, %dma_wait3A_99] : memref<40x125xi32, #tpu.memory_space<vmem>> -> memref<1x125xi32, #tpu.memory_space<vmem>>
      %dma_wait3A_101 = tpu.memref_squeeze %dma_wait3A_100 : memref<1x125xi32, #tpu.memory_space<vmem>> -> memref<125xi32, #tpu.memory_space<vmem>>
      %dma_wait3A_102 = arith.constant 0 : i32
      %dma_wait3A_103 = arith.constant 0 : i32
      %dma_wait3A_104 = tpu.memref_slice %arg2[%dma_wait3A_102, %dma_wait3A_103] : memref<20000x128xf32, #tpu.memory_space<hbm>> -> memref<20000x128xf32, #tpu.memory_space<hbm>>
      tpu.wait_indirect_dma semaphore(%arg13 : memref<!tpu.dma_semaphore, #tpu.memory_space<semaphore_mem>>) src(%dma_wait3A_104 : memref<20000x128xf32, #tpu.memory_space<hbm>>) dst(%arg10 : memref<125x128xf32, #tpu.memory_space<vmem>>)
      %add3A_105 = arith.constant 40 : i32
      %add3A_106 = arith.addi %add3A_105, %add3A_98 : i32
      %dma_start3A_107 = arith.constant 0 : i32
      %dma_start3A_108 = tpu.memref_slice %arg8[%add3A_106, %dma_start3A_107] : memref<80x125xi32, #tpu.memory_space<vmem>> -> memref<1x125xi32, #tpu.memory_space<vmem>>
      %dma_start3A_109 = tpu.memref_squeeze %dma_start3A_108 : memref<1x125xi32, #tpu.memory_space<vmem>> -> memref<125xi32, #tpu.memory_space<vmem>>
      %dma_start3A_110 = arith.constant 0 : i32
      %dma_start3A_111 = arith.constant 0 : i32
      %dma_start3A_112 = tpu.memref_slice %arg11[%dma_start3A_110, %dma_start3A_111] : memref<10000x128xf32, #tpu.memory_space<vmem_shared>> -> memref<10000x128xf32, #tpu.memory_space<vmem_shared>>
      tpu.enqueue_indirect_dma source(%arg10 : memref<125x128xf32, #tpu.memory_space<vmem>>) target(%dma_start3A_112 : memref<10000x128xf32, #tpu.memory_space<vmem_shared>>) offsets(%dma_start3A_109 : memref<125xi32, #tpu.memory_space<vmem>>) semaphore(%arg15 : memref<!tpu.dma_semaphore, #tpu.memory_space<semaphore_mem>>) {add = true}
      %add3A_113 = arith.constant 40 : i32
      %add3A_114 = arith.addi %add3A_113, %add3A_98 : i32
      %dma_wait3A_115 = arith.constant 0 : i32
      %dma_wait3A_116 = tpu.memref_slice %arg8[%add3A_114, %dma_wait3A_115] : memref<80x125xi32, #tpu.memory_space<vmem>> -> memref<1x125xi32, #tpu.memory_space<vmem>>
      %dma_wait3A_117 = tpu.memref_squeeze %dma_wait3A_116 : memref<1x125xi32, #tpu.memory_space<vmem>> -> memref<125xi32, #tpu.memory_space<vmem>>
      %dma_wait3A_118 = arith.constant 0 : i32
      %dma_wait3A_119 = arith.constant 0 : i32
      %dma_wait3A_120 = tpu.memref_slice %arg11[%dma_wait3A_118, %dma_wait3A_119] : memref<10000x128xf32, #tpu.memory_space<vmem_shared>> -> memref<10000x128xf32, #tpu.memory_space<vmem_shared>>
      tpu.wait_indirect_dma semaphore(%arg15 : memref<!tpu.dma_semaphore, #tpu.memory_space<semaphore_mem>>) src(%arg10 : memref<125x128xf32, #tpu.memory_space<vmem>>) dst(%dma_wait3A_120 : memref<10000x128xf32, #tpu.memory_space<vmem_shared>>)
      %add3A_121 = arith.constant 2 : i32
      %add3A_122 = arith.addi %add3A_98, %add3A_121 : i32
      %lt3A_123 = arith.constant 40 : i32
      %lt3A_124 = arith.cmpi slt, %add3A_122, %lt3A_123 : i32
      %convert_element_type3A_125 = arith.extui %lt3A_124 : i1 to i32
      %cond3A_126 = arith.constant 0 : i32
      %cond3A_127 = arith.cmpi ne, %convert_element_type3A_125, %cond3A_126 : i32
      scf.if %cond3A_127 {
        %add3A_128 = arith.constant 2 : i32
        %add3A_129 = arith.addi %add3A_98, %add3A_128 : i32
        %dma_start3A_130 = arith.constant 0 : i32
        %dma_start3A_131 = tpu.memref_slice %arg7[%add3A_129, %dma_start3A_130] : memref<40x125xi32, #tpu.memory_space<vmem>> -> memref<1x125xi32, #tpu.memory_space<vmem>>
        %dma_start3A_132 = tpu.memref_squeeze %dma_start3A_131 : memref<1x125xi32, #tpu.memory_space<vmem>> -> memref<125xi32, #tpu.memory_space<vmem>>
        %dma_start3A_133 = arith.constant 0 : i32
        %dma_start3A_134 = arith.constant 0 : i32
        %dma_start3A_135 = tpu.memref_slice %arg2[%dma_start3A_133, %dma_start3A_134] : memref<20000x128xf32, #tpu.memory_space<hbm>> -> memref<20000x128xf32, #tpu.memory_space<hbm>>
        tpu.enqueue_indirect_dma source(%dma_start3A_135 : memref<20000x128xf32, #tpu.memory_space<hbm>>) target(%arg10 : memref<125x128xf32, #tpu.memory_space<vmem>>) offsets(%dma_start3A_132 : memref<125xi32, #tpu.memory_space<vmem>>) semaphore(%arg13 : memref<!tpu.dma_semaphore, #tpu.memory_space<semaphore_mem>>)
      } else {
      }
    }
    %scan3A_58 = arith.constant 20 : i32
    %barrier3A_59 = arith.constant 0 : index
    tpu.barrier barrier_id(%barrier3A_59)
    %mul3A_60 = arith.constant 625 : i32
    %mul3A_61 = arith.muli %arg1, %mul3A_60 : i32
    %mul3A_62 = arith.constant 16 : i32
    %mul3A_63 = arith.muli %add3A_1, %mul3A_62 : i32
    %add3A_64 = arith.addi %mul3A_63, %arg1 : i32
    "tpu.region"() ({
      %run_scoped3A = tpu.sem_alloc : memref<!tpu.dma_semaphore, #tpu.memory_space<semaphore_mem>>
      %dma_start3A_65 = arith.constant 0 : i32
      %dma_start3A_66 = arith.constant 0 : i32
      %dma_start3A_67 = tpu.memref_slice %arg6[%add3A_64, %dma_start3A_65, %dma_start3A_66] : memref<32x625x128xf32, #tpu.memory_space<hbm>> -> memref<1x625x128xf32, #tpu.memory_space<hbm>>
      %dma_start3A_68 = tpu.memref_squeeze %dma_start3A_67 : memref<1x625x128xf32, #tpu.memory_space<hbm>> -> memref<625x128xf32, #tpu.memory_space<hbm>>
      %dma_start3A_69 = arith.constant 0 : i32
      %dma_start3A_70 = tpu.memref_slice %arg11[%mul3A_61, %dma_start3A_69] : memref<10000x128xf32, #tpu.memory_space<vmem_shared>> -> memref<625x128xf32, #tpu.memory_space<vmem_shared>>
      tpu.enqueue_dma source(%dma_start3A_70 : memref<625x128xf32, #tpu.memory_space<vmem_shared>>) target(%dma_start3A_68 : memref<625x128xf32, #tpu.memory_space<hbm>>) target_semaphore(%run_scoped3A : memref<!tpu.dma_semaphore, #tpu.memory_space<semaphore_mem>>)
      %dma_wait3A = arith.constant 0 : i32
      %dma_wait3A_71 = arith.constant 0 : i32
      %dma_wait3A_72 = tpu.memref_slice %arg6[%add3A_64, %dma_wait3A, %dma_wait3A_71] : memref<32x625x128xf32, #tpu.memory_space<hbm>> -> memref<1x625x128xf32, #tpu.memory_space<hbm>>
      %dma_wait3A_73 = tpu.memref_squeeze %dma_wait3A_72 : memref<1x625x128xf32, #tpu.memory_space<hbm>> -> memref<625x128xf32, #tpu.memory_space<hbm>>
      %dma_wait3A_74 = arith.constant 0 : i32
      %dma_wait3A_75 = tpu.memref_slice %arg11[%mul3A_61, %dma_wait3A_74] : memref<10000x128xf32, #tpu.memory_space<vmem_shared>> -> memref<625x128xf32, #tpu.memory_space<vmem_shared>>
      tpu.wait_dma2 semaphore(%run_scoped3A : memref<!tpu.dma_semaphore, #tpu.memory_space<semaphore_mem>>) src(%dma_wait3A_75 : memref<625x128xf32, #tpu.memory_space<vmem_shared>>) dst(%dma_wait3A_73 : memref<625x128xf32, #tpu.memory_space<hbm>>)
      tpu.yield
    }) : () -> ()
    return
  }
}

#map = affine_map<(d0, d1) -> (0, 0)>
#map1 = affine_map<(d0, d1) -> (0, 0, 0)>
module attributes {stable_mosaic.version = 14 : i64} {
  func.func @_sc_agg_body(%arg0: i32, %arg1: i32, %arg2: memref<40000x128xf32, #tpu.memory_space<hbm>>, %arg3: memref<64x625x128xf32, #tpu.memory_space<hbm>>, %arg4: memref<128x40x125xi32, #tpu.memory_space<hbm>>, %arg5: memref<16x80x125xi32, #tpu.memory_space<hbm>>, %arg6: memref<64x625x128xf32, #tpu.memory_space<hbm>>, %arg7: memref<40x125xi32, #tpu.memory_space<vmem>>, %arg8: memref<80x125xi32, #tpu.memory_space<vmem>>, %arg9: memref<125x128xf32, #tpu.memory_space<vmem>>, %arg10: memref<125x128xf32, #tpu.memory_space<vmem>>, %arg11: memref<10000x128xf32, #tpu.memory_space<vmem_shared>>, %arg12: memref<!tpu.dma_semaphore, #tpu.memory_space<semaphore_mem>>, %arg13: memref<!tpu.dma_semaphore, #tpu.memory_space<semaphore_mem>>, %arg14: memref<!tpu.dma_semaphore, #tpu.memory_space<semaphore_mem>>, %arg15: memref<!tpu.dma_semaphore, #tpu.memory_space<semaphore_mem>>) attributes {dimension_semantics = [#tpu.dimension_semantics<core_parallel>, #tpu.dimension_semantics<subcore_parallel>], iteration_bounds = array<i64: 2, 16>, scalar_prefetch = 0 : i64, scratch_operands = 9 : i64, tpu.core_type = #tpu.core_type<sc_vector_subcore>, window_params = [{transform_indices = #map}, {transform_indices = #map1}, {transform_indices = #map1}, {transform_indices = #map1}, {transform_indices = #map1}]} {
    "tpu.region"() ({
      %run_scoped3A = tpu.sem_alloc : memref<!tpu.dma_semaphore, #tpu.memory_space<semaphore_mem>>
      %dma_start3A_136 = arith.constant 0 : i32
      %dma_start3A_137 = arith.constant 0 : i32
      %dma_start3A_138 = tpu.memref_slice %arg5[%arg1, %dma_start3A_136, %dma_start3A_137] : memref<16x80x125xi32, #tpu.memory_space<hbm>> -> memref<1x80x125xi32, #tpu.memory_space<hbm>>
      %dma_start3A_139 = tpu.memref_squeeze %dma_start3A_138 : memref<1x80x125xi32, #tpu.memory_space<hbm>> -> memref<80x125xi32, #tpu.memory_space<hbm>>
      %dma_start3A_140 = arith.constant 0 : i32
      %dma_start3A_141 = arith.constant 0 : i32
      %dma_start3A_142 = tpu.memref_slice %arg5[%arg1, %dma_start3A_140, %dma_start3A_141] : memref<16x80x125xi32, #tpu.memory_space<hbm>> -> memref<1x80x125xi32, #tpu.memory_space<hbm>>
      %dma_start3A_143 = tpu.memref_squeeze %dma_start3A_142 : memref<1x80x125xi32, #tpu.memory_space<hbm>> -> memref<80x125xi32, #tpu.memory_space<hbm>>
      tpu.enqueue_dma source(%dma_start3A_143 : memref<80x125xi32, #tpu.memory_space<hbm>>) target(%arg8 : memref<80x125xi32, #tpu.memory_space<vmem>>) target_semaphore(%run_scoped3A : memref<!tpu.dma_semaphore, #tpu.memory_space<semaphore_mem>>)
      %dma_wait3A = arith.constant 0 : i32
      %dma_wait3A_144 = arith.constant 0 : i32
      %dma_wait3A_145 = tpu.memref_slice %arg5[%arg1, %dma_wait3A, %dma_wait3A_144] : memref<16x80x125xi32, #tpu.memory_space<hbm>> -> memref<1x80x125xi32, #tpu.memory_space<hbm>>
      %dma_wait3A_146 = tpu.memref_squeeze %dma_wait3A_145 : memref<1x80x125xi32, #tpu.memory_space<hbm>> -> memref<80x125xi32, #tpu.memory_space<hbm>>
      %dma_wait3A_147 = arith.constant 0 : i32
      %dma_wait3A_148 = arith.constant 0 : i32
      %dma_wait3A_149 = tpu.memref_slice %arg5[%arg1, %dma_wait3A_147, %dma_wait3A_148] : memref<16x80x125xi32, #tpu.memory_space<hbm>> -> memref<1x80x125xi32, #tpu.memory_space<hbm>>
      %dma_wait3A_150 = tpu.memref_squeeze %dma_wait3A_149 : memref<1x80x125xi32, #tpu.memory_space<hbm>> -> memref<80x125xi32, #tpu.memory_space<hbm>>
      tpu.wait_dma2 semaphore(%run_scoped3A : memref<!tpu.dma_semaphore, #tpu.memory_space<semaphore_mem>>) src(%dma_wait3A_150 : memref<80x125xi32, #tpu.memory_space<hbm>>) dst(%arg8 : memref<80x125xi32, #tpu.memory_space<vmem>>)
      tpu.yield
    }) : () -> ()
    %mul3A = arith.constant 2 : i32
    %mul3A_0 = arith.muli %arg0, %mul3A : i32
    %add3A = arith.constant 0 : i32
    %add3A_1 = arith.addi %mul3A_0, %add3A : i32
    %mul3A_2 = arith.constant 16 : i32
    %mul3A_3 = arith.muli %add3A_1, %mul3A_2 : i32
    %add3A_4 = arith.addi %mul3A_3, %arg1 : i32
    %mul3A_5 = arith.constant 625 : i32
    %mul3A_6 = arith.muli %arg1, %mul3A_5 : i32
    "tpu.region"() ({
      %run_scoped3A = tpu.sem_alloc : memref<!tpu.dma_semaphore, #tpu.memory_space<semaphore_mem>>
      %dma_start3A_136 = arith.constant 0 : i32
      %dma_start3A_137 = tpu.memref_slice %arg11[%mul3A_6, %dma_start3A_136] : memref<10000x128xf32, #tpu.memory_space<vmem_shared>> -> memref<625x128xf32, #tpu.memory_space<vmem_shared>>
      %dma_start3A_138 = arith.constant 0 : i32
      %dma_start3A_139 = arith.constant 0 : i32
      %dma_start3A_140 = tpu.memref_slice %arg3[%add3A_4, %dma_start3A_138, %dma_start3A_139] : memref<64x625x128xf32, #tpu.memory_space<hbm>> -> memref<1x625x128xf32, #tpu.memory_space<hbm>>
      %dma_start3A_141 = tpu.memref_squeeze %dma_start3A_140 : memref<1x625x128xf32, #tpu.memory_space<hbm>> -> memref<625x128xf32, #tpu.memory_space<hbm>>
      tpu.enqueue_dma source(%dma_start3A_141 : memref<625x128xf32, #tpu.memory_space<hbm>>) target(%dma_start3A_137 : memref<625x128xf32, #tpu.memory_space<vmem_shared>>) target_semaphore(%run_scoped3A : memref<!tpu.dma_semaphore, #tpu.memory_space<semaphore_mem>>)
      %dma_wait3A = arith.constant 0 : i32
      %dma_wait3A_142 = tpu.memref_slice %arg11[%mul3A_6, %dma_wait3A] : memref<10000x128xf32, #tpu.memory_space<vmem_shared>> -> memref<625x128xf32, #tpu.memory_space<vmem_shared>>
      %dma_wait3A_143 = arith.constant 0 : i32
      %dma_wait3A_144 = arith.constant 0 : i32
      %dma_wait3A_145 = tpu.memref_slice %arg3[%add3A_4, %dma_wait3A_143, %dma_wait3A_144] : memref<64x625x128xf32, #tpu.memory_space<hbm>> -> memref<1x625x128xf32, #tpu.memory_space<hbm>>
      %dma_wait3A_146 = tpu.memref_squeeze %dma_wait3A_145 : memref<1x625x128xf32, #tpu.memory_space<hbm>> -> memref<625x128xf32, #tpu.memory_space<hbm>>
      tpu.wait_dma2 semaphore(%run_scoped3A : memref<!tpu.dma_semaphore, #tpu.memory_space<semaphore_mem>>) src(%dma_wait3A_146 : memref<625x128xf32, #tpu.memory_space<hbm>>) dst(%dma_wait3A_142 : memref<625x128xf32, #tpu.memory_space<vmem_shared>>)
      tpu.yield
    }) : () -> ()
    %barrier3A = arith.constant 0 : index
    tpu.barrier barrier_id(%barrier3A)
    %mul3A_7 = arith.constant 16 : i32
    %mul3A_8 = arith.muli %add3A_1, %mul3A_7 : i32
    %add3A_9 = arith.addi %mul3A_8, %arg1 : i32
    %mul3A_10 = arith.constant 2 : i32
    %mul3A_11 = arith.muli %add3A_9, %mul3A_10 : i32
    %add3A_12 = arith.constant 0 : i32
    %add3A_13 = arith.addi %mul3A_11, %add3A_12 : i32
    "tpu.region"() ({
      %run_scoped3A = tpu.sem_alloc : memref<!tpu.dma_semaphore, #tpu.memory_space<semaphore_mem>>
      %dma_start3A_136 = arith.constant 0 : i32
      %dma_start3A_137 = arith.constant 0 : i32
      %dma_start3A_138 = tpu.memref_slice %arg4[%add3A_13, %dma_start3A_136, %dma_start3A_137] : memref<128x40x125xi32, #tpu.memory_space<hbm>> -> memref<1x40x125xi32, #tpu.memory_space<hbm>>
      %dma_start3A_139 = tpu.memref_squeeze %dma_start3A_138 : memref<1x40x125xi32, #tpu.memory_space<hbm>> -> memref<40x125xi32, #tpu.memory_space<hbm>>
      %dma_start3A_140 = arith.constant 0 : i32
      %dma_start3A_141 = arith.constant 0 : i32
      %dma_start3A_142 = tpu.memref_slice %arg4[%add3A_13, %dma_start3A_140, %dma_start3A_141] : memref<128x40x125xi32, #tpu.memory_space<hbm>> -> memref<1x40x125xi32, #tpu.memory_space<hbm>>
      %dma_start3A_143 = tpu.memref_squeeze %dma_start3A_142 : memref<1x40x125xi32, #tpu.memory_space<hbm>> -> memref<40x125xi32, #tpu.memory_space<hbm>>
      tpu.enqueue_dma source(%dma_start3A_143 : memref<40x125xi32, #tpu.memory_space<hbm>>) target(%arg7 : memref<40x125xi32, #tpu.memory_space<vmem>>) target_semaphore(%run_scoped3A : memref<!tpu.dma_semaphore, #tpu.memory_space<semaphore_mem>>)
      %dma_wait3A = arith.constant 0 : i32
      %dma_wait3A_144 = arith.constant 0 : i32
      %dma_wait3A_145 = tpu.memref_slice %arg4[%add3A_13, %dma_wait3A, %dma_wait3A_144] : memref<128x40x125xi32, #tpu.memory_space<hbm>> -> memref<1x40x125xi32, #tpu.memory_space<hbm>>
      %dma_wait3A_146 = tpu.memref_squeeze %dma_wait3A_145 : memref<1x40x125xi32, #tpu.memory_space<hbm>> -> memref<40x125xi32, #tpu.memory_space<hbm>>
      %dma_wait3A_147 = arith.constant 0 : i32
      %dma_wait3A_148 = arith.constant 0 : i32
      %dma_wait3A_149 = tpu.memref_slice %arg4[%add3A_13, %dma_wait3A_147, %dma_wait3A_148] : memref<128x40x125xi32, #tpu.memory_space<hbm>> -> memref<1x40x125xi32, #tpu.memory_space<hbm>>
      %dma_wait3A_150 = tpu.memref_squeeze %dma_wait3A_149 : memref<1x40x125xi32, #tpu.memory_space<hbm>> -> memref<40x125xi32, #tpu.memory_space<hbm>>
      tpu.wait_dma2 semaphore(%run_scoped3A : memref<!tpu.dma_semaphore, #tpu.memory_space<semaphore_mem>>) src(%dma_wait3A_150 : memref<40x125xi32, #tpu.memory_space<hbm>>) dst(%arg7 : memref<40x125xi32, #tpu.memory_space<vmem>>)
      tpu.yield
    }) : () -> ()
    %dma_start3A = arith.constant 0 : i32
    %dma_start3A_14 = arith.constant 0 : i32
    %dma_start3A_15 = tpu.memref_slice %arg7[%dma_start3A, %dma_start3A_14] : memref<40x125xi32, #tpu.memory_space<vmem>> -> memref<1x125xi32, #tpu.memory_space<vmem>>
    %dma_start3A_16 = tpu.memref_squeeze %dma_start3A_15 : memref<1x125xi32, #tpu.memory_space<vmem>> -> memref<125xi32, #tpu.memory_space<vmem>>
    %dma_start3A_17 = arith.constant 0 : i32
    %dma_start3A_18 = arith.constant 0 : i32
    %dma_start3A_19 = tpu.memref_slice %arg2[%dma_start3A_17, %dma_start3A_18] : memref<40000x128xf32, #tpu.memory_space<hbm>> -> memref<40000x128xf32, #tpu.memory_space<hbm>>
    tpu.enqueue_indirect_dma source(%dma_start3A_19 : memref<40000x128xf32, #tpu.memory_space<hbm>>) target(%arg9 : memref<125x128xf32, #tpu.memory_space<vmem>>) offsets(%dma_start3A_16 : memref<125xi32, #tpu.memory_space<vmem>>) semaphore(%arg12 : memref<!tpu.dma_semaphore, #tpu.memory_space<semaphore_mem>>)
    %dma_start3A_20 = arith.constant 1 : i32
    %dma_start3A_21 = arith.constant 0 : i32
    %dma_start3A_22 = tpu.memref_slice %arg7[%dma_start3A_20, %dma_start3A_21] : memref<40x125xi32, #tpu.memory_space<vmem>> -> memref<1x125xi32, #tpu.memory_space<vmem>>
    %dma_start3A_23 = tpu.memref_squeeze %dma_start3A_22 : memref<1x125xi32, #tpu.memory_space<vmem>> -> memref<125xi32, #tpu.memory_space<vmem>>
    %dma_start3A_24 = arith.constant 0 : i32
    %dma_start3A_25 = arith.constant 0 : i32
    %dma_start3A_26 = tpu.memref_slice %arg2[%dma_start3A_24, %dma_start3A_25] : memref<40000x128xf32, #tpu.memory_space<hbm>> -> memref<40000x128xf32, #tpu.memory_space<hbm>>
    tpu.enqueue_indirect_dma source(%dma_start3A_26 : memref<40000x128xf32, #tpu.memory_space<hbm>>) target(%arg10 : memref<125x128xf32, #tpu.memory_space<vmem>>) offsets(%dma_start3A_23 : memref<125xi32, #tpu.memory_space<vmem>>) semaphore(%arg13 : memref<!tpu.dma_semaphore, #tpu.memory_space<semaphore_mem>>)
    %scan3A = arith.constant 0 : i32
    %scan3A_27 = arith.constant 0 : i32
    %scan3A_28 = arith.constant 20 : i32
    %scan3A_29 = arith.addi %scan3A_27, %scan3A_28 : i32
    %scan3A_30 = arith.constant 1 : i32
    scf.for %scan3A_136 = %scan3A_27 to %scan3A_29 step %scan3A_30  : i32 {
      %mul3A_137 = arith.constant 2 : i32
      %mul3A_138 = arith.muli %mul3A_137, %scan3A_136 : i32
      %add3A_139 = arith.constant 0 : i32
      %add3A_140 = arith.addi %mul3A_138, %add3A_139 : i32
      %dma_wait3A = arith.constant 0 : i32
      %dma_wait3A_141 = tpu.memref_slice %arg7[%add3A_140, %dma_wait3A] : memref<40x125xi32, #tpu.memory_space<vmem>> -> memref<1x125xi32, #tpu.memory_space<vmem>>
      %dma_wait3A_142 = tpu.memref_squeeze %dma_wait3A_141 : memref<1x125xi32, #tpu.memory_space<vmem>> -> memref<125xi32, #tpu.memory_space<vmem>>
      %dma_wait3A_143 = arith.constant 0 : i32
      %dma_wait3A_144 = arith.constant 0 : i32
      %dma_wait3A_145 = tpu.memref_slice %arg2[%dma_wait3A_143, %dma_wait3A_144] : memref<40000x128xf32, #tpu.memory_space<hbm>> -> memref<40000x128xf32, #tpu.memory_space<hbm>>
      tpu.wait_indirect_dma semaphore(%arg12 : memref<!tpu.dma_semaphore, #tpu.memory_space<semaphore_mem>>) src(%dma_wait3A_145 : memref<40000x128xf32, #tpu.memory_space<hbm>>) dst(%arg9 : memref<125x128xf32, #tpu.memory_space<vmem>>)
      %add3A_146 = arith.constant 0 : i32
      %add3A_147 = arith.addi %add3A_146, %add3A_140 : i32
      %dma_start3A_148 = arith.constant 0 : i32
      %dma_start3A_149 = tpu.memref_slice %arg8[%add3A_147, %dma_start3A_148] : memref<80x125xi32, #tpu.memory_space<vmem>> -> memref<1x125xi32, #tpu.memory_space<vmem>>
      %dma_start3A_150 = tpu.memref_squeeze %dma_start3A_149 : memref<1x125xi32, #tpu.memory_space<vmem>> -> memref<125xi32, #tpu.memory_space<vmem>>
      %dma_start3A_151 = arith.constant 0 : i32
      %dma_start3A_152 = arith.constant 0 : i32
      %dma_start3A_153 = tpu.memref_slice %arg11[%dma_start3A_151, %dma_start3A_152] : memref<10000x128xf32, #tpu.memory_space<vmem_shared>> -> memref<10000x128xf32, #tpu.memory_space<vmem_shared>>
      tpu.enqueue_indirect_dma source(%arg9 : memref<125x128xf32, #tpu.memory_space<vmem>>) target(%dma_start3A_153 : memref<10000x128xf32, #tpu.memory_space<vmem_shared>>) offsets(%dma_start3A_150 : memref<125xi32, #tpu.memory_space<vmem>>) semaphore(%arg14 : memref<!tpu.dma_semaphore, #tpu.memory_space<semaphore_mem>>) {add = true}
      %add3A_154 = arith.constant 0 : i32
      %add3A_155 = arith.addi %add3A_154, %add3A_140 : i32
      %dma_wait3A_156 = arith.constant 0 : i32
      %dma_wait3A_157 = tpu.memref_slice %arg8[%add3A_155, %dma_wait3A_156] : memref<80x125xi32, #tpu.memory_space<vmem>> -> memref<1x125xi32, #tpu.memory_space<vmem>>
      %dma_wait3A_158 = tpu.memref_squeeze %dma_wait3A_157 : memref<1x125xi32, #tpu.memory_space<vmem>> -> memref<125xi32, #tpu.memory_space<vmem>>
      %dma_wait3A_159 = arith.constant 0 : i32
      %dma_wait3A_160 = arith.constant 0 : i32
      %dma_wait3A_161 = tpu.memref_slice %arg11[%dma_wait3A_159, %dma_wait3A_160] : memref<10000x128xf32, #tpu.memory_space<vmem_shared>> -> memref<10000x128xf32, #tpu.memory_space<vmem_shared>>
      tpu.wait_indirect_dma semaphore(%arg14 : memref<!tpu.dma_semaphore, #tpu.memory_space<semaphore_mem>>) src(%arg9 : memref<125x128xf32, #tpu.memory_space<vmem>>) dst(%dma_wait3A_161 : memref<10000x128xf32, #tpu.memory_space<vmem_shared>>)
      %add3A_162 = arith.constant 2 : i32
      %add3A_163 = arith.addi %add3A_140, %add3A_162 : i32
      %lt3A = arith.constant 40 : i32
      %lt3A_164 = arith.cmpi slt, %add3A_163, %lt3A : i32
      %convert_element_type3A = arith.extui %lt3A_164 : i1 to i32
      %cond3A = arith.constant 0 : i32
      %cond3A_165 = arith.cmpi ne, %convert_element_type3A, %cond3A : i32
      scf.if %cond3A_165 {
        %add3A_199 = arith.constant 2 : i32
        %add3A_200 = arith.addi %add3A_140, %add3A_199 : i32
        %dma_start3A_201 = arith.constant 0 : i32
        %dma_start3A_202 = tpu.memref_slice %arg7[%add3A_200, %dma_start3A_201] : memref<40x125xi32, #tpu.memory_space<vmem>> -> memref<1x125xi32, #tpu.memory_space<vmem>>
        %dma_start3A_203 = tpu.memref_squeeze %dma_start3A_202 : memref<1x125xi32, #tpu.memory_space<vmem>> -> memref<125xi32, #tpu.memory_space<vmem>>
        %dma_start3A_204 = arith.constant 0 : i32
        %dma_start3A_205 = arith.constant 0 : i32
        %dma_start3A_206 = tpu.memref_slice %arg2[%dma_start3A_204, %dma_start3A_205] : memref<40000x128xf32, #tpu.memory_space<hbm>> -> memref<40000x128xf32, #tpu.memory_space<hbm>>
        tpu.enqueue_indirect_dma source(%dma_start3A_206 : memref<40000x128xf32, #tpu.memory_space<hbm>>) target(%arg9 : memref<125x128xf32, #tpu.memory_space<vmem>>) offsets(%dma_start3A_203 : memref<125xi32, #tpu.memory_space<vmem>>) semaphore(%arg12 : memref<!tpu.dma_semaphore, #tpu.memory_space<semaphore_mem>>)
      } else {
      }
      %mul3A_166 = arith.constant 2 : i32
      %mul3A_167 = arith.muli %mul3A_166, %scan3A_136 : i32
      %add3A_168 = arith.constant 1 : i32
      %add3A_169 = arith.addi %mul3A_167, %add3A_168 : i32
      %dma_wait3A_170 = arith.constant 0 : i32
      %dma_wait3A_171 = tpu.memref_slice %arg7[%add3A_169, %dma_wait3A_170] : memref<40x125xi32, #tpu.memory_space<vmem>> -> memref<1x125xi32, #tpu.memory_space<vmem>>
      %dma_wait3A_172 = tpu.memref_squeeze %dma_wait3A_171 : memref<1x125xi32, #tpu.memory_space<vmem>> -> memref<125xi32, #tpu.memory_space<vmem>>
      %dma_wait3A_173 = arith.constant 0 : i32
      %dma_wait3A_174 = arith.constant 0 : i32
      %dma_wait3A_175 = tpu.memref_slice %arg2[%dma_wait3A_173, %dma_wait3A_174] : memref<40000x128xf32, #tpu.memory_space<hbm>> -> memref<40000x128xf32, #tpu.memory_space<hbm>>
      tpu.wait_indirect_dma semaphore(%arg13 : memref<!tpu.dma_semaphore, #tpu.memory_space<semaphore_mem>>) src(%dma_wait3A_175 : memref<40000x128xf32, #tpu.memory_space<hbm>>) dst(%arg10 : memref<125x128xf32, #tpu.memory_space<vmem>>)
      %add3A_176 = arith.constant 0 : i32
      %add3A_177 = arith.addi %add3A_176, %add3A_169 : i32
      %dma_start3A_178 = arith.constant 0 : i32
      %dma_start3A_179 = tpu.memref_slice %arg8[%add3A_177, %dma_start3A_178] : memref<80x125xi32, #tpu.memory_space<vmem>> -> memref<1x125xi32, #tpu.memory_space<vmem>>
      %dma_start3A_180 = tpu.memref_squeeze %dma_start3A_179 : memref<1x125xi32, #tpu.memory_space<vmem>> -> memref<125xi32, #tpu.memory_space<vmem>>
      %dma_start3A_181 = arith.constant 0 : i32
      %dma_start3A_182 = arith.constant 0 : i32
      %dma_start3A_183 = tpu.memref_slice %arg11[%dma_start3A_181, %dma_start3A_182] : memref<10000x128xf32, #tpu.memory_space<vmem_shared>> -> memref<10000x128xf32, #tpu.memory_space<vmem_shared>>
      tpu.enqueue_indirect_dma source(%arg10 : memref<125x128xf32, #tpu.memory_space<vmem>>) target(%dma_start3A_183 : memref<10000x128xf32, #tpu.memory_space<vmem_shared>>) offsets(%dma_start3A_180 : memref<125xi32, #tpu.memory_space<vmem>>) semaphore(%arg15 : memref<!tpu.dma_semaphore, #tpu.memory_space<semaphore_mem>>) {add = true}
      %add3A_184 = arith.constant 0 : i32
      %add3A_185 = arith.addi %add3A_184, %add3A_169 : i32
      %dma_wait3A_186 = arith.constant 0 : i32
      %dma_wait3A_187 = tpu.memref_slice %arg8[%add3A_185, %dma_wait3A_186] : memref<80x125xi32, #tpu.memory_space<vmem>> -> memref<1x125xi32, #tpu.memory_space<vmem>>
      %dma_wait3A_188 = tpu.memref_squeeze %dma_wait3A_187 : memref<1x125xi32, #tpu.memory_space<vmem>> -> memref<125xi32, #tpu.memory_space<vmem>>
      %dma_wait3A_189 = arith.constant 0 : i32
      %dma_wait3A_190 = arith.constant 0 : i32
      %dma_wait3A_191 = tpu.memref_slice %arg11[%dma_wait3A_189, %dma_wait3A_190] : memref<10000x128xf32, #tpu.memory_space<vmem_shared>> -> memref<10000x128xf32, #tpu.memory_space<vmem_shared>>
      tpu.wait_indirect_dma semaphore(%arg15 : memref<!tpu.dma_semaphore, #tpu.memory_space<semaphore_mem>>) src(%arg10 : memref<125x128xf32, #tpu.memory_space<vmem>>) dst(%dma_wait3A_191 : memref<10000x128xf32, #tpu.memory_space<vmem_shared>>)
      %add3A_192 = arith.constant 2 : i32
      %add3A_193 = arith.addi %add3A_169, %add3A_192 : i32
      %lt3A_194 = arith.constant 40 : i32
      %lt3A_195 = arith.cmpi slt, %add3A_193, %lt3A_194 : i32
      %convert_element_type3A_196 = arith.extui %lt3A_195 : i1 to i32
      %cond3A_197 = arith.constant 0 : i32
      %cond3A_198 = arith.cmpi ne, %convert_element_type3A_196, %cond3A_197 : i32
      scf.if %cond3A_198 {
        %add3A_199 = arith.constant 2 : i32
        %add3A_200 = arith.addi %add3A_169, %add3A_199 : i32
        %dma_start3A_201 = arith.constant 0 : i32
        %dma_start3A_202 = tpu.memref_slice %arg7[%add3A_200, %dma_start3A_201] : memref<40x125xi32, #tpu.memory_space<vmem>> -> memref<1x125xi32, #tpu.memory_space<vmem>>
        %dma_start3A_203 = tpu.memref_squeeze %dma_start3A_202 : memref<1x125xi32, #tpu.memory_space<vmem>> -> memref<125xi32, #tpu.memory_space<vmem>>
        %dma_start3A_204 = arith.constant 0 : i32
        %dma_start3A_205 = arith.constant 0 : i32
        %dma_start3A_206 = tpu.memref_slice %arg2[%dma_start3A_204, %dma_start3A_205] : memref<40000x128xf32, #tpu.memory_space<hbm>> -> memref<40000x128xf32, #tpu.memory_space<hbm>>
        tpu.enqueue_indirect_dma source(%dma_start3A_206 : memref<40000x128xf32, #tpu.memory_space<hbm>>) target(%arg10 : memref<125x128xf32, #tpu.memory_space<vmem>>) offsets(%dma_start3A_203 : memref<125xi32, #tpu.memory_space<vmem>>) semaphore(%arg13 : memref<!tpu.dma_semaphore, #tpu.memory_space<semaphore_mem>>)
      } else {
      }
    }
    %scan3A_31 = arith.constant 20 : i32
    %mul3A_32 = arith.constant 16 : i32
    %mul3A_33 = arith.muli %add3A_1, %mul3A_32 : i32
    %add3A_34 = arith.addi %mul3A_33, %arg1 : i32
    %mul3A_35 = arith.constant 2 : i32
    %mul3A_36 = arith.muli %add3A_34, %mul3A_35 : i32
    %add3A_37 = arith.constant 1 : i32
    %add3A_38 = arith.addi %mul3A_36, %add3A_37 : i32
    "tpu.region"() ({
      %run_scoped3A = tpu.sem_alloc : memref<!tpu.dma_semaphore, #tpu.memory_space<semaphore_mem>>
      %dma_start3A_136 = arith.constant 0 : i32
      %dma_start3A_137 = arith.constant 0 : i32
      %dma_start3A_138 = tpu.memref_slice %arg4[%add3A_38, %dma_start3A_136, %dma_start3A_137] : memref<128x40x125xi32, #tpu.memory_space<hbm>> -> memref<1x40x125xi32, #tpu.memory_space<hbm>>
      %dma_start3A_139 = tpu.memref_squeeze %dma_start3A_138 : memref<1x40x125xi32, #tpu.memory_space<hbm>> -> memref<40x125xi32, #tpu.memory_space<hbm>>
      %dma_start3A_140 = arith.constant 0 : i32
      %dma_start3A_141 = arith.constant 0 : i32
      %dma_start3A_142 = tpu.memref_slice %arg4[%add3A_38, %dma_start3A_140, %dma_start3A_141] : memref<128x40x125xi32, #tpu.memory_space<hbm>> -> memref<1x40x125xi32, #tpu.memory_space<hbm>>
      %dma_start3A_143 = tpu.memref_squeeze %dma_start3A_142 : memref<1x40x125xi32, #tpu.memory_space<hbm>> -> memref<40x125xi32, #tpu.memory_space<hbm>>
      tpu.enqueue_dma source(%dma_start3A_143 : memref<40x125xi32, #tpu.memory_space<hbm>>) target(%arg7 : memref<40x125xi32, #tpu.memory_space<vmem>>) target_semaphore(%run_scoped3A : memref<!tpu.dma_semaphore, #tpu.memory_space<semaphore_mem>>)
      %dma_wait3A = arith.constant 0 : i32
      %dma_wait3A_144 = arith.constant 0 : i32
      %dma_wait3A_145 = tpu.memref_slice %arg4[%add3A_38, %dma_wait3A, %dma_wait3A_144] : memref<128x40x125xi32, #tpu.memory_space<hbm>> -> memref<1x40x125xi32, #tpu.memory_space<hbm>>
      %dma_wait3A_146 = tpu.memref_squeeze %dma_wait3A_145 : memref<1x40x125xi32, #tpu.memory_space<hbm>> -> memref<40x125xi32, #tpu.memory_space<hbm>>
      %dma_wait3A_147 = arith.constant 0 : i32
      %dma_wait3A_148 = arith.constant 0 : i32
      %dma_wait3A_149 = tpu.memref_slice %arg4[%add3A_38, %dma_wait3A_147, %dma_wait3A_148] : memref<128x40x125xi32, #tpu.memory_space<hbm>> -> memref<1x40x125xi32, #tpu.memory_space<hbm>>
      %dma_wait3A_150 = tpu.memref_squeeze %dma_wait3A_149 : memref<1x40x125xi32, #tpu.memory_space<hbm>> -> memref<40x125xi32, #tpu.memory_space<hbm>>
      tpu.wait_dma2 semaphore(%run_scoped3A : memref<!tpu.dma_semaphore, #tpu.memory_space<semaphore_mem>>) src(%dma_wait3A_150 : memref<40x125xi32, #tpu.memory_space<hbm>>) dst(%arg7 : memref<40x125xi32, #tpu.memory_space<vmem>>)
      tpu.yield
    }) : () -> ()
    %dma_start3A_39 = arith.constant 0 : i32
    %dma_start3A_40 = arith.constant 0 : i32
    %dma_start3A_41 = tpu.memref_slice %arg7[%dma_start3A_39, %dma_start3A_40] : memref<40x125xi32, #tpu.memory_space<vmem>> -> memref<1x125xi32, #tpu.memory_space<vmem>>
    %dma_start3A_42 = tpu.memref_squeeze %dma_start3A_41 : memref<1x125xi32, #tpu.memory_space<vmem>> -> memref<125xi32, #tpu.memory_space<vmem>>
    %dma_start3A_43 = arith.constant 0 : i32
    %dma_start3A_44 = arith.constant 0 : i32
    %dma_start3A_45 = tpu.memref_slice %arg2[%dma_start3A_43, %dma_start3A_44] : memref<40000x128xf32, #tpu.memory_space<hbm>> -> memref<40000x128xf32, #tpu.memory_space<hbm>>
    tpu.enqueue_indirect_dma source(%dma_start3A_45 : memref<40000x128xf32, #tpu.memory_space<hbm>>) target(%arg9 : memref<125x128xf32, #tpu.memory_space<vmem>>) offsets(%dma_start3A_42 : memref<125xi32, #tpu.memory_space<vmem>>) semaphore(%arg12 : memref<!tpu.dma_semaphore, #tpu.memory_space<semaphore_mem>>)
    %dma_start3A_46 = arith.constant 1 : i32
    %dma_start3A_47 = arith.constant 0 : i32
    %dma_start3A_48 = tpu.memref_slice %arg7[%dma_start3A_46, %dma_start3A_47] : memref<40x125xi32, #tpu.memory_space<vmem>> -> memref<1x125xi32, #tpu.memory_space<vmem>>
    %dma_start3A_49 = tpu.memref_squeeze %dma_start3A_48 : memref<1x125xi32, #tpu.memory_space<vmem>> -> memref<125xi32, #tpu.memory_space<vmem>>
    %dma_start3A_50 = arith.constant 0 : i32
    %dma_start3A_51 = arith.constant 0 : i32
    %dma_start3A_52 = tpu.memref_slice %arg2[%dma_start3A_50, %dma_start3A_51] : memref<40000x128xf32, #tpu.memory_space<hbm>> -> memref<40000x128xf32, #tpu.memory_space<hbm>>
    tpu.enqueue_indirect_dma source(%dma_start3A_52 : memref<40000x128xf32, #tpu.memory_space<hbm>>) target(%arg10 : memref<125x128xf32, #tpu.memory_space<vmem>>) offsets(%dma_start3A_49 : memref<125xi32, #tpu.memory_space<vmem>>) semaphore(%arg13 : memref<!tpu.dma_semaphore, #tpu.memory_space<semaphore_mem>>)
    %scan3A_53 = arith.constant 0 : i32
    %scan3A_54 = arith.constant 0 : i32
    %scan3A_55 = arith.constant 20 : i32
    %scan3A_56 = arith.addi %scan3A_54, %scan3A_55 : i32
    %scan3A_57 = arith.constant 1 : i32
    scf.for %scan3A_136 = %scan3A_54 to %scan3A_56 step %scan3A_57  : i32 {
      %mul3A_137 = arith.constant 2 : i32
      %mul3A_138 = arith.muli %mul3A_137, %scan3A_136 : i32
      %add3A_139 = arith.constant 0 : i32
      %add3A_140 = arith.addi %mul3A_138, %add3A_139 : i32
      %dma_wait3A = arith.constant 0 : i32
      %dma_wait3A_141 = tpu.memref_slice %arg7[%add3A_140, %dma_wait3A] : memref<40x125xi32, #tpu.memory_space<vmem>> -> memref<1x125xi32, #tpu.memory_space<vmem>>
      %dma_wait3A_142 = tpu.memref_squeeze %dma_wait3A_141 : memref<1x125xi32, #tpu.memory_space<vmem>> -> memref<125xi32, #tpu.memory_space<vmem>>
      %dma_wait3A_143 = arith.constant 0 : i32
      %dma_wait3A_144 = arith.constant 0 : i32
      %dma_wait3A_145 = tpu.memref_slice %arg2[%dma_wait3A_143, %dma_wait3A_144] : memref<40000x128xf32, #tpu.memory_space<hbm>> -> memref<40000x128xf32, #tpu.memory_space<hbm>>
      tpu.wait_indirect_dma semaphore(%arg12 : memref<!tpu.dma_semaphore, #tpu.memory_space<semaphore_mem>>) src(%dma_wait3A_145 : memref<40000x128xf32, #tpu.memory_space<hbm>>) dst(%arg9 : memref<125x128xf32, #tpu.memory_space<vmem>>)
      %add3A_146 = arith.constant 40 : i32
      %add3A_147 = arith.addi %add3A_146, %add3A_140 : i32
      %dma_start3A_148 = arith.constant 0 : i32
      %dma_start3A_149 = tpu.memref_slice %arg8[%add3A_147, %dma_start3A_148] : memref<80x125xi32, #tpu.memory_space<vmem>> -> memref<1x125xi32, #tpu.memory_space<vmem>>
      %dma_start3A_150 = tpu.memref_squeeze %dma_start3A_149 : memref<1x125xi32, #tpu.memory_space<vmem>> -> memref<125xi32, #tpu.memory_space<vmem>>
      %dma_start3A_151 = arith.constant 0 : i32
      %dma_start3A_152 = arith.constant 0 : i32
      %dma_start3A_153 = tpu.memref_slice %arg11[%dma_start3A_151, %dma_start3A_152] : memref<10000x128xf32, #tpu.memory_space<vmem_shared>> -> memref<10000x128xf32, #tpu.memory_space<vmem_shared>>
      tpu.enqueue_indirect_dma source(%arg9 : memref<125x128xf32, #tpu.memory_space<vmem>>) target(%dma_start3A_153 : memref<10000x128xf32, #tpu.memory_space<vmem_shared>>) offsets(%dma_start3A_150 : memref<125xi32, #tpu.memory_space<vmem>>) semaphore(%arg14 : memref<!tpu.dma_semaphore, #tpu.memory_space<semaphore_mem>>) {add = true}
      %add3A_154 = arith.constant 40 : i32
      %add3A_155 = arith.addi %add3A_154, %add3A_140 : i32
      %dma_wait3A_156 = arith.constant 0 : i32
      %dma_wait3A_157 = tpu.memref_slice %arg8[%add3A_155, %dma_wait3A_156] : memref<80x125xi32, #tpu.memory_space<vmem>> -> memref<1x125xi32, #tpu.memory_space<vmem>>
      %dma_wait3A_158 = tpu.memref_squeeze %dma_wait3A_157 : memref<1x125xi32, #tpu.memory_space<vmem>> -> memref<125xi32, #tpu.memory_space<vmem>>
      %dma_wait3A_159 = arith.constant 0 : i32
      %dma_wait3A_160 = arith.constant 0 : i32
      %dma_wait3A_161 = tpu.memref_slice %arg11[%dma_wait3A_159, %dma_wait3A_160] : memref<10000x128xf32, #tpu.memory_space<vmem_shared>> -> memref<10000x128xf32, #tpu.memory_space<vmem_shared>>
      tpu.wait_indirect_dma semaphore(%arg14 : memref<!tpu.dma_semaphore, #tpu.memory_space<semaphore_mem>>) src(%arg9 : memref<125x128xf32, #tpu.memory_space<vmem>>) dst(%dma_wait3A_161 : memref<10000x128xf32, #tpu.memory_space<vmem_shared>>)
      %add3A_162 = arith.constant 2 : i32
      %add3A_163 = arith.addi %add3A_140, %add3A_162 : i32
      %lt3A = arith.constant 40 : i32
      %lt3A_164 = arith.cmpi slt, %add3A_163, %lt3A : i32
      %convert_element_type3A = arith.extui %lt3A_164 : i1 to i32
      %cond3A = arith.constant 0 : i32
      %cond3A_165 = arith.cmpi ne, %convert_element_type3A, %cond3A : i32
      scf.if %cond3A_165 {
        %add3A_199 = arith.constant 2 : i32
        %add3A_200 = arith.addi %add3A_140, %add3A_199 : i32
        %dma_start3A_201 = arith.constant 0 : i32
        %dma_start3A_202 = tpu.memref_slice %arg7[%add3A_200, %dma_start3A_201] : memref<40x125xi32, #tpu.memory_space<vmem>> -> memref<1x125xi32, #tpu.memory_space<vmem>>
        %dma_start3A_203 = tpu.memref_squeeze %dma_start3A_202 : memref<1x125xi32, #tpu.memory_space<vmem>> -> memref<125xi32, #tpu.memory_space<vmem>>
        %dma_start3A_204 = arith.constant 0 : i32
        %dma_start3A_205 = arith.constant 0 : i32
        %dma_start3A_206 = tpu.memref_slice %arg2[%dma_start3A_204, %dma_start3A_205] : memref<40000x128xf32, #tpu.memory_space<hbm>> -> memref<40000x128xf32, #tpu.memory_space<hbm>>
        tpu.enqueue_indirect_dma source(%dma_start3A_206 : memref<40000x128xf32, #tpu.memory_space<hbm>>) target(%arg9 : memref<125x128xf32, #tpu.memory_space<vmem>>) offsets(%dma_start3A_203 : memref<125xi32, #tpu.memory_space<vmem>>) semaphore(%arg12 : memref<!tpu.dma_semaphore, #tpu.memory_space<semaphore_mem>>)
      } else {
      }
      %mul3A_166 = arith.constant 2 : i32
      %mul3A_167 = arith.muli %mul3A_166, %scan3A_136 : i32
      %add3A_168 = arith.constant 1 : i32
      %add3A_169 = arith.addi %mul3A_167, %add3A_168 : i32
      %dma_wait3A_170 = arith.constant 0 : i32
      %dma_wait3A_171 = tpu.memref_slice %arg7[%add3A_169, %dma_wait3A_170] : memref<40x125xi32, #tpu.memory_space<vmem>> -> memref<1x125xi32, #tpu.memory_space<vmem>>
      %dma_wait3A_172 = tpu.memref_squeeze %dma_wait3A_171 : memref<1x125xi32, #tpu.memory_space<vmem>> -> memref<125xi32, #tpu.memory_space<vmem>>
      %dma_wait3A_173 = arith.constant 0 : i32
      %dma_wait3A_174 = arith.constant 0 : i32
      %dma_wait3A_175 = tpu.memref_slice %arg2[%dma_wait3A_173, %dma_wait3A_174] : memref<40000x128xf32, #tpu.memory_space<hbm>> -> memref<40000x128xf32, #tpu.memory_space<hbm>>
      tpu.wait_indirect_dma semaphore(%arg13 : memref<!tpu.dma_semaphore, #tpu.memory_space<semaphore_mem>>) src(%dma_wait3A_175 : memref<40000x128xf32, #tpu.memory_space<hbm>>) dst(%arg10 : memref<125x128xf32, #tpu.memory_space<vmem>>)
      %add3A_176 = arith.constant 40 : i32
      %add3A_177 = arith.addi %add3A_176, %add3A_169 : i32
      %dma_start3A_178 = arith.constant 0 : i32
      %dma_start3A_179 = tpu.memref_slice %arg8[%add3A_177, %dma_start3A_178] : memref<80x125xi32, #tpu.memory_space<vmem>> -> memref<1x125xi32, #tpu.memory_space<vmem>>
      %dma_start3A_180 = tpu.memref_squeeze %dma_start3A_179 : memref<1x125xi32, #tpu.memory_space<vmem>> -> memref<125xi32, #tpu.memory_space<vmem>>
      %dma_start3A_181 = arith.constant 0 : i32
      %dma_start3A_182 = arith.constant 0 : i32
      %dma_start3A_183 = tpu.memref_slice %arg11[%dma_start3A_181, %dma_start3A_182] : memref<10000x128xf32, #tpu.memory_space<vmem_shared>> -> memref<10000x128xf32, #tpu.memory_space<vmem_shared>>
      tpu.enqueue_indirect_dma source(%arg10 : memref<125x128xf32, #tpu.memory_space<vmem>>) target(%dma_start3A_183 : memref<10000x128xf32, #tpu.memory_space<vmem_shared>>) offsets(%dma_start3A_180 : memref<125xi32, #tpu.memory_space<vmem>>) semaphore(%arg15 : memref<!tpu.dma_semaphore, #tpu.memory_space<semaphore_mem>>) {add = true}
      %add3A_184 = arith.constant 40 : i32
      %add3A_185 = arith.addi %add3A_184, %add3A_169 : i32
      %dma_wait3A_186 = arith.constant 0 : i32
      %dma_wait3A_187 = tpu.memref_slice %arg8[%add3A_185, %dma_wait3A_186] : memref<80x125xi32, #tpu.memory_space<vmem>> -> memref<1x125xi32, #tpu.memory_space<vmem>>
      %dma_wait3A_188 = tpu.memref_squeeze %dma_wait3A_187 : memref<1x125xi32, #tpu.memory_space<vmem>> -> memref<125xi32, #tpu.memory_space<vmem>>
      %dma_wait3A_189 = arith.constant 0 : i32
      %dma_wait3A_190 = arith.constant 0 : i32
      %dma_wait3A_191 = tpu.memref_slice %arg11[%dma_wait3A_189, %dma_wait3A_190] : memref<10000x128xf32, #tpu.memory_space<vmem_shared>> -> memref<10000x128xf32, #tpu.memory_space<vmem_shared>>
      tpu.wait_indirect_dma semaphore(%arg15 : memref<!tpu.dma_semaphore, #tpu.memory_space<semaphore_mem>>) src(%arg10 : memref<125x128xf32, #tpu.memory_space<vmem>>) dst(%dma_wait3A_191 : memref<10000x128xf32, #tpu.memory_space<vmem_shared>>)
      %add3A_192 = arith.constant 2 : i32
      %add3A_193 = arith.addi %add3A_169, %add3A_192 : i32
      %lt3A_194 = arith.constant 40 : i32
      %lt3A_195 = arith.cmpi slt, %add3A_193, %lt3A_194 : i32
      %convert_element_type3A_196 = arith.extui %lt3A_195 : i1 to i32
      %cond3A_197 = arith.constant 0 : i32
      %cond3A_198 = arith.cmpi ne, %convert_element_type3A_196, %cond3A_197 : i32
      scf.if %cond3A_198 {
        %add3A_199 = arith.constant 2 : i32
        %add3A_200 = arith.addi %add3A_169, %add3A_199 : i32
        %dma_start3A_201 = arith.constant 0 : i32
        %dma_start3A_202 = tpu.memref_slice %arg7[%add3A_200, %dma_start3A_201] : memref<40x125xi32, #tpu.memory_space<vmem>> -> memref<1x125xi32, #tpu.memory_space<vmem>>
        %dma_start3A_203 = tpu.memref_squeeze %dma_start3A_202 : memref<1x125xi32, #tpu.memory_space<vmem>> -> memref<125xi32, #tpu.memory_space<vmem>>
        %dma_start3A_204 = arith.constant 0 : i32
        %dma_start3A_205 = arith.constant 0 : i32
        %dma_start3A_206 = tpu.memref_slice %arg2[%dma_start3A_204, %dma_start3A_205] : memref<40000x128xf32, #tpu.memory_space<hbm>> -> memref<40000x128xf32, #tpu.memory_space<hbm>>
        tpu.enqueue_indirect_dma source(%dma_start3A_206 : memref<40000x128xf32, #tpu.memory_space<hbm>>) target(%arg10 : memref<125x128xf32, #tpu.memory_space<vmem>>) offsets(%dma_start3A_203 : memref<125xi32, #tpu.memory_space<vmem>>) semaphore(%arg13 : memref<!tpu.dma_semaphore, #tpu.memory_space<semaphore_mem>>)
      } else {
      }
    }
    %scan3A_58 = arith.constant 20 : i32
    %barrier3A_59 = arith.constant 0 : index
    tpu.barrier barrier_id(%barrier3A_59)
    %mul3A_60 = arith.constant 625 : i32
    %mul3A_61 = arith.muli %arg1, %mul3A_60 : i32
    %mul3A_62 = arith.constant 16 : i32
    %mul3A_63 = arith.muli %add3A_1, %mul3A_62 : i32
    %add3A_64 = arith.addi %mul3A_63, %arg1 : i32
    "tpu.region"() ({
      %run_scoped3A = tpu.sem_alloc : memref<!tpu.dma_semaphore, #tpu.memory_space<semaphore_mem>>
      %dma_start3A_136 = arith.constant 0 : i32
      %dma_start3A_137 = arith.constant 0 : i32
      %dma_start3A_138 = tpu.memref_slice %arg6[%add3A_64, %dma_start3A_136, %dma_start3A_137] : memref<64x625x128xf32, #tpu.memory_space<hbm>> -> memref<1x625x128xf32, #tpu.memory_space<hbm>>
      %dma_start3A_139 = tpu.memref_squeeze %dma_start3A_138 : memref<1x625x128xf32, #tpu.memory_space<hbm>> -> memref<625x128xf32, #tpu.memory_space<hbm>>
      %dma_start3A_140 = arith.constant 0 : i32
      %dma_start3A_141 = tpu.memref_slice %arg11[%mul3A_61, %dma_start3A_140] : memref<10000x128xf32, #tpu.memory_space<vmem_shared>> -> memref<625x128xf32, #tpu.memory_space<vmem_shared>>
      tpu.enqueue_dma source(%dma_start3A_141 : memref<625x128xf32, #tpu.memory_space<vmem_shared>>) target(%dma_start3A_139 : memref<625x128xf32, #tpu.memory_space<hbm>>) target_semaphore(%run_scoped3A : memref<!tpu.dma_semaphore, #tpu.memory_space<semaphore_mem>>)
      %dma_wait3A = arith.constant 0 : i32
      %dma_wait3A_142 = arith.constant 0 : i32
      %dma_wait3A_143 = tpu.memref_slice %arg6[%add3A_64, %dma_wait3A, %dma_wait3A_142] : memref<64x625x128xf32, #tpu.memory_space<hbm>> -> memref<1x625x128xf32, #tpu.memory_space<hbm>>
      %dma_wait3A_144 = tpu.memref_squeeze %dma_wait3A_143 : memref<1x625x128xf32, #tpu.memory_space<hbm>> -> memref<625x128xf32, #tpu.memory_space<hbm>>
      %dma_wait3A_145 = arith.constant 0 : i32
      %dma_wait3A_146 = tpu.memref_slice %arg11[%mul3A_61, %dma_wait3A_145] : memref<10000x128xf32, #tpu.memory_space<vmem_shared>> -> memref<625x128xf32, #tpu.memory_space<vmem_shared>>
      tpu.wait_dma2 semaphore(%run_scoped3A : memref<!tpu.dma_semaphore, #tpu.memory_space<semaphore_mem>>) src(%dma_wait3A_146 : memref<625x128xf32, #tpu.memory_space<vmem_shared>>) dst(%dma_wait3A_144 : memref<625x128xf32, #tpu.memory_space<hbm>>)
      tpu.yield
    }) : () -> ()
    %barrier3A_65 = arith.constant 0 : index
    tpu.barrier barrier_id(%barrier3A_65)
    %mul3A_66 = arith.constant 2 : i32
    %mul3A_67 = arith.muli %arg0, %mul3A_66 : i32
    %add3A_68 = arith.constant 1 : i32
    %add3A_69 = arith.addi %mul3A_67, %add3A_68 : i32
    %mul3A_70 = arith.constant 16 : i32
    %mul3A_71 = arith.muli %add3A_69, %mul3A_70 : i32
    %add3A_72 = arith.addi %mul3A_71, %arg1 : i32
    %mul3A_73 = arith.constant 625 : i32
    %mul3A_74 = arith.muli %arg1, %mul3A_73 : i32
    "tpu.region"() ({
      %run_scoped3A = tpu.sem_alloc : memref<!tpu.dma_semaphore, #tpu.memory_space<semaphore_mem>>
      %dma_start3A_136 = arith.constant 0 : i32
      %dma_start3A_137 = tpu.memref_slice %arg11[%mul3A_74, %dma_start3A_136] : memref<10000x128xf32, #tpu.memory_space<vmem_shared>> -> memref<625x128xf32, #tpu.memory_space<vmem_shared>>
      %dma_start3A_138 = arith.constant 0 : i32
      %dma_start3A_139 = arith.constant 0 : i32
      %dma_start3A_140 = tpu.memref_slice %arg3[%add3A_72, %dma_start3A_138, %dma_start3A_139] : memref<64x625x128xf32, #tpu.memory_space<hbm>> -> memref<1x625x128xf32, #tpu.memory_space<hbm>>
      %dma_start3A_141 = tpu.memref_squeeze %dma_start3A_140 : memref<1x625x128xf32, #tpu.memory_space<hbm>> -> memref<625x128xf32, #tpu.memory_space<hbm>>
      tpu.enqueue_dma source(%dma_start3A_141 : memref<625x128xf32, #tpu.memory_space<hbm>>) target(%dma_start3A_137 : memref<625x128xf32, #tpu.memory_space<vmem_shared>>) target_semaphore(%run_scoped3A : memref<!tpu.dma_semaphore, #tpu.memory_space<semaphore_mem>>)
      %dma_wait3A = arith.constant 0 : i32
      %dma_wait3A_142 = tpu.memref_slice %arg11[%mul3A_74, %dma_wait3A] : memref<10000x128xf32, #tpu.memory_space<vmem_shared>> -> memref<625x128xf32, #tpu.memory_space<vmem_shared>>
      %dma_wait3A_143 = arith.constant 0 : i32
      %dma_wait3A_144 = arith.constant 0 : i32
      %dma_wait3A_145 = tpu.memref_slice %arg3[%add3A_72, %dma_wait3A_143, %dma_wait3A_144] : memref<64x625x128xf32, #tpu.memory_space<hbm>> -> memref<1x625x128xf32, #tpu.memory_space<hbm>>
      %dma_wait3A_146 = tpu.memref_squeeze %dma_wait3A_145 : memref<1x625x128xf32, #tpu.memory_space<hbm>> -> memref<625x128xf32, #tpu.memory_space<hbm>>
      tpu.wait_dma2 semaphore(%run_scoped3A : memref<!tpu.dma_semaphore, #tpu.memory_space<semaphore_mem>>) src(%dma_wait3A_146 : memref<625x128xf32, #tpu.memory_space<hbm>>) dst(%dma_wait3A_142 : memref<625x128xf32, #tpu.memory_space<vmem_shared>>)
      tpu.yield
    }) : () -> ()
    %barrier3A_75 = arith.constant 0 : index
    tpu.barrier barrier_id(%barrier3A_75)
    %mul3A_76 = arith.constant 16 : i32
    %mul3A_77 = arith.muli %add3A_69, %mul3A_76 : i32
    %add3A_78 = arith.addi %mul3A_77, %arg1 : i32
    %mul3A_79 = arith.constant 2 : i32
    %mul3A_80 = arith.muli %add3A_78, %mul3A_79 : i32
    %add3A_81 = arith.constant 0 : i32
    %add3A_82 = arith.addi %mul3A_80, %add3A_81 : i32
    "tpu.region"() ({
      %run_scoped3A = tpu.sem_alloc : memref<!tpu.dma_semaphore, #tpu.memory_space<semaphore_mem>>
      %dma_start3A_136 = arith.constant 0 : i32
      %dma_start3A_137 = arith.constant 0 : i32
      %dma_start3A_138 = tpu.memref_slice %arg4[%add3A_82, %dma_start3A_136, %dma_start3A_137] : memref<128x40x125xi32, #tpu.memory_space<hbm>> -> memref<1x40x125xi32, #tpu.memory_space<hbm>>
      %dma_start3A_139 = tpu.memref_squeeze %dma_start3A_138 : memref<1x40x125xi32, #tpu.memory_space<hbm>> -> memref<40x125xi32, #tpu.memory_space<hbm>>
      %dma_start3A_140 = arith.constant 0 : i32
      %dma_start3A_141 = arith.constant 0 : i32
      %dma_start3A_142 = tpu.memref_slice %arg4[%add3A_82, %dma_start3A_140, %dma_start3A_141] : memref<128x40x125xi32, #tpu.memory_space<hbm>> -> memref<1x40x125xi32, #tpu.memory_space<hbm>>
      %dma_start3A_143 = tpu.memref_squeeze %dma_start3A_142 : memref<1x40x125xi32, #tpu.memory_space<hbm>> -> memref<40x125xi32, #tpu.memory_space<hbm>>
      tpu.enqueue_dma source(%dma_start3A_143 : memref<40x125xi32, #tpu.memory_space<hbm>>) target(%arg7 : memref<40x125xi32, #tpu.memory_space<vmem>>) target_semaphore(%run_scoped3A : memref<!tpu.dma_semaphore, #tpu.memory_space<semaphore_mem>>)
      %dma_wait3A = arith.constant 0 : i32
      %dma_wait3A_144 = arith.constant 0 : i32
      %dma_wait3A_145 = tpu.memref_slice %arg4[%add3A_82, %dma_wait3A, %dma_wait3A_144] : memref<128x40x125xi32, #tpu.memory_space<hbm>> -> memref<1x40x125xi32, #tpu.memory_space<hbm>>
      %dma_wait3A_146 = tpu.memref_squeeze %dma_wait3A_145 : memref<1x40x125xi32, #tpu.memory_space<hbm>> -> memref<40x125xi32, #tpu.memory_space<hbm>>
      %dma_wait3A_147 = arith.constant 0 : i32
      %dma_wait3A_148 = arith.constant 0 : i32
      %dma_wait3A_149 = tpu.memref_slice %arg4[%add3A_82, %dma_wait3A_147, %dma_wait3A_148] : memref<128x40x125xi32, #tpu.memory_space<hbm>> -> memref<1x40x125xi32, #tpu.memory_space<hbm>>
      %dma_wait3A_150 = tpu.memref_squeeze %dma_wait3A_149 : memref<1x40x125xi32, #tpu.memory_space<hbm>> -> memref<40x125xi32, #tpu.memory_space<hbm>>
      tpu.wait_dma2 semaphore(%run_scoped3A : memref<!tpu.dma_semaphore, #tpu.memory_space<semaphore_mem>>) src(%dma_wait3A_150 : memref<40x125xi32, #tpu.memory_space<hbm>>) dst(%arg7 : memref<40x125xi32, #tpu.memory_space<vmem>>)
      tpu.yield
    }) : () -> ()
    %dma_start3A_83 = arith.constant 0 : i32
    %dma_start3A_84 = arith.constant 0 : i32
    %dma_start3A_85 = tpu.memref_slice %arg7[%dma_start3A_83, %dma_start3A_84] : memref<40x125xi32, #tpu.memory_space<vmem>> -> memref<1x125xi32, #tpu.memory_space<vmem>>
    %dma_start3A_86 = tpu.memref_squeeze %dma_start3A_85 : memref<1x125xi32, #tpu.memory_space<vmem>> -> memref<125xi32, #tpu.memory_space<vmem>>
    %dma_start3A_87 = arith.constant 0 : i32
    %dma_start3A_88 = arith.constant 0 : i32
    %dma_start3A_89 = tpu.memref_slice %arg2[%dma_start3A_87, %dma_start3A_88] : memref<40000x128xf32, #tpu.memory_space<hbm>> -> memref<40000x128xf32, #tpu.memory_space<hbm>>
    tpu.enqueue_indirect_dma source(%dma_start3A_89 : memref<40000x128xf32, #tpu.memory_space<hbm>>) target(%arg9 : memref<125x128xf32, #tpu.memory_space<vmem>>) offsets(%dma_start3A_86 : memref<125xi32, #tpu.memory_space<vmem>>) semaphore(%arg12 : memref<!tpu.dma_semaphore, #tpu.memory_space<semaphore_mem>>)
    %dma_start3A_90 = arith.constant 1 : i32
    %dma_start3A_91 = arith.constant 0 : i32
    %dma_start3A_92 = tpu.memref_slice %arg7[%dma_start3A_90, %dma_start3A_91] : memref<40x125xi32, #tpu.memory_space<vmem>> -> memref<1x125xi32, #tpu.memory_space<vmem>>
    %dma_start3A_93 = tpu.memref_squeeze %dma_start3A_92 : memref<1x125xi32, #tpu.memory_space<vmem>> -> memref<125xi32, #tpu.memory_space<vmem>>
    %dma_start3A_94 = arith.constant 0 : i32
    %dma_start3A_95 = arith.constant 0 : i32
    %dma_start3A_96 = tpu.memref_slice %arg2[%dma_start3A_94, %dma_start3A_95] : memref<40000x128xf32, #tpu.memory_space<hbm>> -> memref<40000x128xf32, #tpu.memory_space<hbm>>
    tpu.enqueue_indirect_dma source(%dma_start3A_96 : memref<40000x128xf32, #tpu.memory_space<hbm>>) target(%arg10 : memref<125x128xf32, #tpu.memory_space<vmem>>) offsets(%dma_start3A_93 : memref<125xi32, #tpu.memory_space<vmem>>) semaphore(%arg13 : memref<!tpu.dma_semaphore, #tpu.memory_space<semaphore_mem>>)
    %scan3A_97 = arith.constant 0 : i32
    %scan3A_98 = arith.constant 0 : i32
    %scan3A_99 = arith.constant 20 : i32
    %scan3A_100 = arith.addi %scan3A_98, %scan3A_99 : i32
    %scan3A_101 = arith.constant 1 : i32
    scf.for %scan3A_136 = %scan3A_98 to %scan3A_100 step %scan3A_101  : i32 {
      %mul3A_137 = arith.constant 2 : i32
      %mul3A_138 = arith.muli %mul3A_137, %scan3A_136 : i32
      %add3A_139 = arith.constant 0 : i32
      %add3A_140 = arith.addi %mul3A_138, %add3A_139 : i32
      %dma_wait3A = arith.constant 0 : i32
      %dma_wait3A_141 = tpu.memref_slice %arg7[%add3A_140, %dma_wait3A] : memref<40x125xi32, #tpu.memory_space<vmem>> -> memref<1x125xi32, #tpu.memory_space<vmem>>
      %dma_wait3A_142 = tpu.memref_squeeze %dma_wait3A_141 : memref<1x125xi32, #tpu.memory_space<vmem>> -> memref<125xi32, #tpu.memory_space<vmem>>
      %dma_wait3A_143 = arith.constant 0 : i32
      %dma_wait3A_144 = arith.constant 0 : i32
      %dma_wait3A_145 = tpu.memref_slice %arg2[%dma_wait3A_143, %dma_wait3A_144] : memref<40000x128xf32, #tpu.memory_space<hbm>> -> memref<40000x128xf32, #tpu.memory_space<hbm>>
      tpu.wait_indirect_dma semaphore(%arg12 : memref<!tpu.dma_semaphore, #tpu.memory_space<semaphore_mem>>) src(%dma_wait3A_145 : memref<40000x128xf32, #tpu.memory_space<hbm>>) dst(%arg9 : memref<125x128xf32, #tpu.memory_space<vmem>>)
      %add3A_146 = arith.constant 0 : i32
      %add3A_147 = arith.addi %add3A_146, %add3A_140 : i32
      %dma_start3A_148 = arith.constant 0 : i32
      %dma_start3A_149 = tpu.memref_slice %arg8[%add3A_147, %dma_start3A_148] : memref<80x125xi32, #tpu.memory_space<vmem>> -> memref<1x125xi32, #tpu.memory_space<vmem>>
      %dma_start3A_150 = tpu.memref_squeeze %dma_start3A_149 : memref<1x125xi32, #tpu.memory_space<vmem>> -> memref<125xi32, #tpu.memory_space<vmem>>
      %dma_start3A_151 = arith.constant 0 : i32
      %dma_start3A_152 = arith.constant 0 : i32
      %dma_start3A_153 = tpu.memref_slice %arg11[%dma_start3A_151, %dma_start3A_152] : memref<10000x128xf32, #tpu.memory_space<vmem_shared>> -> memref<10000x128xf32, #tpu.memory_space<vmem_shared>>
      tpu.enqueue_indirect_dma source(%arg9 : memref<125x128xf32, #tpu.memory_space<vmem>>) target(%dma_start3A_153 : memref<10000x128xf32, #tpu.memory_space<vmem_shared>>) offsets(%dma_start3A_150 : memref<125xi32, #tpu.memory_space<vmem>>) semaphore(%arg14 : memref<!tpu.dma_semaphore, #tpu.memory_space<semaphore_mem>>) {add = true}
      %add3A_154 = arith.constant 0 : i32
      %add3A_155 = arith.addi %add3A_154, %add3A_140 : i32
      %dma_wait3A_156 = arith.constant 0 : i32
      %dma_wait3A_157 = tpu.memref_slice %arg8[%add3A_155, %dma_wait3A_156] : memref<80x125xi32, #tpu.memory_space<vmem>> -> memref<1x125xi32, #tpu.memory_space<vmem>>
      %dma_wait3A_158 = tpu.memref_squeeze %dma_wait3A_157 : memref<1x125xi32, #tpu.memory_space<vmem>> -> memref<125xi32, #tpu.memory_space<vmem>>
      %dma_wait3A_159 = arith.constant 0 : i32
      %dma_wait3A_160 = arith.constant 0 : i32
      %dma_wait3A_161 = tpu.memref_slice %arg11[%dma_wait3A_159, %dma_wait3A_160] : memref<10000x128xf32, #tpu.memory_space<vmem_shared>> -> memref<10000x128xf32, #tpu.memory_space<vmem_shared>>
      tpu.wait_indirect_dma semaphore(%arg14 : memref<!tpu.dma_semaphore, #tpu.memory_space<semaphore_mem>>) src(%arg9 : memref<125x128xf32, #tpu.memory_space<vmem>>) dst(%dma_wait3A_161 : memref<10000x128xf32, #tpu.memory_space<vmem_shared>>)
      %add3A_162 = arith.constant 2 : i32
      %add3A_163 = arith.addi %add3A_140, %add3A_162 : i32
      %lt3A = arith.constant 40 : i32
      %lt3A_164 = arith.cmpi slt, %add3A_163, %lt3A : i32
      %convert_element_type3A = arith.extui %lt3A_164 : i1 to i32
      %cond3A = arith.constant 0 : i32
      %cond3A_165 = arith.cmpi ne, %convert_element_type3A, %cond3A : i32
      scf.if %cond3A_165 {
        %add3A_199 = arith.constant 2 : i32
        %add3A_200 = arith.addi %add3A_140, %add3A_199 : i32
        %dma_start3A_201 = arith.constant 0 : i32
        %dma_start3A_202 = tpu.memref_slice %arg7[%add3A_200, %dma_start3A_201] : memref<40x125xi32, #tpu.memory_space<vmem>> -> memref<1x125xi32, #tpu.memory_space<vmem>>
        %dma_start3A_203 = tpu.memref_squeeze %dma_start3A_202 : memref<1x125xi32, #tpu.memory_space<vmem>> -> memref<125xi32, #tpu.memory_space<vmem>>
        %dma_start3A_204 = arith.constant 0 : i32
        %dma_start3A_205 = arith.constant 0 : i32
        %dma_start3A_206 = tpu.memref_slice %arg2[%dma_start3A_204, %dma_start3A_205] : memref<40000x128xf32, #tpu.memory_space<hbm>> -> memref<40000x128xf32, #tpu.memory_space<hbm>>
        tpu.enqueue_indirect_dma source(%dma_start3A_206 : memref<40000x128xf32, #tpu.memory_space<hbm>>) target(%arg9 : memref<125x128xf32, #tpu.memory_space<vmem>>) offsets(%dma_start3A_203 : memref<125xi32, #tpu.memory_space<vmem>>) semaphore(%arg12 : memref<!tpu.dma_semaphore, #tpu.memory_space<semaphore_mem>>)
      } else {
      }
      %mul3A_166 = arith.constant 2 : i32
      %mul3A_167 = arith.muli %mul3A_166, %scan3A_136 : i32
      %add3A_168 = arith.constant 1 : i32
      %add3A_169 = arith.addi %mul3A_167, %add3A_168 : i32
      %dma_wait3A_170 = arith.constant 0 : i32
      %dma_wait3A_171 = tpu.memref_slice %arg7[%add3A_169, %dma_wait3A_170] : memref<40x125xi32, #tpu.memory_space<vmem>> -> memref<1x125xi32, #tpu.memory_space<vmem>>
      %dma_wait3A_172 = tpu.memref_squeeze %dma_wait3A_171 : memref<1x125xi32, #tpu.memory_space<vmem>> -> memref<125xi32, #tpu.memory_space<vmem>>
      %dma_wait3A_173 = arith.constant 0 : i32
      %dma_wait3A_174 = arith.constant 0 : i32
      %dma_wait3A_175 = tpu.memref_slice %arg2[%dma_wait3A_173, %dma_wait3A_174] : memref<40000x128xf32, #tpu.memory_space<hbm>> -> memref<40000x128xf32, #tpu.memory_space<hbm>>
      tpu.wait_indirect_dma semaphore(%arg13 : memref<!tpu.dma_semaphore, #tpu.memory_space<semaphore_mem>>) src(%dma_wait3A_175 : memref<40000x128xf32, #tpu.memory_space<hbm>>) dst(%arg10 : memref<125x128xf32, #tpu.memory_space<vmem>>)
      %add3A_176 = arith.constant 0 : i32
      %add3A_177 = arith.addi %add3A_176, %add3A_169 : i32
      %dma_start3A_178 = arith.constant 0 : i32
      %dma_start3A_179 = tpu.memref_slice %arg8[%add3A_177, %dma_start3A_178] : memref<80x125xi32, #tpu.memory_space<vmem>> -> memref<1x125xi32, #tpu.memory_space<vmem>>
      %dma_start3A_180 = tpu.memref_squeeze %dma_start3A_179 : memref<1x125xi32, #tpu.memory_space<vmem>> -> memref<125xi32, #tpu.memory_space<vmem>>
      %dma_start3A_181 = arith.constant 0 : i32
      %dma_start3A_182 = arith.constant 0 : i32
      %dma_start3A_183 = tpu.memref_slice %arg11[%dma_start3A_181, %dma_start3A_182] : memref<10000x128xf32, #tpu.memory_space<vmem_shared>> -> memref<10000x128xf32, #tpu.memory_space<vmem_shared>>
      tpu.enqueue_indirect_dma source(%arg10 : memref<125x128xf32, #tpu.memory_space<vmem>>) target(%dma_start3A_183 : memref<10000x128xf32, #tpu.memory_space<vmem_shared>>) offsets(%dma_start3A_180 : memref<125xi32, #tpu.memory_space<vmem>>) semaphore(%arg15 : memref<!tpu.dma_semaphore, #tpu.memory_space<semaphore_mem>>) {add = true}
      %add3A_184 = arith.constant 0 : i32
      %add3A_185 = arith.addi %add3A_184, %add3A_169 : i32
      %dma_wait3A_186 = arith.constant 0 : i32
      %dma_wait3A_187 = tpu.memref_slice %arg8[%add3A_185, %dma_wait3A_186] : memref<80x125xi32, #tpu.memory_space<vmem>> -> memref<1x125xi32, #tpu.memory_space<vmem>>
      %dma_wait3A_188 = tpu.memref_squeeze %dma_wait3A_187 : memref<1x125xi32, #tpu.memory_space<vmem>> -> memref<125xi32, #tpu.memory_space<vmem>>
      %dma_wait3A_189 = arith.constant 0 : i32
      %dma_wait3A_190 = arith.constant 0 : i32
      %dma_wait3A_191 = tpu.memref_slice %arg11[%dma_wait3A_189, %dma_wait3A_190] : memref<10000x128xf32, #tpu.memory_space<vmem_shared>> -> memref<10000x128xf32, #tpu.memory_space<vmem_shared>>
      tpu.wait_indirect_dma semaphore(%arg15 : memref<!tpu.dma_semaphore, #tpu.memory_space<semaphore_mem>>) src(%arg10 : memref<125x128xf32, #tpu.memory_space<vmem>>) dst(%dma_wait3A_191 : memref<10000x128xf32, #tpu.memory_space<vmem_shared>>)
      %add3A_192 = arith.constant 2 : i32
      %add3A_193 = arith.addi %add3A_169, %add3A_192 : i32
      %lt3A_194 = arith.constant 40 : i32
      %lt3A_195 = arith.cmpi slt, %add3A_193, %lt3A_194 : i32
      %convert_element_type3A_196 = arith.extui %lt3A_195 : i1 to i32
      %cond3A_197 = arith.constant 0 : i32
      %cond3A_198 = arith.cmpi ne, %convert_element_type3A_196, %cond3A_197 : i32
      scf.if %cond3A_198 {
        %add3A_199 = arith.constant 2 : i32
        %add3A_200 = arith.addi %add3A_169, %add3A_199 : i32
        %dma_start3A_201 = arith.constant 0 : i32
        %dma_start3A_202 = tpu.memref_slice %arg7[%add3A_200, %dma_start3A_201] : memref<40x125xi32, #tpu.memory_space<vmem>> -> memref<1x125xi32, #tpu.memory_space<vmem>>
        %dma_start3A_203 = tpu.memref_squeeze %dma_start3A_202 : memref<1x125xi32, #tpu.memory_space<vmem>> -> memref<125xi32, #tpu.memory_space<vmem>>
        %dma_start3A_204 = arith.constant 0 : i32
        %dma_start3A_205 = arith.constant 0 : i32
        %dma_start3A_206 = tpu.memref_slice %arg2[%dma_start3A_204, %dma_start3A_205] : memref<40000x128xf32, #tpu.memory_space<hbm>> -> memref<40000x128xf32, #tpu.memory_space<hbm>>
        tpu.enqueue_indirect_dma source(%dma_start3A_206 : memref<40000x128xf32, #tpu.memory_space<hbm>>) target(%arg10 : memref<125x128xf32, #tpu.memory_space<vmem>>) offsets(%dma_start3A_203 : memref<125xi32, #tpu.memory_space<vmem>>) semaphore(%arg13 : memref<!tpu.dma_semaphore, #tpu.memory_space<semaphore_mem>>)
      } else {
      }
    }
    %scan3A_102 = arith.constant 20 : i32
    %mul3A_103 = arith.constant 16 : i32
    %mul3A_104 = arith.muli %add3A_69, %mul3A_103 : i32
    %add3A_105 = arith.addi %mul3A_104, %arg1 : i32
    %mul3A_106 = arith.constant 2 : i32
    %mul3A_107 = arith.muli %add3A_105, %mul3A_106 : i32
    %add3A_108 = arith.constant 1 : i32
    %add3A_109 = arith.addi %mul3A_107, %add3A_108 : i32
    "tpu.region"() ({
      %run_scoped3A = tpu.sem_alloc : memref<!tpu.dma_semaphore, #tpu.memory_space<semaphore_mem>>
      %dma_start3A_136 = arith.constant 0 : i32
      %dma_start3A_137 = arith.constant 0 : i32
      %dma_start3A_138 = tpu.memref_slice %arg4[%add3A_109, %dma_start3A_136, %dma_start3A_137] : memref<128x40x125xi32, #tpu.memory_space<hbm>> -> memref<1x40x125xi32, #tpu.memory_space<hbm>>
      %dma_start3A_139 = tpu.memref_squeeze %dma_start3A_138 : memref<1x40x125xi32, #tpu.memory_space<hbm>> -> memref<40x125xi32, #tpu.memory_space<hbm>>
      %dma_start3A_140 = arith.constant 0 : i32
      %dma_start3A_141 = arith.constant 0 : i32
      %dma_start3A_142 = tpu.memref_slice %arg4[%add3A_109, %dma_start3A_140, %dma_start3A_141] : memref<128x40x125xi32, #tpu.memory_space<hbm>> -> memref<1x40x125xi32, #tpu.memory_space<hbm>>
      %dma_start3A_143 = tpu.memref_squeeze %dma_start3A_142 : memref<1x40x125xi32, #tpu.memory_space<hbm>> -> memref<40x125xi32, #tpu.memory_space<hbm>>
      tpu.enqueue_dma source(%dma_start3A_143 : memref<40x125xi32, #tpu.memory_space<hbm>>) target(%arg7 : memref<40x125xi32, #tpu.memory_space<vmem>>) target_semaphore(%run_scoped3A : memref<!tpu.dma_semaphore, #tpu.memory_space<semaphore_mem>>)
      %dma_wait3A = arith.constant 0 : i32
      %dma_wait3A_144 = arith.constant 0 : i32
      %dma_wait3A_145 = tpu.memref_slice %arg4[%add3A_109, %dma_wait3A, %dma_wait3A_144] : memref<128x40x125xi32, #tpu.memory_space<hbm>> -> memref<1x40x125xi32, #tpu.memory_space<hbm>>
      %dma_wait3A_146 = tpu.memref_squeeze %dma_wait3A_145 : memref<1x40x125xi32, #tpu.memory_space<hbm>> -> memref<40x125xi32, #tpu.memory_space<hbm>>
      %dma_wait3A_147 = arith.constant 0 : i32
      %dma_wait3A_148 = arith.constant 0 : i32
      %dma_wait3A_149 = tpu.memref_slice %arg4[%add3A_109, %dma_wait3A_147, %dma_wait3A_148] : memref<128x40x125xi32, #tpu.memory_space<hbm>> -> memref<1x40x125xi32, #tpu.memory_space<hbm>>
      %dma_wait3A_150 = tpu.memref_squeeze %dma_wait3A_149 : memref<1x40x125xi32, #tpu.memory_space<hbm>> -> memref<40x125xi32, #tpu.memory_space<hbm>>
      tpu.wait_dma2 semaphore(%run_scoped3A : memref<!tpu.dma_semaphore, #tpu.memory_space<semaphore_mem>>) src(%dma_wait3A_150 : memref<40x125xi32, #tpu.memory_space<hbm>>) dst(%arg7 : memref<40x125xi32, #tpu.memory_space<vmem>>)
      tpu.yield
    }) : () -> ()
    %dma_start3A_110 = arith.constant 0 : i32
    %dma_start3A_111 = arith.constant 0 : i32
    %dma_start3A_112 = tpu.memref_slice %arg7[%dma_start3A_110, %dma_start3A_111] : memref<40x125xi32, #tpu.memory_space<vmem>> -> memref<1x125xi32, #tpu.memory_space<vmem>>
    %dma_start3A_113 = tpu.memref_squeeze %dma_start3A_112 : memref<1x125xi32, #tpu.memory_space<vmem>> -> memref<125xi32, #tpu.memory_space<vmem>>
    %dma_start3A_114 = arith.constant 0 : i32
    %dma_start3A_115 = arith.constant 0 : i32
    %dma_start3A_116 = tpu.memref_slice %arg2[%dma_start3A_114, %dma_start3A_115] : memref<40000x128xf32, #tpu.memory_space<hbm>> -> memref<40000x128xf32, #tpu.memory_space<hbm>>
    tpu.enqueue_indirect_dma source(%dma_start3A_116 : memref<40000x128xf32, #tpu.memory_space<hbm>>) target(%arg9 : memref<125x128xf32, #tpu.memory_space<vmem>>) offsets(%dma_start3A_113 : memref<125xi32, #tpu.memory_space<vmem>>) semaphore(%arg12 : memref<!tpu.dma_semaphore, #tpu.memory_space<semaphore_mem>>)
    %dma_start3A_117 = arith.constant 1 : i32
    %dma_start3A_118 = arith.constant 0 : i32
    %dma_start3A_119 = tpu.memref_slice %arg7[%dma_start3A_117, %dma_start3A_118] : memref<40x125xi32, #tpu.memory_space<vmem>> -> memref<1x125xi32, #tpu.memory_space<vmem>>
    %dma_start3A_120 = tpu.memref_squeeze %dma_start3A_119 : memref<1x125xi32, #tpu.memory_space<vmem>> -> memref<125xi32, #tpu.memory_space<vmem>>
    %dma_start3A_121 = arith.constant 0 : i32
    %dma_start3A_122 = arith.constant 0 : i32
    %dma_start3A_123 = tpu.memref_slice %arg2[%dma_start3A_121, %dma_start3A_122] : memref<40000x128xf32, #tpu.memory_space<hbm>> -> memref<40000x128xf32, #tpu.memory_space<hbm>>
    tpu.enqueue_indirect_dma source(%dma_start3A_123 : memref<40000x128xf32, #tpu.memory_space<hbm>>) target(%arg10 : memref<125x128xf32, #tpu.memory_space<vmem>>) offsets(%dma_start3A_120 : memref<125xi32, #tpu.memory_space<vmem>>) semaphore(%arg13 : memref<!tpu.dma_semaphore, #tpu.memory_space<semaphore_mem>>)
    %scan3A_124 = arith.constant 0 : i32
    %scan3A_125 = arith.constant 0 : i32
    %scan3A_126 = arith.constant 20 : i32
    %scan3A_127 = arith.addi %scan3A_125, %scan3A_126 : i32
    %scan3A_128 = arith.constant 1 : i32
    scf.for %scan3A_136 = %scan3A_125 to %scan3A_127 step %scan3A_128  : i32 {
      %mul3A_137 = arith.constant 2 : i32
      %mul3A_138 = arith.muli %mul3A_137, %scan3A_136 : i32
      %add3A_139 = arith.constant 0 : i32
      %add3A_140 = arith.addi %mul3A_138, %add3A_139 : i32
      %dma_wait3A = arith.constant 0 : i32
      %dma_wait3A_141 = tpu.memref_slice %arg7[%add3A_140, %dma_wait3A] : memref<40x125xi32, #tpu.memory_space<vmem>> -> memref<1x125xi32, #tpu.memory_space<vmem>>
      %dma_wait3A_142 = tpu.memref_squeeze %dma_wait3A_141 : memref<1x125xi32, #tpu.memory_space<vmem>> -> memref<125xi32, #tpu.memory_space<vmem>>
      %dma_wait3A_143 = arith.constant 0 : i32
      %dma_wait3A_144 = arith.constant 0 : i32
      %dma_wait3A_145 = tpu.memref_slice %arg2[%dma_wait3A_143, %dma_wait3A_144] : memref<40000x128xf32, #tpu.memory_space<hbm>> -> memref<40000x128xf32, #tpu.memory_space<hbm>>
      tpu.wait_indirect_dma semaphore(%arg12 : memref<!tpu.dma_semaphore, #tpu.memory_space<semaphore_mem>>) src(%dma_wait3A_145 : memref<40000x128xf32, #tpu.memory_space<hbm>>) dst(%arg9 : memref<125x128xf32, #tpu.memory_space<vmem>>)
      %add3A_146 = arith.constant 40 : i32
      %add3A_147 = arith.addi %add3A_146, %add3A_140 : i32
      %dma_start3A_148 = arith.constant 0 : i32
      %dma_start3A_149 = tpu.memref_slice %arg8[%add3A_147, %dma_start3A_148] : memref<80x125xi32, #tpu.memory_space<vmem>> -> memref<1x125xi32, #tpu.memory_space<vmem>>
      %dma_start3A_150 = tpu.memref_squeeze %dma_start3A_149 : memref<1x125xi32, #tpu.memory_space<vmem>> -> memref<125xi32, #tpu.memory_space<vmem>>
      %dma_start3A_151 = arith.constant 0 : i32
      %dma_start3A_152 = arith.constant 0 : i32
      %dma_start3A_153 = tpu.memref_slice %arg11[%dma_start3A_151, %dma_start3A_152] : memref<10000x128xf32, #tpu.memory_space<vmem_shared>> -> memref<10000x128xf32, #tpu.memory_space<vmem_shared>>
      tpu.enqueue_indirect_dma source(%arg9 : memref<125x128xf32, #tpu.memory_space<vmem>>) target(%dma_start3A_153 : memref<10000x128xf32, #tpu.memory_space<vmem_shared>>) offsets(%dma_start3A_150 : memref<125xi32, #tpu.memory_space<vmem>>) semaphore(%arg14 : memref<!tpu.dma_semaphore, #tpu.memory_space<semaphore_mem>>) {add = true}
      %add3A_154 = arith.constant 40 : i32
      %add3A_155 = arith.addi %add3A_154, %add3A_140 : i32
      %dma_wait3A_156 = arith.constant 0 : i32
      %dma_wait3A_157 = tpu.memref_slice %arg8[%add3A_155, %dma_wait3A_156] : memref<80x125xi32, #tpu.memory_space<vmem>> -> memref<1x125xi32, #tpu.memory_space<vmem>>
      %dma_wait3A_158 = tpu.memref_squeeze %dma_wait3A_157 : memref<1x125xi32, #tpu.memory_space<vmem>> -> memref<125xi32, #tpu.memory_space<vmem>>
      %dma_wait3A_159 = arith.constant 0 : i32
      %dma_wait3A_160 = arith.constant 0 : i32
      %dma_wait3A_161 = tpu.memref_slice %arg11[%dma_wait3A_159, %dma_wait3A_160] : memref<10000x128xf32, #tpu.memory_space<vmem_shared>> -> memref<10000x128xf32, #tpu.memory_space<vmem_shared>>
      tpu.wait_indirect_dma semaphore(%arg14 : memref<!tpu.dma_semaphore, #tpu.memory_space<semaphore_mem>>) src(%arg9 : memref<125x128xf32, #tpu.memory_space<vmem>>) dst(%dma_wait3A_161 : memref<10000x128xf32, #tpu.memory_space<vmem_shared>>)
      %add3A_162 = arith.constant 2 : i32
      %add3A_163 = arith.addi %add3A_140, %add3A_162 : i32
      %lt3A = arith.constant 40 : i32
      %lt3A_164 = arith.cmpi slt, %add3A_163, %lt3A : i32
      %convert_element_type3A = arith.extui %lt3A_164 : i1 to i32
      %cond3A = arith.constant 0 : i32
      %cond3A_165 = arith.cmpi ne, %convert_element_type3A, %cond3A : i32
      scf.if %cond3A_165 {
        %add3A_199 = arith.constant 2 : i32
        %add3A_200 = arith.addi %add3A_140, %add3A_199 : i32
        %dma_start3A_201 = arith.constant 0 : i32
        %dma_start3A_202 = tpu.memref_slice %arg7[%add3A_200, %dma_start3A_201] : memref<40x125xi32, #tpu.memory_space<vmem>> -> memref<1x125xi32, #tpu.memory_space<vmem>>
        %dma_start3A_203 = tpu.memref_squeeze %dma_start3A_202 : memref<1x125xi32, #tpu.memory_space<vmem>> -> memref<125xi32, #tpu.memory_space<vmem>>
        %dma_start3A_204 = arith.constant 0 : i32
        %dma_start3A_205 = arith.constant 0 : i32
        %dma_start3A_206 = tpu.memref_slice %arg2[%dma_start3A_204, %dma_start3A_205] : memref<40000x128xf32, #tpu.memory_space<hbm>> -> memref<40000x128xf32, #tpu.memory_space<hbm>>
        tpu.enqueue_indirect_dma source(%dma_start3A_206 : memref<40000x128xf32, #tpu.memory_space<hbm>>) target(%arg9 : memref<125x128xf32, #tpu.memory_space<vmem>>) offsets(%dma_start3A_203 : memref<125xi32, #tpu.memory_space<vmem>>) semaphore(%arg12 : memref<!tpu.dma_semaphore, #tpu.memory_space<semaphore_mem>>)
      } else {
      }
      %mul3A_166 = arith.constant 2 : i32
      %mul3A_167 = arith.muli %mul3A_166, %scan3A_136 : i32
      %add3A_168 = arith.constant 1 : i32
      %add3A_169 = arith.addi %mul3A_167, %add3A_168 : i32
      %dma_wait3A_170 = arith.constant 0 : i32
      %dma_wait3A_171 = tpu.memref_slice %arg7[%add3A_169, %dma_wait3A_170] : memref<40x125xi32, #tpu.memory_space<vmem>> -> memref<1x125xi32, #tpu.memory_space<vmem>>
      %dma_wait3A_172 = tpu.memref_squeeze %dma_wait3A_171 : memref<1x125xi32, #tpu.memory_space<vmem>> -> memref<125xi32, #tpu.memory_space<vmem>>
      %dma_wait3A_173 = arith.constant 0 : i32
      %dma_wait3A_174 = arith.constant 0 : i32
      %dma_wait3A_175 = tpu.memref_slice %arg2[%dma_wait3A_173, %dma_wait3A_174] : memref<40000x128xf32, #tpu.memory_space<hbm>> -> memref<40000x128xf32, #tpu.memory_space<hbm>>
      tpu.wait_indirect_dma semaphore(%arg13 : memref<!tpu.dma_semaphore, #tpu.memory_space<semaphore_mem>>) src(%dma_wait3A_175 : memref<40000x128xf32, #tpu.memory_space<hbm>>) dst(%arg10 : memref<125x128xf32, #tpu.memory_space<vmem>>)
      %add3A_176 = arith.constant 40 : i32
      %add3A_177 = arith.addi %add3A_176, %add3A_169 : i32
      %dma_start3A_178 = arith.constant 0 : i32
      %dma_start3A_179 = tpu.memref_slice %arg8[%add3A_177, %dma_start3A_178] : memref<80x125xi32, #tpu.memory_space<vmem>> -> memref<1x125xi32, #tpu.memory_space<vmem>>
      %dma_start3A_180 = tpu.memref_squeeze %dma_start3A_179 : memref<1x125xi32, #tpu.memory_space<vmem>> -> memref<125xi32, #tpu.memory_space<vmem>>
      %dma_start3A_181 = arith.constant 0 : i32
      %dma_start3A_182 = arith.constant 0 : i32
      %dma_start3A_183 = tpu.memref_slice %arg11[%dma_start3A_181, %dma_start3A_182] : memref<10000x128xf32, #tpu.memory_space<vmem_shared>> -> memref<10000x128xf32, #tpu.memory_space<vmem_shared>>
      tpu.enqueue_indirect_dma source(%arg10 : memref<125x128xf32, #tpu.memory_space<vmem>>) target(%dma_start3A_183 : memref<10000x128xf32, #tpu.memory_space<vmem_shared>>) offsets(%dma_start3A_180 : memref<125xi32, #tpu.memory_space<vmem>>) semaphore(%arg15 : memref<!tpu.dma_semaphore, #tpu.memory_space<semaphore_mem>>) {add = true}
      %add3A_184 = arith.constant 40 : i32
      %add3A_185 = arith.addi %add3A_184, %add3A_169 : i32
      %dma_wait3A_186 = arith.constant 0 : i32
      %dma_wait3A_187 = tpu.memref_slice %arg8[%add3A_185, %dma_wait3A_186] : memref<80x125xi32, #tpu.memory_space<vmem>> -> memref<1x125xi32, #tpu.memory_space<vmem>>
      %dma_wait3A_188 = tpu.memref_squeeze %dma_wait3A_187 : memref<1x125xi32, #tpu.memory_space<vmem>> -> memref<125xi32, #tpu.memory_space<vmem>>
      %dma_wait3A_189 = arith.constant 0 : i32
      %dma_wait3A_190 = arith.constant 0 : i32
      %dma_wait3A_191 = tpu.memref_slice %arg11[%dma_wait3A_189, %dma_wait3A_190] : memref<10000x128xf32, #tpu.memory_space<vmem_shared>> -> memref<10000x128xf32, #tpu.memory_space<vmem_shared>>
      tpu.wait_indirect_dma semaphore(%arg15 : memref<!tpu.dma_semaphore, #tpu.memory_space<semaphore_mem>>) src(%arg10 : memref<125x128xf32, #tpu.memory_space<vmem>>) dst(%dma_wait3A_191 : memref<10000x128xf32, #tpu.memory_space<vmem_shared>>)
      %add3A_192 = arith.constant 2 : i32
      %add3A_193 = arith.addi %add3A_169, %add3A_192 : i32
      %lt3A_194 = arith.constant 40 : i32
      %lt3A_195 = arith.cmpi slt, %add3A_193, %lt3A_194 : i32
      %convert_element_type3A_196 = arith.extui %lt3A_195 : i1 to i32
      %cond3A_197 = arith.constant 0 : i32
      %cond3A_198 = arith.cmpi ne, %convert_element_type3A_196, %cond3A_197 : i32
      scf.if %cond3A_198 {
        %add3A_199 = arith.constant 2 : i32
        %add3A_200 = arith.addi %add3A_169, %add3A_199 : i32
        %dma_start3A_201 = arith.constant 0 : i32
        %dma_start3A_202 = tpu.memref_slice %arg7[%add3A_200, %dma_start3A_201] : memref<40x125xi32, #tpu.memory_space<vmem>> -> memref<1x125xi32, #tpu.memory_space<vmem>>
        %dma_start3A_203 = tpu.memref_squeeze %dma_start3A_202 : memref<1x125xi32, #tpu.memory_space<vmem>> -> memref<125xi32, #tpu.memory_space<vmem>>
        %dma_start3A_204 = arith.constant 0 : i32
        %dma_start3A_205 = arith.constant 0 : i32
        %dma_start3A_206 = tpu.memref_slice %arg2[%dma_start3A_204, %dma_start3A_205] : memref<40000x128xf32, #tpu.memory_space<hbm>> -> memref<40000x128xf32, #tpu.memory_space<hbm>>
        tpu.enqueue_indirect_dma source(%dma_start3A_206 : memref<40000x128xf32, #tpu.memory_space<hbm>>) target(%arg10 : memref<125x128xf32, #tpu.memory_space<vmem>>) offsets(%dma_start3A_203 : memref<125xi32, #tpu.memory_space<vmem>>) semaphore(%arg13 : memref<!tpu.dma_semaphore, #tpu.memory_space<semaphore_mem>>)
      } else {
      }
    }
    %scan3A_129 = arith.constant 20 : i32
    %barrier3A_130 = arith.constant 0 : index
    tpu.barrier barrier_id(%barrier3A_130)
    %mul3A_131 = arith.constant 625 : i32
    %mul3A_132 = arith.muli %arg1, %mul3A_131 : i32
    %mul3A_133 = arith.constant 16 : i32
    %mul3A_134 = arith.muli %add3A_69, %mul3A_133 : i32
    %add3A_135 = arith.addi %mul3A_134, %arg1 : i32
    "tpu.region"() ({
      %run_scoped3A = tpu.sem_alloc : memref<!tpu.dma_semaphore, #tpu.memory_space<semaphore_mem>>
      %dma_start3A_136 = arith.constant 0 : i32
      %dma_start3A_137 = arith.constant 0 : i32
      %dma_start3A_138 = tpu.memref_slice %arg6[%add3A_135, %dma_start3A_136, %dma_start3A_137] : memref<64x625x128xf32, #tpu.memory_space<hbm>> -> memref<1x625x128xf32, #tpu.memory_space<hbm>>
      %dma_start3A_139 = tpu.memref_squeeze %dma_start3A_138 : memref<1x625x128xf32, #tpu.memory_space<hbm>> -> memref<625x128xf32, #tpu.memory_space<hbm>>
      %dma_start3A_140 = arith.constant 0 : i32
      %dma_start3A_141 = tpu.memref_slice %arg11[%mul3A_132, %dma_start3A_140] : memref<10000x128xf32, #tpu.memory_space<vmem_shared>> -> memref<625x128xf32, #tpu.memory_space<vmem_shared>>
      tpu.enqueue_dma source(%dma_start3A_141 : memref<625x128xf32, #tpu.memory_space<vmem_shared>>) target(%dma_start3A_139 : memref<625x128xf32, #tpu.memory_space<hbm>>) target_semaphore(%run_scoped3A : memref<!tpu.dma_semaphore, #tpu.memory_space<semaphore_mem>>)
      %dma_wait3A = arith.constant 0 : i32
      %dma_wait3A_142 = arith.constant 0 : i32
      %dma_wait3A_143 = tpu.memref_slice %arg6[%add3A_135, %dma_wait3A, %dma_wait3A_142] : memref<64x625x128xf32, #tpu.memory_space<hbm>> -> memref<1x625x128xf32, #tpu.memory_space<hbm>>
      %dma_wait3A_144 = tpu.memref_squeeze %dma_wait3A_143 : memref<1x625x128xf32, #tpu.memory_space<hbm>> -> memref<625x128xf32, #tpu.memory_space<hbm>>
      %dma_wait3A_145 = arith.constant 0 : i32
      %dma_wait3A_146 = tpu.memref_slice %arg11[%mul3A_132, %dma_wait3A_145] : memref<10000x128xf32, #tpu.memory_space<vmem_shared>> -> memref<625x128xf32, #tpu.memory_space<vmem_shared>>
      tpu.wait_dma2 semaphore(%run_scoped3A : memref<!tpu.dma_semaphore, #tpu.memory_space<semaphore_mem>>) src(%dma_wait3A_146 : memref<625x128xf32, #tpu.memory_space<vmem_shared>>) dst(%dma_wait3A_144 : memref<625x128xf32, #tpu.memory_space<hbm>>)
      tpu.yield
    }) : () -> ()
    return
  }
}

#map = affine_map<(d0, d1) -> (0, 0, 0)>
module attributes {stable_mosaic.version = 14 : i64} {
  func.func @_sc_deg_body(%arg0: i32, %arg1: i32, %arg2: memref<16x80x125xi32, #tpu.memory_space<hbm>>, %arg3: memref<32x625x128xf32, #tpu.memory_space<hbm>>, %arg4: memref<80x125xi32, #tpu.memory_space<vmem>>, %arg5: memref<125x128xf32, #tpu.memory_space<vmem>>, %arg6: memref<10000x128xf32, #tpu.memory_space<vmem_shared>>, %arg7: memref<!tpu.dma_semaphore, #tpu.memory_space<semaphore_mem>>, %arg8: memref<!tpu.dma_semaphore, #tpu.memory_space<semaphore_mem>>) attributes {dimension_semantics = [#tpu.dimension_semantics<core_parallel>, #tpu.dimension_semantics<subcore_parallel>], iteration_bounds = array<i64: 2, 16>, scalar_prefetch = 0 : i64, scratch_operands = 5 : i64, tpu.core_type = #tpu.core_type<sc_vector_subcore>, window_params = [{transform_indices = #map}, {transform_indices = #map}]} {
    "tpu.region"() ({
      %run_scoped3A = tpu.sem_alloc : memref<!tpu.dma_semaphore, #tpu.memory_space<semaphore_mem>>
      %dma_start3A_56 = arith.constant 0 : i32
      %dma_start3A_57 = arith.constant 0 : i32
      %dma_start3A_58 = tpu.memref_slice %arg2[%arg1, %dma_start3A_56, %dma_start3A_57] : memref<16x80x125xi32, #tpu.memory_space<hbm>> -> memref<1x80x125xi32, #tpu.memory_space<hbm>>
      %dma_start3A_59 = tpu.memref_squeeze %dma_start3A_58 : memref<1x80x125xi32, #tpu.memory_space<hbm>> -> memref<80x125xi32, #tpu.memory_space<hbm>>
      %dma_start3A_60 = arith.constant 0 : i32
      %dma_start3A_61 = arith.constant 0 : i32
      %dma_start3A_62 = tpu.memref_slice %arg2[%arg1, %dma_start3A_60, %dma_start3A_61] : memref<16x80x125xi32, #tpu.memory_space<hbm>> -> memref<1x80x125xi32, #tpu.memory_space<hbm>>
      %dma_start3A_63 = tpu.memref_squeeze %dma_start3A_62 : memref<1x80x125xi32, #tpu.memory_space<hbm>> -> memref<80x125xi32, #tpu.memory_space<hbm>>
      tpu.enqueue_dma source(%dma_start3A_63 : memref<80x125xi32, #tpu.memory_space<hbm>>) target(%arg4 : memref<80x125xi32, #tpu.memory_space<vmem>>) target_semaphore(%run_scoped3A : memref<!tpu.dma_semaphore, #tpu.memory_space<semaphore_mem>>)
      %dma_wait3A = arith.constant 0 : i32
      %dma_wait3A_64 = arith.constant 0 : i32
      %dma_wait3A_65 = tpu.memref_slice %arg2[%arg1, %dma_wait3A, %dma_wait3A_64] : memref<16x80x125xi32, #tpu.memory_space<hbm>> -> memref<1x80x125xi32, #tpu.memory_space<hbm>>
      %dma_wait3A_66 = tpu.memref_squeeze %dma_wait3A_65 : memref<1x80x125xi32, #tpu.memory_space<hbm>> -> memref<80x125xi32, #tpu.memory_space<hbm>>
      %dma_wait3A_67 = arith.constant 0 : i32
      %dma_wait3A_68 = arith.constant 0 : i32
      %dma_wait3A_69 = tpu.memref_slice %arg2[%arg1, %dma_wait3A_67, %dma_wait3A_68] : memref<16x80x125xi32, #tpu.memory_space<hbm>> -> memref<1x80x125xi32, #tpu.memory_space<hbm>>
      %dma_wait3A_70 = tpu.memref_squeeze %dma_wait3A_69 : memref<1x80x125xi32, #tpu.memory_space<hbm>> -> memref<80x125xi32, #tpu.memory_space<hbm>>
      tpu.wait_dma2 semaphore(%run_scoped3A : memref<!tpu.dma_semaphore, #tpu.memory_space<semaphore_mem>>) src(%dma_wait3A_70 : memref<80x125xi32, #tpu.memory_space<hbm>>) dst(%arg4 : memref<80x125xi32, #tpu.memory_space<vmem>>)
      tpu.yield
    }) : () -> ()
    %scan3A = arith.constant 0 : i32
    %scan3A_0 = arith.constant 0 : i32
    %scan3A_1 = arith.constant 125 : i32
    %scan3A_2 = arith.addi %scan3A_0, %scan3A_1 : i32
    %scan3A_3 = arith.constant 1 : i32
    scf.for %scan3A_56 = %scan3A_0 to %scan3A_2 step %scan3A_3  : i32 {
      %broadcast_in_dim3A = arith.constant 0.000000e+00 : f32
      %broadcast_in_dim3A_57 = vector.broadcast %broadcast_in_dim3A : f32 to vector<16xf32>
      %swap3A = arith.index_cast %scan3A_56 : i32 to index
      %swap3A_58 = arith.constant 0 : index
      %swap3A_59 = tpu.vector_load %arg5[%swap3A, %swap3A_58] {strides = array<i32>} : memref<125x128xf32, #tpu.memory_space<vmem>>, vector<1x16xf32>,
      %swap3A_60 = vector.shape_cast %swap3A_59 : vector<1x16xf32> to vector<16xf32>
      %swap3A_61 = vector.shape_cast %broadcast_in_dim3A_57 : vector<16xf32> to vector<1x16xf32>
      tpu.vector_store %arg5[%swap3A, %swap3A_58], %swap3A_61 {strides = array<i32>} : memref<125x128xf32, #tpu.memory_space<vmem>>, vector<1x16xf32>,
      %broadcast_in_dim3A_62 = arith.constant 0.000000e+00 : f32
      %broadcast_in_dim3A_63 = vector.broadcast %broadcast_in_dim3A_62 : f32 to vector<16xf32>
      %swap3A_64 = arith.index_cast %scan3A_56 : i32 to index
      %swap3A_65 = arith.constant 16 : index
      %swap3A_66 = tpu.vector_load %arg5[%swap3A_64, %swap3A_65] {strides = array<i32>} : memref<125x128xf32, #tpu.memory_space<vmem>>, vector<1x16xf32>,
      %swap3A_67 = vector.shape_cast %swap3A_66 : vector<1x16xf32> to vector<16xf32>
      %swap3A_68 = vector.shape_cast %broadcast_in_dim3A_63 : vector<16xf32> to vector<1x16xf32>
      tpu.vector_store %arg5[%swap3A_64, %swap3A_65], %swap3A_68 {strides = array<i32>} : memref<125x128xf32, #tpu.memory_space<vmem>>, vector<1x16xf32>,
      %broadcast_in_dim3A_69 = arith.constant 0.000000e+00 : f32
      %broadcast_in_dim3A_70 = vector.broadcast %broadcast_in_dim3A_69 : f32 to vector<16xf32>
      %swap3A_71 = arith.index_cast %scan3A_56 : i32 to index
      %swap3A_72 = arith.constant 32 : index
      %swap3A_73 = tpu.vector_load %arg5[%swap3A_71, %swap3A_72] {strides = array<i32>} : memref<125x128xf32, #tpu.memory_space<vmem>>, vector<1x16xf32>,
      %swap3A_74 = vector.shape_cast %swap3A_73 : vector<1x16xf32> to vector<16xf32>
      %swap3A_75 = vector.shape_cast %broadcast_in_dim3A_70 : vector<16xf32> to vector<1x16xf32>
      tpu.vector_store %arg5[%swap3A_71, %swap3A_72], %swap3A_75 {strides = array<i32>} : memref<125x128xf32, #tpu.memory_space<vmem>>, vector<1x16xf32>,
      %broadcast_in_dim3A_76 = arith.constant 0.000000e+00 : f32
      %broadcast_in_dim3A_77 = vector.broadcast %broadcast_in_dim3A_76 : f32 to vector<16xf32>
      %swap3A_78 = arith.index_cast %scan3A_56 : i32 to index
      %swap3A_79 = arith.constant 48 : index
      %swap3A_80 = tpu.vector_load %arg5[%swap3A_78, %swap3A_79] {strides = array<i32>} : memref<125x128xf32, #tpu.memory_space<vmem>>, vector<1x16xf32>,
      %swap3A_81 = vector.shape_cast %swap3A_80 : vector<1x16xf32> to vector<16xf32>
      %swap3A_82 = vector.shape_cast %broadcast_in_dim3A_77 : vector<16xf32> to vector<1x16xf32>
      tpu.vector_store %arg5[%swap3A_78, %swap3A_79], %swap3A_82 {strides = array<i32>} : memref<125x128xf32, #tpu.memory_space<vmem>>, vector<1x16xf32>,
      %broadcast_in_dim3A_83 = arith.constant 0.000000e+00 : f32
      %broadcast_in_dim3A_84 = vector.broadcast %broadcast_in_dim3A_83 : f32 to vector<16xf32>
      %swap3A_85 = arith.index_cast %scan3A_56 : i32 to index
      %swap3A_86 = arith.constant 64 : index
      %swap3A_87 = tpu.vector_load %arg5[%swap3A_85, %swap3A_86] {strides = array<i32>} : memref<125x128xf32, #tpu.memory_space<vmem>>, vector<1x16xf32>,
      %swap3A_88 = vector.shape_cast %swap3A_87 : vector<1x16xf32> to vector<16xf32>
      %swap3A_89 = vector.shape_cast %broadcast_in_dim3A_84 : vector<16xf32> to vector<1x16xf32>
      tpu.vector_store %arg5[%swap3A_85, %swap3A_86], %swap3A_89 {strides = array<i32>} : memref<125x128xf32, #tpu.memory_space<vmem>>, vector<1x16xf32>,
      %broadcast_in_dim3A_90 = arith.constant 0.000000e+00 : f32
      %broadcast_in_dim3A_91 = vector.broadcast %broadcast_in_dim3A_90 : f32 to vector<16xf32>
      %swap3A_92 = arith.index_cast %scan3A_56 : i32 to index
      %swap3A_93 = arith.constant 80 : index
      %swap3A_94 = tpu.vector_load %arg5[%swap3A_92, %swap3A_93] {strides = array<i32>} : memref<125x128xf32, #tpu.memory_space<vmem>>, vector<1x16xf32>,
      %swap3A_95 = vector.shape_cast %swap3A_94 : vector<1x16xf32> to vector<16xf32>
      %swap3A_96 = vector.shape_cast %broadcast_in_dim3A_91 : vector<16xf32> to vector<1x16xf32>
      tpu.vector_store %arg5[%swap3A_92, %swap3A_93], %swap3A_96 {strides = array<i32>} : memref<125x128xf32, #tpu.memory_space<vmem>>, vector<1x16xf32>,
      %broadcast_in_dim3A_97 = arith.constant 0.000000e+00 : f32
      %broadcast_in_dim3A_98 = vector.broadcast %broadcast_in_dim3A_97 : f32 to vector<16xf32>
      %swap3A_99 = arith.index_cast %scan3A_56 : i32 to index
      %swap3A_100 = arith.constant 96 : index
      %swap3A_101 = tpu.vector_load %arg5[%swap3A_99, %swap3A_100] {strides = array<i32>} : memref<125x128xf32, #tpu.memory_space<vmem>>, vector<1x16xf32>,
      %swap3A_102 = vector.shape_cast %swap3A_101 : vector<1x16xf32> to vector<16xf32>
      %swap3A_103 = vector.shape_cast %broadcast_in_dim3A_98 : vector<16xf32> to vector<1x16xf32>
      tpu.vector_store %arg5[%swap3A_99, %swap3A_100], %swap3A_103 {strides = array<i32>} : memref<125x128xf32, #tpu.memory_space<vmem>>, vector<1x16xf32>,
      %broadcast_in_dim3A_104 = arith.constant 0.000000e+00 : f32
      %broadcast_in_dim3A_105 = vector.broadcast %broadcast_in_dim3A_104 : f32 to vector<16xf32>
      %swap3A_106 = arith.index_cast %scan3A_56 : i32 to index
      %swap3A_107 = arith.constant 112 : index
      %swap3A_108 = tpu.vector_load %arg5[%swap3A_106, %swap3A_107] {strides = array<i32>} : memref<125x128xf32, #tpu.memory_space<vmem>>, vector<1x16xf32>,
      %swap3A_109 = vector.shape_cast %swap3A_108 : vector<1x16xf32> to vector<16xf32>
      %swap3A_110 = vector.shape_cast %broadcast_in_dim3A_105 : vector<16xf32> to vector<1x16xf32>
      tpu.vector_store %arg5[%swap3A_106, %swap3A_107], %swap3A_110 {strides = array<i32>} : memref<125x128xf32, #tpu.memory_space<vmem>>, vector<1x16xf32>,
    }
    %scan3A_4 = arith.constant 125 : i32
    %mul3A = arith.constant 625 : i32
    %mul3A_5 = arith.muli %arg1, %mul3A : i32
    %add3A = arith.constant 0 : i32
    %add3A_6 = arith.addi %mul3A_5, %add3A : i32
    "tpu.region"() ({
      %run_scoped3A = tpu.sem_alloc : memref<!tpu.dma_semaphore, #tpu.memory_space<semaphore_mem>>
      %dma_start3A_56 = arith.constant 0 : i32
      %dma_start3A_57 = tpu.memref_slice %arg6[%add3A_6, %dma_start3A_56] : memref<10000x128xf32, #tpu.memory_space<vmem_shared>> -> memref<125x128xf32, #tpu.memory_space<vmem_shared>>
      %dma_start3A_58 = arith.constant 0 : i32
      %dma_start3A_59 = tpu.memref_slice %arg6[%add3A_6, %dma_start3A_58] : memref<10000x128xf32, #tpu.memory_space<vmem_shared>> -> memref<125x128xf32, #tpu.memory_space<vmem_shared>>
      tpu.enqueue_dma source(%arg5 : memref<125x128xf32, #tpu.memory_space<vmem>>) target(%dma_start3A_59 : memref<125x128xf32, #tpu.memory_space<vmem_shared>>) target_semaphore(%run_scoped3A : memref<!tpu.dma_semaphore, #tpu.memory_space<semaphore_mem>>)
      %dma_wait3A = arith.constant 0 : i32
      %dma_wait3A_60 = tpu.memref_slice %arg6[%add3A_6, %dma_wait3A] : memref<10000x128xf32, #tpu.memory_space<vmem_shared>> -> memref<125x128xf32, #tpu.memory_space<vmem_shared>>
      %dma_wait3A_61 = arith.constant 0 : i32
      %dma_wait3A_62 = tpu.memref_slice %arg6[%add3A_6, %dma_wait3A_61] : memref<10000x128xf32, #tpu.memory_space<vmem_shared>> -> memref<125x128xf32, #tpu.memory_space<vmem_shared>>
      tpu.wait_dma2 semaphore(%run_scoped3A : memref<!tpu.dma_semaphore, #tpu.memory_space<semaphore_mem>>) src(%arg5 : memref<125x128xf32, #tpu.memory_space<vmem>>) dst(%dma_wait3A_62 : memref<125x128xf32, #tpu.memory_space<vmem_shared>>)
      tpu.yield
    }) : () -> ()
    %mul3A_7 = arith.constant 625 : i32
    %mul3A_8 = arith.muli %arg1, %mul3A_7 : i32
    %add3A_9 = arith.constant 125 : i32
    %add3A_10 = arith.addi %mul3A_8, %add3A_9 : i32
    "tpu.region"() ({
      %run_scoped3A = tpu.sem_alloc : memref<!tpu.dma_semaphore, #tpu.memory_space<semaphore_mem>>
      %dma_start3A_56 = arith.constant 0 : i32
      %dma_start3A_57 = tpu.memref_slice %arg6[%add3A_10, %dma_start3A_56] : memref<10000x128xf32, #tpu.memory_space<vmem_shared>> -> memref<125x128xf32, #tpu.memory_space<vmem_shared>>
      %dma_start3A_58 = arith.constant 0 : i32
      %dma_start3A_59 = tpu.memref_slice %arg6[%add3A_10, %dma_start3A_58] : memref<10000x128xf32, #tpu.memory_space<vmem_shared>> -> memref<125x128xf32, #tpu.memory_space<vmem_shared>>
      tpu.enqueue_dma source(%arg5 : memref<125x128xf32, #tpu.memory_space<vmem>>) target(%dma_start3A_59 : memref<125x128xf32, #tpu.memory_space<vmem_shared>>) target_semaphore(%run_scoped3A : memref<!tpu.dma_semaphore, #tpu.memory_space<semaphore_mem>>)
      %dma_wait3A = arith.constant 0 : i32
      %dma_wait3A_60 = tpu.memref_slice %arg6[%add3A_10, %dma_wait3A] : memref<10000x128xf32, #tpu.memory_space<vmem_shared>> -> memref<125x128xf32, #tpu.memory_space<vmem_shared>>
      %dma_wait3A_61 = arith.constant 0 : i32
      %dma_wait3A_62 = tpu.memref_slice %arg6[%add3A_10, %dma_wait3A_61] : memref<10000x128xf32, #tpu.memory_space<vmem_shared>> -> memref<125x128xf32, #tpu.memory_space<vmem_shared>>
      tpu.wait_dma2 semaphore(%run_scoped3A : memref<!tpu.dma_semaphore, #tpu.memory_space<semaphore_mem>>) src(%arg5 : memref<125x128xf32, #tpu.memory_space<vmem>>) dst(%dma_wait3A_62 : memref<125x128xf32, #tpu.memory_space<vmem_shared>>)
      tpu.yield
    }) : () -> ()
    %mul3A_11 = arith.constant 625 : i32
    %mul3A_12 = arith.muli %arg1, %mul3A_11 : i32
    %add3A_13 = arith.constant 250 : i32
    %add3A_14 = arith.addi %mul3A_12, %add3A_13 : i32
    "tpu.region"() ({
      %run_scoped3A = tpu.sem_alloc : memref<!tpu.dma_semaphore, #tpu.memory_space<semaphore_mem>>
      %dma_start3A_56 = arith.constant 0 : i32
      %dma_start3A_57 = tpu.memref_slice %arg6[%add3A_14, %dma_start3A_56] : memref<10000x128xf32, #tpu.memory_space<vmem_shared>> -> memref<125x128xf32, #tpu.memory_space<vmem_shared>>
      %dma_start3A_58 = arith.constant 0 : i32
      %dma_start3A_59 = tpu.memref_slice %arg6[%add3A_14, %dma_start3A_58] : memref<10000x128xf32, #tpu.memory_space<vmem_shared>> -> memref<125x128xf32, #tpu.memory_space<vmem_shared>>
      tpu.enqueue_dma source(%arg5 : memref<125x128xf32, #tpu.memory_space<vmem>>) target(%dma_start3A_59 : memref<125x128xf32, #tpu.memory_space<vmem_shared>>) target_semaphore(%run_scoped3A : memref<!tpu.dma_semaphore, #tpu.memory_space<semaphore_mem>>)
      %dma_wait3A = arith.constant 0 : i32
      %dma_wait3A_60 = tpu.memref_slice %arg6[%add3A_14, %dma_wait3A] : memref<10000x128xf32, #tpu.memory_space<vmem_shared>> -> memref<125x128xf32, #tpu.memory_space<vmem_shared>>
      %dma_wait3A_61 = arith.constant 0 : i32
      %dma_wait3A_62 = tpu.memref_slice %arg6[%add3A_14, %dma_wait3A_61] : memref<10000x128xf32, #tpu.memory_space<vmem_shared>> -> memref<125x128xf32, #tpu.memory_space<vmem_shared>>
      tpu.wait_dma2 semaphore(%run_scoped3A : memref<!tpu.dma_semaphore, #tpu.memory_space<semaphore_mem>>) src(%arg5 : memref<125x128xf32, #tpu.memory_space<vmem>>) dst(%dma_wait3A_62 : memref<125x128xf32, #tpu.memory_space<vmem_shared>>)
      tpu.yield
    }) : () -> ()
    %mul3A_15 = arith.constant 625 : i32
    %mul3A_16 = arith.muli %arg1, %mul3A_15 : i32
    %add3A_17 = arith.constant 375 : i32
    %add3A_18 = arith.addi %mul3A_16, %add3A_17 : i32
    "tpu.region"() ({
      %run_scoped3A = tpu.sem_alloc : memref<!tpu.dma_semaphore, #tpu.memory_space<semaphore_mem>>
      %dma_start3A_56 = arith.constant 0 : i32
      %dma_start3A_57 = tpu.memref_slice %arg6[%add3A_18, %dma_start3A_56] : memref<10000x128xf32, #tpu.memory_space<vmem_shared>> -> memref<125x128xf32, #tpu.memory_space<vmem_shared>>
      %dma_start3A_58 = arith.constant 0 : i32
      %dma_start3A_59 = tpu.memref_slice %arg6[%add3A_18, %dma_start3A_58] : memref<10000x128xf32, #tpu.memory_space<vmem_shared>> -> memref<125x128xf32, #tpu.memory_space<vmem_shared>>
      tpu.enqueue_dma source(%arg5 : memref<125x128xf32, #tpu.memory_space<vmem>>) target(%dma_start3A_59 : memref<125x128xf32, #tpu.memory_space<vmem_shared>>) target_semaphore(%run_scoped3A : memref<!tpu.dma_semaphore, #tpu.memory_space<semaphore_mem>>)
      %dma_wait3A = arith.constant 0 : i32
      %dma_wait3A_60 = tpu.memref_slice %arg6[%add3A_18, %dma_wait3A] : memref<10000x128xf32, #tpu.memory_space<vmem_shared>> -> memref<125x128xf32, #tpu.memory_space<vmem_shared>>
      %dma_wait3A_61 = arith.constant 0 : i32
      %dma_wait3A_62 = tpu.memref_slice %arg6[%add3A_18, %dma_wait3A_61] : memref<10000x128xf32, #tpu.memory_space<vmem_shared>> -> memref<125x128xf32, #tpu.memory_space<vmem_shared>>
      tpu.wait_dma2 semaphore(%run_scoped3A : memref<!tpu.dma_semaphore, #tpu.memory_space<semaphore_mem>>) src(%arg5 : memref<125x128xf32, #tpu.memory_space<vmem>>) dst(%dma_wait3A_62 : memref<125x128xf32, #tpu.memory_space<vmem_shared>>)
      tpu.yield
    }) : () -> ()
    %mul3A_19 = arith.constant 625 : i32
    %mul3A_20 = arith.muli %arg1, %mul3A_19 : i32
    %add3A_21 = arith.constant 500 : i32
    %add3A_22 = arith.addi %mul3A_20, %add3A_21 : i32
    "tpu.region"() ({
      %run_scoped3A = tpu.sem_alloc : memref<!tpu.dma_semaphore, #tpu.memory_space<semaphore_mem>>
      %dma_start3A_56 = arith.constant 0 : i32
      %dma_start3A_57 = tpu.memref_slice %arg6[%add3A_22, %dma_start3A_56] : memref<10000x128xf32, #tpu.memory_space<vmem_shared>> -> memref<125x128xf32, #tpu.memory_space<vmem_shared>>
      %dma_start3A_58 = arith.constant 0 : i32
      %dma_start3A_59 = tpu.memref_slice %arg6[%add3A_22, %dma_start3A_58] : memref<10000x128xf32, #tpu.memory_space<vmem_shared>> -> memref<125x128xf32, #tpu.memory_space<vmem_shared>>
      tpu.enqueue_dma source(%arg5 : memref<125x128xf32, #tpu.memory_space<vmem>>) target(%dma_start3A_59 : memref<125x128xf32, #tpu.memory_space<vmem_shared>>) target_semaphore(%run_scoped3A : memref<!tpu.dma_semaphore, #tpu.memory_space<semaphore_mem>>)
      %dma_wait3A = arith.constant 0 : i32
      %dma_wait3A_60 = tpu.memref_slice %arg6[%add3A_22, %dma_wait3A] : memref<10000x128xf32, #tpu.memory_space<vmem_shared>> -> memref<125x128xf32, #tpu.memory_space<vmem_shared>>
      %dma_wait3A_61 = arith.constant 0 : i32
      %dma_wait3A_62 = tpu.memref_slice %arg6[%add3A_22, %dma_wait3A_61] : memref<10000x128xf32, #tpu.memory_space<vmem_shared>> -> memref<125x128xf32, #tpu.memory_space<vmem_shared>>
      tpu.wait_dma2 semaphore(%run_scoped3A : memref<!tpu.dma_semaphore, #tpu.memory_space<semaphore_mem>>) src(%arg5 : memref<125x128xf32, #tpu.memory_space<vmem>>) dst(%dma_wait3A_62 : memref<125x128xf32, #tpu.memory_space<vmem_shared>>)
      tpu.yield
    }) : () -> ()
    %scan3A_23 = arith.constant 0 : i32
    %scan3A_24 = arith.constant 0 : i32
    %scan3A_25 = arith.constant 125 : i32
    %scan3A_26 = arith.addi %scan3A_24, %scan3A_25 : i32
    %scan3A_27 = arith.constant 1 : i32
    scf.for %scan3A_56 = %scan3A_24 to %scan3A_26 step %scan3A_27  : i32 {
      %broadcast_in_dim3A = arith.constant 1.000000e+00 : f32
      %broadcast_in_dim3A_57 = vector.broadcast %broadcast_in_dim3A : f32 to vector<16xf32>
      %swap3A = arith.index_cast %scan3A_56 : i32 to index
      %swap3A_58 = arith.constant 0 : index
      %swap3A_59 = tpu.vector_load %arg5[%swap3A, %swap3A_58] {strides = array<i32>} : memref<125x128xf32, #tpu.memory_space<vmem>>, vector<1x16xf32>,
      %swap3A_60 = vector.shape_cast %swap3A_59 : vector<1x16xf32> to vector<16xf32>
      %swap3A_61 = vector.shape_cast %broadcast_in_dim3A_57 : vector<16xf32> to vector<1x16xf32>
      tpu.vector_store %arg5[%swap3A, %swap3A_58], %swap3A_61 {strides = array<i32>} : memref<125x128xf32, #tpu.memory_space<vmem>>, vector<1x16xf32>,
      %broadcast_in_dim3A_62 = arith.constant 1.000000e+00 : f32
      %broadcast_in_dim3A_63 = vector.broadcast %broadcast_in_dim3A_62 : f32 to vector<16xf32>
      %swap3A_64 = arith.index_cast %scan3A_56 : i32 to index
      %swap3A_65 = arith.constant 16 : index
      %swap3A_66 = tpu.vector_load %arg5[%swap3A_64, %swap3A_65] {strides = array<i32>} : memref<125x128xf32, #tpu.memory_space<vmem>>, vector<1x16xf32>,
      %swap3A_67 = vector.shape_cast %swap3A_66 : vector<1x16xf32> to vector<16xf32>
      %swap3A_68 = vector.shape_cast %broadcast_in_dim3A_63 : vector<16xf32> to vector<1x16xf32>
      tpu.vector_store %arg5[%swap3A_64, %swap3A_65], %swap3A_68 {strides = array<i32>} : memref<125x128xf32, #tpu.memory_space<vmem>>, vector<1x16xf32>,
      %broadcast_in_dim3A_69 = arith.constant 1.000000e+00 : f32
      %broadcast_in_dim3A_70 = vector.broadcast %broadcast_in_dim3A_69 : f32 to vector<16xf32>
      %swap3A_71 = arith.index_cast %scan3A_56 : i32 to index
      %swap3A_72 = arith.constant 32 : index
      %swap3A_73 = tpu.vector_load %arg5[%swap3A_71, %swap3A_72] {strides = array<i32>} : memref<125x128xf32, #tpu.memory_space<vmem>>, vector<1x16xf32>,
      %swap3A_74 = vector.shape_cast %swap3A_73 : vector<1x16xf32> to vector<16xf32>
      %swap3A_75 = vector.shape_cast %broadcast_in_dim3A_70 : vector<16xf32> to vector<1x16xf32>
      tpu.vector_store %arg5[%swap3A_71, %swap3A_72], %swap3A_75 {strides = array<i32>} : memref<125x128xf32, #tpu.memory_space<vmem>>, vector<1x16xf32>,
      %broadcast_in_dim3A_76 = arith.constant 1.000000e+00 : f32
      %broadcast_in_dim3A_77 = vector.broadcast %broadcast_in_dim3A_76 : f32 to vector<16xf32>
      %swap3A_78 = arith.index_cast %scan3A_56 : i32 to index
      %swap3A_79 = arith.constant 48 : index
      %swap3A_80 = tpu.vector_load %arg5[%swap3A_78, %swap3A_79] {strides = array<i32>} : memref<125x128xf32, #tpu.memory_space<vmem>>, vector<1x16xf32>,
      %swap3A_81 = vector.shape_cast %swap3A_80 : vector<1x16xf32> to vector<16xf32>
      %swap3A_82 = vector.shape_cast %broadcast_in_dim3A_77 : vector<16xf32> to vector<1x16xf32>
      tpu.vector_store %arg5[%swap3A_78, %swap3A_79], %swap3A_82 {strides = array<i32>} : memref<125x128xf32, #tpu.memory_space<vmem>>, vector<1x16xf32>,
      %broadcast_in_dim3A_83 = arith.constant 1.000000e+00 : f32
      %broadcast_in_dim3A_84 = vector.broadcast %broadcast_in_dim3A_83 : f32 to vector<16xf32>
      %swap3A_85 = arith.index_cast %scan3A_56 : i32 to index
      %swap3A_86 = arith.constant 64 : index
      %swap3A_87 = tpu.vector_load %arg5[%swap3A_85, %swap3A_86] {strides = array<i32>} : memref<125x128xf32, #tpu.memory_space<vmem>>, vector<1x16xf32>,
      %swap3A_88 = vector.shape_cast %swap3A_87 : vector<1x16xf32> to vector<16xf32>
      %swap3A_89 = vector.shape_cast %broadcast_in_dim3A_84 : vector<16xf32> to vector<1x16xf32>
      tpu.vector_store %arg5[%swap3A_85, %swap3A_86], %swap3A_89 {strides = array<i32>} : memref<125x128xf32, #tpu.memory_space<vmem>>, vector<1x16xf32>,
      %broadcast_in_dim3A_90 = arith.constant 1.000000e+00 : f32
      %broadcast_in_dim3A_91 = vector.broadcast %broadcast_in_dim3A_90 : f32 to vector<16xf32>
      %swap3A_92 = arith.index_cast %scan3A_56 : i32 to index
      %swap3A_93 = arith.constant 80 : index
      %swap3A_94 = tpu.vector_load %arg5[%swap3A_92, %swap3A_93] {strides = array<i32>} : memref<125x128xf32, #tpu.memory_space<vmem>>, vector<1x16xf32>,
      %swap3A_95 = vector.shape_cast %swap3A_94 : vector<1x16xf32> to vector<16xf32>
      %swap3A_96 = vector.shape_cast %broadcast_in_dim3A_91 : vector<16xf32> to vector<1x16xf32>
      tpu.vector_store %arg5[%swap3A_92, %swap3A_93], %swap3A_96 {strides = array<i32>} : memref<125x128xf32, #tpu.memory_space<vmem>>, vector<1x16xf32>,
      %broadcast_in_dim3A_97 = arith.constant 1.000000e+00 : f32
      %broadcast_in_dim3A_98 = vector.broadcast %broadcast_in_dim3A_97 : f32 to vector<16xf32>
      %swap3A_99 = arith.index_cast %scan3A_56 : i32 to index
      %swap3A_100 = arith.constant 96 : index
      %swap3A_101 = tpu.vector_load %arg5[%swap3A_99, %swap3A_100] {strides = array<i32>} : memref<125x128xf32, #tpu.memory_space<vmem>>, vector<1x16xf32>,
      %swap3A_102 = vector.shape_cast %swap3A_101 : vector<1x16xf32> to vector<16xf32>
      %swap3A_103 = vector.shape_cast %broadcast_in_dim3A_98 : vector<16xf32> to vector<1x16xf32>
      tpu.vector_store %arg5[%swap3A_99, %swap3A_100], %swap3A_103 {strides = array<i32>} : memref<125x128xf32, #tpu.memory_space<vmem>>, vector<1x16xf32>,
      %broadcast_in_dim3A_104 = arith.constant 1.000000e+00 : f32
      %broadcast_in_dim3A_105 = vector.broadcast %broadcast_in_dim3A_104 : f32 to vector<16xf32>
      %swap3A_106 = arith.index_cast %scan3A_56 : i32 to index
      %swap3A_107 = arith.constant 112 : index
      %swap3A_108 = tpu.vector_load %arg5[%swap3A_106, %swap3A_107] {strides = array<i32>} : memref<125x128xf32, #tpu.memory_space<vmem>>, vector<1x16xf32>,
      %swap3A_109 = vector.shape_cast %swap3A_108 : vector<1x16xf32> to vector<16xf32>
      %swap3A_110 = vector.shape_cast %broadcast_in_dim3A_105 : vector<16xf32> to vector<1x16xf32>
      tpu.vector_store %arg5[%swap3A_106, %swap3A_107], %swap3A_110 {strides = array<i32>} : memref<125x128xf32, #tpu.memory_space<vmem>>, vector<1x16xf32>,
    }
    %scan3A_28 = arith.constant 125 : i32
    %barrier3A = arith.constant 0 : index
    tpu.barrier barrier_id(%barrier3A)
    %mul3A_29 = arith.constant 40 : i32
    %mul3A_30 = arith.muli %arg0, %mul3A_29 : i32
    %dma_start3A = arith.constant 0 : i32
    %dma_start3A_31 = tpu.memref_slice %arg4[%mul3A_30, %dma_start3A] : memref<80x125xi32, #tpu.memory_space<vmem>> -> memref<1x125xi32, #tpu.memory_space<vmem>>
    %dma_start3A_32 = tpu.memref_squeeze %dma_start3A_31 : memref<1x125xi32, #tpu.memory_space<vmem>> -> memref<125xi32, #tpu.memory_space<vmem>>
    %dma_start3A_33 = arith.constant 0 : i32
    %dma_start3A_34 = arith.constant 0 : i32
    %dma_start3A_35 = tpu.memref_slice %arg6[%dma_start3A_33, %dma_start3A_34] : memref<10000x128xf32, #tpu.memory_space<vmem_shared>> -> memref<10000x128xf32, #tpu.memory_space<vmem_shared>>
    tpu.enqueue_indirect_dma source(%arg5 : memref<125x128xf32, #tpu.memory_space<vmem>>) target(%dma_start3A_35 : memref<10000x128xf32, #tpu.memory_space<vmem_shared>>) offsets(%dma_start3A_32 : memref<125xi32, #tpu.memory_space<vmem>>) semaphore(%arg7 : memref<!tpu.dma_semaphore, #tpu.memory_space<semaphore_mem>>) {add = true}
    %add3A_36 = arith.constant 1 : i32
    %add3A_37 = arith.addi %mul3A_30, %add3A_36 : i32
    %dma_start3A_38 = arith.constant 0 : i32
    %dma_start3A_39 = tpu.memref_slice %arg4[%add3A_37, %dma_start3A_38] : memref<80x125xi32, #tpu.memory_space<vmem>> -> memref<1x125xi32, #tpu.memory_space<vmem>>
    %dma_start3A_40 = tpu.memref_squeeze %dma_start3A_39 : memref<1x125xi32, #tpu.memory_space<vmem>> -> memref<125xi32, #tpu.memory_space<vmem>>
    %dma_start3A_41 = arith.constant 0 : i32
    %dma_start3A_42 = arith.constant 0 : i32
    %dma_start3A_43 = tpu.memref_slice %arg6[%dma_start3A_41, %dma_start3A_42] : memref<10000x128xf32, #tpu.memory_space<vmem_shared>> -> memref<10000x128xf32, #tpu.memory_space<vmem_shared>>
    tpu.enqueue_indirect_dma source(%arg5 : memref<125x128xf32, #tpu.memory_space<vmem>>) target(%dma_start3A_43 : memref<10000x128xf32, #tpu.memory_space<vmem_shared>>) offsets(%dma_start3A_40 : memref<125xi32, #tpu.memory_space<vmem>>) semaphore(%arg8 : memref<!tpu.dma_semaphore, #tpu.memory_space<semaphore_mem>>) {add = true}
    %scan3A_44 = arith.constant 0 : i32
    %scan3A_45 = arith.constant 0 : i32
    %scan3A_46 = arith.constant 20 : i32
    %scan3A_47 = arith.addi %scan3A_45, %scan3A_46 : i32
    %scan3A_48 = arith.constant 1 : i32
    scf.for %scan3A_56 = %scan3A_45 to %scan3A_47 step %scan3A_48  : i32 {
      %mul3A_57 = arith.constant 2 : i32
      %mul3A_58 = arith.muli %mul3A_57, %scan3A_56 : i32
      %add3A_59 = arith.addi %mul3A_30, %mul3A_58 : i32
      %add3A_60 = arith.constant 0 : i32
      %add3A_61 = arith.addi %add3A_59, %add3A_60 : i32
      %dma_wait3A = arith.constant 0 : i32
      %dma_wait3A_62 = tpu.memref_slice %arg4[%add3A_61, %dma_wait3A] : memref<80x125xi32, #tpu.memory_space<vmem>> -> memref<1x125xi32, #tpu.memory_space<vmem>>
      %dma_wait3A_63 = tpu.memref_squeeze %dma_wait3A_62 : memref<1x125xi32, #tpu.memory_space<vmem>> -> memref<125xi32, #tpu.memory_space<vmem>>
      %dma_wait3A_64 = arith.constant 0 : i32
      %dma_wait3A_65 = arith.constant 0 : i32
      %dma_wait3A_66 = tpu.memref_slice %arg6[%dma_wait3A_64, %dma_wait3A_65] : memref<10000x128xf32, #tpu.memory_space<vmem_shared>> -> memref<10000x128xf32, #tpu.memory_space<vmem_shared>>
      tpu.wait_indirect_dma semaphore(%arg7 : memref<!tpu.dma_semaphore, #tpu.memory_space<semaphore_mem>>) src(%arg5 : memref<125x128xf32, #tpu.memory_space<vmem>>) dst(%dma_wait3A_66 : memref<10000x128xf32, #tpu.memory_space<vmem_shared>>)
      %add3A_67 = arith.constant 0 : i32
      %add3A_68 = arith.addi %add3A_59, %add3A_67 : i32
      %add3A_69 = arith.constant 2 : i32
      %add3A_70 = arith.addi %add3A_68, %add3A_69 : i32
      %add3A_71 = arith.constant 40 : i32
      %add3A_72 = arith.addi %mul3A_30, %add3A_71 : i32
      %lt3A = arith.cmpi slt, %add3A_70, %add3A_72 : i32
      %convert_element_type3A = arith.extui %lt3A : i1 to i32
      %cond3A = arith.constant 0 : i32
      %cond3A_73 = arith.cmpi ne, %convert_element_type3A, %cond3A : i32
      scf.if %cond3A_73 {
        %add3A_92 = arith.constant 0 : i32
        %add3A_93 = arith.addi %add3A_59, %add3A_92 : i32
        %add3A_94 = arith.constant 2 : i32
        %add3A_95 = arith.addi %add3A_93, %add3A_94 : i32
        %dma_start3A_96 = arith.constant 0 : i32
        %dma_start3A_97 = tpu.memref_slice %arg4[%add3A_95, %dma_start3A_96] : memref<80x125xi32, #tpu.memory_space<vmem>> -> memref<1x125xi32, #tpu.memory_space<vmem>>
        %dma_start3A_98 = tpu.memref_squeeze %dma_start3A_97 : memref<1x125xi32, #tpu.memory_space<vmem>> -> memref<125xi32, #tpu.memory_space<vmem>>
        %dma_start3A_99 = arith.constant 0 : i32
        %dma_start3A_100 = arith.constant 0 : i32
        %dma_start3A_101 = tpu.memref_slice %arg6[%dma_start3A_99, %dma_start3A_100] : memref<10000x128xf32, #tpu.memory_space<vmem_shared>> -> memref<10000x128xf32, #tpu.memory_space<vmem_shared>>
        tpu.enqueue_indirect_dma source(%arg5 : memref<125x128xf32, #tpu.memory_space<vmem>>) target(%dma_start3A_101 : memref<10000x128xf32, #tpu.memory_space<vmem_shared>>) offsets(%dma_start3A_98 : memref<125xi32, #tpu.memory_space<vmem>>) semaphore(%arg7 : memref<!tpu.dma_semaphore, #tpu.memory_space<semaphore_mem>>) {add = true}
      } else {
      }
      %add3A_74 = arith.constant 1 : i32
      %add3A_75 = arith.addi %add3A_59, %add3A_74 : i32
      %dma_wait3A_76 = arith.constant 0 : i32
      %dma_wait3A_77 = tpu.memref_slice %arg4[%add3A_75, %dma_wait3A_76] : memref<80x125xi32, #tpu.memory_space<vmem>> -> memref<1x125xi32, #tpu.memory_space<vmem>>
      %dma_wait3A_78 = tpu.memref_squeeze %dma_wait3A_77 : memref<1x125xi32, #tpu.memory_space<vmem>> -> memref<125xi32, #tpu.memory_space<vmem>>
      %dma_wait3A_79 = arith.constant 0 : i32
      %dma_wait3A_80 = arith.constant 0 : i32
      %dma_wait3A_81 = tpu.memref_slice %arg6[%dma_wait3A_79, %dma_wait3A_80] : memref<10000x128xf32, #tpu.memory_space<vmem_shared>> -> memref<10000x128xf32, #tpu.memory_space<vmem_shared>>
      tpu.wait_indirect_dma semaphore(%arg8 : memref<!tpu.dma_semaphore, #tpu.memory_space<semaphore_mem>>) src(%arg5 : memref<125x128xf32, #tpu.memory_space<vmem>>) dst(%dma_wait3A_81 : memref<10000x128xf32, #tpu.memory_space<vmem_shared>>)
      %add3A_82 = arith.constant 1 : i32
      %add3A_83 = arith.addi %add3A_59, %add3A_82 : i32
      %add3A_84 = arith.constant 2 : i32
      %add3A_85 = arith.addi %add3A_83, %add3A_84 : i32
      %add3A_86 = arith.constant 40 : i32
      %add3A_87 = arith.addi %mul3A_30, %add3A_86 : i32
      %lt3A_88 = arith.cmpi slt, %add3A_85, %add3A_87 : i32
      %convert_element_type3A_89 = arith.extui %lt3A_88 : i1 to i32
      %cond3A_90 = arith.constant 0 : i32
      %cond3A_91 = arith.cmpi ne, %convert_element_type3A_89, %cond3A_90 : i32
      scf.if %cond3A_91 {
        %add3A_92 = arith.constant 1 : i32
        %add3A_93 = arith.addi %add3A_59, %add3A_92 : i32
        %add3A_94 = arith.constant 2 : i32
        %add3A_95 = arith.addi %add3A_93, %add3A_94 : i32
        %dma_start3A_96 = arith.constant 0 : i32
        %dma_start3A_97 = tpu.memref_slice %arg4[%add3A_95, %dma_start3A_96] : memref<80x125xi32, #tpu.memory_space<vmem>> -> memref<1x125xi32, #tpu.memory_space<vmem>>
        %dma_start3A_98 = tpu.memref_squeeze %dma_start3A_97 : memref<1x125xi32, #tpu.memory_space<vmem>> -> memref<125xi32, #tpu.memory_space<vmem>>
        %dma_start3A_99 = arith.constant 0 : i32
        %dma_start3A_100 = arith.constant 0 : i32
        %dma_start3A_101 = tpu.memref_slice %arg6[%dma_start3A_99, %dma_start3A_100] : memref<10000x128xf32, #tpu.memory_space<vmem_shared>> -> memref<10000x128xf32, #tpu.memory_space<vmem_shared>>
        tpu.enqueue_indirect_dma source(%arg5 : memref<125x128xf32, #tpu.memory_space<vmem>>) target(%dma_start3A_101 : memref<10000x128xf32, #tpu.memory_space<vmem_shared>>) offsets(%dma_start3A_98 : memref<125xi32, #tpu.memory_space<vmem>>) semaphore(%arg8 : memref<!tpu.dma_semaphore, #tpu.memory_space<semaphore_mem>>) {add = true}
      } else {
      }
    }
    %scan3A_49 = arith.constant 20 : i32
    %barrier3A_50 = arith.constant 0 : index
    tpu.barrier barrier_id(%barrier3A_50)
    %mul3A_51 = arith.constant 625 : i32
    %mul3A_52 = arith.muli %arg1, %mul3A_51 : i32
    %mul3A_53 = arith.constant 16 : i32
    %mul3A_54 = arith.muli %arg0, %mul3A_53 : i32
    %add3A_55 = arith.addi %mul3A_54, %arg1 : i32
    "tpu.region"() ({
      %run_scoped3A = tpu.sem_alloc : memref<!tpu.dma_semaphore, #tpu.memory_space<semaphore_mem>>
      %dma_start3A_56 = arith.constant 0 : i32
      %dma_start3A_57 = arith.constant 0 : i32
      %dma_start3A_58 = tpu.memref_slice %arg3[%add3A_55, %dma_start3A_56, %dma_start3A_57] : memref<32x625x128xf32, #tpu.memory_space<hbm>> -> memref<1x625x128xf32, #tpu.memory_space<hbm>>
      %dma_start3A_59 = tpu.memref_squeeze %dma_start3A_58 : memref<1x625x128xf32, #tpu.memory_space<hbm>> -> memref<625x128xf32, #tpu.memory_space<hbm>>
      %dma_start3A_60 = arith.constant 0 : i32
      %dma_start3A_61 = tpu.memref_slice %arg6[%mul3A_52, %dma_start3A_60] : memref<10000x128xf32, #tpu.memory_space<vmem_shared>> -> memref<625x128xf32, #tpu.memory_space<vmem_shared>>
      tpu.enqueue_dma source(%dma_start3A_61 : memref<625x128xf32, #tpu.memory_space<vmem_shared>>) target(%dma_start3A_59 : memref<625x128xf32, #tpu.memory_space<hbm>>) target_semaphore(%run_scoped3A : memref<!tpu.dma_semaphore, #tpu.memory_space<semaphore_mem>>)
      %dma_wait3A = arith.constant 0 : i32
      %dma_wait3A_62 = arith.constant 0 : i32
      %dma_wait3A_63 = tpu.memref_slice %arg3[%add3A_55, %dma_wait3A, %dma_wait3A_62] : memref<32x625x128xf32, #tpu.memory_space<hbm>> -> memref<1x625x128xf32, #tpu.memory_space<hbm>>
      %dma_wait3A_64 = tpu.memref_squeeze %dma_wait3A_63 : memref<1x625x128xf32, #tpu.memory_space<hbm>> -> memref<625x128xf32, #tpu.memory_space<hbm>>
      %dma_wait3A_65 = arith.constant 0 : i32
      %dma_wait3A_66 = tpu.memref_slice %arg6[%mul3A_52, %dma_wait3A_65] : memref<10000x128xf32, #tpu.memory_space<vmem_shared>> -> memref<625x128xf32, #tpu.memory_space<vmem_shared>>
      tpu.wait_dma2 semaphore(%run_scoped3A : memref<!tpu.dma_semaphore, #tpu.memory_space<semaphore_mem>>) src(%dma_wait3A_66 : memref<625x128xf32, #tpu.memory_space<vmem_shared>>) dst(%dma_wait3A_64 : memref<625x128xf32, #tpu.memory_space<hbm>>)
      tpu.yield
    }) : () -> ()
    return
  }
}

#map = affine_map<(d0, d1) -> (0, 0)>
#map1 = affine_map<(d0, d1) -> (0, 0, 0)>
module attributes {stable_mosaic.version = 14 : i64} {
  func.func @_sc_agg_body(%arg0: i32, %arg1: i32, %arg2: memref<40000x128xf32, #tpu.memory_space<hbm>>, %arg3: memref<64x625x128xf32, #tpu.memory_space<hbm>>, %arg4: memref<128x40x125xi32, #tpu.memory_space<hbm>>, %arg5: memref<16x80x125xi32, #tpu.memory_space<hbm>>, %arg6: memref<64x625x128xf32, #tpu.memory_space<hbm>>, %arg7: memref<40x125xi32, #tpu.memory_space<vmem>>, %arg8: memref<80x125xi32, #tpu.memory_space<vmem>>, %arg9: memref<125x128xf32, #tpu.memory_space<vmem>>, %arg10: memref<125x128xf32, #tpu.memory_space<vmem>>, %arg11: memref<10000x128xf32, #tpu.memory_space<vmem_shared>>, %arg12: memref<!tpu.dma_semaphore, #tpu.memory_space<semaphore_mem>>, %arg13: memref<!tpu.dma_semaphore, #tpu.memory_space<semaphore_mem>>, %arg14: memref<!tpu.dma_semaphore, #tpu.memory_space<semaphore_mem>>, %arg15: memref<!tpu.dma_semaphore, #tpu.memory_space<semaphore_mem>>) attributes {dimension_semantics = [#tpu.dimension_semantics<core_parallel>, #tpu.dimension_semantics<subcore_parallel>], iteration_bounds = array<i64: 2, 16>, scalar_prefetch = 0 : i64, scratch_operands = 9 : i64, tpu.core_type = #tpu.core_type<sc_vector_subcore>, window_params = [{transform_indices = #map}, {transform_indices = #map1}, {transform_indices = #map1}, {transform_indices = #map1}, {transform_indices = #map1}]} {
    "tpu.region"() ({
      %run_scoped3A = tpu.sem_alloc : memref<!tpu.dma_semaphore, #tpu.memory_space<semaphore_mem>>
      %dma_start3A_136 = arith.constant 0 : i32
      %dma_start3A_137 = arith.constant 0 : i32
      %dma_start3A_138 = tpu.memref_slice %arg5[%arg1, %dma_start3A_136, %dma_start3A_137] : memref<16x80x125xi32, #tpu.memory_space<hbm>> -> memref<1x80x125xi32, #tpu.memory_space<hbm>>
      %dma_start3A_139 = tpu.memref_squeeze %dma_start3A_138 : memref<1x80x125xi32, #tpu.memory_space<hbm>> -> memref<80x125xi32, #tpu.memory_space<hbm>>
      %dma_start3A_140 = arith.constant 0 : i32
      %dma_start3A_141 = arith.constant 0 : i32
      %dma_start3A_142 = tpu.memref_slice %arg5[%arg1, %dma_start3A_140, %dma_start3A_141] : memref<16x80x125xi32, #tpu.memory_space<hbm>> -> memref<1x80x125xi32, #tpu.memory_space<hbm>>
      %dma_start3A_143 = tpu.memref_squeeze %dma_start3A_142 : memref<1x80x125xi32, #tpu.memory_space<hbm>> -> memref<80x125xi32, #tpu.memory_space<hbm>>
      tpu.enqueue_dma source(%dma_start3A_143 : memref<80x125xi32, #tpu.memory_space<hbm>>) target(%arg8 : memref<80x125xi32, #tpu.memory_space<vmem>>) target_semaphore(%run_scoped3A : memref<!tpu.dma_semaphore, #tpu.memory_space<semaphore_mem>>)
      %dma_wait3A = arith.constant 0 : i32
      %dma_wait3A_144 = arith.constant 0 : i32
      %dma_wait3A_145 = tpu.memref_slice %arg5[%arg1, %dma_wait3A, %dma_wait3A_144] : memref<16x80x125xi32, #tpu.memory_space<hbm>> -> memref<1x80x125xi32, #tpu.memory_space<hbm>>
      %dma_wait3A_146 = tpu.memref_squeeze %dma_wait3A_145 : memref<1x80x125xi32, #tpu.memory_space<hbm>> -> memref<80x125xi32, #tpu.memory_space<hbm>>
      %dma_wait3A_147 = arith.constant 0 : i32
      %dma_wait3A_148 = arith.constant 0 : i32
      %dma_wait3A_149 = tpu.memref_slice %arg5[%arg1, %dma_wait3A_147, %dma_wait3A_148] : memref<16x80x125xi32, #tpu.memory_space<hbm>> -> memref<1x80x125xi32, #tpu.memory_space<hbm>>
      %dma_wait3A_150 = tpu.memref_squeeze %dma_wait3A_149 : memref<1x80x125xi32, #tpu.memory_space<hbm>> -> memref<80x125xi32, #tpu.memory_space<hbm>>
      tpu.wait_dma2 semaphore(%run_scoped3A : memref<!tpu.dma_semaphore, #tpu.memory_space<semaphore_mem>>) src(%dma_wait3A_150 : memref<80x125xi32, #tpu.memory_space<hbm>>) dst(%arg8 : memref<80x125xi32, #tpu.memory_space<vmem>>)
      tpu.yield
    }) : () -> ()
    %mul3A = arith.constant 2 : i32
    %mul3A_0 = arith.muli %arg0, %mul3A : i32
    %add3A = arith.constant 0 : i32
    %add3A_1 = arith.addi %mul3A_0, %add3A : i32
    %mul3A_2 = arith.constant 16 : i32
    %mul3A_3 = arith.muli %add3A_1, %mul3A_2 : i32
    %add3A_4 = arith.addi %mul3A_3, %arg1 : i32
    %mul3A_5 = arith.constant 625 : i32
    %mul3A_6 = arith.muli %arg1, %mul3A_5 : i32
    "tpu.region"() ({
      %run_scoped3A = tpu.sem_alloc : memref<!tpu.dma_semaphore, #tpu.memory_space<semaphore_mem>>
      %dma_start3A_136 = arith.constant 0 : i32
      %dma_start3A_137 = tpu.memref_slice %arg11[%mul3A_6, %dma_start3A_136] : memref<10000x128xf32, #tpu.memory_space<vmem_shared>> -> memref<625x128xf32, #tpu.memory_space<vmem_shared>>
      %dma_start3A_138 = arith.constant 0 : i32
      %dma_start3A_139 = arith.constant 0 : i32
      %dma_start3A_140 = tpu.memref_slice %arg3[%add3A_4, %dma_start3A_138, %dma_start3A_139] : memref<64x625x128xf32, #tpu.memory_space<hbm>> -> memref<1x625x128xf32, #tpu.memory_space<hbm>>
      %dma_start3A_141 = tpu.memref_squeeze %dma_start3A_140 : memref<1x625x128xf32, #tpu.memory_space<hbm>> -> memref<625x128xf32, #tpu.memory_space<hbm>>
      tpu.enqueue_dma source(%dma_start3A_141 : memref<625x128xf32, #tpu.memory_space<hbm>>) target(%dma_start3A_137 : memref<625x128xf32, #tpu.memory_space<vmem_shared>>) target_semaphore(%run_scoped3A : memref<!tpu.dma_semaphore, #tpu.memory_space<semaphore_mem>>)
      %dma_wait3A = arith.constant 0 : i32
      %dma_wait3A_142 = tpu.memref_slice %arg11[%mul3A_6, %dma_wait3A] : memref<10000x128xf32, #tpu.memory_space<vmem_shared>> -> memref<625x128xf32, #tpu.memory_space<vmem_shared>>
      %dma_wait3A_143 = arith.constant 0 : i32
      %dma_wait3A_144 = arith.constant 0 : i32
      %dma_wait3A_145 = tpu.memref_slice %arg3[%add3A_4, %dma_wait3A_143, %dma_wait3A_144] : memref<64x625x128xf32, #tpu.memory_space<hbm>> -> memref<1x625x128xf32, #tpu.memory_space<hbm>>
      %dma_wait3A_146 = tpu.memref_squeeze %dma_wait3A_145 : memref<1x625x128xf32, #tpu.memory_space<hbm>> -> memref<625x128xf32, #tpu.memory_space<hbm>>
      tpu.wait_dma2 semaphore(%run_scoped3A : memref<!tpu.dma_semaphore, #tpu.memory_space<semaphore_mem>>) src(%dma_wait3A_146 : memref<625x128xf32, #tpu.memory_space<hbm>>) dst(%dma_wait3A_142 : memref<625x128xf32, #tpu.memory_space<vmem_shared>>)
      tpu.yield
    }) : () -> ()
    %barrier3A = arith.constant 0 : index
    tpu.barrier barrier_id(%barrier3A)
    %mul3A_7 = arith.constant 16 : i32
    %mul3A_8 = arith.muli %add3A_1, %mul3A_7 : i32
    %add3A_9 = arith.addi %mul3A_8, %arg1 : i32
    %mul3A_10 = arith.constant 2 : i32
    %mul3A_11 = arith.muli %add3A_9, %mul3A_10 : i32
    %add3A_12 = arith.constant 0 : i32
    %add3A_13 = arith.addi %mul3A_11, %add3A_12 : i32
    "tpu.region"() ({
      %run_scoped3A = tpu.sem_alloc : memref<!tpu.dma_semaphore, #tpu.memory_space<semaphore_mem>>
      %dma_start3A_136 = arith.constant 0 : i32
      %dma_start3A_137 = arith.constant 0 : i32
      %dma_start3A_138 = tpu.memref_slice %arg4[%add3A_13, %dma_start3A_136, %dma_start3A_137] : memref<128x40x125xi32, #tpu.memory_space<hbm>> -> memref<1x40x125xi32, #tpu.memory_space<hbm>>
      %dma_start3A_139 = tpu.memref_squeeze %dma_start3A_138 : memref<1x40x125xi32, #tpu.memory_space<hbm>> -> memref<40x125xi32, #tpu.memory_space<hbm>>
      %dma_start3A_140 = arith.constant 0 : i32
      %dma_start3A_141 = arith.constant 0 : i32
      %dma_start3A_142 = tpu.memref_slice %arg4[%add3A_13, %dma_start3A_140, %dma_start3A_141] : memref<128x40x125xi32, #tpu.memory_space<hbm>> -> memref<1x40x125xi32, #tpu.memory_space<hbm>>
      %dma_start3A_143 = tpu.memref_squeeze %dma_start3A_142 : memref<1x40x125xi32, #tpu.memory_space<hbm>> -> memref<40x125xi32, #tpu.memory_space<hbm>>
      tpu.enqueue_dma source(%dma_start3A_143 : memref<40x125xi32, #tpu.memory_space<hbm>>) target(%arg7 : memref<40x125xi32, #tpu.memory_space<vmem>>) target_semaphore(%run_scoped3A : memref<!tpu.dma_semaphore, #tpu.memory_space<semaphore_mem>>)
      %dma_wait3A = arith.constant 0 : i32
      %dma_wait3A_144 = arith.constant 0 : i32
      %dma_wait3A_145 = tpu.memref_slice %arg4[%add3A_13, %dma_wait3A, %dma_wait3A_144] : memref<128x40x125xi32, #tpu.memory_space<hbm>> -> memref<1x40x125xi32, #tpu.memory_space<hbm>>
      %dma_wait3A_146 = tpu.memref_squeeze %dma_wait3A_145 : memref<1x40x125xi32, #tpu.memory_space<hbm>> -> memref<40x125xi32, #tpu.memory_space<hbm>>
      %dma_wait3A_147 = arith.constant 0 : i32
      %dma_wait3A_148 = arith.constant 0 : i32
      %dma_wait3A_149 = tpu.memref_slice %arg4[%add3A_13, %dma_wait3A_147, %dma_wait3A_148] : memref<128x40x125xi32, #tpu.memory_space<hbm>> -> memref<1x40x125xi32, #tpu.memory_space<hbm>>
      %dma_wait3A_150 = tpu.memref_squeeze %dma_wait3A_149 : memref<1x40x125xi32, #tpu.memory_space<hbm>> -> memref<40x125xi32, #tpu.memory_space<hbm>>
      tpu.wait_dma2 semaphore(%run_scoped3A : memref<!tpu.dma_semaphore, #tpu.memory_space<semaphore_mem>>) src(%dma_wait3A_150 : memref<40x125xi32, #tpu.memory_space<hbm>>) dst(%arg7 : memref<40x125xi32, #tpu.memory_space<vmem>>)
      tpu.yield
    }) : () -> ()
    %dma_start3A = arith.constant 0 : i32
    %dma_start3A_14 = arith.constant 0 : i32
    %dma_start3A_15 = tpu.memref_slice %arg7[%dma_start3A, %dma_start3A_14] : memref<40x125xi32, #tpu.memory_space<vmem>> -> memref<1x125xi32, #tpu.memory_space<vmem>>
    %dma_start3A_16 = tpu.memref_squeeze %dma_start3A_15 : memref<1x125xi32, #tpu.memory_space<vmem>> -> memref<125xi32, #tpu.memory_space<vmem>>
    %dma_start3A_17 = arith.constant 0 : i32
    %dma_start3A_18 = arith.constant 0 : i32
    %dma_start3A_19 = tpu.memref_slice %arg2[%dma_start3A_17, %dma_start3A_18] : memref<40000x128xf32, #tpu.memory_space<hbm>> -> memref<40000x128xf32, #tpu.memory_space<hbm>>
    tpu.enqueue_indirect_dma source(%dma_start3A_19 : memref<40000x128xf32, #tpu.memory_space<hbm>>) target(%arg9 : memref<125x128xf32, #tpu.memory_space<vmem>>) offsets(%dma_start3A_16 : memref<125xi32, #tpu.memory_space<vmem>>) semaphore(%arg12 : memref<!tpu.dma_semaphore, #tpu.memory_space<semaphore_mem>>)
    %dma_start3A_20 = arith.constant 1 : i32
    %dma_start3A_21 = arith.constant 0 : i32
    %dma_start3A_22 = tpu.memref_slice %arg7[%dma_start3A_20, %dma_start3A_21] : memref<40x125xi32, #tpu.memory_space<vmem>> -> memref<1x125xi32, #tpu.memory_space<vmem>>
    %dma_start3A_23 = tpu.memref_squeeze %dma_start3A_22 : memref<1x125xi32, #tpu.memory_space<vmem>> -> memref<125xi32, #tpu.memory_space<vmem>>
    %dma_start3A_24 = arith.constant 0 : i32
    %dma_start3A_25 = arith.constant 0 : i32
    %dma_start3A_26 = tpu.memref_slice %arg2[%dma_start3A_24, %dma_start3A_25] : memref<40000x128xf32, #tpu.memory_space<hbm>> -> memref<40000x128xf32, #tpu.memory_space<hbm>>
    tpu.enqueue_indirect_dma source(%dma_start3A_26 : memref<40000x128xf32, #tpu.memory_space<hbm>>) target(%arg10 : memref<125x128xf32, #tpu.memory_space<vmem>>) offsets(%dma_start3A_23 : memref<125xi32, #tpu.memory_space<vmem>>) semaphore(%arg13 : memref<!tpu.dma_semaphore, #tpu.memory_space<semaphore_mem>>)
    %scan3A = arith.constant 0 : i32
    %scan3A_27 = arith.constant 0 : i32
    %scan3A_28 = arith.constant 20 : i32
    %scan3A_29 = arith.addi %scan3A_27, %scan3A_28 : i32
    %scan3A_30 = arith.constant 1 : i32
    scf.for %scan3A_136 = %scan3A_27 to %scan3A_29 step %scan3A_30  : i32 {
      %mul3A_137 = arith.constant 2 : i32
      %mul3A_138 = arith.muli %mul3A_137, %scan3A_136 : i32
      %add3A_139 = arith.constant 0 : i32
      %add3A_140 = arith.addi %mul3A_138, %add3A_139 : i32
      %dma_wait3A = arith.constant 0 : i32
      %dma_wait3A_141 = tpu.memref_slice %arg7[%add3A_140, %dma_wait3A] : memref<40x125xi32, #tpu.memory_space<vmem>> -> memref<1x125xi32, #tpu.memory_space<vmem>>
      %dma_wait3A_142 = tpu.memref_squeeze %dma_wait3A_141 : memref<1x125xi32, #tpu.memory_space<vmem>> -> memref<125xi32, #tpu.memory_space<vmem>>
      %dma_wait3A_143 = arith.constant 0 : i32
      %dma_wait3A_144 = arith.constant 0 : i32
      %dma_wait3A_145 = tpu.memref_slice %arg2[%dma_wait3A_143, %dma_wait3A_144] : memref<40000x128xf32, #tpu.memory_space<hbm>> -> memref<40000x128xf32, #tpu.memory_space<hbm>>
      tpu.wait_indirect_dma semaphore(%arg12 : memref<!tpu.dma_semaphore, #tpu.memory_space<semaphore_mem>>) src(%dma_wait3A_145 : memref<40000x128xf32, #tpu.memory_space<hbm>>) dst(%arg9 : memref<125x128xf32, #tpu.memory_space<vmem>>)
      %add3A_146 = arith.constant 0 : i32
      %add3A_147 = arith.addi %add3A_146, %add3A_140 : i32
      %dma_start3A_148 = arith.constant 0 : i32
      %dma_start3A_149 = tpu.memref_slice %arg8[%add3A_147, %dma_start3A_148] : memref<80x125xi32, #tpu.memory_space<vmem>> -> memref<1x125xi32, #tpu.memory_space<vmem>>
      %dma_start3A_150 = tpu.memref_squeeze %dma_start3A_149 : memref<1x125xi32, #tpu.memory_space<vmem>> -> memref<125xi32, #tpu.memory_space<vmem>>
      %dma_start3A_151 = arith.constant 0 : i32
      %dma_start3A_152 = arith.constant 0 : i32
      %dma_start3A_153 = tpu.memref_slice %arg11[%dma_start3A_151, %dma_start3A_152] : memref<10000x128xf32, #tpu.memory_space<vmem_shared>> -> memref<10000x128xf32, #tpu.memory_space<vmem_shared>>
      tpu.enqueue_indirect_dma source(%arg9 : memref<125x128xf32, #tpu.memory_space<vmem>>) target(%dma_start3A_153 : memref<10000x128xf32, #tpu.memory_space<vmem_shared>>) offsets(%dma_start3A_150 : memref<125xi32, #tpu.memory_space<vmem>>) semaphore(%arg14 : memref<!tpu.dma_semaphore, #tpu.memory_space<semaphore_mem>>) {add = true}
      %add3A_154 = arith.constant 0 : i32
      %add3A_155 = arith.addi %add3A_154, %add3A_140 : i32
      %dma_wait3A_156 = arith.constant 0 : i32
      %dma_wait3A_157 = tpu.memref_slice %arg8[%add3A_155, %dma_wait3A_156] : memref<80x125xi32, #tpu.memory_space<vmem>> -> memref<1x125xi32, #tpu.memory_space<vmem>>
      %dma_wait3A_158 = tpu.memref_squeeze %dma_wait3A_157 : memref<1x125xi32, #tpu.memory_space<vmem>> -> memref<125xi32, #tpu.memory_space<vmem>>
      %dma_wait3A_159 = arith.constant 0 : i32
      %dma_wait3A_160 = arith.constant 0 : i32
      %dma_wait3A_161 = tpu.memref_slice %arg11[%dma_wait3A_159, %dma_wait3A_160] : memref<10000x128xf32, #tpu.memory_space<vmem_shared>> -> memref<10000x128xf32, #tpu.memory_space<vmem_shared>>
      tpu.wait_indirect_dma semaphore(%arg14 : memref<!tpu.dma_semaphore, #tpu.memory_space<semaphore_mem>>) src(%arg9 : memref<125x128xf32, #tpu.memory_space<vmem>>) dst(%dma_wait3A_161 : memref<10000x128xf32, #tpu.memory_space<vmem_shared>>)
      %add3A_162 = arith.constant 2 : i32
      %add3A_163 = arith.addi %add3A_140, %add3A_162 : i32
      %lt3A = arith.constant 40 : i32
      %lt3A_164 = arith.cmpi slt, %add3A_163, %lt3A : i32
      %convert_element_type3A = arith.extui %lt3A_164 : i1 to i32
      %cond3A = arith.constant 0 : i32
      %cond3A_165 = arith.cmpi ne, %convert_element_type3A, %cond3A : i32
      scf.if %cond3A_165 {
        %add3A_199 = arith.constant 2 : i32
        %add3A_200 = arith.addi %add3A_140, %add3A_199 : i32
        %dma_start3A_201 = arith.constant 0 : i32
        %dma_start3A_202 = tpu.memref_slice %arg7[%add3A_200, %dma_start3A_201] : memref<40x125xi32, #tpu.memory_space<vmem>> -> memref<1x125xi32, #tpu.memory_space<vmem>>
        %dma_start3A_203 = tpu.memref_squeeze %dma_start3A_202 : memref<1x125xi32, #tpu.memory_space<vmem>> -> memref<125xi32, #tpu.memory_space<vmem>>
        %dma_start3A_204 = arith.constant 0 : i32
        %dma_start3A_205 = arith.constant 0 : i32
        %dma_start3A_206 = tpu.memref_slice %arg2[%dma_start3A_204, %dma_start3A_205] : memref<40000x128xf32, #tpu.memory_space<hbm>> -> memref<40000x128xf32, #tpu.memory_space<hbm>>
        tpu.enqueue_indirect_dma source(%dma_start3A_206 : memref<40000x128xf32, #tpu.memory_space<hbm>>) target(%arg9 : memref<125x128xf32, #tpu.memory_space<vmem>>) offsets(%dma_start3A_203 : memref<125xi32, #tpu.memory_space<vmem>>) semaphore(%arg12 : memref<!tpu.dma_semaphore, #tpu.memory_space<semaphore_mem>>)
      } else {
      }
      %mul3A_166 = arith.constant 2 : i32
      %mul3A_167 = arith.muli %mul3A_166, %scan3A_136 : i32
      %add3A_168 = arith.constant 1 : i32
      %add3A_169 = arith.addi %mul3A_167, %add3A_168 : i32
      %dma_wait3A_170 = arith.constant 0 : i32
      %dma_wait3A_171 = tpu.memref_slice %arg7[%add3A_169, %dma_wait3A_170] : memref<40x125xi32, #tpu.memory_space<vmem>> -> memref<1x125xi32, #tpu.memory_space<vmem>>
      %dma_wait3A_172 = tpu.memref_squeeze %dma_wait3A_171 : memref<1x125xi32, #tpu.memory_space<vmem>> -> memref<125xi32, #tpu.memory_space<vmem>>
      %dma_wait3A_173 = arith.constant 0 : i32
      %dma_wait3A_174 = arith.constant 0 : i32
      %dma_wait3A_175 = tpu.memref_slice %arg2[%dma_wait3A_173, %dma_wait3A_174] : memref<40000x128xf32, #tpu.memory_space<hbm>> -> memref<40000x128xf32, #tpu.memory_space<hbm>>
      tpu.wait_indirect_dma semaphore(%arg13 : memref<!tpu.dma_semaphore, #tpu.memory_space<semaphore_mem>>) src(%dma_wait3A_175 : memref<40000x128xf32, #tpu.memory_space<hbm>>) dst(%arg10 : memref<125x128xf32, #tpu.memory_space<vmem>>)
      %add3A_176 = arith.constant 0 : i32
      %add3A_177 = arith.addi %add3A_176, %add3A_169 : i32
      %dma_start3A_178 = arith.constant 0 : i32
      %dma_start3A_179 = tpu.memref_slice %arg8[%add3A_177, %dma_start3A_178] : memref<80x125xi32, #tpu.memory_space<vmem>> -> memref<1x125xi32, #tpu.memory_space<vmem>>
      %dma_start3A_180 = tpu.memref_squeeze %dma_start3A_179 : memref<1x125xi32, #tpu.memory_space<vmem>> -> memref<125xi32, #tpu.memory_space<vmem>>
      %dma_start3A_181 = arith.constant 0 : i32
      %dma_start3A_182 = arith.constant 0 : i32
      %dma_start3A_183 = tpu.memref_slice %arg11[%dma_start3A_181, %dma_start3A_182] : memref<10000x128xf32, #tpu.memory_space<vmem_shared>> -> memref<10000x128xf32, #tpu.memory_space<vmem_shared>>
      tpu.enqueue_indirect_dma source(%arg10 : memref<125x128xf32, #tpu.memory_space<vmem>>) target(%dma_start3A_183 : memref<10000x128xf32, #tpu.memory_space<vmem_shared>>) offsets(%dma_start3A_180 : memref<125xi32, #tpu.memory_space<vmem>>) semaphore(%arg15 : memref<!tpu.dma_semaphore, #tpu.memory_space<semaphore_mem>>) {add = true}
      %add3A_184 = arith.constant 0 : i32
      %add3A_185 = arith.addi %add3A_184, %add3A_169 : i32
      %dma_wait3A_186 = arith.constant 0 : i32
      %dma_wait3A_187 = tpu.memref_slice %arg8[%add3A_185, %dma_wait3A_186] : memref<80x125xi32, #tpu.memory_space<vmem>> -> memref<1x125xi32, #tpu.memory_space<vmem>>
      %dma_wait3A_188 = tpu.memref_squeeze %dma_wait3A_187 : memref<1x125xi32, #tpu.memory_space<vmem>> -> memref<125xi32, #tpu.memory_space<vmem>>
      %dma_wait3A_189 = arith.constant 0 : i32
      %dma_wait3A_190 = arith.constant 0 : i32
      %dma_wait3A_191 = tpu.memref_slice %arg11[%dma_wait3A_189, %dma_wait3A_190] : memref<10000x128xf32, #tpu.memory_space<vmem_shared>> -> memref<10000x128xf32, #tpu.memory_space<vmem_shared>>
      tpu.wait_indirect_dma semaphore(%arg15 : memref<!tpu.dma_semaphore, #tpu.memory_space<semaphore_mem>>) src(%arg10 : memref<125x128xf32, #tpu.memory_space<vmem>>) dst(%dma_wait3A_191 : memref<10000x128xf32, #tpu.memory_space<vmem_shared>>)
      %add3A_192 = arith.constant 2 : i32
      %add3A_193 = arith.addi %add3A_169, %add3A_192 : i32
      %lt3A_194 = arith.constant 40 : i32
      %lt3A_195 = arith.cmpi slt, %add3A_193, %lt3A_194 : i32
      %convert_element_type3A_196 = arith.extui %lt3A_195 : i1 to i32
      %cond3A_197 = arith.constant 0 : i32
      %cond3A_198 = arith.cmpi ne, %convert_element_type3A_196, %cond3A_197 : i32
      scf.if %cond3A_198 {
        %add3A_199 = arith.constant 2 : i32
        %add3A_200 = arith.addi %add3A_169, %add3A_199 : i32
        %dma_start3A_201 = arith.constant 0 : i32
        %dma_start3A_202 = tpu.memref_slice %arg7[%add3A_200, %dma_start3A_201] : memref<40x125xi32, #tpu.memory_space<vmem>> -> memref<1x125xi32, #tpu.memory_space<vmem>>
        %dma_start3A_203 = tpu.memref_squeeze %dma_start3A_202 : memref<1x125xi32, #tpu.memory_space<vmem>> -> memref<125xi32, #tpu.memory_space<vmem>>
        %dma_start3A_204 = arith.constant 0 : i32
        %dma_start3A_205 = arith.constant 0 : i32
        %dma_start3A_206 = tpu.memref_slice %arg2[%dma_start3A_204, %dma_start3A_205] : memref<40000x128xf32, #tpu.memory_space<hbm>> -> memref<40000x128xf32, #tpu.memory_space<hbm>>
        tpu.enqueue_indirect_dma source(%dma_start3A_206 : memref<40000x128xf32, #tpu.memory_space<hbm>>) target(%arg10 : memref<125x128xf32, #tpu.memory_space<vmem>>) offsets(%dma_start3A_203 : memref<125xi32, #tpu.memory_space<vmem>>) semaphore(%arg13 : memref<!tpu.dma_semaphore, #tpu.memory_space<semaphore_mem>>)
      } else {
      }
    }
    %scan3A_31 = arith.constant 20 : i32
    %mul3A_32 = arith.constant 16 : i32
    %mul3A_33 = arith.muli %add3A_1, %mul3A_32 : i32
    %add3A_34 = arith.addi %mul3A_33, %arg1 : i32
    %mul3A_35 = arith.constant 2 : i32
    %mul3A_36 = arith.muli %add3A_34, %mul3A_35 : i32
    %add3A_37 = arith.constant 1 : i32
    %add3A_38 = arith.addi %mul3A_36, %add3A_37 : i32
    "tpu.region"() ({
      %run_scoped3A = tpu.sem_alloc : memref<!tpu.dma_semaphore, #tpu.memory_space<semaphore_mem>>
      %dma_start3A_136 = arith.constant 0 : i32
      %dma_start3A_137 = arith.constant 0 : i32
      %dma_start3A_138 = tpu.memref_slice %arg4[%add3A_38, %dma_start3A_136, %dma_start3A_137] : memref<128x40x125xi32, #tpu.memory_space<hbm>> -> memref<1x40x125xi32, #tpu.memory_space<hbm>>
      %dma_start3A_139 = tpu.memref_squeeze %dma_start3A_138 : memref<1x40x125xi32, #tpu.memory_space<hbm>> -> memref<40x125xi32, #tpu.memory_space<hbm>>
      %dma_start3A_140 = arith.constant 0 : i32
      %dma_start3A_141 = arith.constant 0 : i32
      %dma_start3A_142 = tpu.memref_slice %arg4[%add3A_38, %dma_start3A_140, %dma_start3A_141] : memref<128x40x125xi32, #tpu.memory_space<hbm>> -> memref<1x40x125xi32, #tpu.memory_space<hbm>>
      %dma_start3A_143 = tpu.memref_squeeze %dma_start3A_142 : memref<1x40x125xi32, #tpu.memory_space<hbm>> -> memref<40x125xi32, #tpu.memory_space<hbm>>
      tpu.enqueue_dma source(%dma_start3A_143 : memref<40x125xi32, #tpu.memory_space<hbm>>) target(%arg7 : memref<40x125xi32, #tpu.memory_space<vmem>>) target_semaphore(%run_scoped3A : memref<!tpu.dma_semaphore, #tpu.memory_space<semaphore_mem>>)
      %dma_wait3A = arith.constant 0 : i32
      %dma_wait3A_144 = arith.constant 0 : i32
      %dma_wait3A_145 = tpu.memref_slice %arg4[%add3A_38, %dma_wait3A, %dma_wait3A_144] : memref<128x40x125xi32, #tpu.memory_space<hbm>> -> memref<1x40x125xi32, #tpu.memory_space<hbm>>
      %dma_wait3A_146 = tpu.memref_squeeze %dma_wait3A_145 : memref<1x40x125xi32, #tpu.memory_space<hbm>> -> memref<40x125xi32, #tpu.memory_space<hbm>>
      %dma_wait3A_147 = arith.constant 0 : i32
      %dma_wait3A_148 = arith.constant 0 : i32
      %dma_wait3A_149 = tpu.memref_slice %arg4[%add3A_38, %dma_wait3A_147, %dma_wait3A_148] : memref<128x40x125xi32, #tpu.memory_space<hbm>> -> memref<1x40x125xi32, #tpu.memory_space<hbm>>
      %dma_wait3A_150 = tpu.memref_squeeze %dma_wait3A_149 : memref<1x40x125xi32, #tpu.memory_space<hbm>> -> memref<40x125xi32, #tpu.memory_space<hbm>>
      tpu.wait_dma2 semaphore(%run_scoped3A : memref<!tpu.dma_semaphore, #tpu.memory_space<semaphore_mem>>) src(%dma_wait3A_150 : memref<40x125xi32, #tpu.memory_space<hbm>>) dst(%arg7 : memref<40x125xi32, #tpu.memory_space<vmem>>)
      tpu.yield
    }) : () -> ()
    %dma_start3A_39 = arith.constant 0 : i32
    %dma_start3A_40 = arith.constant 0 : i32
    %dma_start3A_41 = tpu.memref_slice %arg7[%dma_start3A_39, %dma_start3A_40] : memref<40x125xi32, #tpu.memory_space<vmem>> -> memref<1x125xi32, #tpu.memory_space<vmem>>
    %dma_start3A_42 = tpu.memref_squeeze %dma_start3A_41 : memref<1x125xi32, #tpu.memory_space<vmem>> -> memref<125xi32, #tpu.memory_space<vmem>>
    %dma_start3A_43 = arith.constant 0 : i32
    %dma_start3A_44 = arith.constant 0 : i32
    %dma_start3A_45 = tpu.memref_slice %arg2[%dma_start3A_43, %dma_start3A_44] : memref<40000x128xf32, #tpu.memory_space<hbm>> -> memref<40000x128xf32, #tpu.memory_space<hbm>>
    tpu.enqueue_indirect_dma source(%dma_start3A_45 : memref<40000x128xf32, #tpu.memory_space<hbm>>) target(%arg9 : memref<125x128xf32, #tpu.memory_space<vmem>>) offsets(%dma_start3A_42 : memref<125xi32, #tpu.memory_space<vmem>>) semaphore(%arg12 : memref<!tpu.dma_semaphore, #tpu.memory_space<semaphore_mem>>)
    %dma_start3A_46 = arith.constant 1 : i32
    %dma_start3A_47 = arith.constant 0 : i32
    %dma_start3A_48 = tpu.memref_slice %arg7[%dma_start3A_46, %dma_start3A_47] : memref<40x125xi32, #tpu.memory_space<vmem>> -> memref<1x125xi32, #tpu.memory_space<vmem>>
    %dma_start3A_49 = tpu.memref_squeeze %dma_start3A_48 : memref<1x125xi32, #tpu.memory_space<vmem>> -> memref<125xi32, #tpu.memory_space<vmem>>
    %dma_start3A_50 = arith.constant 0 : i32
    %dma_start3A_51 = arith.constant 0 : i32
    %dma_start3A_52 = tpu.memref_slice %arg2[%dma_start3A_50, %dma_start3A_51] : memref<40000x128xf32, #tpu.memory_space<hbm>> -> memref<40000x128xf32, #tpu.memory_space<hbm>>
    tpu.enqueue_indirect_dma source(%dma_start3A_52 : memref<40000x128xf32, #tpu.memory_space<hbm>>) target(%arg10 : memref<125x128xf32, #tpu.memory_space<vmem>>) offsets(%dma_start3A_49 : memref<125xi32, #tpu.memory_space<vmem>>) semaphore(%arg13 : memref<!tpu.dma_semaphore, #tpu.memory_space<semaphore_mem>>)
    %scan3A_53 = arith.constant 0 : i32
    %scan3A_54 = arith.constant 0 : i32
    %scan3A_55 = arith.constant 20 : i32
    %scan3A_56 = arith.addi %scan3A_54, %scan3A_55 : i32
    %scan3A_57 = arith.constant 1 : i32
    scf.for %scan3A_136 = %scan3A_54 to %scan3A_56 step %scan3A_57  : i32 {
      %mul3A_137 = arith.constant 2 : i32
      %mul3A_138 = arith.muli %mul3A_137, %scan3A_136 : i32
      %add3A_139 = arith.constant 0 : i32
      %add3A_140 = arith.addi %mul3A_138, %add3A_139 : i32
      %dma_wait3A = arith.constant 0 : i32
      %dma_wait3A_141 = tpu.memref_slice %arg7[%add3A_140, %dma_wait3A] : memref<40x125xi32, #tpu.memory_space<vmem>> -> memref<1x125xi32, #tpu.memory_space<vmem>>
      %dma_wait3A_142 = tpu.memref_squeeze %dma_wait3A_141 : memref<1x125xi32, #tpu.memory_space<vmem>> -> memref<125xi32, #tpu.memory_space<vmem>>
      %dma_wait3A_143 = arith.constant 0 : i32
      %dma_wait3A_144 = arith.constant 0 : i32
      %dma_wait3A_145 = tpu.memref_slice %arg2[%dma_wait3A_143, %dma_wait3A_144] : memref<40000x128xf32, #tpu.memory_space<hbm>> -> memref<40000x128xf32, #tpu.memory_space<hbm>>
      tpu.wait_indirect_dma semaphore(%arg12 : memref<!tpu.dma_semaphore, #tpu.memory_space<semaphore_mem>>) src(%dma_wait3A_145 : memref<40000x128xf32, #tpu.memory_space<hbm>>) dst(%arg9 : memref<125x128xf32, #tpu.memory_space<vmem>>)
      %add3A_146 = arith.constant 40 : i32
      %add3A_147 = arith.addi %add3A_146, %add3A_140 : i32
      %dma_start3A_148 = arith.constant 0 : i32
      %dma_start3A_149 = tpu.memref_slice %arg8[%add3A_147, %dma_start3A_148] : memref<80x125xi32, #tpu.memory_space<vmem>> -> memref<1x125xi32, #tpu.memory_space<vmem>>
      %dma_start3A_150 = tpu.memref_squeeze %dma_start3A_149 : memref<1x125xi32, #tpu.memory_space<vmem>> -> memref<125xi32, #tpu.memory_space<vmem>>
      %dma_start3A_151 = arith.constant 0 : i32
      %dma_start3A_152 = arith.constant 0 : i32
      %dma_start3A_153 = tpu.memref_slice %arg11[%dma_start3A_151, %dma_start3A_152] : memref<10000x128xf32, #tpu.memory_space<vmem_shared>> -> memref<10000x128xf32, #tpu.memory_space<vmem_shared>>
      tpu.enqueue_indirect_dma source(%arg9 : memref<125x128xf32, #tpu.memory_space<vmem>>) target(%dma_start3A_153 : memref<10000x128xf32, #tpu.memory_space<vmem_shared>>) offsets(%dma_start3A_150 : memref<125xi32, #tpu.memory_space<vmem>>) semaphore(%arg14 : memref<!tpu.dma_semaphore, #tpu.memory_space<semaphore_mem>>) {add = true}
      %add3A_154 = arith.constant 40 : i32
      %add3A_155 = arith.addi %add3A_154, %add3A_140 : i32
      %dma_wait3A_156 = arith.constant 0 : i32
      %dma_wait3A_157 = tpu.memref_slice %arg8[%add3A_155, %dma_wait3A_156] : memref<80x125xi32, #tpu.memory_space<vmem>> -> memref<1x125xi32, #tpu.memory_space<vmem>>
      %dma_wait3A_158 = tpu.memref_squeeze %dma_wait3A_157 : memref<1x125xi32, #tpu.memory_space<vmem>> -> memref<125xi32, #tpu.memory_space<vmem>>
      %dma_wait3A_159 = arith.constant 0 : i32
      %dma_wait3A_160 = arith.constant 0 : i32
      %dma_wait3A_161 = tpu.memref_slice %arg11[%dma_wait3A_159, %dma_wait3A_160] : memref<10000x128xf32, #tpu.memory_space<vmem_shared>> -> memref<10000x128xf32, #tpu.memory_space<vmem_shared>>
      tpu.wait_indirect_dma semaphore(%arg14 : memref<!tpu.dma_semaphore, #tpu.memory_space<semaphore_mem>>) src(%arg9 : memref<125x128xf32, #tpu.memory_space<vmem>>) dst(%dma_wait3A_161 : memref<10000x128xf32, #tpu.memory_space<vmem_shared>>)
      %add3A_162 = arith.constant 2 : i32
      %add3A_163 = arith.addi %add3A_140, %add3A_162 : i32
      %lt3A = arith.constant 40 : i32
      %lt3A_164 = arith.cmpi slt, %add3A_163, %lt3A : i32
      %convert_element_type3A = arith.extui %lt3A_164 : i1 to i32
      %cond3A = arith.constant 0 : i32
      %cond3A_165 = arith.cmpi ne, %convert_element_type3A, %cond3A : i32
      scf.if %cond3A_165 {
        %add3A_199 = arith.constant 2 : i32
        %add3A_200 = arith.addi %add3A_140, %add3A_199 : i32
        %dma_start3A_201 = arith.constant 0 : i32
        %dma_start3A_202 = tpu.memref_slice %arg7[%add3A_200, %dma_start3A_201] : memref<40x125xi32, #tpu.memory_space<vmem>> -> memref<1x125xi32, #tpu.memory_space<vmem>>
        %dma_start3A_203 = tpu.memref_squeeze %dma_start3A_202 : memref<1x125xi32, #tpu.memory_space<vmem>> -> memref<125xi32, #tpu.memory_space<vmem>>
        %dma_start3A_204 = arith.constant 0 : i32
        %dma_start3A_205 = arith.constant 0 : i32
        %dma_start3A_206 = tpu.memref_slice %arg2[%dma_start3A_204, %dma_start3A_205] : memref<40000x128xf32, #tpu.memory_space<hbm>> -> memref<40000x128xf32, #tpu.memory_space<hbm>>
        tpu.enqueue_indirect_dma source(%dma_start3A_206 : memref<40000x128xf32, #tpu.memory_space<hbm>>) target(%arg9 : memref<125x128xf32, #tpu.memory_space<vmem>>) offsets(%dma_start3A_203 : memref<125xi32, #tpu.memory_space<vmem>>) semaphore(%arg12 : memref<!tpu.dma_semaphore, #tpu.memory_space<semaphore_mem>>)
      } else {
      }
      %mul3A_166 = arith.constant 2 : i32
      %mul3A_167 = arith.muli %mul3A_166, %scan3A_136 : i32
      %add3A_168 = arith.constant 1 : i32
      %add3A_169 = arith.addi %mul3A_167, %add3A_168 : i32
      %dma_wait3A_170 = arith.constant 0 : i32
      %dma_wait3A_171 = tpu.memref_slice %arg7[%add3A_169, %dma_wait3A_170] : memref<40x125xi32, #tpu.memory_space<vmem>> -> memref<1x125xi32, #tpu.memory_space<vmem>>
      %dma_wait3A_172 = tpu.memref_squeeze %dma_wait3A_171 : memref<1x125xi32, #tpu.memory_space<vmem>> -> memref<125xi32, #tpu.memory_space<vmem>>
      %dma_wait3A_173 = arith.constant 0 : i32
      %dma_wait3A_174 = arith.constant 0 : i32
      %dma_wait3A_175 = tpu.memref_slice %arg2[%dma_wait3A_173, %dma_wait3A_174] : memref<40000x128xf32, #tpu.memory_space<hbm>> -> memref<40000x128xf32, #tpu.memory_space<hbm>>
      tpu.wait_indirect_dma semaphore(%arg13 : memref<!tpu.dma_semaphore, #tpu.memory_space<semaphore_mem>>) src(%dma_wait3A_175 : memref<40000x128xf32, #tpu.memory_space<hbm>>) dst(%arg10 : memref<125x128xf32, #tpu.memory_space<vmem>>)
      %add3A_176 = arith.constant 40 : i32
      %add3A_177 = arith.addi %add3A_176, %add3A_169 : i32
      %dma_start3A_178 = arith.constant 0 : i32
      %dma_start3A_179 = tpu.memref_slice %arg8[%add3A_177, %dma_start3A_178] : memref<80x125xi32, #tpu.memory_space<vmem>> -> memref<1x125xi32, #tpu.memory_space<vmem>>
      %dma_start3A_180 = tpu.memref_squeeze %dma_start3A_179 : memref<1x125xi32, #tpu.memory_space<vmem>> -> memref<125xi32, #tpu.memory_space<vmem>>
      %dma_start3A_181 = arith.constant 0 : i32
      %dma_start3A_182 = arith.constant 0 : i32
      %dma_start3A_183 = tpu.memref_slice %arg11[%dma_start3A_181, %dma_start3A_182] : memref<10000x128xf32, #tpu.memory_space<vmem_shared>> -> memref<10000x128xf32, #tpu.memory_space<vmem_shared>>
      tpu.enqueue_indirect_dma source(%arg10 : memref<125x128xf32, #tpu.memory_space<vmem>>) target(%dma_start3A_183 : memref<10000x128xf32, #tpu.memory_space<vmem_shared>>) offsets(%dma_start3A_180 : memref<125xi32, #tpu.memory_space<vmem>>) semaphore(%arg15 : memref<!tpu.dma_semaphore, #tpu.memory_space<semaphore_mem>>) {add = true}
      %add3A_184 = arith.constant 40 : i32
      %add3A_185 = arith.addi %add3A_184, %add3A_169 : i32
      %dma_wait3A_186 = arith.constant 0 : i32
      %dma_wait3A_187 = tpu.memref_slice %arg8[%add3A_185, %dma_wait3A_186] : memref<80x125xi32, #tpu.memory_space<vmem>> -> memref<1x125xi32, #tpu.memory_space<vmem>>
      %dma_wait3A_188 = tpu.memref_squeeze %dma_wait3A_187 : memref<1x125xi32, #tpu.memory_space<vmem>> -> memref<125xi32, #tpu.memory_space<vmem>>
      %dma_wait3A_189 = arith.constant 0 : i32
      %dma_wait3A_190 = arith.constant 0 : i32
      %dma_wait3A_191 = tpu.memref_slice %arg11[%dma_wait3A_189, %dma_wait3A_190] : memref<10000x128xf32, #tpu.memory_space<vmem_shared>> -> memref<10000x128xf32, #tpu.memory_space<vmem_shared>>
      tpu.wait_indirect_dma semaphore(%arg15 : memref<!tpu.dma_semaphore, #tpu.memory_space<semaphore_mem>>) src(%arg10 : memref<125x128xf32, #tpu.memory_space<vmem>>) dst(%dma_wait3A_191 : memref<10000x128xf32, #tpu.memory_space<vmem_shared>>)
      %add3A_192 = arith.constant 2 : i32
      %add3A_193 = arith.addi %add3A_169, %add3A_192 : i32
      %lt3A_194 = arith.constant 40 : i32
      %lt3A_195 = arith.cmpi slt, %add3A_193, %lt3A_194 : i32
      %convert_element_type3A_196 = arith.extui %lt3A_195 : i1 to i32
      %cond3A_197 = arith.constant 0 : i32
      %cond3A_198 = arith.cmpi ne, %convert_element_type3A_196, %cond3A_197 : i32
      scf.if %cond3A_198 {
        %add3A_199 = arith.constant 2 : i32
        %add3A_200 = arith.addi %add3A_169, %add3A_199 : i32
        %dma_start3A_201 = arith.constant 0 : i32
        %dma_start3A_202 = tpu.memref_slice %arg7[%add3A_200, %dma_start3A_201] : memref<40x125xi32, #tpu.memory_space<vmem>> -> memref<1x125xi32, #tpu.memory_space<vmem>>
        %dma_start3A_203 = tpu.memref_squeeze %dma_start3A_202 : memref<1x125xi32, #tpu.memory_space<vmem>> -> memref<125xi32, #tpu.memory_space<vmem>>
        %dma_start3A_204 = arith.constant 0 : i32
        %dma_start3A_205 = arith.constant 0 : i32
        %dma_start3A_206 = tpu.memref_slice %arg2[%dma_start3A_204, %dma_start3A_205] : memref<40000x128xf32, #tpu.memory_space<hbm>> -> memref<40000x128xf32, #tpu.memory_space<hbm>>
        tpu.enqueue_indirect_dma source(%dma_start3A_206 : memref<40000x128xf32, #tpu.memory_space<hbm>>) target(%arg10 : memref<125x128xf32, #tpu.memory_space<vmem>>) offsets(%dma_start3A_203 : memref<125xi32, #tpu.memory_space<vmem>>) semaphore(%arg13 : memref<!tpu.dma_semaphore, #tpu.memory_space<semaphore_mem>>)
      } else {
      }
    }
    %scan3A_58 = arith.constant 20 : i32
    %barrier3A_59 = arith.constant 0 : index
    tpu.barrier barrier_id(%barrier3A_59)
    %mul3A_60 = arith.constant 625 : i32
    %mul3A_61 = arith.muli %arg1, %mul3A_60 : i32
    %mul3A_62 = arith.constant 16 : i32
    %mul3A_63 = arith.muli %add3A_1, %mul3A_62 : i32
    %add3A_64 = arith.addi %mul3A_63, %arg1 : i32
    "tpu.region"() ({
      %run_scoped3A = tpu.sem_alloc : memref<!tpu.dma_semaphore, #tpu.memory_space<semaphore_mem>>
      %dma_start3A_136 = arith.constant 0 : i32
      %dma_start3A_137 = arith.constant 0 : i32
      %dma_start3A_138 = tpu.memref_slice %arg6[%add3A_64, %dma_start3A_136, %dma_start3A_137] : memref<64x625x128xf32, #tpu.memory_space<hbm>> -> memref<1x625x128xf32, #tpu.memory_space<hbm>>
      %dma_start3A_139 = tpu.memref_squeeze %dma_start3A_138 : memref<1x625x128xf32, #tpu.memory_space<hbm>> -> memref<625x128xf32, #tpu.memory_space<hbm>>
      %dma_start3A_140 = arith.constant 0 : i32
      %dma_start3A_141 = tpu.memref_slice %arg11[%mul3A_61, %dma_start3A_140] : memref<10000x128xf32, #tpu.memory_space<vmem_shared>> -> memref<625x128xf32, #tpu.memory_space<vmem_shared>>
      tpu.enqueue_dma source(%dma_start3A_141 : memref<625x128xf32, #tpu.memory_space<vmem_shared>>) target(%dma_start3A_139 : memref<625x128xf32, #tpu.memory_space<hbm>>) target_semaphore(%run_scoped3A : memref<!tpu.dma_semaphore, #tpu.memory_space<semaphore_mem>>)
      %dma_wait3A = arith.constant 0 : i32
      %dma_wait3A_142 = arith.constant 0 : i32
      %dma_wait3A_143 = tpu.memref_slice %arg6[%add3A_64, %dma_wait3A, %dma_wait3A_142] : memref<64x625x128xf32, #tpu.memory_space<hbm>> -> memref<1x625x128xf32, #tpu.memory_space<hbm>>
      %dma_wait3A_144 = tpu.memref_squeeze %dma_wait3A_143 : memref<1x625x128xf32, #tpu.memory_space<hbm>> -> memref<625x128xf32, #tpu.memory_space<hbm>>
      %dma_wait3A_145 = arith.constant 0 : i32
      %dma_wait3A_146 = tpu.memref_slice %arg11[%mul3A_61, %dma_wait3A_145] : memref<10000x128xf32, #tpu.memory_space<vmem_shared>> -> memref<625x128xf32, #tpu.memory_space<vmem_shared>>
      tpu.wait_dma2 semaphore(%run_scoped3A : memref<!tpu.dma_semaphore, #tpu.memory_space<semaphore_mem>>) src(%dma_wait3A_146 : memref<625x128xf32, #tpu.memory_space<vmem_shared>>) dst(%dma_wait3A_144 : memref<625x128xf32, #tpu.memory_space<hbm>>)
      tpu.yield
    }) : () -> ()
    %barrier3A_65 = arith.constant 0 : index
    tpu.barrier barrier_id(%barrier3A_65)
    %mul3A_66 = arith.constant 2 : i32
    %mul3A_67 = arith.muli %arg0, %mul3A_66 : i32
    %add3A_68 = arith.constant 1 : i32
    %add3A_69 = arith.addi %mul3A_67, %add3A_68 : i32
    %mul3A_70 = arith.constant 16 : i32
    %mul3A_71 = arith.muli %add3A_69, %mul3A_70 : i32
    %add3A_72 = arith.addi %mul3A_71, %arg1 : i32
    %mul3A_73 = arith.constant 625 : i32
    %mul3A_74 = arith.muli %arg1, %mul3A_73 : i32
    "tpu.region"() ({
      %run_scoped3A = tpu.sem_alloc : memref<!tpu.dma_semaphore, #tpu.memory_space<semaphore_mem>>
      %dma_start3A_136 = arith.constant 0 : i32
      %dma_start3A_137 = tpu.memref_slice %arg11[%mul3A_74, %dma_start3A_136] : memref<10000x128xf32, #tpu.memory_space<vmem_shared>> -> memref<625x128xf32, #tpu.memory_space<vmem_shared>>
      %dma_start3A_138 = arith.constant 0 : i32
      %dma_start3A_139 = arith.constant 0 : i32
      %dma_start3A_140 = tpu.memref_slice %arg3[%add3A_72, %dma_start3A_138, %dma_start3A_139] : memref<64x625x128xf32, #tpu.memory_space<hbm>> -> memref<1x625x128xf32, #tpu.memory_space<hbm>>
      %dma_start3A_141 = tpu.memref_squeeze %dma_start3A_140 : memref<1x625x128xf32, #tpu.memory_space<hbm>> -> memref<625x128xf32, #tpu.memory_space<hbm>>
      tpu.enqueue_dma source(%dma_start3A_141 : memref<625x128xf32, #tpu.memory_space<hbm>>) target(%dma_start3A_137 : memref<625x128xf32, #tpu.memory_space<vmem_shared>>) target_semaphore(%run_scoped3A : memref<!tpu.dma_semaphore, #tpu.memory_space<semaphore_mem>>)
      %dma_wait3A = arith.constant 0 : i32
      %dma_wait3A_142 = tpu.memref_slice %arg11[%mul3A_74, %dma_wait3A] : memref<10000x128xf32, #tpu.memory_space<vmem_shared>> -> memref<625x128xf32, #tpu.memory_space<vmem_shared>>
      %dma_wait3A_143 = arith.constant 0 : i32
      %dma_wait3A_144 = arith.constant 0 : i32
      %dma_wait3A_145 = tpu.memref_slice %arg3[%add3A_72, %dma_wait3A_143, %dma_wait3A_144] : memref<64x625x128xf32, #tpu.memory_space<hbm>> -> memref<1x625x128xf32, #tpu.memory_space<hbm>>
      %dma_wait3A_146 = tpu.memref_squeeze %dma_wait3A_145 : memref<1x625x128xf32, #tpu.memory_space<hbm>> -> memref<625x128xf32, #tpu.memory_space<hbm>>
      tpu.wait_dma2 semaphore(%run_scoped3A : memref<!tpu.dma_semaphore, #tpu.memory_space<semaphore_mem>>) src(%dma_wait3A_146 : memref<625x128xf32, #tpu.memory_space<hbm>>) dst(%dma_wait3A_142 : memref<625x128xf32, #tpu.memory_space<vmem_shared>>)
      tpu.yield
    }) : () -> ()
    %barrier3A_75 = arith.constant 0 : index
    tpu.barrier barrier_id(%barrier3A_75)
    %mul3A_76 = arith.constant 16 : i32
    %mul3A_77 = arith.muli %add3A_69, %mul3A_76 : i32
    %add3A_78 = arith.addi %mul3A_77, %arg1 : i32
    %mul3A_79 = arith.constant 2 : i32
    %mul3A_80 = arith.muli %add3A_78, %mul3A_79 : i32
    %add3A_81 = arith.constant 0 : i32
    %add3A_82 = arith.addi %mul3A_80, %add3A_81 : i32
    "tpu.region"() ({
      %run_scoped3A = tpu.sem_alloc : memref<!tpu.dma_semaphore, #tpu.memory_space<semaphore_mem>>
      %dma_start3A_136 = arith.constant 0 : i32
      %dma_start3A_137 = arith.constant 0 : i32
      %dma_start3A_138 = tpu.memref_slice %arg4[%add3A_82, %dma_start3A_136, %dma_start3A_137] : memref<128x40x125xi32, #tpu.memory_space<hbm>> -> memref<1x40x125xi32, #tpu.memory_space<hbm>>
      %dma_start3A_139 = tpu.memref_squeeze %dma_start3A_138 : memref<1x40x125xi32, #tpu.memory_space<hbm>> -> memref<40x125xi32, #tpu.memory_space<hbm>>
      %dma_start3A_140 = arith.constant 0 : i32
      %dma_start3A_141 = arith.constant 0 : i32
      %dma_start3A_142 = tpu.memref_slice %arg4[%add3A_82, %dma_start3A_140, %dma_start3A_141] : memref<128x40x125xi32, #tpu.memory_space<hbm>> -> memref<1x40x125xi32, #tpu.memory_space<hbm>>
      %dma_start3A_143 = tpu.memref_squeeze %dma_start3A_142 : memref<1x40x125xi32, #tpu.memory_space<hbm>> -> memref<40x125xi32, #tpu.memory_space<hbm>>
      tpu.enqueue_dma source(%dma_start3A_143 : memref<40x125xi32, #tpu.memory_space<hbm>>) target(%arg7 : memref<40x125xi32, #tpu.memory_space<vmem>>) target_semaphore(%run_scoped3A : memref<!tpu.dma_semaphore, #tpu.memory_space<semaphore_mem>>)
      %dma_wait3A = arith.constant 0 : i32
      %dma_wait3A_144 = arith.constant 0 : i32
      %dma_wait3A_145 = tpu.memref_slice %arg4[%add3A_82, %dma_wait3A, %dma_wait3A_144] : memref<128x40x125xi32, #tpu.memory_space<hbm>> -> memref<1x40x125xi32, #tpu.memory_space<hbm>>
      %dma_wait3A_146 = tpu.memref_squeeze %dma_wait3A_145 : memref<1x40x125xi32, #tpu.memory_space<hbm>> -> memref<40x125xi32, #tpu.memory_space<hbm>>
      %dma_wait3A_147 = arith.constant 0 : i32
      %dma_wait3A_148 = arith.constant 0 : i32
      %dma_wait3A_149 = tpu.memref_slice %arg4[%add3A_82, %dma_wait3A_147, %dma_wait3A_148] : memref<128x40x125xi32, #tpu.memory_space<hbm>> -> memref<1x40x125xi32, #tpu.memory_space<hbm>>
      %dma_wait3A_150 = tpu.memref_squeeze %dma_wait3A_149 : memref<1x40x125xi32, #tpu.memory_space<hbm>> -> memref<40x125xi32, #tpu.memory_space<hbm>>
      tpu.wait_dma2 semaphore(%run_scoped3A : memref<!tpu.dma_semaphore, #tpu.memory_space<semaphore_mem>>) src(%dma_wait3A_150 : memref<40x125xi32, #tpu.memory_space<hbm>>) dst(%arg7 : memref<40x125xi32, #tpu.memory_space<vmem>>)
      tpu.yield
    }) : () -> ()
    %dma_start3A_83 = arith.constant 0 : i32
    %dma_start3A_84 = arith.constant 0 : i32
    %dma_start3A_85 = tpu.memref_slice %arg7[%dma_start3A_83, %dma_start3A_84] : memref<40x125xi32, #tpu.memory_space<vmem>> -> memref<1x125xi32, #tpu.memory_space<vmem>>
    %dma_start3A_86 = tpu.memref_squeeze %dma_start3A_85 : memref<1x125xi32, #tpu.memory_space<vmem>> -> memref<125xi32, #tpu.memory_space<vmem>>
    %dma_start3A_87 = arith.constant 0 : i32
    %dma_start3A_88 = arith.constant 0 : i32
    %dma_start3A_89 = tpu.memref_slice %arg2[%dma_start3A_87, %dma_start3A_88] : memref<40000x128xf32, #tpu.memory_space<hbm>> -> memref<40000x128xf32, #tpu.memory_space<hbm>>
    tpu.enqueue_indirect_dma source(%dma_start3A_89 : memref<40000x128xf32, #tpu.memory_space<hbm>>) target(%arg9 : memref<125x128xf32, #tpu.memory_space<vmem>>) offsets(%dma_start3A_86 : memref<125xi32, #tpu.memory_space<vmem>>) semaphore(%arg12 : memref<!tpu.dma_semaphore, #tpu.memory_space<semaphore_mem>>)
    %dma_start3A_90 = arith.constant 1 : i32
    %dma_start3A_91 = arith.constant 0 : i32
    %dma_start3A_92 = tpu.memref_slice %arg7[%dma_start3A_90, %dma_start3A_91] : memref<40x125xi32, #tpu.memory_space<vmem>> -> memref<1x125xi32, #tpu.memory_space<vmem>>
    %dma_start3A_93 = tpu.memref_squeeze %dma_start3A_92 : memref<1x125xi32, #tpu.memory_space<vmem>> -> memref<125xi32, #tpu.memory_space<vmem>>
    %dma_start3A_94 = arith.constant 0 : i32
    %dma_start3A_95 = arith.constant 0 : i32
    %dma_start3A_96 = tpu.memref_slice %arg2[%dma_start3A_94, %dma_start3A_95] : memref<40000x128xf32, #tpu.memory_space<hbm>> -> memref<40000x128xf32, #tpu.memory_space<hbm>>
    tpu.enqueue_indirect_dma source(%dma_start3A_96 : memref<40000x128xf32, #tpu.memory_space<hbm>>) target(%arg10 : memref<125x128xf32, #tpu.memory_space<vmem>>) offsets(%dma_start3A_93 : memref<125xi32, #tpu.memory_space<vmem>>) semaphore(%arg13 : memref<!tpu.dma_semaphore, #tpu.memory_space<semaphore_mem>>)
    %scan3A_97 = arith.constant 0 : i32
    %scan3A_98 = arith.constant 0 : i32
    %scan3A_99 = arith.constant 20 : i32
    %scan3A_100 = arith.addi %scan3A_98, %scan3A_99 : i32
    %scan3A_101 = arith.constant 1 : i32
    scf.for %scan3A_136 = %scan3A_98 to %scan3A_100 step %scan3A_101  : i32 {
      %mul3A_137 = arith.constant 2 : i32
      %mul3A_138 = arith.muli %mul3A_137, %scan3A_136 : i32
      %add3A_139 = arith.constant 0 : i32
      %add3A_140 = arith.addi %mul3A_138, %add3A_139 : i32
      %dma_wait3A = arith.constant 0 : i32
      %dma_wait3A_141 = tpu.memref_slice %arg7[%add3A_140, %dma_wait3A] : memref<40x125xi32, #tpu.memory_space<vmem>> -> memref<1x125xi32, #tpu.memory_space<vmem>>
      %dma_wait3A_142 = tpu.memref_squeeze %dma_wait3A_141 : memref<1x125xi32, #tpu.memory_space<vmem>> -> memref<125xi32, #tpu.memory_space<vmem>>
      %dma_wait3A_143 = arith.constant 0 : i32
      %dma_wait3A_144 = arith.constant 0 : i32
      %dma_wait3A_145 = tpu.memref_slice %arg2[%dma_wait3A_143, %dma_wait3A_144] : memref<40000x128xf32, #tpu.memory_space<hbm>> -> memref<40000x128xf32, #tpu.memory_space<hbm>>
      tpu.wait_indirect_dma semaphore(%arg12 : memref<!tpu.dma_semaphore, #tpu.memory_space<semaphore_mem>>) src(%dma_wait3A_145 : memref<40000x128xf32, #tpu.memory_space<hbm>>) dst(%arg9 : memref<125x128xf32, #tpu.memory_space<vmem>>)
      %add3A_146 = arith.constant 0 : i32
      %add3A_147 = arith.addi %add3A_146, %add3A_140 : i32
      %dma_start3A_148 = arith.constant 0 : i32
      %dma_start3A_149 = tpu.memref_slice %arg8[%add3A_147, %dma_start3A_148] : memref<80x125xi32, #tpu.memory_space<vmem>> -> memref<1x125xi32, #tpu.memory_space<vmem>>
      %dma_start3A_150 = tpu.memref_squeeze %dma_start3A_149 : memref<1x125xi32, #tpu.memory_space<vmem>> -> memref<125xi32, #tpu.memory_space<vmem>>
      %dma_start3A_151 = arith.constant 0 : i32
      %dma_start3A_152 = arith.constant 0 : i32
      %dma_start3A_153 = tpu.memref_slice %arg11[%dma_start3A_151, %dma_start3A_152] : memref<10000x128xf32, #tpu.memory_space<vmem_shared>> -> memref<10000x128xf32, #tpu.memory_space<vmem_shared>>
      tpu.enqueue_indirect_dma source(%arg9 : memref<125x128xf32, #tpu.memory_space<vmem>>) target(%dma_start3A_153 : memref<10000x128xf32, #tpu.memory_space<vmem_shared>>) offsets(%dma_start3A_150 : memref<125xi32, #tpu.memory_space<vmem>>) semaphore(%arg14 : memref<!tpu.dma_semaphore, #tpu.memory_space<semaphore_mem>>) {add = true}
      %add3A_154 = arith.constant 0 : i32
      %add3A_155 = arith.addi %add3A_154, %add3A_140 : i32
      %dma_wait3A_156 = arith.constant 0 : i32
      %dma_wait3A_157 = tpu.memref_slice %arg8[%add3A_155, %dma_wait3A_156] : memref<80x125xi32, #tpu.memory_space<vmem>> -> memref<1x125xi32, #tpu.memory_space<vmem>>
      %dma_wait3A_158 = tpu.memref_squeeze %dma_wait3A_157 : memref<1x125xi32, #tpu.memory_space<vmem>> -> memref<125xi32, #tpu.memory_space<vmem>>
      %dma_wait3A_159 = arith.constant 0 : i32
      %dma_wait3A_160 = arith.constant 0 : i32
      %dma_wait3A_161 = tpu.memref_slice %arg11[%dma_wait3A_159, %dma_wait3A_160] : memref<10000x128xf32, #tpu.memory_space<vmem_shared>> -> memref<10000x128xf32, #tpu.memory_space<vmem_shared>>
      tpu.wait_indirect_dma semaphore(%arg14 : memref<!tpu.dma_semaphore, #tpu.memory_space<semaphore_mem>>) src(%arg9 : memref<125x128xf32, #tpu.memory_space<vmem>>) dst(%dma_wait3A_161 : memref<10000x128xf32, #tpu.memory_space<vmem_shared>>)
      %add3A_162 = arith.constant 2 : i32
      %add3A_163 = arith.addi %add3A_140, %add3A_162 : i32
      %lt3A = arith.constant 40 : i32
      %lt3A_164 = arith.cmpi slt, %add3A_163, %lt3A : i32
      %convert_element_type3A = arith.extui %lt3A_164 : i1 to i32
      %cond3A = arith.constant 0 : i32
      %cond3A_165 = arith.cmpi ne, %convert_element_type3A, %cond3A : i32
      scf.if %cond3A_165 {
        %add3A_199 = arith.constant 2 : i32
        %add3A_200 = arith.addi %add3A_140, %add3A_199 : i32
        %dma_start3A_201 = arith.constant 0 : i32
        %dma_start3A_202 = tpu.memref_slice %arg7[%add3A_200, %dma_start3A_201] : memref<40x125xi32, #tpu.memory_space<vmem>> -> memref<1x125xi32, #tpu.memory_space<vmem>>
        %dma_start3A_203 = tpu.memref_squeeze %dma_start3A_202 : memref<1x125xi32, #tpu.memory_space<vmem>> -> memref<125xi32, #tpu.memory_space<vmem>>
        %dma_start3A_204 = arith.constant 0 : i32
        %dma_start3A_205 = arith.constant 0 : i32
        %dma_start3A_206 = tpu.memref_slice %arg2[%dma_start3A_204, %dma_start3A_205] : memref<40000x128xf32, #tpu.memory_space<hbm>> -> memref<40000x128xf32, #tpu.memory_space<hbm>>
        tpu.enqueue_indirect_dma source(%dma_start3A_206 : memref<40000x128xf32, #tpu.memory_space<hbm>>) target(%arg9 : memref<125x128xf32, #tpu.memory_space<vmem>>) offsets(%dma_start3A_203 : memref<125xi32, #tpu.memory_space<vmem>>) semaphore(%arg12 : memref<!tpu.dma_semaphore, #tpu.memory_space<semaphore_mem>>)
      } else {
      }
      %mul3A_166 = arith.constant 2 : i32
      %mul3A_167 = arith.muli %mul3A_166, %scan3A_136 : i32
      %add3A_168 = arith.constant 1 : i32
      %add3A_169 = arith.addi %mul3A_167, %add3A_168 : i32
      %dma_wait3A_170 = arith.constant 0 : i32
      %dma_wait3A_171 = tpu.memref_slice %arg7[%add3A_169, %dma_wait3A_170] : memref<40x125xi32, #tpu.memory_space<vmem>> -> memref<1x125xi32, #tpu.memory_space<vmem>>
      %dma_wait3A_172 = tpu.memref_squeeze %dma_wait3A_171 : memref<1x125xi32, #tpu.memory_space<vmem>> -> memref<125xi32, #tpu.memory_space<vmem>>
      %dma_wait3A_173 = arith.constant 0 : i32
      %dma_wait3A_174 = arith.constant 0 : i32
      %dma_wait3A_175 = tpu.memref_slice %arg2[%dma_wait3A_173, %dma_wait3A_174] : memref<40000x128xf32, #tpu.memory_space<hbm>> -> memref<40000x128xf32, #tpu.memory_space<hbm>>
      tpu.wait_indirect_dma semaphore(%arg13 : memref<!tpu.dma_semaphore, #tpu.memory_space<semaphore_mem>>) src(%dma_wait3A_175 : memref<40000x128xf32, #tpu.memory_space<hbm>>) dst(%arg10 : memref<125x128xf32, #tpu.memory_space<vmem>>)
      %add3A_176 = arith.constant 0 : i32
      %add3A_177 = arith.addi %add3A_176, %add3A_169 : i32
      %dma_start3A_178 = arith.constant 0 : i32
      %dma_start3A_179 = tpu.memref_slice %arg8[%add3A_177, %dma_start3A_178] : memref<80x125xi32, #tpu.memory_space<vmem>> -> memref<1x125xi32, #tpu.memory_space<vmem>>
      %dma_start3A_180 = tpu.memref_squeeze %dma_start3A_179 : memref<1x125xi32, #tpu.memory_space<vmem>> -> memref<125xi32, #tpu.memory_space<vmem>>
      %dma_start3A_181 = arith.constant 0 : i32
      %dma_start3A_182 = arith.constant 0 : i32
      %dma_start3A_183 = tpu.memref_slice %arg11[%dma_start3A_181, %dma_start3A_182] : memref<10000x128xf32, #tpu.memory_space<vmem_shared>> -> memref<10000x128xf32, #tpu.memory_space<vmem_shared>>
      tpu.enqueue_indirect_dma source(%arg10 : memref<125x128xf32, #tpu.memory_space<vmem>>) target(%dma_start3A_183 : memref<10000x128xf32, #tpu.memory_space<vmem_shared>>) offsets(%dma_start3A_180 : memref<125xi32, #tpu.memory_space<vmem>>) semaphore(%arg15 : memref<!tpu.dma_semaphore, #tpu.memory_space<semaphore_mem>>) {add = true}
      %add3A_184 = arith.constant 0 : i32
      %add3A_185 = arith.addi %add3A_184, %add3A_169 : i32
      %dma_wait3A_186 = arith.constant 0 : i32
      %dma_wait3A_187 = tpu.memref_slice %arg8[%add3A_185, %dma_wait3A_186] : memref<80x125xi32, #tpu.memory_space<vmem>> -> memref<1x125xi32, #tpu.memory_space<vmem>>
      %dma_wait3A_188 = tpu.memref_squeeze %dma_wait3A_187 : memref<1x125xi32, #tpu.memory_space<vmem>> -> memref<125xi32, #tpu.memory_space<vmem>>
      %dma_wait3A_189 = arith.constant 0 : i32
      %dma_wait3A_190 = arith.constant 0 : i32
      %dma_wait3A_191 = tpu.memref_slice %arg11[%dma_wait3A_189, %dma_wait3A_190] : memref<10000x128xf32, #tpu.memory_space<vmem_shared>> -> memref<10000x128xf32, #tpu.memory_space<vmem_shared>>
      tpu.wait_indirect_dma semaphore(%arg15 : memref<!tpu.dma_semaphore, #tpu.memory_space<semaphore_mem>>) src(%arg10 : memref<125x128xf32, #tpu.memory_space<vmem>>) dst(%dma_wait3A_191 : memref<10000x128xf32, #tpu.memory_space<vmem_shared>>)
      %add3A_192 = arith.constant 2 : i32
      %add3A_193 = arith.addi %add3A_169, %add3A_192 : i32
      %lt3A_194 = arith.constant 40 : i32
      %lt3A_195 = arith.cmpi slt, %add3A_193, %lt3A_194 : i32
      %convert_element_type3A_196 = arith.extui %lt3A_195 : i1 to i32
      %cond3A_197 = arith.constant 0 : i32
      %cond3A_198 = arith.cmpi ne, %convert_element_type3A_196, %cond3A_197 : i32
      scf.if %cond3A_198 {
        %add3A_199 = arith.constant 2 : i32
        %add3A_200 = arith.addi %add3A_169, %add3A_199 : i32
        %dma_start3A_201 = arith.constant 0 : i32
        %dma_start3A_202 = tpu.memref_slice %arg7[%add3A_200, %dma_start3A_201] : memref<40x125xi32, #tpu.memory_space<vmem>> -> memref<1x125xi32, #tpu.memory_space<vmem>>
        %dma_start3A_203 = tpu.memref_squeeze %dma_start3A_202 : memref<1x125xi32, #tpu.memory_space<vmem>> -> memref<125xi32, #tpu.memory_space<vmem>>
        %dma_start3A_204 = arith.constant 0 : i32
        %dma_start3A_205 = arith.constant 0 : i32
        %dma_start3A_206 = tpu.memref_slice %arg2[%dma_start3A_204, %dma_start3A_205] : memref<40000x128xf32, #tpu.memory_space<hbm>> -> memref<40000x128xf32, #tpu.memory_space<hbm>>
        tpu.enqueue_indirect_dma source(%dma_start3A_206 : memref<40000x128xf32, #tpu.memory_space<hbm>>) target(%arg10 : memref<125x128xf32, #tpu.memory_space<vmem>>) offsets(%dma_start3A_203 : memref<125xi32, #tpu.memory_space<vmem>>) semaphore(%arg13 : memref<!tpu.dma_semaphore, #tpu.memory_space<semaphore_mem>>)
      } else {
      }
    }
    %scan3A_102 = arith.constant 20 : i32
    %mul3A_103 = arith.constant 16 : i32
    %mul3A_104 = arith.muli %add3A_69, %mul3A_103 : i32
    %add3A_105 = arith.addi %mul3A_104, %arg1 : i32
    %mul3A_106 = arith.constant 2 : i32
    %mul3A_107 = arith.muli %add3A_105, %mul3A_106 : i32
    %add3A_108 = arith.constant 1 : i32
    %add3A_109 = arith.addi %mul3A_107, %add3A_108 : i32
    "tpu.region"() ({
      %run_scoped3A = tpu.sem_alloc : memref<!tpu.dma_semaphore, #tpu.memory_space<semaphore_mem>>
      %dma_start3A_136 = arith.constant 0 : i32
      %dma_start3A_137 = arith.constant 0 : i32
      %dma_start3A_138 = tpu.memref_slice %arg4[%add3A_109, %dma_start3A_136, %dma_start3A_137] : memref<128x40x125xi32, #tpu.memory_space<hbm>> -> memref<1x40x125xi32, #tpu.memory_space<hbm>>
      %dma_start3A_139 = tpu.memref_squeeze %dma_start3A_138 : memref<1x40x125xi32, #tpu.memory_space<hbm>> -> memref<40x125xi32, #tpu.memory_space<hbm>>
      %dma_start3A_140 = arith.constant 0 : i32
      %dma_start3A_141 = arith.constant 0 : i32
      %dma_start3A_142 = tpu.memref_slice %arg4[%add3A_109, %dma_start3A_140, %dma_start3A_141] : memref<128x40x125xi32, #tpu.memory_space<hbm>> -> memref<1x40x125xi32, #tpu.memory_space<hbm>>
      %dma_start3A_143 = tpu.memref_squeeze %dma_start3A_142 : memref<1x40x125xi32, #tpu.memory_space<hbm>> -> memref<40x125xi32, #tpu.memory_space<hbm>>
      tpu.enqueue_dma source(%dma_start3A_143 : memref<40x125xi32, #tpu.memory_space<hbm>>) target(%arg7 : memref<40x125xi32, #tpu.memory_space<vmem>>) target_semaphore(%run_scoped3A : memref<!tpu.dma_semaphore, #tpu.memory_space<semaphore_mem>>)
      %dma_wait3A = arith.constant 0 : i32
      %dma_wait3A_144 = arith.constant 0 : i32
      %dma_wait3A_145 = tpu.memref_slice %arg4[%add3A_109, %dma_wait3A, %dma_wait3A_144] : memref<128x40x125xi32, #tpu.memory_space<hbm>> -> memref<1x40x125xi32, #tpu.memory_space<hbm>>
      %dma_wait3A_146 = tpu.memref_squeeze %dma_wait3A_145 : memref<1x40x125xi32, #tpu.memory_space<hbm>> -> memref<40x125xi32, #tpu.memory_space<hbm>>
      %dma_wait3A_147 = arith.constant 0 : i32
      %dma_wait3A_148 = arith.constant 0 : i32
      %dma_wait3A_149 = tpu.memref_slice %arg4[%add3A_109, %dma_wait3A_147, %dma_wait3A_148] : memref<128x40x125xi32, #tpu.memory_space<hbm>> -> memref<1x40x125xi32, #tpu.memory_space<hbm>>
      %dma_wait3A_150 = tpu.memref_squeeze %dma_wait3A_149 : memref<1x40x125xi32, #tpu.memory_space<hbm>> -> memref<40x125xi32, #tpu.memory_space<hbm>>
      tpu.wait_dma2 semaphore(%run_scoped3A : memref<!tpu.dma_semaphore, #tpu.memory_space<semaphore_mem>>) src(%dma_wait3A_150 : memref<40x125xi32, #tpu.memory_space<hbm>>) dst(%arg7 : memref<40x125xi32, #tpu.memory_space<vmem>>)
      tpu.yield
    }) : () -> ()
    %dma_start3A_110 = arith.constant 0 : i32
    %dma_start3A_111 = arith.constant 0 : i32
    %dma_start3A_112 = tpu.memref_slice %arg7[%dma_start3A_110, %dma_start3A_111] : memref<40x125xi32, #tpu.memory_space<vmem>> -> memref<1x125xi32, #tpu.memory_space<vmem>>
    %dma_start3A_113 = tpu.memref_squeeze %dma_start3A_112 : memref<1x125xi32, #tpu.memory_space<vmem>> -> memref<125xi32, #tpu.memory_space<vmem>>
    %dma_start3A_114 = arith.constant 0 : i32
    %dma_start3A_115 = arith.constant 0 : i32
    %dma_start3A_116 = tpu.memref_slice %arg2[%dma_start3A_114, %dma_start3A_115] : memref<40000x128xf32, #tpu.memory_space<hbm>> -> memref<40000x128xf32, #tpu.memory_space<hbm>>
    tpu.enqueue_indirect_dma source(%dma_start3A_116 : memref<40000x128xf32, #tpu.memory_space<hbm>>) target(%arg9 : memref<125x128xf32, #tpu.memory_space<vmem>>) offsets(%dma_start3A_113 : memref<125xi32, #tpu.memory_space<vmem>>) semaphore(%arg12 : memref<!tpu.dma_semaphore, #tpu.memory_space<semaphore_mem>>)
    %dma_start3A_117 = arith.constant 1 : i32
    %dma_start3A_118 = arith.constant 0 : i32
    %dma_start3A_119 = tpu.memref_slice %arg7[%dma_start3A_117, %dma_start3A_118] : memref<40x125xi32, #tpu.memory_space<vmem>> -> memref<1x125xi32, #tpu.memory_space<vmem>>
    %dma_start3A_120 = tpu.memref_squeeze %dma_start3A_119 : memref<1x125xi32, #tpu.memory_space<vmem>> -> memref<125xi32, #tpu.memory_space<vmem>>
    %dma_start3A_121 = arith.constant 0 : i32
    %dma_start3A_122 = arith.constant 0 : i32
    %dma_start3A_123 = tpu.memref_slice %arg2[%dma_start3A_121, %dma_start3A_122] : memref<40000x128xf32, #tpu.memory_space<hbm>> -> memref<40000x128xf32, #tpu.memory_space<hbm>>
    tpu.enqueue_indirect_dma source(%dma_start3A_123 : memref<40000x128xf32, #tpu.memory_space<hbm>>) target(%arg10 : memref<125x128xf32, #tpu.memory_space<vmem>>) offsets(%dma_start3A_120 : memref<125xi32, #tpu.memory_space<vmem>>) semaphore(%arg13 : memref<!tpu.dma_semaphore, #tpu.memory_space<semaphore_mem>>)
    %scan3A_124 = arith.constant 0 : i32
    %scan3A_125 = arith.constant 0 : i32
    %scan3A_126 = arith.constant 20 : i32
    %scan3A_127 = arith.addi %scan3A_125, %scan3A_126 : i32
    %scan3A_128 = arith.constant 1 : i32
    scf.for %scan3A_136 = %scan3A_125 to %scan3A_127 step %scan3A_128  : i32 {
      %mul3A_137 = arith.constant 2 : i32
      %mul3A_138 = arith.muli %mul3A_137, %scan3A_136 : i32
      %add3A_139 = arith.constant 0 : i32
      %add3A_140 = arith.addi %mul3A_138, %add3A_139 : i32
      %dma_wait3A = arith.constant 0 : i32
      %dma_wait3A_141 = tpu.memref_slice %arg7[%add3A_140, %dma_wait3A] : memref<40x125xi32, #tpu.memory_space<vmem>> -> memref<1x125xi32, #tpu.memory_space<vmem>>
      %dma_wait3A_142 = tpu.memref_squeeze %dma_wait3A_141 : memref<1x125xi32, #tpu.memory_space<vmem>> -> memref<125xi32, #tpu.memory_space<vmem>>
      %dma_wait3A_143 = arith.constant 0 : i32
      %dma_wait3A_144 = arith.constant 0 : i32
      %dma_wait3A_145 = tpu.memref_slice %arg2[%dma_wait3A_143, %dma_wait3A_144] : memref<40000x128xf32, #tpu.memory_space<hbm>> -> memref<40000x128xf32, #tpu.memory_space<hbm>>
      tpu.wait_indirect_dma semaphore(%arg12 : memref<!tpu.dma_semaphore, #tpu.memory_space<semaphore_mem>>) src(%dma_wait3A_145 : memref<40000x128xf32, #tpu.memory_space<hbm>>) dst(%arg9 : memref<125x128xf32, #tpu.memory_space<vmem>>)
      %add3A_146 = arith.constant 40 : i32
      %add3A_147 = arith.addi %add3A_146, %add3A_140 : i32
      %dma_start3A_148 = arith.constant 0 : i32
      %dma_start3A_149 = tpu.memref_slice %arg8[%add3A_147, %dma_start3A_148] : memref<80x125xi32, #tpu.memory_space<vmem>> -> memref<1x125xi32, #tpu.memory_space<vmem>>
      %dma_start3A_150 = tpu.memref_squeeze %dma_start3A_149 : memref<1x125xi32, #tpu.memory_space<vmem>> -> memref<125xi32, #tpu.memory_space<vmem>>
      %dma_start3A_151 = arith.constant 0 : i32
      %dma_start3A_152 = arith.constant 0 : i32
      %dma_start3A_153 = tpu.memref_slice %arg11[%dma_start3A_151, %dma_start3A_152] : memref<10000x128xf32, #tpu.memory_space<vmem_shared>> -> memref<10000x128xf32, #tpu.memory_space<vmem_shared>>
      tpu.enqueue_indirect_dma source(%arg9 : memref<125x128xf32, #tpu.memory_space<vmem>>) target(%dma_start3A_153 : memref<10000x128xf32, #tpu.memory_space<vmem_shared>>) offsets(%dma_start3A_150 : memref<125xi32, #tpu.memory_space<vmem>>) semaphore(%arg14 : memref<!tpu.dma_semaphore, #tpu.memory_space<semaphore_mem>>) {add = true}
      %add3A_154 = arith.constant 40 : i32
      %add3A_155 = arith.addi %add3A_154, %add3A_140 : i32
      %dma_wait3A_156 = arith.constant 0 : i32
      %dma_wait3A_157 = tpu.memref_slice %arg8[%add3A_155, %dma_wait3A_156] : memref<80x125xi32, #tpu.memory_space<vmem>> -> memref<1x125xi32, #tpu.memory_space<vmem>>
      %dma_wait3A_158 = tpu.memref_squeeze %dma_wait3A_157 : memref<1x125xi32, #tpu.memory_space<vmem>> -> memref<125xi32, #tpu.memory_space<vmem>>
      %dma_wait3A_159 = arith.constant 0 : i32
      %dma_wait3A_160 = arith.constant 0 : i32
      %dma_wait3A_161 = tpu.memref_slice %arg11[%dma_wait3A_159, %dma_wait3A_160] : memref<10000x128xf32, #tpu.memory_space<vmem_shared>> -> memref<10000x128xf32, #tpu.memory_space<vmem_shared>>
      tpu.wait_indirect_dma semaphore(%arg14 : memref<!tpu.dma_semaphore, #tpu.memory_space<semaphore_mem>>) src(%arg9 : memref<125x128xf32, #tpu.memory_space<vmem>>) dst(%dma_wait3A_161 : memref<10000x128xf32, #tpu.memory_space<vmem_shared>>)
      %add3A_162 = arith.constant 2 : i32
      %add3A_163 = arith.addi %add3A_140, %add3A_162 : i32
      %lt3A = arith.constant 40 : i32
      %lt3A_164 = arith.cmpi slt, %add3A_163, %lt3A : i32
      %convert_element_type3A = arith.extui %lt3A_164 : i1 to i32
      %cond3A = arith.constant 0 : i32
      %cond3A_165 = arith.cmpi ne, %convert_element_type3A, %cond3A : i32
      scf.if %cond3A_165 {
        %add3A_199 = arith.constant 2 : i32
        %add3A_200 = arith.addi %add3A_140, %add3A_199 : i32
        %dma_start3A_201 = arith.constant 0 : i32
        %dma_start3A_202 = tpu.memref_slice %arg7[%add3A_200, %dma_start3A_201] : memref<40x125xi32, #tpu.memory_space<vmem>> -> memref<1x125xi32, #tpu.memory_space<vmem>>
        %dma_start3A_203 = tpu.memref_squeeze %dma_start3A_202 : memref<1x125xi32, #tpu.memory_space<vmem>> -> memref<125xi32, #tpu.memory_space<vmem>>
        %dma_start3A_204 = arith.constant 0 : i32
        %dma_start3A_205 = arith.constant 0 : i32
        %dma_start3A_206 = tpu.memref_slice %arg2[%dma_start3A_204, %dma_start3A_205] : memref<40000x128xf32, #tpu.memory_space<hbm>> -> memref<40000x128xf32, #tpu.memory_space<hbm>>
        tpu.enqueue_indirect_dma source(%dma_start3A_206 : memref<40000x128xf32, #tpu.memory_space<hbm>>) target(%arg9 : memref<125x128xf32, #tpu.memory_space<vmem>>) offsets(%dma_start3A_203 : memref<125xi32, #tpu.memory_space<vmem>>) semaphore(%arg12 : memref<!tpu.dma_semaphore, #tpu.memory_space<semaphore_mem>>)
      } else {
      }
      %mul3A_166 = arith.constant 2 : i32
      %mul3A_167 = arith.muli %mul3A_166, %scan3A_136 : i32
      %add3A_168 = arith.constant 1 : i32
      %add3A_169 = arith.addi %mul3A_167, %add3A_168 : i32
      %dma_wait3A_170 = arith.constant 0 : i32
      %dma_wait3A_171 = tpu.memref_slice %arg7[%add3A_169, %dma_wait3A_170] : memref<40x125xi32, #tpu.memory_space<vmem>> -> memref<1x125xi32, #tpu.memory_space<vmem>>
      %dma_wait3A_172 = tpu.memref_squeeze %dma_wait3A_171 : memref<1x125xi32, #tpu.memory_space<vmem>> -> memref<125xi32, #tpu.memory_space<vmem>>
      %dma_wait3A_173 = arith.constant 0 : i32
      %dma_wait3A_174 = arith.constant 0 : i32
      %dma_wait3A_175 = tpu.memref_slice %arg2[%dma_wait3A_173, %dma_wait3A_174] : memref<40000x128xf32, #tpu.memory_space<hbm>> -> memref<40000x128xf32, #tpu.memory_space<hbm>>
      tpu.wait_indirect_dma semaphore(%arg13 : memref<!tpu.dma_semaphore, #tpu.memory_space<semaphore_mem>>) src(%dma_wait3A_175 : memref<40000x128xf32, #tpu.memory_space<hbm>>) dst(%arg10 : memref<125x128xf32, #tpu.memory_space<vmem>>)
      %add3A_176 = arith.constant 40 : i32
      %add3A_177 = arith.addi %add3A_176, %add3A_169 : i32
      %dma_start3A_178 = arith.constant 0 : i32
      %dma_start3A_179 = tpu.memref_slice %arg8[%add3A_177, %dma_start3A_178] : memref<80x125xi32, #tpu.memory_space<vmem>> -> memref<1x125xi32, #tpu.memory_space<vmem>>
      %dma_start3A_180 = tpu.memref_squeeze %dma_start3A_179 : memref<1x125xi32, #tpu.memory_space<vmem>> -> memref<125xi32, #tpu.memory_space<vmem>>
      %dma_start3A_181 = arith.constant 0 : i32
      %dma_start3A_182 = arith.constant 0 : i32
      %dma_start3A_183 = tpu.memref_slice %arg11[%dma_start3A_181, %dma_start3A_182] : memref<10000x128xf32, #tpu.memory_space<vmem_shared>> -> memref<10000x128xf32, #tpu.memory_space<vmem_shared>>
      tpu.enqueue_indirect_dma source(%arg10 : memref<125x128xf32, #tpu.memory_space<vmem>>) target(%dma_start3A_183 : memref<10000x128xf32, #tpu.memory_space<vmem_shared>>) offsets(%dma_start3A_180 : memref<125xi32, #tpu.memory_space<vmem>>) semaphore(%arg15 : memref<!tpu.dma_semaphore, #tpu.memory_space<semaphore_mem>>) {add = true}
      %add3A_184 = arith.constant 40 : i32
      %add3A_185 = arith.addi %add3A_184, %add3A_169 : i32
      %dma_wait3A_186 = arith.constant 0 : i32
      %dma_wait3A_187 = tpu.memref_slice %arg8[%add3A_185, %dma_wait3A_186] : memref<80x125xi32, #tpu.memory_space<vmem>> -> memref<1x125xi32, #tpu.memory_space<vmem>>
      %dma_wait3A_188 = tpu.memref_squeeze %dma_wait3A_187 : memref<1x125xi32, #tpu.memory_space<vmem>> -> memref<125xi32, #tpu.memory_space<vmem>>
      %dma_wait3A_189 = arith.constant 0 : i32
      %dma_wait3A_190 = arith.constant 0 : i32
      %dma_wait3A_191 = tpu.memref_slice %arg11[%dma_wait3A_189, %dma_wait3A_190] : memref<10000x128xf32, #tpu.memory_space<vmem_shared>> -> memref<10000x128xf32, #tpu.memory_space<vmem_shared>>
      tpu.wait_indirect_dma semaphore(%arg15 : memref<!tpu.dma_semaphore, #tpu.memory_space<semaphore_mem>>) src(%arg10 : memref<125x128xf32, #tpu.memory_space<vmem>>) dst(%dma_wait3A_191 : memref<10000x128xf32, #tpu.memory_space<vmem_shared>>)
      %add3A_192 = arith.constant 2 : i32
      %add3A_193 = arith.addi %add3A_169, %add3A_192 : i32
      %lt3A_194 = arith.constant 40 : i32
      %lt3A_195 = arith.cmpi slt, %add3A_193, %lt3A_194 : i32
      %convert_element_type3A_196 = arith.extui %lt3A_195 : i1 to i32
      %cond3A_197 = arith.constant 0 : i32
      %cond3A_198 = arith.cmpi ne, %convert_element_type3A_196, %cond3A_197 : i32
      scf.if %cond3A_198 {
        %add3A_199 = arith.constant 2 : i32
        %add3A_200 = arith.addi %add3A_169, %add3A_199 : i32
        %dma_start3A_201 = arith.constant 0 : i32
        %dma_start3A_202 = tpu.memref_slice %arg7[%add3A_200, %dma_start3A_201] : memref<40x125xi32, #tpu.memory_space<vmem>> -> memref<1x125xi32, #tpu.memory_space<vmem>>
        %dma_start3A_203 = tpu.memref_squeeze %dma_start3A_202 : memref<1x125xi32, #tpu.memory_space<vmem>> -> memref<125xi32, #tpu.memory_space<vmem>>
        %dma_start3A_204 = arith.constant 0 : i32
        %dma_start3A_205 = arith.constant 0 : i32
        %dma_start3A_206 = tpu.memref_slice %arg2[%dma_start3A_204, %dma_start3A_205] : memref<40000x128xf32, #tpu.memory_space<hbm>> -> memref<40000x128xf32, #tpu.memory_space<hbm>>
        tpu.enqueue_indirect_dma source(%dma_start3A_206 : memref<40000x128xf32, #tpu.memory_space<hbm>>) target(%arg10 : memref<125x128xf32, #tpu.memory_space<vmem>>) offsets(%dma_start3A_203 : memref<125xi32, #tpu.memory_space<vmem>>) semaphore(%arg13 : memref<!tpu.dma_semaphore, #tpu.memory_space<semaphore_mem>>)
      } else {
      }
    }
    %scan3A_129 = arith.constant 20 : i32
    %barrier3A_130 = arith.constant 0 : index
    tpu.barrier barrier_id(%barrier3A_130)
    %mul3A_131 = arith.constant 625 : i32
    %mul3A_132 = arith.muli %arg1, %mul3A_131 : i32
    %mul3A_133 = arith.constant 16 : i32
    %mul3A_134 = arith.muli %add3A_69, %mul3A_133 : i32
    %add3A_135 = arith.addi %mul3A_134, %arg1 : i32
    "tpu.region"() ({
      %run_scoped3A = tpu.sem_alloc : memref<!tpu.dma_semaphore, #tpu.memory_space<semaphore_mem>>
      %dma_start3A_136 = arith.constant 0 : i32
      %dma_start3A_137 = arith.constant 0 : i32
      %dma_start3A_138 = tpu.memref_slice %arg6[%add3A_135, %dma_start3A_136, %dma_start3A_137] : memref<64x625x128xf32, #tpu.memory_space<hbm>> -> memref<1x625x128xf32, #tpu.memory_space<hbm>>
      %dma_start3A_139 = tpu.memref_squeeze %dma_start3A_138 : memref<1x625x128xf32, #tpu.memory_space<hbm>> -> memref<625x128xf32, #tpu.memory_space<hbm>>
      %dma_start3A_140 = arith.constant 0 : i32
      %dma_start3A_141 = tpu.memref_slice %arg11[%mul3A_132, %dma_start3A_140] : memref<10000x128xf32, #tpu.memory_space<vmem_shared>> -> memref<625x128xf32, #tpu.memory_space<vmem_shared>>
      tpu.enqueue_dma source(%dma_start3A_141 : memref<625x128xf32, #tpu.memory_space<vmem_shared>>) target(%dma_start3A_139 : memref<625x128xf32, #tpu.memory_space<hbm>>) target_semaphore(%run_scoped3A : memref<!tpu.dma_semaphore, #tpu.memory_space<semaphore_mem>>)
      %dma_wait3A = arith.constant 0 : i32
      %dma_wait3A_142 = arith.constant 0 : i32
      %dma_wait3A_143 = tpu.memref_slice %arg6[%add3A_135, %dma_wait3A, %dma_wait3A_142] : memref<64x625x128xf32, #tpu.memory_space<hbm>> -> memref<1x625x128xf32, #tpu.memory_space<hbm>>
      %dma_wait3A_144 = tpu.memref_squeeze %dma_wait3A_143 : memref<1x625x128xf32, #tpu.memory_space<hbm>> -> memref<625x128xf32, #tpu.memory_space<hbm>>
      %dma_wait3A_145 = arith.constant 0 : i32
      %dma_wait3A_146 = tpu.memref_slice %arg11[%mul3A_132, %dma_wait3A_145] : memref<10000x128xf32, #tpu.memory_space<vmem_shared>> -> memref<625x128xf32, #tpu.memory_space<vmem_shared>>
      tpu.wait_dma2 semaphore(%run_scoped3A : memref<!tpu.dma_semaphore, #tpu.memory_space<semaphore_mem>>) src(%dma_wait3A_146 : memref<625x128xf32, #tpu.memory_space<vmem_shared>>) dst(%dma_wait3A_144 : memref<625x128xf32, #tpu.memory_space<hbm>>)
      tpu.yield
    }) : () -> ()
    return
  }
}

#map = affine_map<(d0, d1) -> (0, 0)>
#map1 = affine_map<(d0, d1) -> (0, 0, 0)>
module attributes {stable_mosaic.version = 14 : i64} {
  func.func @_sc_agg_body(%arg0: i32, %arg1: i32, %arg2: memref<40000x128xf32, #tpu.memory_space<hbm>>, %arg3: memref<64x625x128xf32, #tpu.memory_space<hbm>>, %arg4: memref<128x40x125xi32, #tpu.memory_space<hbm>>, %arg5: memref<16x80x125xi32, #tpu.memory_space<hbm>>, %arg6: memref<64x625x128xf32, #tpu.memory_space<hbm>>, %arg7: memref<40x125xi32, #tpu.memory_space<vmem>>, %arg8: memref<80x125xi32, #tpu.memory_space<vmem>>, %arg9: memref<125x128xf32, #tpu.memory_space<vmem>>, %arg10: memref<125x128xf32, #tpu.memory_space<vmem>>, %arg11: memref<10000x128xf32, #tpu.memory_space<vmem_shared>>, %arg12: memref<!tpu.dma_semaphore, #tpu.memory_space<semaphore_mem>>, %arg13: memref<!tpu.dma_semaphore, #tpu.memory_space<semaphore_mem>>, %arg14: memref<!tpu.dma_semaphore, #tpu.memory_space<semaphore_mem>>, %arg15: memref<!tpu.dma_semaphore, #tpu.memory_space<semaphore_mem>>) attributes {dimension_semantics = [#tpu.dimension_semantics<core_parallel>, #tpu.dimension_semantics<subcore_parallel>], iteration_bounds = array<i64: 2, 16>, scalar_prefetch = 0 : i64, scratch_operands = 9 : i64, tpu.core_type = #tpu.core_type<sc_vector_subcore>, window_params = [{transform_indices = #map}, {transform_indices = #map1}, {transform_indices = #map1}, {transform_indices = #map1}, {transform_indices = #map1}]} {
    "tpu.region"() ({
      %run_scoped3A = tpu.sem_alloc : memref<!tpu.dma_semaphore, #tpu.memory_space<semaphore_mem>>
      %dma_start3A_136 = arith.constant 0 : i32
      %dma_start3A_137 = arith.constant 0 : i32
      %dma_start3A_138 = tpu.memref_slice %arg5[%arg1, %dma_start3A_136, %dma_start3A_137] : memref<16x80x125xi32, #tpu.memory_space<hbm>> -> memref<1x80x125xi32, #tpu.memory_space<hbm>>
      %dma_start3A_139 = tpu.memref_squeeze %dma_start3A_138 : memref<1x80x125xi32, #tpu.memory_space<hbm>> -> memref<80x125xi32, #tpu.memory_space<hbm>>
      %dma_start3A_140 = arith.constant 0 : i32
      %dma_start3A_141 = arith.constant 0 : i32
      %dma_start3A_142 = tpu.memref_slice %arg5[%arg1, %dma_start3A_140, %dma_start3A_141] : memref<16x80x125xi32, #tpu.memory_space<hbm>> -> memref<1x80x125xi32, #tpu.memory_space<hbm>>
      %dma_start3A_143 = tpu.memref_squeeze %dma_start3A_142 : memref<1x80x125xi32, #tpu.memory_space<hbm>> -> memref<80x125xi32, #tpu.memory_space<hbm>>
      tpu.enqueue_dma source(%dma_start3A_143 : memref<80x125xi32, #tpu.memory_space<hbm>>) target(%arg8 : memref<80x125xi32, #tpu.memory_space<vmem>>) target_semaphore(%run_scoped3A : memref<!tpu.dma_semaphore, #tpu.memory_space<semaphore_mem>>)
      %dma_wait3A = arith.constant 0 : i32
      %dma_wait3A_144 = arith.constant 0 : i32
      %dma_wait3A_145 = tpu.memref_slice %arg5[%arg1, %dma_wait3A, %dma_wait3A_144] : memref<16x80x125xi32, #tpu.memory_space<hbm>> -> memref<1x80x125xi32, #tpu.memory_space<hbm>>
      %dma_wait3A_146 = tpu.memref_squeeze %dma_wait3A_145 : memref<1x80x125xi32, #tpu.memory_space<hbm>> -> memref<80x125xi32, #tpu.memory_space<hbm>>
      %dma_wait3A_147 = arith.constant 0 : i32
      %dma_wait3A_148 = arith.constant 0 : i32
      %dma_wait3A_149 = tpu.memref_slice %arg5[%arg1, %dma_wait3A_147, %dma_wait3A_148] : memref<16x80x125xi32, #tpu.memory_space<hbm>> -> memref<1x80x125xi32, #tpu.memory_space<hbm>>
      %dma_wait3A_150 = tpu.memref_squeeze %dma_wait3A_149 : memref<1x80x125xi32, #tpu.memory_space<hbm>> -> memref<80x125xi32, #tpu.memory_space<hbm>>
      tpu.wait_dma2 semaphore(%run_scoped3A : memref<!tpu.dma_semaphore, #tpu.memory_space<semaphore_mem>>) src(%dma_wait3A_150 : memref<80x125xi32, #tpu.memory_space<hbm>>) dst(%arg8 : memref<80x125xi32, #tpu.memory_space<vmem>>)
      tpu.yield
    }) : () -> ()
    %mul3A = arith.constant 2 : i32
    %mul3A_0 = arith.muli %arg0, %mul3A : i32
    %add3A = arith.constant 0 : i32
    %add3A_1 = arith.addi %mul3A_0, %add3A : i32
    %mul3A_2 = arith.constant 16 : i32
    %mul3A_3 = arith.muli %add3A_1, %mul3A_2 : i32
    %add3A_4 = arith.addi %mul3A_3, %arg1 : i32
    %mul3A_5 = arith.constant 625 : i32
    %mul3A_6 = arith.muli %arg1, %mul3A_5 : i32
    "tpu.region"() ({
      %run_scoped3A = tpu.sem_alloc : memref<!tpu.dma_semaphore, #tpu.memory_space<semaphore_mem>>
      %dma_start3A_136 = arith.constant 0 : i32
      %dma_start3A_137 = tpu.memref_slice %arg11[%mul3A_6, %dma_start3A_136] : memref<10000x128xf32, #tpu.memory_space<vmem_shared>> -> memref<625x128xf32, #tpu.memory_space<vmem_shared>>
      %dma_start3A_138 = arith.constant 0 : i32
      %dma_start3A_139 = arith.constant 0 : i32
      %dma_start3A_140 = tpu.memref_slice %arg3[%add3A_4, %dma_start3A_138, %dma_start3A_139] : memref<64x625x128xf32, #tpu.memory_space<hbm>> -> memref<1x625x128xf32, #tpu.memory_space<hbm>>
      %dma_start3A_141 = tpu.memref_squeeze %dma_start3A_140 : memref<1x625x128xf32, #tpu.memory_space<hbm>> -> memref<625x128xf32, #tpu.memory_space<hbm>>
      tpu.enqueue_dma source(%dma_start3A_141 : memref<625x128xf32, #tpu.memory_space<hbm>>) target(%dma_start3A_137 : memref<625x128xf32, #tpu.memory_space<vmem_shared>>) target_semaphore(%run_scoped3A : memref<!tpu.dma_semaphore, #tpu.memory_space<semaphore_mem>>)
      %dma_wait3A = arith.constant 0 : i32
      %dma_wait3A_142 = tpu.memref_slice %arg11[%mul3A_6, %dma_wait3A] : memref<10000x128xf32, #tpu.memory_space<vmem_shared>> -> memref<625x128xf32, #tpu.memory_space<vmem_shared>>
      %dma_wait3A_143 = arith.constant 0 : i32
      %dma_wait3A_144 = arith.constant 0 : i32
      %dma_wait3A_145 = tpu.memref_slice %arg3[%add3A_4, %dma_wait3A_143, %dma_wait3A_144] : memref<64x625x128xf32, #tpu.memory_space<hbm>> -> memref<1x625x128xf32, #tpu.memory_space<hbm>>
      %dma_wait3A_146 = tpu.memref_squeeze %dma_wait3A_145 : memref<1x625x128xf32, #tpu.memory_space<hbm>> -> memref<625x128xf32, #tpu.memory_space<hbm>>
      tpu.wait_dma2 semaphore(%run_scoped3A : memref<!tpu.dma_semaphore, #tpu.memory_space<semaphore_mem>>) src(%dma_wait3A_146 : memref<625x128xf32, #tpu.memory_space<hbm>>) dst(%dma_wait3A_142 : memref<625x128xf32, #tpu.memory_space<vmem_shared>>)
      tpu.yield
    }) : () -> ()
    %barrier3A = arith.constant 0 : index
    tpu.barrier barrier_id(%barrier3A)
    %mul3A_7 = arith.constant 16 : i32
    %mul3A_8 = arith.muli %add3A_1, %mul3A_7 : i32
    %add3A_9 = arith.addi %mul3A_8, %arg1 : i32
    %mul3A_10 = arith.constant 2 : i32
    %mul3A_11 = arith.muli %add3A_9, %mul3A_10 : i32
    %add3A_12 = arith.constant 0 : i32
    %add3A_13 = arith.addi %mul3A_11, %add3A_12 : i32
    "tpu.region"() ({
      %run_scoped3A = tpu.sem_alloc : memref<!tpu.dma_semaphore, #tpu.memory_space<semaphore_mem>>
      %dma_start3A_136 = arith.constant 0 : i32
      %dma_start3A_137 = arith.constant 0 : i32
      %dma_start3A_138 = tpu.memref_slice %arg4[%add3A_13, %dma_start3A_136, %dma_start3A_137] : memref<128x40x125xi32, #tpu.memory_space<hbm>> -> memref<1x40x125xi32, #tpu.memory_space<hbm>>
      %dma_start3A_139 = tpu.memref_squeeze %dma_start3A_138 : memref<1x40x125xi32, #tpu.memory_space<hbm>> -> memref<40x125xi32, #tpu.memory_space<hbm>>
      %dma_start3A_140 = arith.constant 0 : i32
      %dma_start3A_141 = arith.constant 0 : i32
      %dma_start3A_142 = tpu.memref_slice %arg4[%add3A_13, %dma_start3A_140, %dma_start3A_141] : memref<128x40x125xi32, #tpu.memory_space<hbm>> -> memref<1x40x125xi32, #tpu.memory_space<hbm>>
      %dma_start3A_143 = tpu.memref_squeeze %dma_start3A_142 : memref<1x40x125xi32, #tpu.memory_space<hbm>> -> memref<40x125xi32, #tpu.memory_space<hbm>>
      tpu.enqueue_dma source(%dma_start3A_143 : memref<40x125xi32, #tpu.memory_space<hbm>>) target(%arg7 : memref<40x125xi32, #tpu.memory_space<vmem>>) target_semaphore(%run_scoped3A : memref<!tpu.dma_semaphore, #tpu.memory_space<semaphore_mem>>)
      %dma_wait3A = arith.constant 0 : i32
      %dma_wait3A_144 = arith.constant 0 : i32
      %dma_wait3A_145 = tpu.memref_slice %arg4[%add3A_13, %dma_wait3A, %dma_wait3A_144] : memref<128x40x125xi32, #tpu.memory_space<hbm>> -> memref<1x40x125xi32, #tpu.memory_space<hbm>>
      %dma_wait3A_146 = tpu.memref_squeeze %dma_wait3A_145 : memref<1x40x125xi32, #tpu.memory_space<hbm>> -> memref<40x125xi32, #tpu.memory_space<hbm>>
      %dma_wait3A_147 = arith.constant 0 : i32
      %dma_wait3A_148 = arith.constant 0 : i32
      %dma_wait3A_149 = tpu.memref_slice %arg4[%add3A_13, %dma_wait3A_147, %dma_wait3A_148] : memref<128x40x125xi32, #tpu.memory_space<hbm>> -> memref<1x40x125xi32, #tpu.memory_space<hbm>>
      %dma_wait3A_150 = tpu.memref_squeeze %dma_wait3A_149 : memref<1x40x125xi32, #tpu.memory_space<hbm>> -> memref<40x125xi32, #tpu.memory_space<hbm>>
      tpu.wait_dma2 semaphore(%run_scoped3A : memref<!tpu.dma_semaphore, #tpu.memory_space<semaphore_mem>>) src(%dma_wait3A_150 : memref<40x125xi32, #tpu.memory_space<hbm>>) dst(%arg7 : memref<40x125xi32, #tpu.memory_space<vmem>>)
      tpu.yield
    }) : () -> ()
    %dma_start3A = arith.constant 0 : i32
    %dma_start3A_14 = arith.constant 0 : i32
    %dma_start3A_15 = tpu.memref_slice %arg7[%dma_start3A, %dma_start3A_14] : memref<40x125xi32, #tpu.memory_space<vmem>> -> memref<1x125xi32, #tpu.memory_space<vmem>>
    %dma_start3A_16 = tpu.memref_squeeze %dma_start3A_15 : memref<1x125xi32, #tpu.memory_space<vmem>> -> memref<125xi32, #tpu.memory_space<vmem>>
    %dma_start3A_17 = arith.constant 0 : i32
    %dma_start3A_18 = arith.constant 0 : i32
    %dma_start3A_19 = tpu.memref_slice %arg2[%dma_start3A_17, %dma_start3A_18] : memref<40000x128xf32, #tpu.memory_space<hbm>> -> memref<40000x128xf32, #tpu.memory_space<hbm>>
    tpu.enqueue_indirect_dma source(%dma_start3A_19 : memref<40000x128xf32, #tpu.memory_space<hbm>>) target(%arg9 : memref<125x128xf32, #tpu.memory_space<vmem>>) offsets(%dma_start3A_16 : memref<125xi32, #tpu.memory_space<vmem>>) semaphore(%arg12 : memref<!tpu.dma_semaphore, #tpu.memory_space<semaphore_mem>>)
    %dma_start3A_20 = arith.constant 1 : i32
    %dma_start3A_21 = arith.constant 0 : i32
    %dma_start3A_22 = tpu.memref_slice %arg7[%dma_start3A_20, %dma_start3A_21] : memref<40x125xi32, #tpu.memory_space<vmem>> -> memref<1x125xi32, #tpu.memory_space<vmem>>
    %dma_start3A_23 = tpu.memref_squeeze %dma_start3A_22 : memref<1x125xi32, #tpu.memory_space<vmem>> -> memref<125xi32, #tpu.memory_space<vmem>>
    %dma_start3A_24 = arith.constant 0 : i32
    %dma_start3A_25 = arith.constant 0 : i32
    %dma_start3A_26 = tpu.memref_slice %arg2[%dma_start3A_24, %dma_start3A_25] : memref<40000x128xf32, #tpu.memory_space<hbm>> -> memref<40000x128xf32, #tpu.memory_space<hbm>>
    tpu.enqueue_indirect_dma source(%dma_start3A_26 : memref<40000x128xf32, #tpu.memory_space<hbm>>) target(%arg10 : memref<125x128xf32, #tpu.memory_space<vmem>>) offsets(%dma_start3A_23 : memref<125xi32, #tpu.memory_space<vmem>>) semaphore(%arg13 : memref<!tpu.dma_semaphore, #tpu.memory_space<semaphore_mem>>)
    %scan3A = arith.constant 0 : i32
    %scan3A_27 = arith.constant 0 : i32
    %scan3A_28 = arith.constant 20 : i32
    %scan3A_29 = arith.addi %scan3A_27, %scan3A_28 : i32
    %scan3A_30 = arith.constant 1 : i32
    scf.for %scan3A_136 = %scan3A_27 to %scan3A_29 step %scan3A_30  : i32 {
      %mul3A_137 = arith.constant 2 : i32
      %mul3A_138 = arith.muli %mul3A_137, %scan3A_136 : i32
      %add3A_139 = arith.constant 0 : i32
      %add3A_140 = arith.addi %mul3A_138, %add3A_139 : i32
      %dma_wait3A = arith.constant 0 : i32
      %dma_wait3A_141 = tpu.memref_slice %arg7[%add3A_140, %dma_wait3A] : memref<40x125xi32, #tpu.memory_space<vmem>> -> memref<1x125xi32, #tpu.memory_space<vmem>>
      %dma_wait3A_142 = tpu.memref_squeeze %dma_wait3A_141 : memref<1x125xi32, #tpu.memory_space<vmem>> -> memref<125xi32, #tpu.memory_space<vmem>>
      %dma_wait3A_143 = arith.constant 0 : i32
      %dma_wait3A_144 = arith.constant 0 : i32
      %dma_wait3A_145 = tpu.memref_slice %arg2[%dma_wait3A_143, %dma_wait3A_144] : memref<40000x128xf32, #tpu.memory_space<hbm>> -> memref<40000x128xf32, #tpu.memory_space<hbm>>
      tpu.wait_indirect_dma semaphore(%arg12 : memref<!tpu.dma_semaphore, #tpu.memory_space<semaphore_mem>>) src(%dma_wait3A_145 : memref<40000x128xf32, #tpu.memory_space<hbm>>) dst(%arg9 : memref<125x128xf32, #tpu.memory_space<vmem>>)
      %add3A_146 = arith.constant 0 : i32
      %add3A_147 = arith.addi %add3A_146, %add3A_140 : i32
      %dma_start3A_148 = arith.constant 0 : i32
      %dma_start3A_149 = tpu.memref_slice %arg8[%add3A_147, %dma_start3A_148] : memref<80x125xi32, #tpu.memory_space<vmem>> -> memref<1x125xi32, #tpu.memory_space<vmem>>
      %dma_start3A_150 = tpu.memref_squeeze %dma_start3A_149 : memref<1x125xi32, #tpu.memory_space<vmem>> -> memref<125xi32, #tpu.memory_space<vmem>>
      %dma_start3A_151 = arith.constant 0 : i32
      %dma_start3A_152 = arith.constant 0 : i32
      %dma_start3A_153 = tpu.memref_slice %arg11[%dma_start3A_151, %dma_start3A_152] : memref<10000x128xf32, #tpu.memory_space<vmem_shared>> -> memref<10000x128xf32, #tpu.memory_space<vmem_shared>>
      tpu.enqueue_indirect_dma source(%arg9 : memref<125x128xf32, #tpu.memory_space<vmem>>) target(%dma_start3A_153 : memref<10000x128xf32, #tpu.memory_space<vmem_shared>>) offsets(%dma_start3A_150 : memref<125xi32, #tpu.memory_space<vmem>>) semaphore(%arg14 : memref<!tpu.dma_semaphore, #tpu.memory_space<semaphore_mem>>) {add = true}
      %add3A_154 = arith.constant 0 : i32
      %add3A_155 = arith.addi %add3A_154, %add3A_140 : i32
      %dma_wait3A_156 = arith.constant 0 : i32
      %dma_wait3A_157 = tpu.memref_slice %arg8[%add3A_155, %dma_wait3A_156] : memref<80x125xi32, #tpu.memory_space<vmem>> -> memref<1x125xi32, #tpu.memory_space<vmem>>
      %dma_wait3A_158 = tpu.memref_squeeze %dma_wait3A_157 : memref<1x125xi32, #tpu.memory_space<vmem>> -> memref<125xi32, #tpu.memory_space<vmem>>
      %dma_wait3A_159 = arith.constant 0 : i32
      %dma_wait3A_160 = arith.constant 0 : i32
      %dma_wait3A_161 = tpu.memref_slice %arg11[%dma_wait3A_159, %dma_wait3A_160] : memref<10000x128xf32, #tpu.memory_space<vmem_shared>> -> memref<10000x128xf32, #tpu.memory_space<vmem_shared>>
      tpu.wait_indirect_dma semaphore(%arg14 : memref<!tpu.dma_semaphore, #tpu.memory_space<semaphore_mem>>) src(%arg9 : memref<125x128xf32, #tpu.memory_space<vmem>>) dst(%dma_wait3A_161 : memref<10000x128xf32, #tpu.memory_space<vmem_shared>>)
      %add3A_162 = arith.constant 2 : i32
      %add3A_163 = arith.addi %add3A_140, %add3A_162 : i32
      %lt3A = arith.constant 40 : i32
      %lt3A_164 = arith.cmpi slt, %add3A_163, %lt3A : i32
      %convert_element_type3A = arith.extui %lt3A_164 : i1 to i32
      %cond3A = arith.constant 0 : i32
      %cond3A_165 = arith.cmpi ne, %convert_element_type3A, %cond3A : i32
      scf.if %cond3A_165 {
        %add3A_199 = arith.constant 2 : i32
        %add3A_200 = arith.addi %add3A_140, %add3A_199 : i32
        %dma_start3A_201 = arith.constant 0 : i32
        %dma_start3A_202 = tpu.memref_slice %arg7[%add3A_200, %dma_start3A_201] : memref<40x125xi32, #tpu.memory_space<vmem>> -> memref<1x125xi32, #tpu.memory_space<vmem>>
        %dma_start3A_203 = tpu.memref_squeeze %dma_start3A_202 : memref<1x125xi32, #tpu.memory_space<vmem>> -> memref<125xi32, #tpu.memory_space<vmem>>
        %dma_start3A_204 = arith.constant 0 : i32
        %dma_start3A_205 = arith.constant 0 : i32
        %dma_start3A_206 = tpu.memref_slice %arg2[%dma_start3A_204, %dma_start3A_205] : memref<40000x128xf32, #tpu.memory_space<hbm>> -> memref<40000x128xf32, #tpu.memory_space<hbm>>
        tpu.enqueue_indirect_dma source(%dma_start3A_206 : memref<40000x128xf32, #tpu.memory_space<hbm>>) target(%arg9 : memref<125x128xf32, #tpu.memory_space<vmem>>) offsets(%dma_start3A_203 : memref<125xi32, #tpu.memory_space<vmem>>) semaphore(%arg12 : memref<!tpu.dma_semaphore, #tpu.memory_space<semaphore_mem>>)
      } else {
      }
      %mul3A_166 = arith.constant 2 : i32
      %mul3A_167 = arith.muli %mul3A_166, %scan3A_136 : i32
      %add3A_168 = arith.constant 1 : i32
      %add3A_169 = arith.addi %mul3A_167, %add3A_168 : i32
      %dma_wait3A_170 = arith.constant 0 : i32
      %dma_wait3A_171 = tpu.memref_slice %arg7[%add3A_169, %dma_wait3A_170] : memref<40x125xi32, #tpu.memory_space<vmem>> -> memref<1x125xi32, #tpu.memory_space<vmem>>
      %dma_wait3A_172 = tpu.memref_squeeze %dma_wait3A_171 : memref<1x125xi32, #tpu.memory_space<vmem>> -> memref<125xi32, #tpu.memory_space<vmem>>
      %dma_wait3A_173 = arith.constant 0 : i32
      %dma_wait3A_174 = arith.constant 0 : i32
      %dma_wait3A_175 = tpu.memref_slice %arg2[%dma_wait3A_173, %dma_wait3A_174] : memref<40000x128xf32, #tpu.memory_space<hbm>> -> memref<40000x128xf32, #tpu.memory_space<hbm>>
      tpu.wait_indirect_dma semaphore(%arg13 : memref<!tpu.dma_semaphore, #tpu.memory_space<semaphore_mem>>) src(%dma_wait3A_175 : memref<40000x128xf32, #tpu.memory_space<hbm>>) dst(%arg10 : memref<125x128xf32, #tpu.memory_space<vmem>>)
      %add3A_176 = arith.constant 0 : i32
      %add3A_177 = arith.addi %add3A_176, %add3A_169 : i32
      %dma_start3A_178 = arith.constant 0 : i32
      %dma_start3A_179 = tpu.memref_slice %arg8[%add3A_177, %dma_start3A_178] : memref<80x125xi32, #tpu.memory_space<vmem>> -> memref<1x125xi32, #tpu.memory_space<vmem>>
      %dma_start3A_180 = tpu.memref_squeeze %dma_start3A_179 : memref<1x125xi32, #tpu.memory_space<vmem>> -> memref<125xi32, #tpu.memory_space<vmem>>
      %dma_start3A_181 = arith.constant 0 : i32
      %dma_start3A_182 = arith.constant 0 : i32
      %dma_start3A_183 = tpu.memref_slice %arg11[%dma_start3A_181, %dma_start3A_182] : memref<10000x128xf32, #tpu.memory_space<vmem_shared>> -> memref<10000x128xf32, #tpu.memory_space<vmem_shared>>
      tpu.enqueue_indirect_dma source(%arg10 : memref<125x128xf32, #tpu.memory_space<vmem>>) target(%dma_start3A_183 : memref<10000x128xf32, #tpu.memory_space<vmem_shared>>) offsets(%dma_start3A_180 : memref<125xi32, #tpu.memory_space<vmem>>) semaphore(%arg15 : memref<!tpu.dma_semaphore, #tpu.memory_space<semaphore_mem>>) {add = true}
      %add3A_184 = arith.constant 0 : i32
      %add3A_185 = arith.addi %add3A_184, %add3A_169 : i32
      %dma_wait3A_186 = arith.constant 0 : i32
      %dma_wait3A_187 = tpu.memref_slice %arg8[%add3A_185, %dma_wait3A_186] : memref<80x125xi32, #tpu.memory_space<vmem>> -> memref<1x125xi32, #tpu.memory_space<vmem>>
      %dma_wait3A_188 = tpu.memref_squeeze %dma_wait3A_187 : memref<1x125xi32, #tpu.memory_space<vmem>> -> memref<125xi32, #tpu.memory_space<vmem>>
      %dma_wait3A_189 = arith.constant 0 : i32
      %dma_wait3A_190 = arith.constant 0 : i32
      %dma_wait3A_191 = tpu.memref_slice %arg11[%dma_wait3A_189, %dma_wait3A_190] : memref<10000x128xf32, #tpu.memory_space<vmem_shared>> -> memref<10000x128xf32, #tpu.memory_space<vmem_shared>>
      tpu.wait_indirect_dma semaphore(%arg15 : memref<!tpu.dma_semaphore, #tpu.memory_space<semaphore_mem>>) src(%arg10 : memref<125x128xf32, #tpu.memory_space<vmem>>) dst(%dma_wait3A_191 : memref<10000x128xf32, #tpu.memory_space<vmem_shared>>)
      %add3A_192 = arith.constant 2 : i32
      %add3A_193 = arith.addi %add3A_169, %add3A_192 : i32
      %lt3A_194 = arith.constant 40 : i32
      %lt3A_195 = arith.cmpi slt, %add3A_193, %lt3A_194 : i32
      %convert_element_type3A_196 = arith.extui %lt3A_195 : i1 to i32
      %cond3A_197 = arith.constant 0 : i32
      %cond3A_198 = arith.cmpi ne, %convert_element_type3A_196, %cond3A_197 : i32
      scf.if %cond3A_198 {
        %add3A_199 = arith.constant 2 : i32
        %add3A_200 = arith.addi %add3A_169, %add3A_199 : i32
        %dma_start3A_201 = arith.constant 0 : i32
        %dma_start3A_202 = tpu.memref_slice %arg7[%add3A_200, %dma_start3A_201] : memref<40x125xi32, #tpu.memory_space<vmem>> -> memref<1x125xi32, #tpu.memory_space<vmem>>
        %dma_start3A_203 = tpu.memref_squeeze %dma_start3A_202 : memref<1x125xi32, #tpu.memory_space<vmem>> -> memref<125xi32, #tpu.memory_space<vmem>>
        %dma_start3A_204 = arith.constant 0 : i32
        %dma_start3A_205 = arith.constant 0 : i32
        %dma_start3A_206 = tpu.memref_slice %arg2[%dma_start3A_204, %dma_start3A_205] : memref<40000x128xf32, #tpu.memory_space<hbm>> -> memref<40000x128xf32, #tpu.memory_space<hbm>>
        tpu.enqueue_indirect_dma source(%dma_start3A_206 : memref<40000x128xf32, #tpu.memory_space<hbm>>) target(%arg10 : memref<125x128xf32, #tpu.memory_space<vmem>>) offsets(%dma_start3A_203 : memref<125xi32, #tpu.memory_space<vmem>>) semaphore(%arg13 : memref<!tpu.dma_semaphore, #tpu.memory_space<semaphore_mem>>)
      } else {
      }
    }
    %scan3A_31 = arith.constant 20 : i32
    %mul3A_32 = arith.constant 16 : i32
    %mul3A_33 = arith.muli %add3A_1, %mul3A_32 : i32
    %add3A_34 = arith.addi %mul3A_33, %arg1 : i32
    %mul3A_35 = arith.constant 2 : i32
    %mul3A_36 = arith.muli %add3A_34, %mul3A_35 : i32
    %add3A_37 = arith.constant 1 : i32
    %add3A_38 = arith.addi %mul3A_36, %add3A_37 : i32
    "tpu.region"() ({
      %run_scoped3A = tpu.sem_alloc : memref<!tpu.dma_semaphore, #tpu.memory_space<semaphore_mem>>
      %dma_start3A_136 = arith.constant 0 : i32
      %dma_start3A_137 = arith.constant 0 : i32
      %dma_start3A_138 = tpu.memref_slice %arg4[%add3A_38, %dma_start3A_136, %dma_start3A_137] : memref<128x40x125xi32, #tpu.memory_space<hbm>> -> memref<1x40x125xi32, #tpu.memory_space<hbm>>
      %dma_start3A_139 = tpu.memref_squeeze %dma_start3A_138 : memref<1x40x125xi32, #tpu.memory_space<hbm>> -> memref<40x125xi32, #tpu.memory_space<hbm>>
      %dma_start3A_140 = arith.constant 0 : i32
      %dma_start3A_141 = arith.constant 0 : i32
      %dma_start3A_142 = tpu.memref_slice %arg4[%add3A_38, %dma_start3A_140, %dma_start3A_141] : memref<128x40x125xi32, #tpu.memory_space<hbm>> -> memref<1x40x125xi32, #tpu.memory_space<hbm>>
      %dma_start3A_143 = tpu.memref_squeeze %dma_start3A_142 : memref<1x40x125xi32, #tpu.memory_space<hbm>> -> memref<40x125xi32, #tpu.memory_space<hbm>>
      tpu.enqueue_dma source(%dma_start3A_143 : memref<40x125xi32, #tpu.memory_space<hbm>>) target(%arg7 : memref<40x125xi32, #tpu.memory_space<vmem>>) target_semaphore(%run_scoped3A : memref<!tpu.dma_semaphore, #tpu.memory_space<semaphore_mem>>)
      %dma_wait3A = arith.constant 0 : i32
      %dma_wait3A_144 = arith.constant 0 : i32
      %dma_wait3A_145 = tpu.memref_slice %arg4[%add3A_38, %dma_wait3A, %dma_wait3A_144] : memref<128x40x125xi32, #tpu.memory_space<hbm>> -> memref<1x40x125xi32, #tpu.memory_space<hbm>>
      %dma_wait3A_146 = tpu.memref_squeeze %dma_wait3A_145 : memref<1x40x125xi32, #tpu.memory_space<hbm>> -> memref<40x125xi32, #tpu.memory_space<hbm>>
      %dma_wait3A_147 = arith.constant 0 : i32
      %dma_wait3A_148 = arith.constant 0 : i32
      %dma_wait3A_149 = tpu.memref_slice %arg4[%add3A_38, %dma_wait3A_147, %dma_wait3A_148] : memref<128x40x125xi32, #tpu.memory_space<hbm>> -> memref<1x40x125xi32, #tpu.memory_space<hbm>>
      %dma_wait3A_150 = tpu.memref_squeeze %dma_wait3A_149 : memref<1x40x125xi32, #tpu.memory_space<hbm>> -> memref<40x125xi32, #tpu.memory_space<hbm>>
      tpu.wait_dma2 semaphore(%run_scoped3A : memref<!tpu.dma_semaphore, #tpu.memory_space<semaphore_mem>>) src(%dma_wait3A_150 : memref<40x125xi32, #tpu.memory_space<hbm>>) dst(%arg7 : memref<40x125xi32, #tpu.memory_space<vmem>>)
      tpu.yield
    }) : () -> ()
    %dma_start3A_39 = arith.constant 0 : i32
    %dma_start3A_40 = arith.constant 0 : i32
    %dma_start3A_41 = tpu.memref_slice %arg7[%dma_start3A_39, %dma_start3A_40] : memref<40x125xi32, #tpu.memory_space<vmem>> -> memref<1x125xi32, #tpu.memory_space<vmem>>
    %dma_start3A_42 = tpu.memref_squeeze %dma_start3A_41 : memref<1x125xi32, #tpu.memory_space<vmem>> -> memref<125xi32, #tpu.memory_space<vmem>>
    %dma_start3A_43 = arith.constant 0 : i32
    %dma_start3A_44 = arith.constant 0 : i32
    %dma_start3A_45 = tpu.memref_slice %arg2[%dma_start3A_43, %dma_start3A_44] : memref<40000x128xf32, #tpu.memory_space<hbm>> -> memref<40000x128xf32, #tpu.memory_space<hbm>>
    tpu.enqueue_indirect_dma source(%dma_start3A_45 : memref<40000x128xf32, #tpu.memory_space<hbm>>) target(%arg9 : memref<125x128xf32, #tpu.memory_space<vmem>>) offsets(%dma_start3A_42 : memref<125xi32, #tpu.memory_space<vmem>>) semaphore(%arg12 : memref<!tpu.dma_semaphore, #tpu.memory_space<semaphore_mem>>)
    %dma_start3A_46 = arith.constant 1 : i32
    %dma_start3A_47 = arith.constant 0 : i32
    %dma_start3A_48 = tpu.memref_slice %arg7[%dma_start3A_46, %dma_start3A_47] : memref<40x125xi32, #tpu.memory_space<vmem>> -> memref<1x125xi32, #tpu.memory_space<vmem>>
    %dma_start3A_49 = tpu.memref_squeeze %dma_start3A_48 : memref<1x125xi32, #tpu.memory_space<vmem>> -> memref<125xi32, #tpu.memory_space<vmem>>
    %dma_start3A_50 = arith.constant 0 : i32
    %dma_start3A_51 = arith.constant 0 : i32
    %dma_start3A_52 = tpu.memref_slice %arg2[%dma_start3A_50, %dma_start3A_51] : memref<40000x128xf32, #tpu.memory_space<hbm>> -> memref<40000x128xf32, #tpu.memory_space<hbm>>
    tpu.enqueue_indirect_dma source(%dma_start3A_52 : memref<40000x128xf32, #tpu.memory_space<hbm>>) target(%arg10 : memref<125x128xf32, #tpu.memory_space<vmem>>) offsets(%dma_start3A_49 : memref<125xi32, #tpu.memory_space<vmem>>) semaphore(%arg13 : memref<!tpu.dma_semaphore, #tpu.memory_space<semaphore_mem>>)
    %scan3A_53 = arith.constant 0 : i32
    %scan3A_54 = arith.constant 0 : i32
    %scan3A_55 = arith.constant 20 : i32
    %scan3A_56 = arith.addi %scan3A_54, %scan3A_55 : i32
    %scan3A_57 = arith.constant 1 : i32
    scf.for %scan3A_136 = %scan3A_54 to %scan3A_56 step %scan3A_57  : i32 {
      %mul3A_137 = arith.constant 2 : i32
      %mul3A_138 = arith.muli %mul3A_137, %scan3A_136 : i32
      %add3A_139 = arith.constant 0 : i32
      %add3A_140 = arith.addi %mul3A_138, %add3A_139 : i32
      %dma_wait3A = arith.constant 0 : i32
      %dma_wait3A_141 = tpu.memref_slice %arg7[%add3A_140, %dma_wait3A] : memref<40x125xi32, #tpu.memory_space<vmem>> -> memref<1x125xi32, #tpu.memory_space<vmem>>
      %dma_wait3A_142 = tpu.memref_squeeze %dma_wait3A_141 : memref<1x125xi32, #tpu.memory_space<vmem>> -> memref<125xi32, #tpu.memory_space<vmem>>
      %dma_wait3A_143 = arith.constant 0 : i32
      %dma_wait3A_144 = arith.constant 0 : i32
      %dma_wait3A_145 = tpu.memref_slice %arg2[%dma_wait3A_143, %dma_wait3A_144] : memref<40000x128xf32, #tpu.memory_space<hbm>> -> memref<40000x128xf32, #tpu.memory_space<hbm>>
      tpu.wait_indirect_dma semaphore(%arg12 : memref<!tpu.dma_semaphore, #tpu.memory_space<semaphore_mem>>) src(%dma_wait3A_145 : memref<40000x128xf32, #tpu.memory_space<hbm>>) dst(%arg9 : memref<125x128xf32, #tpu.memory_space<vmem>>)
      %add3A_146 = arith.constant 40 : i32
      %add3A_147 = arith.addi %add3A_146, %add3A_140 : i32
      %dma_start3A_148 = arith.constant 0 : i32
      %dma_start3A_149 = tpu.memref_slice %arg8[%add3A_147, %dma_start3A_148] : memref<80x125xi32, #tpu.memory_space<vmem>> -> memref<1x125xi32, #tpu.memory_space<vmem>>
      %dma_start3A_150 = tpu.memref_squeeze %dma_start3A_149 : memref<1x125xi32, #tpu.memory_space<vmem>> -> memref<125xi32, #tpu.memory_space<vmem>>
      %dma_start3A_151 = arith.constant 0 : i32
      %dma_start3A_152 = arith.constant 0 : i32
      %dma_start3A_153 = tpu.memref_slice %arg11[%dma_start3A_151, %dma_start3A_152] : memref<10000x128xf32, #tpu.memory_space<vmem_shared>> -> memref<10000x128xf32, #tpu.memory_space<vmem_shared>>
      tpu.enqueue_indirect_dma source(%arg9 : memref<125x128xf32, #tpu.memory_space<vmem>>) target(%dma_start3A_153 : memref<10000x128xf32, #tpu.memory_space<vmem_shared>>) offsets(%dma_start3A_150 : memref<125xi32, #tpu.memory_space<vmem>>) semaphore(%arg14 : memref<!tpu.dma_semaphore, #tpu.memory_space<semaphore_mem>>) {add = true}
      %add3A_154 = arith.constant 40 : i32
      %add3A_155 = arith.addi %add3A_154, %add3A_140 : i32
      %dma_wait3A_156 = arith.constant 0 : i32
      %dma_wait3A_157 = tpu.memref_slice %arg8[%add3A_155, %dma_wait3A_156] : memref<80x125xi32, #tpu.memory_space<vmem>> -> memref<1x125xi32, #tpu.memory_space<vmem>>
      %dma_wait3A_158 = tpu.memref_squeeze %dma_wait3A_157 : memref<1x125xi32, #tpu.memory_space<vmem>> -> memref<125xi32, #tpu.memory_space<vmem>>
      %dma_wait3A_159 = arith.constant 0 : i32
      %dma_wait3A_160 = arith.constant 0 : i32
      %dma_wait3A_161 = tpu.memref_slice %arg11[%dma_wait3A_159, %dma_wait3A_160] : memref<10000x128xf32, #tpu.memory_space<vmem_shared>> -> memref<10000x128xf32, #tpu.memory_space<vmem_shared>>
      tpu.wait_indirect_dma semaphore(%arg14 : memref<!tpu.dma_semaphore, #tpu.memory_space<semaphore_mem>>) src(%arg9 : memref<125x128xf32, #tpu.memory_space<vmem>>) dst(%dma_wait3A_161 : memref<10000x128xf32, #tpu.memory_space<vmem_shared>>)
      %add3A_162 = arith.constant 2 : i32
      %add3A_163 = arith.addi %add3A_140, %add3A_162 : i32
      %lt3A = arith.constant 40 : i32
      %lt3A_164 = arith.cmpi slt, %add3A_163, %lt3A : i32
      %convert_element_type3A = arith.extui %lt3A_164 : i1 to i32
      %cond3A = arith.constant 0 : i32
      %cond3A_165 = arith.cmpi ne, %convert_element_type3A, %cond3A : i32
      scf.if %cond3A_165 {
        %add3A_199 = arith.constant 2 : i32
        %add3A_200 = arith.addi %add3A_140, %add3A_199 : i32
        %dma_start3A_201 = arith.constant 0 : i32
        %dma_start3A_202 = tpu.memref_slice %arg7[%add3A_200, %dma_start3A_201] : memref<40x125xi32, #tpu.memory_space<vmem>> -> memref<1x125xi32, #tpu.memory_space<vmem>>
        %dma_start3A_203 = tpu.memref_squeeze %dma_start3A_202 : memref<1x125xi32, #tpu.memory_space<vmem>> -> memref<125xi32, #tpu.memory_space<vmem>>
        %dma_start3A_204 = arith.constant 0 : i32
        %dma_start3A_205 = arith.constant 0 : i32
        %dma_start3A_206 = tpu.memref_slice %arg2[%dma_start3A_204, %dma_start3A_205] : memref<40000x128xf32, #tpu.memory_space<hbm>> -> memref<40000x128xf32, #tpu.memory_space<hbm>>
        tpu.enqueue_indirect_dma source(%dma_start3A_206 : memref<40000x128xf32, #tpu.memory_space<hbm>>) target(%arg9 : memref<125x128xf32, #tpu.memory_space<vmem>>) offsets(%dma_start3A_203 : memref<125xi32, #tpu.memory_space<vmem>>) semaphore(%arg12 : memref<!tpu.dma_semaphore, #tpu.memory_space<semaphore_mem>>)
      } else {
      }
      %mul3A_166 = arith.constant 2 : i32
      %mul3A_167 = arith.muli %mul3A_166, %scan3A_136 : i32
      %add3A_168 = arith.constant 1 : i32
      %add3A_169 = arith.addi %mul3A_167, %add3A_168 : i32
      %dma_wait3A_170 = arith.constant 0 : i32
      %dma_wait3A_171 = tpu.memref_slice %arg7[%add3A_169, %dma_wait3A_170] : memref<40x125xi32, #tpu.memory_space<vmem>> -> memref<1x125xi32, #tpu.memory_space<vmem>>
      %dma_wait3A_172 = tpu.memref_squeeze %dma_wait3A_171 : memref<1x125xi32, #tpu.memory_space<vmem>> -> memref<125xi32, #tpu.memory_space<vmem>>
      %dma_wait3A_173 = arith.constant 0 : i32
      %dma_wait3A_174 = arith.constant 0 : i32
      %dma_wait3A_175 = tpu.memref_slice %arg2[%dma_wait3A_173, %dma_wait3A_174] : memref<40000x128xf32, #tpu.memory_space<hbm>> -> memref<40000x128xf32, #tpu.memory_space<hbm>>
      tpu.wait_indirect_dma semaphore(%arg13 : memref<!tpu.dma_semaphore, #tpu.memory_space<semaphore_mem>>) src(%dma_wait3A_175 : memref<40000x128xf32, #tpu.memory_space<hbm>>) dst(%arg10 : memref<125x128xf32, #tpu.memory_space<vmem>>)
      %add3A_176 = arith.constant 40 : i32
      %add3A_177 = arith.addi %add3A_176, %add3A_169 : i32
      %dma_start3A_178 = arith.constant 0 : i32
      %dma_start3A_179 = tpu.memref_slice %arg8[%add3A_177, %dma_start3A_178] : memref<80x125xi32, #tpu.memory_space<vmem>> -> memref<1x125xi32, #tpu.memory_space<vmem>>
      %dma_start3A_180 = tpu.memref_squeeze %dma_start3A_179 : memref<1x125xi32, #tpu.memory_space<vmem>> -> memref<125xi32, #tpu.memory_space<vmem>>
      %dma_start3A_181 = arith.constant 0 : i32
      %dma_start3A_182 = arith.constant 0 : i32
      %dma_start3A_183 = tpu.memref_slice %arg11[%dma_start3A_181, %dma_start3A_182] : memref<10000x128xf32, #tpu.memory_space<vmem_shared>> -> memref<10000x128xf32, #tpu.memory_space<vmem_shared>>
      tpu.enqueue_indirect_dma source(%arg10 : memref<125x128xf32, #tpu.memory_space<vmem>>) target(%dma_start3A_183 : memref<10000x128xf32, #tpu.memory_space<vmem_shared>>) offsets(%dma_start3A_180 : memref<125xi32, #tpu.memory_space<vmem>>) semaphore(%arg15 : memref<!tpu.dma_semaphore, #tpu.memory_space<semaphore_mem>>) {add = true}
      %add3A_184 = arith.constant 40 : i32
      %add3A_185 = arith.addi %add3A_184, %add3A_169 : i32
      %dma_wait3A_186 = arith.constant 0 : i32
      %dma_wait3A_187 = tpu.memref_slice %arg8[%add3A_185, %dma_wait3A_186] : memref<80x125xi32, #tpu.memory_space<vmem>> -> memref<1x125xi32, #tpu.memory_space<vmem>>
      %dma_wait3A_188 = tpu.memref_squeeze %dma_wait3A_187 : memref<1x125xi32, #tpu.memory_space<vmem>> -> memref<125xi32, #tpu.memory_space<vmem>>
      %dma_wait3A_189 = arith.constant 0 : i32
      %dma_wait3A_190 = arith.constant 0 : i32
      %dma_wait3A_191 = tpu.memref_slice %arg11[%dma_wait3A_189, %dma_wait3A_190] : memref<10000x128xf32, #tpu.memory_space<vmem_shared>> -> memref<10000x128xf32, #tpu.memory_space<vmem_shared>>
      tpu.wait_indirect_dma semaphore(%arg15 : memref<!tpu.dma_semaphore, #tpu.memory_space<semaphore_mem>>) src(%arg10 : memref<125x128xf32, #tpu.memory_space<vmem>>) dst(%dma_wait3A_191 : memref<10000x128xf32, #tpu.memory_space<vmem_shared>>)
      %add3A_192 = arith.constant 2 : i32
      %add3A_193 = arith.addi %add3A_169, %add3A_192 : i32
      %lt3A_194 = arith.constant 40 : i32
      %lt3A_195 = arith.cmpi slt, %add3A_193, %lt3A_194 : i32
      %convert_element_type3A_196 = arith.extui %lt3A_195 : i1 to i32
      %cond3A_197 = arith.constant 0 : i32
      %cond3A_198 = arith.cmpi ne, %convert_element_type3A_196, %cond3A_197 : i32
      scf.if %cond3A_198 {
        %add3A_199 = arith.constant 2 : i32
        %add3A_200 = arith.addi %add3A_169, %add3A_199 : i32
        %dma_start3A_201 = arith.constant 0 : i32
        %dma_start3A_202 = tpu.memref_slice %arg7[%add3A_200, %dma_start3A_201] : memref<40x125xi32, #tpu.memory_space<vmem>> -> memref<1x125xi32, #tpu.memory_space<vmem>>
        %dma_start3A_203 = tpu.memref_squeeze %dma_start3A_202 : memref<1x125xi32, #tpu.memory_space<vmem>> -> memref<125xi32, #tpu.memory_space<vmem>>
        %dma_start3A_204 = arith.constant 0 : i32
        %dma_start3A_205 = arith.constant 0 : i32
        %dma_start3A_206 = tpu.memref_slice %arg2[%dma_start3A_204, %dma_start3A_205] : memref<40000x128xf32, #tpu.memory_space<hbm>> -> memref<40000x128xf32, #tpu.memory_space<hbm>>
        tpu.enqueue_indirect_dma source(%dma_start3A_206 : memref<40000x128xf32, #tpu.memory_space<hbm>>) target(%arg10 : memref<125x128xf32, #tpu.memory_space<vmem>>) offsets(%dma_start3A_203 : memref<125xi32, #tpu.memory_space<vmem>>) semaphore(%arg13 : memref<!tpu.dma_semaphore, #tpu.memory_space<semaphore_mem>>)
      } else {
      }
    }
    %scan3A_58 = arith.constant 20 : i32
    %barrier3A_59 = arith.constant 0 : index
    tpu.barrier barrier_id(%barrier3A_59)
    %mul3A_60 = arith.constant 625 : i32
    %mul3A_61 = arith.muli %arg1, %mul3A_60 : i32
    %mul3A_62 = arith.constant 16 : i32
    %mul3A_63 = arith.muli %add3A_1, %mul3A_62 : i32
    %add3A_64 = arith.addi %mul3A_63, %arg1 : i32
    "tpu.region"() ({
      %run_scoped3A = tpu.sem_alloc : memref<!tpu.dma_semaphore, #tpu.memory_space<semaphore_mem>>
      %dma_start3A_136 = arith.constant 0 : i32
      %dma_start3A_137 = arith.constant 0 : i32
      %dma_start3A_138 = tpu.memref_slice %arg6[%add3A_64, %dma_start3A_136, %dma_start3A_137] : memref<64x625x128xf32, #tpu.memory_space<hbm>> -> memref<1x625x128xf32, #tpu.memory_space<hbm>>
      %dma_start3A_139 = tpu.memref_squeeze %dma_start3A_138 : memref<1x625x128xf32, #tpu.memory_space<hbm>> -> memref<625x128xf32, #tpu.memory_space<hbm>>
      %dma_start3A_140 = arith.constant 0 : i32
      %dma_start3A_141 = tpu.memref_slice %arg11[%mul3A_61, %dma_start3A_140] : memref<10000x128xf32, #tpu.memory_space<vmem_shared>> -> memref<625x128xf32, #tpu.memory_space<vmem_shared>>
      tpu.enqueue_dma source(%dma_start3A_141 : memref<625x128xf32, #tpu.memory_space<vmem_shared>>) target(%dma_start3A_139 : memref<625x128xf32, #tpu.memory_space<hbm>>) target_semaphore(%run_scoped3A : memref<!tpu.dma_semaphore, #tpu.memory_space<semaphore_mem>>)
      %dma_wait3A = arith.constant 0 : i32
      %dma_wait3A_142 = arith.constant 0 : i32
      %dma_wait3A_143 = tpu.memref_slice %arg6[%add3A_64, %dma_wait3A, %dma_wait3A_142] : memref<64x625x128xf32, #tpu.memory_space<hbm>> -> memref<1x625x128xf32, #tpu.memory_space<hbm>>
      %dma_wait3A_144 = tpu.memref_squeeze %dma_wait3A_143 : memref<1x625x128xf32, #tpu.memory_space<hbm>> -> memref<625x128xf32, #tpu.memory_space<hbm>>
      %dma_wait3A_145 = arith.constant 0 : i32
      %dma_wait3A_146 = tpu.memref_slice %arg11[%mul3A_61, %dma_wait3A_145] : memref<10000x128xf32, #tpu.memory_space<vmem_shared>> -> memref<625x128xf32, #tpu.memory_space<vmem_shared>>
      tpu.wait_dma2 semaphore(%run_scoped3A : memref<!tpu.dma_semaphore, #tpu.memory_space<semaphore_mem>>) src(%dma_wait3A_146 : memref<625x128xf32, #tpu.memory_space<vmem_shared>>) dst(%dma_wait3A_144 : memref<625x128xf32, #tpu.memory_space<hbm>>)
      tpu.yield
    }) : () -> ()
    %barrier3A_65 = arith.constant 0 : index
    tpu.barrier barrier_id(%barrier3A_65)
    %mul3A_66 = arith.constant 2 : i32
    %mul3A_67 = arith.muli %arg0, %mul3A_66 : i32
    %add3A_68 = arith.constant 1 : i32
    %add3A_69 = arith.addi %mul3A_67, %add3A_68 : i32
    %mul3A_70 = arith.constant 16 : i32
    %mul3A_71 = arith.muli %add3A_69, %mul3A_70 : i32
    %add3A_72 = arith.addi %mul3A_71, %arg1 : i32
    %mul3A_73 = arith.constant 625 : i32
    %mul3A_74 = arith.muli %arg1, %mul3A_73 : i32
    "tpu.region"() ({
      %run_scoped3A = tpu.sem_alloc : memref<!tpu.dma_semaphore, #tpu.memory_space<semaphore_mem>>
      %dma_start3A_136 = arith.constant 0 : i32
      %dma_start3A_137 = tpu.memref_slice %arg11[%mul3A_74, %dma_start3A_136] : memref<10000x128xf32, #tpu.memory_space<vmem_shared>> -> memref<625x128xf32, #tpu.memory_space<vmem_shared>>
      %dma_start3A_138 = arith.constant 0 : i32
      %dma_start3A_139 = arith.constant 0 : i32
      %dma_start3A_140 = tpu.memref_slice %arg3[%add3A_72, %dma_start3A_138, %dma_start3A_139] : memref<64x625x128xf32, #tpu.memory_space<hbm>> -> memref<1x625x128xf32, #tpu.memory_space<hbm>>
      %dma_start3A_141 = tpu.memref_squeeze %dma_start3A_140 : memref<1x625x128xf32, #tpu.memory_space<hbm>> -> memref<625x128xf32, #tpu.memory_space<hbm>>
      tpu.enqueue_dma source(%dma_start3A_141 : memref<625x128xf32, #tpu.memory_space<hbm>>) target(%dma_start3A_137 : memref<625x128xf32, #tpu.memory_space<vmem_shared>>) target_semaphore(%run_scoped3A : memref<!tpu.dma_semaphore, #tpu.memory_space<semaphore_mem>>)
      %dma_wait3A = arith.constant 0 : i32
      %dma_wait3A_142 = tpu.memref_slice %arg11[%mul3A_74, %dma_wait3A] : memref<10000x128xf32, #tpu.memory_space<vmem_shared>> -> memref<625x128xf32, #tpu.memory_space<vmem_shared>>
      %dma_wait3A_143 = arith.constant 0 : i32
      %dma_wait3A_144 = arith.constant 0 : i32
      %dma_wait3A_145 = tpu.memref_slice %arg3[%add3A_72, %dma_wait3A_143, %dma_wait3A_144] : memref<64x625x128xf32, #tpu.memory_space<hbm>> -> memref<1x625x128xf32, #tpu.memory_space<hbm>>
      %dma_wait3A_146 = tpu.memref_squeeze %dma_wait3A_145 : memref<1x625x128xf32, #tpu.memory_space<hbm>> -> memref<625x128xf32, #tpu.memory_space<hbm>>
      tpu.wait_dma2 semaphore(%run_scoped3A : memref<!tpu.dma_semaphore, #tpu.memory_space<semaphore_mem>>) src(%dma_wait3A_146 : memref<625x128xf32, #tpu.memory_space<hbm>>) dst(%dma_wait3A_142 : memref<625x128xf32, #tpu.memory_space<vmem_shared>>)
      tpu.yield
    }) : () -> ()
    %barrier3A_75 = arith.constant 0 : index
    tpu.barrier barrier_id(%barrier3A_75)
    %mul3A_76 = arith.constant 16 : i32
    %mul3A_77 = arith.muli %add3A_69, %mul3A_76 : i32
    %add3A_78 = arith.addi %mul3A_77, %arg1 : i32
    %mul3A_79 = arith.constant 2 : i32
    %mul3A_80 = arith.muli %add3A_78, %mul3A_79 : i32
    %add3A_81 = arith.constant 0 : i32
    %add3A_82 = arith.addi %mul3A_80, %add3A_81 : i32
    "tpu.region"() ({
      %run_scoped3A = tpu.sem_alloc : memref<!tpu.dma_semaphore, #tpu.memory_space<semaphore_mem>>
      %dma_start3A_136 = arith.constant 0 : i32
      %dma_start3A_137 = arith.constant 0 : i32
      %dma_start3A_138 = tpu.memref_slice %arg4[%add3A_82, %dma_start3A_136, %dma_start3A_137] : memref<128x40x125xi32, #tpu.memory_space<hbm>> -> memref<1x40x125xi32, #tpu.memory_space<hbm>>
      %dma_start3A_139 = tpu.memref_squeeze %dma_start3A_138 : memref<1x40x125xi32, #tpu.memory_space<hbm>> -> memref<40x125xi32, #tpu.memory_space<hbm>>
      %dma_start3A_140 = arith.constant 0 : i32
      %dma_start3A_141 = arith.constant 0 : i32
      %dma_start3A_142 = tpu.memref_slice %arg4[%add3A_82, %dma_start3A_140, %dma_start3A_141] : memref<128x40x125xi32, #tpu.memory_space<hbm>> -> memref<1x40x125xi32, #tpu.memory_space<hbm>>
      %dma_start3A_143 = tpu.memref_squeeze %dma_start3A_142 : memref<1x40x125xi32, #tpu.memory_space<hbm>> -> memref<40x125xi32, #tpu.memory_space<hbm>>
      tpu.enqueue_dma source(%dma_start3A_143 : memref<40x125xi32, #tpu.memory_space<hbm>>) target(%arg7 : memref<40x125xi32, #tpu.memory_space<vmem>>) target_semaphore(%run_scoped3A : memref<!tpu.dma_semaphore, #tpu.memory_space<semaphore_mem>>)
      %dma_wait3A = arith.constant 0 : i32
      %dma_wait3A_144 = arith.constant 0 : i32
      %dma_wait3A_145 = tpu.memref_slice %arg4[%add3A_82, %dma_wait3A, %dma_wait3A_144] : memref<128x40x125xi32, #tpu.memory_space<hbm>> -> memref<1x40x125xi32, #tpu.memory_space<hbm>>
      %dma_wait3A_146 = tpu.memref_squeeze %dma_wait3A_145 : memref<1x40x125xi32, #tpu.memory_space<hbm>> -> memref<40x125xi32, #tpu.memory_space<hbm>>
      %dma_wait3A_147 = arith.constant 0 : i32
      %dma_wait3A_148 = arith.constant 0 : i32
      %dma_wait3A_149 = tpu.memref_slice %arg4[%add3A_82, %dma_wait3A_147, %dma_wait3A_148] : memref<128x40x125xi32, #tpu.memory_space<hbm>> -> memref<1x40x125xi32, #tpu.memory_space<hbm>>
      %dma_wait3A_150 = tpu.memref_squeeze %dma_wait3A_149 : memref<1x40x125xi32, #tpu.memory_space<hbm>> -> memref<40x125xi32, #tpu.memory_space<hbm>>
      tpu.wait_dma2 semaphore(%run_scoped3A : memref<!tpu.dma_semaphore, #tpu.memory_space<semaphore_mem>>) src(%dma_wait3A_150 : memref<40x125xi32, #tpu.memory_space<hbm>>) dst(%arg7 : memref<40x125xi32, #tpu.memory_space<vmem>>)
      tpu.yield
    }) : () -> ()
    %dma_start3A_83 = arith.constant 0 : i32
    %dma_start3A_84 = arith.constant 0 : i32
    %dma_start3A_85 = tpu.memref_slice %arg7[%dma_start3A_83, %dma_start3A_84] : memref<40x125xi32, #tpu.memory_space<vmem>> -> memref<1x125xi32, #tpu.memory_space<vmem>>
    %dma_start3A_86 = tpu.memref_squeeze %dma_start3A_85 : memref<1x125xi32, #tpu.memory_space<vmem>> -> memref<125xi32, #tpu.memory_space<vmem>>
    %dma_start3A_87 = arith.constant 0 : i32
    %dma_start3A_88 = arith.constant 0 : i32
    %dma_start3A_89 = tpu.memref_slice %arg2[%dma_start3A_87, %dma_start3A_88] : memref<40000x128xf32, #tpu.memory_space<hbm>> -> memref<40000x128xf32, #tpu.memory_space<hbm>>
    tpu.enqueue_indirect_dma source(%dma_start3A_89 : memref<40000x128xf32, #tpu.memory_space<hbm>>) target(%arg9 : memref<125x128xf32, #tpu.memory_space<vmem>>) offsets(%dma_start3A_86 : memref<125xi32, #tpu.memory_space<vmem>>) semaphore(%arg12 : memref<!tpu.dma_semaphore, #tpu.memory_space<semaphore_mem>>)
    %dma_start3A_90 = arith.constant 1 : i32
    %dma_start3A_91 = arith.constant 0 : i32
    %dma_start3A_92 = tpu.memref_slice %arg7[%dma_start3A_90, %dma_start3A_91] : memref<40x125xi32, #tpu.memory_space<vmem>> -> memref<1x125xi32, #tpu.memory_space<vmem>>
    %dma_start3A_93 = tpu.memref_squeeze %dma_start3A_92 : memref<1x125xi32, #tpu.memory_space<vmem>> -> memref<125xi32, #tpu.memory_space<vmem>>
    %dma_start3A_94 = arith.constant 0 : i32
    %dma_start3A_95 = arith.constant 0 : i32
    %dma_start3A_96 = tpu.memref_slice %arg2[%dma_start3A_94, %dma_start3A_95] : memref<40000x128xf32, #tpu.memory_space<hbm>> -> memref<40000x128xf32, #tpu.memory_space<hbm>>
    tpu.enqueue_indirect_dma source(%dma_start3A_96 : memref<40000x128xf32, #tpu.memory_space<hbm>>) target(%arg10 : memref<125x128xf32, #tpu.memory_space<vmem>>) offsets(%dma_start3A_93 : memref<125xi32, #tpu.memory_space<vmem>>) semaphore(%arg13 : memref<!tpu.dma_semaphore, #tpu.memory_space<semaphore_mem>>)
    %scan3A_97 = arith.constant 0 : i32
    %scan3A_98 = arith.constant 0 : i32
    %scan3A_99 = arith.constant 20 : i32
    %scan3A_100 = arith.addi %scan3A_98, %scan3A_99 : i32
    %scan3A_101 = arith.constant 1 : i32
    scf.for %scan3A_136 = %scan3A_98 to %scan3A_100 step %scan3A_101  : i32 {
      %mul3A_137 = arith.constant 2 : i32
      %mul3A_138 = arith.muli %mul3A_137, %scan3A_136 : i32
      %add3A_139 = arith.constant 0 : i32
      %add3A_140 = arith.addi %mul3A_138, %add3A_139 : i32
      %dma_wait3A = arith.constant 0 : i32
      %dma_wait3A_141 = tpu.memref_slice %arg7[%add3A_140, %dma_wait3A] : memref<40x125xi32, #tpu.memory_space<vmem>> -> memref<1x125xi32, #tpu.memory_space<vmem>>
      %dma_wait3A_142 = tpu.memref_squeeze %dma_wait3A_141 : memref<1x125xi32, #tpu.memory_space<vmem>> -> memref<125xi32, #tpu.memory_space<vmem>>
      %dma_wait3A_143 = arith.constant 0 : i32
      %dma_wait3A_144 = arith.constant 0 : i32
      %dma_wait3A_145 = tpu.memref_slice %arg2[%dma_wait3A_143, %dma_wait3A_144] : memref<40000x128xf32, #tpu.memory_space<hbm>> -> memref<40000x128xf32, #tpu.memory_space<hbm>>
      tpu.wait_indirect_dma semaphore(%arg12 : memref<!tpu.dma_semaphore, #tpu.memory_space<semaphore_mem>>) src(%dma_wait3A_145 : memref<40000x128xf32, #tpu.memory_space<hbm>>) dst(%arg9 : memref<125x128xf32, #tpu.memory_space<vmem>>)
      %add3A_146 = arith.constant 0 : i32
      %add3A_147 = arith.addi %add3A_146, %add3A_140 : i32
      %dma_start3A_148 = arith.constant 0 : i32
      %dma_start3A_149 = tpu.memref_slice %arg8[%add3A_147, %dma_start3A_148] : memref<80x125xi32, #tpu.memory_space<vmem>> -> memref<1x125xi32, #tpu.memory_space<vmem>>
      %dma_start3A_150 = tpu.memref_squeeze %dma_start3A_149 : memref<1x125xi32, #tpu.memory_space<vmem>> -> memref<125xi32, #tpu.memory_space<vmem>>
      %dma_start3A_151 = arith.constant 0 : i32
      %dma_start3A_152 = arith.constant 0 : i32
      %dma_start3A_153 = tpu.memref_slice %arg11[%dma_start3A_151, %dma_start3A_152] : memref<10000x128xf32, #tpu.memory_space<vmem_shared>> -> memref<10000x128xf32, #tpu.memory_space<vmem_shared>>
      tpu.enqueue_indirect_dma source(%arg9 : memref<125x128xf32, #tpu.memory_space<vmem>>) target(%dma_start3A_153 : memref<10000x128xf32, #tpu.memory_space<vmem_shared>>) offsets(%dma_start3A_150 : memref<125xi32, #tpu.memory_space<vmem>>) semaphore(%arg14 : memref<!tpu.dma_semaphore, #tpu.memory_space<semaphore_mem>>) {add = true}
      %add3A_154 = arith.constant 0 : i32
      %add3A_155 = arith.addi %add3A_154, %add3A_140 : i32
      %dma_wait3A_156 = arith.constant 0 : i32
      %dma_wait3A_157 = tpu.memref_slice %arg8[%add3A_155, %dma_wait3A_156] : memref<80x125xi32, #tpu.memory_space<vmem>> -> memref<1x125xi32, #tpu.memory_space<vmem>>
      %dma_wait3A_158 = tpu.memref_squeeze %dma_wait3A_157 : memref<1x125xi32, #tpu.memory_space<vmem>> -> memref<125xi32, #tpu.memory_space<vmem>>
      %dma_wait3A_159 = arith.constant 0 : i32
      %dma_wait3A_160 = arith.constant 0 : i32
      %dma_wait3A_161 = tpu.memref_slice %arg11[%dma_wait3A_159, %dma_wait3A_160] : memref<10000x128xf32, #tpu.memory_space<vmem_shared>> -> memref<10000x128xf32, #tpu.memory_space<vmem_shared>>
      tpu.wait_indirect_dma semaphore(%arg14 : memref<!tpu.dma_semaphore, #tpu.memory_space<semaphore_mem>>) src(%arg9 : memref<125x128xf32, #tpu.memory_space<vmem>>) dst(%dma_wait3A_161 : memref<10000x128xf32, #tpu.memory_space<vmem_shared>>)
      %add3A_162 = arith.constant 2 : i32
      %add3A_163 = arith.addi %add3A_140, %add3A_162 : i32
      %lt3A = arith.constant 40 : i32
      %lt3A_164 = arith.cmpi slt, %add3A_163, %lt3A : i32
      %convert_element_type3A = arith.extui %lt3A_164 : i1 to i32
      %cond3A = arith.constant 0 : i32
      %cond3A_165 = arith.cmpi ne, %convert_element_type3A, %cond3A : i32
      scf.if %cond3A_165 {
        %add3A_199 = arith.constant 2 : i32
        %add3A_200 = arith.addi %add3A_140, %add3A_199 : i32
        %dma_start3A_201 = arith.constant 0 : i32
        %dma_start3A_202 = tpu.memref_slice %arg7[%add3A_200, %dma_start3A_201] : memref<40x125xi32, #tpu.memory_space<vmem>> -> memref<1x125xi32, #tpu.memory_space<vmem>>
        %dma_start3A_203 = tpu.memref_squeeze %dma_start3A_202 : memref<1x125xi32, #tpu.memory_space<vmem>> -> memref<125xi32, #tpu.memory_space<vmem>>
        %dma_start3A_204 = arith.constant 0 : i32
        %dma_start3A_205 = arith.constant 0 : i32
        %dma_start3A_206 = tpu.memref_slice %arg2[%dma_start3A_204, %dma_start3A_205] : memref<40000x128xf32, #tpu.memory_space<hbm>> -> memref<40000x128xf32, #tpu.memory_space<hbm>>
        tpu.enqueue_indirect_dma source(%dma_start3A_206 : memref<40000x128xf32, #tpu.memory_space<hbm>>) target(%arg9 : memref<125x128xf32, #tpu.memory_space<vmem>>) offsets(%dma_start3A_203 : memref<125xi32, #tpu.memory_space<vmem>>) semaphore(%arg12 : memref<!tpu.dma_semaphore, #tpu.memory_space<semaphore_mem>>)
      } else {
      }
      %mul3A_166 = arith.constant 2 : i32
      %mul3A_167 = arith.muli %mul3A_166, %scan3A_136 : i32
      %add3A_168 = arith.constant 1 : i32
      %add3A_169 = arith.addi %mul3A_167, %add3A_168 : i32
      %dma_wait3A_170 = arith.constant 0 : i32
      %dma_wait3A_171 = tpu.memref_slice %arg7[%add3A_169, %dma_wait3A_170] : memref<40x125xi32, #tpu.memory_space<vmem>> -> memref<1x125xi32, #tpu.memory_space<vmem>>
      %dma_wait3A_172 = tpu.memref_squeeze %dma_wait3A_171 : memref<1x125xi32, #tpu.memory_space<vmem>> -> memref<125xi32, #tpu.memory_space<vmem>>
      %dma_wait3A_173 = arith.constant 0 : i32
      %dma_wait3A_174 = arith.constant 0 : i32
      %dma_wait3A_175 = tpu.memref_slice %arg2[%dma_wait3A_173, %dma_wait3A_174] : memref<40000x128xf32, #tpu.memory_space<hbm>> -> memref<40000x128xf32, #tpu.memory_space<hbm>>
      tpu.wait_indirect_dma semaphore(%arg13 : memref<!tpu.dma_semaphore, #tpu.memory_space<semaphore_mem>>) src(%dma_wait3A_175 : memref<40000x128xf32, #tpu.memory_space<hbm>>) dst(%arg10 : memref<125x128xf32, #tpu.memory_space<vmem>>)
      %add3A_176 = arith.constant 0 : i32
      %add3A_177 = arith.addi %add3A_176, %add3A_169 : i32
      %dma_start3A_178 = arith.constant 0 : i32
      %dma_start3A_179 = tpu.memref_slice %arg8[%add3A_177, %dma_start3A_178] : memref<80x125xi32, #tpu.memory_space<vmem>> -> memref<1x125xi32, #tpu.memory_space<vmem>>
      %dma_start3A_180 = tpu.memref_squeeze %dma_start3A_179 : memref<1x125xi32, #tpu.memory_space<vmem>> -> memref<125xi32, #tpu.memory_space<vmem>>
      %dma_start3A_181 = arith.constant 0 : i32
      %dma_start3A_182 = arith.constant 0 : i32
      %dma_start3A_183 = tpu.memref_slice %arg11[%dma_start3A_181, %dma_start3A_182] : memref<10000x128xf32, #tpu.memory_space<vmem_shared>> -> memref<10000x128xf32, #tpu.memory_space<vmem_shared>>
      tpu.enqueue_indirect_dma source(%arg10 : memref<125x128xf32, #tpu.memory_space<vmem>>) target(%dma_start3A_183 : memref<10000x128xf32, #tpu.memory_space<vmem_shared>>) offsets(%dma_start3A_180 : memref<125xi32, #tpu.memory_space<vmem>>) semaphore(%arg15 : memref<!tpu.dma_semaphore, #tpu.memory_space<semaphore_mem>>) {add = true}
      %add3A_184 = arith.constant 0 : i32
      %add3A_185 = arith.addi %add3A_184, %add3A_169 : i32
      %dma_wait3A_186 = arith.constant 0 : i32
      %dma_wait3A_187 = tpu.memref_slice %arg8[%add3A_185, %dma_wait3A_186] : memref<80x125xi32, #tpu.memory_space<vmem>> -> memref<1x125xi32, #tpu.memory_space<vmem>>
      %dma_wait3A_188 = tpu.memref_squeeze %dma_wait3A_187 : memref<1x125xi32, #tpu.memory_space<vmem>> -> memref<125xi32, #tpu.memory_space<vmem>>
      %dma_wait3A_189 = arith.constant 0 : i32
      %dma_wait3A_190 = arith.constant 0 : i32
      %dma_wait3A_191 = tpu.memref_slice %arg11[%dma_wait3A_189, %dma_wait3A_190] : memref<10000x128xf32, #tpu.memory_space<vmem_shared>> -> memref<10000x128xf32, #tpu.memory_space<vmem_shared>>
      tpu.wait_indirect_dma semaphore(%arg15 : memref<!tpu.dma_semaphore, #tpu.memory_space<semaphore_mem>>) src(%arg10 : memref<125x128xf32, #tpu.memory_space<vmem>>) dst(%dma_wait3A_191 : memref<10000x128xf32, #tpu.memory_space<vmem_shared>>)
      %add3A_192 = arith.constant 2 : i32
      %add3A_193 = arith.addi %add3A_169, %add3A_192 : i32
      %lt3A_194 = arith.constant 40 : i32
      %lt3A_195 = arith.cmpi slt, %add3A_193, %lt3A_194 : i32
      %convert_element_type3A_196 = arith.extui %lt3A_195 : i1 to i32
      %cond3A_197 = arith.constant 0 : i32
      %cond3A_198 = arith.cmpi ne, %convert_element_type3A_196, %cond3A_197 : i32
      scf.if %cond3A_198 {
        %add3A_199 = arith.constant 2 : i32
        %add3A_200 = arith.addi %add3A_169, %add3A_199 : i32
        %dma_start3A_201 = arith.constant 0 : i32
        %dma_start3A_202 = tpu.memref_slice %arg7[%add3A_200, %dma_start3A_201] : memref<40x125xi32, #tpu.memory_space<vmem>> -> memref<1x125xi32, #tpu.memory_space<vmem>>
        %dma_start3A_203 = tpu.memref_squeeze %dma_start3A_202 : memref<1x125xi32, #tpu.memory_space<vmem>> -> memref<125xi32, #tpu.memory_space<vmem>>
        %dma_start3A_204 = arith.constant 0 : i32
        %dma_start3A_205 = arith.constant 0 : i32
        %dma_start3A_206 = tpu.memref_slice %arg2[%dma_start3A_204, %dma_start3A_205] : memref<40000x128xf32, #tpu.memory_space<hbm>> -> memref<40000x128xf32, #tpu.memory_space<hbm>>
        tpu.enqueue_indirect_dma source(%dma_start3A_206 : memref<40000x128xf32, #tpu.memory_space<hbm>>) target(%arg10 : memref<125x128xf32, #tpu.memory_space<vmem>>) offsets(%dma_start3A_203 : memref<125xi32, #tpu.memory_space<vmem>>) semaphore(%arg13 : memref<!tpu.dma_semaphore, #tpu.memory_space<semaphore_mem>>)
      } else {
      }
    }
    %scan3A_102 = arith.constant 20 : i32
    %mul3A_103 = arith.constant 16 : i32
    %mul3A_104 = arith.muli %add3A_69, %mul3A_103 : i32
    %add3A_105 = arith.addi %mul3A_104, %arg1 : i32
    %mul3A_106 = arith.constant 2 : i32
    %mul3A_107 = arith.muli %add3A_105, %mul3A_106 : i32
    %add3A_108 = arith.constant 1 : i32
    %add3A_109 = arith.addi %mul3A_107, %add3A_108 : i32
    "tpu.region"() ({
      %run_scoped3A = tpu.sem_alloc : memref<!tpu.dma_semaphore, #tpu.memory_space<semaphore_mem>>
      %dma_start3A_136 = arith.constant 0 : i32
      %dma_start3A_137 = arith.constant 0 : i32
      %dma_start3A_138 = tpu.memref_slice %arg4[%add3A_109, %dma_start3A_136, %dma_start3A_137] : memref<128x40x125xi32, #tpu.memory_space<hbm>> -> memref<1x40x125xi32, #tpu.memory_space<hbm>>
      %dma_start3A_139 = tpu.memref_squeeze %dma_start3A_138 : memref<1x40x125xi32, #tpu.memory_space<hbm>> -> memref<40x125xi32, #tpu.memory_space<hbm>>
      %dma_start3A_140 = arith.constant 0 : i32
      %dma_start3A_141 = arith.constant 0 : i32
      %dma_start3A_142 = tpu.memref_slice %arg4[%add3A_109, %dma_start3A_140, %dma_start3A_141] : memref<128x40x125xi32, #tpu.memory_space<hbm>> -> memref<1x40x125xi32, #tpu.memory_space<hbm>>
      %dma_start3A_143 = tpu.memref_squeeze %dma_start3A_142 : memref<1x40x125xi32, #tpu.memory_space<hbm>> -> memref<40x125xi32, #tpu.memory_space<hbm>>
      tpu.enqueue_dma source(%dma_start3A_143 : memref<40x125xi32, #tpu.memory_space<hbm>>) target(%arg7 : memref<40x125xi32, #tpu.memory_space<vmem>>) target_semaphore(%run_scoped3A : memref<!tpu.dma_semaphore, #tpu.memory_space<semaphore_mem>>)
      %dma_wait3A = arith.constant 0 : i32
      %dma_wait3A_144 = arith.constant 0 : i32
      %dma_wait3A_145 = tpu.memref_slice %arg4[%add3A_109, %dma_wait3A, %dma_wait3A_144] : memref<128x40x125xi32, #tpu.memory_space<hbm>> -> memref<1x40x125xi32, #tpu.memory_space<hbm>>
      %dma_wait3A_146 = tpu.memref_squeeze %dma_wait3A_145 : memref<1x40x125xi32, #tpu.memory_space<hbm>> -> memref<40x125xi32, #tpu.memory_space<hbm>>
      %dma_wait3A_147 = arith.constant 0 : i32
      %dma_wait3A_148 = arith.constant 0 : i32
      %dma_wait3A_149 = tpu.memref_slice %arg4[%add3A_109, %dma_wait3A_147, %dma_wait3A_148] : memref<128x40x125xi32, #tpu.memory_space<hbm>> -> memref<1x40x125xi32, #tpu.memory_space<hbm>>
      %dma_wait3A_150 = tpu.memref_squeeze %dma_wait3A_149 : memref<1x40x125xi32, #tpu.memory_space<hbm>> -> memref<40x125xi32, #tpu.memory_space<hbm>>
      tpu.wait_dma2 semaphore(%run_scoped3A : memref<!tpu.dma_semaphore, #tpu.memory_space<semaphore_mem>>) src(%dma_wait3A_150 : memref<40x125xi32, #tpu.memory_space<hbm>>) dst(%arg7 : memref<40x125xi32, #tpu.memory_space<vmem>>)
      tpu.yield
    }) : () -> ()
    %dma_start3A_110 = arith.constant 0 : i32
    %dma_start3A_111 = arith.constant 0 : i32
    %dma_start3A_112 = tpu.memref_slice %arg7[%dma_start3A_110, %dma_start3A_111] : memref<40x125xi32, #tpu.memory_space<vmem>> -> memref<1x125xi32, #tpu.memory_space<vmem>>
    %dma_start3A_113 = tpu.memref_squeeze %dma_start3A_112 : memref<1x125xi32, #tpu.memory_space<vmem>> -> memref<125xi32, #tpu.memory_space<vmem>>
    %dma_start3A_114 = arith.constant 0 : i32
    %dma_start3A_115 = arith.constant 0 : i32
    %dma_start3A_116 = tpu.memref_slice %arg2[%dma_start3A_114, %dma_start3A_115] : memref<40000x128xf32, #tpu.memory_space<hbm>> -> memref<40000x128xf32, #tpu.memory_space<hbm>>
    tpu.enqueue_indirect_dma source(%dma_start3A_116 : memref<40000x128xf32, #tpu.memory_space<hbm>>) target(%arg9 : memref<125x128xf32, #tpu.memory_space<vmem>>) offsets(%dma_start3A_113 : memref<125xi32, #tpu.memory_space<vmem>>) semaphore(%arg12 : memref<!tpu.dma_semaphore, #tpu.memory_space<semaphore_mem>>)
    %dma_start3A_117 = arith.constant 1 : i32
    %dma_start3A_118 = arith.constant 0 : i32
    %dma_start3A_119 = tpu.memref_slice %arg7[%dma_start3A_117, %dma_start3A_118] : memref<40x125xi32, #tpu.memory_space<vmem>> -> memref<1x125xi32, #tpu.memory_space<vmem>>
    %dma_start3A_120 = tpu.memref_squeeze %dma_start3A_119 : memref<1x125xi32, #tpu.memory_space<vmem>> -> memref<125xi32, #tpu.memory_space<vmem>>
    %dma_start3A_121 = arith.constant 0 : i32
    %dma_start3A_122 = arith.constant 0 : i32
    %dma_start3A_123 = tpu.memref_slice %arg2[%dma_start3A_121, %dma_start3A_122] : memref<40000x128xf32, #tpu.memory_space<hbm>> -> memref<40000x128xf32, #tpu.memory_space<hbm>>
    tpu.enqueue_indirect_dma source(%dma_start3A_123 : memref<40000x128xf32, #tpu.memory_space<hbm>>) target(%arg10 : memref<125x128xf32, #tpu.memory_space<vmem>>) offsets(%dma_start3A_120 : memref<125xi32, #tpu.memory_space<vmem>>) semaphore(%arg13 : memref<!tpu.dma_semaphore, #tpu.memory_space<semaphore_mem>>)
    %scan3A_124 = arith.constant 0 : i32
    %scan3A_125 = arith.constant 0 : i32
    %scan3A_126 = arith.constant 20 : i32
    %scan3A_127 = arith.addi %scan3A_125, %scan3A_126 : i32
    %scan3A_128 = arith.constant 1 : i32
    scf.for %scan3A_136 = %scan3A_125 to %scan3A_127 step %scan3A_128  : i32 {
      %mul3A_137 = arith.constant 2 : i32
      %mul3A_138 = arith.muli %mul3A_137, %scan3A_136 : i32
      %add3A_139 = arith.constant 0 : i32
      %add3A_140 = arith.addi %mul3A_138, %add3A_139 : i32
      %dma_wait3A = arith.constant 0 : i32
      %dma_wait3A_141 = tpu.memref_slice %arg7[%add3A_140, %dma_wait3A] : memref<40x125xi32, #tpu.memory_space<vmem>> -> memref<1x125xi32, #tpu.memory_space<vmem>>
      %dma_wait3A_142 = tpu.memref_squeeze %dma_wait3A_141 : memref<1x125xi32, #tpu.memory_space<vmem>> -> memref<125xi32, #tpu.memory_space<vmem>>
      %dma_wait3A_143 = arith.constant 0 : i32
      %dma_wait3A_144 = arith.constant 0 : i32
      %dma_wait3A_145 = tpu.memref_slice %arg2[%dma_wait3A_143, %dma_wait3A_144] : memref<40000x128xf32, #tpu.memory_space<hbm>> -> memref<40000x128xf32, #tpu.memory_space<hbm>>
      tpu.wait_indirect_dma semaphore(%arg12 : memref<!tpu.dma_semaphore, #tpu.memory_space<semaphore_mem>>) src(%dma_wait3A_145 : memref<40000x128xf32, #tpu.memory_space<hbm>>) dst(%arg9 : memref<125x128xf32, #tpu.memory_space<vmem>>)
      %add3A_146 = arith.constant 40 : i32
      %add3A_147 = arith.addi %add3A_146, %add3A_140 : i32
      %dma_start3A_148 = arith.constant 0 : i32
      %dma_start3A_149 = tpu.memref_slice %arg8[%add3A_147, %dma_start3A_148] : memref<80x125xi32, #tpu.memory_space<vmem>> -> memref<1x125xi32, #tpu.memory_space<vmem>>
      %dma_start3A_150 = tpu.memref_squeeze %dma_start3A_149 : memref<1x125xi32, #tpu.memory_space<vmem>> -> memref<125xi32, #tpu.memory_space<vmem>>
      %dma_start3A_151 = arith.constant 0 : i32
      %dma_start3A_152 = arith.constant 0 : i32
      %dma_start3A_153 = tpu.memref_slice %arg11[%dma_start3A_151, %dma_start3A_152] : memref<10000x128xf32, #tpu.memory_space<vmem_shared>> -> memref<10000x128xf32, #tpu.memory_space<vmem_shared>>
      tpu.enqueue_indirect_dma source(%arg9 : memref<125x128xf32, #tpu.memory_space<vmem>>) target(%dma_start3A_153 : memref<10000x128xf32, #tpu.memory_space<vmem_shared>>) offsets(%dma_start3A_150 : memref<125xi32, #tpu.memory_space<vmem>>) semaphore(%arg14 : memref<!tpu.dma_semaphore, #tpu.memory_space<semaphore_mem>>) {add = true}
      %add3A_154 = arith.constant 40 : i32
      %add3A_155 = arith.addi %add3A_154, %add3A_140 : i32
      %dma_wait3A_156 = arith.constant 0 : i32
      %dma_wait3A_157 = tpu.memref_slice %arg8[%add3A_155, %dma_wait3A_156] : memref<80x125xi32, #tpu.memory_space<vmem>> -> memref<1x125xi32, #tpu.memory_space<vmem>>
      %dma_wait3A_158 = tpu.memref_squeeze %dma_wait3A_157 : memref<1x125xi32, #tpu.memory_space<vmem>> -> memref<125xi32, #tpu.memory_space<vmem>>
      %dma_wait3A_159 = arith.constant 0 : i32
      %dma_wait3A_160 = arith.constant 0 : i32
      %dma_wait3A_161 = tpu.memref_slice %arg11[%dma_wait3A_159, %dma_wait3A_160] : memref<10000x128xf32, #tpu.memory_space<vmem_shared>> -> memref<10000x128xf32, #tpu.memory_space<vmem_shared>>
      tpu.wait_indirect_dma semaphore(%arg14 : memref<!tpu.dma_semaphore, #tpu.memory_space<semaphore_mem>>) src(%arg9 : memref<125x128xf32, #tpu.memory_space<vmem>>) dst(%dma_wait3A_161 : memref<10000x128xf32, #tpu.memory_space<vmem_shared>>)
      %add3A_162 = arith.constant 2 : i32
      %add3A_163 = arith.addi %add3A_140, %add3A_162 : i32
      %lt3A = arith.constant 40 : i32
      %lt3A_164 = arith.cmpi slt, %add3A_163, %lt3A : i32
      %convert_element_type3A = arith.extui %lt3A_164 : i1 to i32
      %cond3A = arith.constant 0 : i32
      %cond3A_165 = arith.cmpi ne, %convert_element_type3A, %cond3A : i32
      scf.if %cond3A_165 {
        %add3A_199 = arith.constant 2 : i32
        %add3A_200 = arith.addi %add3A_140, %add3A_199 : i32
        %dma_start3A_201 = arith.constant 0 : i32
        %dma_start3A_202 = tpu.memref_slice %arg7[%add3A_200, %dma_start3A_201] : memref<40x125xi32, #tpu.memory_space<vmem>> -> memref<1x125xi32, #tpu.memory_space<vmem>>
        %dma_start3A_203 = tpu.memref_squeeze %dma_start3A_202 : memref<1x125xi32, #tpu.memory_space<vmem>> -> memref<125xi32, #tpu.memory_space<vmem>>
        %dma_start3A_204 = arith.constant 0 : i32
        %dma_start3A_205 = arith.constant 0 : i32
        %dma_start3A_206 = tpu.memref_slice %arg2[%dma_start3A_204, %dma_start3A_205] : memref<40000x128xf32, #tpu.memory_space<hbm>> -> memref<40000x128xf32, #tpu.memory_space<hbm>>
        tpu.enqueue_indirect_dma source(%dma_start3A_206 : memref<40000x128xf32, #tpu.memory_space<hbm>>) target(%arg9 : memref<125x128xf32, #tpu.memory_space<vmem>>) offsets(%dma_start3A_203 : memref<125xi32, #tpu.memory_space<vmem>>) semaphore(%arg12 : memref<!tpu.dma_semaphore, #tpu.memory_space<semaphore_mem>>)
      } else {
      }
      %mul3A_166 = arith.constant 2 : i32
      %mul3A_167 = arith.muli %mul3A_166, %scan3A_136 : i32
      %add3A_168 = arith.constant 1 : i32
      %add3A_169 = arith.addi %mul3A_167, %add3A_168 : i32
      %dma_wait3A_170 = arith.constant 0 : i32
      %dma_wait3A_171 = tpu.memref_slice %arg7[%add3A_169, %dma_wait3A_170] : memref<40x125xi32, #tpu.memory_space<vmem>> -> memref<1x125xi32, #tpu.memory_space<vmem>>
      %dma_wait3A_172 = tpu.memref_squeeze %dma_wait3A_171 : memref<1x125xi32, #tpu.memory_space<vmem>> -> memref<125xi32, #tpu.memory_space<vmem>>
      %dma_wait3A_173 = arith.constant 0 : i32
      %dma_wait3A_174 = arith.constant 0 : i32
      %dma_wait3A_175 = tpu.memref_slice %arg2[%dma_wait3A_173, %dma_wait3A_174] : memref<40000x128xf32, #tpu.memory_space<hbm>> -> memref<40000x128xf32, #tpu.memory_space<hbm>>
      tpu.wait_indirect_dma semaphore(%arg13 : memref<!tpu.dma_semaphore, #tpu.memory_space<semaphore_mem>>) src(%dma_wait3A_175 : memref<40000x128xf32, #tpu.memory_space<hbm>>) dst(%arg10 : memref<125x128xf32, #tpu.memory_space<vmem>>)
      %add3A_176 = arith.constant 40 : i32
      %add3A_177 = arith.addi %add3A_176, %add3A_169 : i32
      %dma_start3A_178 = arith.constant 0 : i32
      %dma_start3A_179 = tpu.memref_slice %arg8[%add3A_177, %dma_start3A_178] : memref<80x125xi32, #tpu.memory_space<vmem>> -> memref<1x125xi32, #tpu.memory_space<vmem>>
      %dma_start3A_180 = tpu.memref_squeeze %dma_start3A_179 : memref<1x125xi32, #tpu.memory_space<vmem>> -> memref<125xi32, #tpu.memory_space<vmem>>
      %dma_start3A_181 = arith.constant 0 : i32
      %dma_start3A_182 = arith.constant 0 : i32
      %dma_start3A_183 = tpu.memref_slice %arg11[%dma_start3A_181, %dma_start3A_182] : memref<10000x128xf32, #tpu.memory_space<vmem_shared>> -> memref<10000x128xf32, #tpu.memory_space<vmem_shared>>
      tpu.enqueue_indirect_dma source(%arg10 : memref<125x128xf32, #tpu.memory_space<vmem>>) target(%dma_start3A_183 : memref<10000x128xf32, #tpu.memory_space<vmem_shared>>) offsets(%dma_start3A_180 : memref<125xi32, #tpu.memory_space<vmem>>) semaphore(%arg15 : memref<!tpu.dma_semaphore, #tpu.memory_space<semaphore_mem>>) {add = true}
      %add3A_184 = arith.constant 40 : i32
      %add3A_185 = arith.addi %add3A_184, %add3A_169 : i32
      %dma_wait3A_186 = arith.constant 0 : i32
      %dma_wait3A_187 = tpu.memref_slice %arg8[%add3A_185, %dma_wait3A_186] : memref<80x125xi32, #tpu.memory_space<vmem>> -> memref<1x125xi32, #tpu.memory_space<vmem>>
      %dma_wait3A_188 = tpu.memref_squeeze %dma_wait3A_187 : memref<1x125xi32, #tpu.memory_space<vmem>> -> memref<125xi32, #tpu.memory_space<vmem>>
      %dma_wait3A_189 = arith.constant 0 : i32
      %dma_wait3A_190 = arith.constant 0 : i32
      %dma_wait3A_191 = tpu.memref_slice %arg11[%dma_wait3A_189, %dma_wait3A_190] : memref<10000x128xf32, #tpu.memory_space<vmem_shared>> -> memref<10000x128xf32, #tpu.memory_space<vmem_shared>>
      tpu.wait_indirect_dma semaphore(%arg15 : memref<!tpu.dma_semaphore, #tpu.memory_space<semaphore_mem>>) src(%arg10 : memref<125x128xf32, #tpu.memory_space<vmem>>) dst(%dma_wait3A_191 : memref<10000x128xf32, #tpu.memory_space<vmem_shared>>)
      %add3A_192 = arith.constant 2 : i32
      %add3A_193 = arith.addi %add3A_169, %add3A_192 : i32
      %lt3A_194 = arith.constant 40 : i32
      %lt3A_195 = arith.cmpi slt, %add3A_193, %lt3A_194 : i32
      %convert_element_type3A_196 = arith.extui %lt3A_195 : i1 to i32
      %cond3A_197 = arith.constant 0 : i32
      %cond3A_198 = arith.cmpi ne, %convert_element_type3A_196, %cond3A_197 : i32
      scf.if %cond3A_198 {
        %add3A_199 = arith.constant 2 : i32
        %add3A_200 = arith.addi %add3A_169, %add3A_199 : i32
        %dma_start3A_201 = arith.constant 0 : i32
        %dma_start3A_202 = tpu.memref_slice %arg7[%add3A_200, %dma_start3A_201] : memref<40x125xi32, #tpu.memory_space<vmem>> -> memref<1x125xi32, #tpu.memory_space<vmem>>
        %dma_start3A_203 = tpu.memref_squeeze %dma_start3A_202 : memref<1x125xi32, #tpu.memory_space<vmem>> -> memref<125xi32, #tpu.memory_space<vmem>>
        %dma_start3A_204 = arith.constant 0 : i32
        %dma_start3A_205 = arith.constant 0 : i32
        %dma_start3A_206 = tpu.memref_slice %arg2[%dma_start3A_204, %dma_start3A_205] : memref<40000x128xf32, #tpu.memory_space<hbm>> -> memref<40000x128xf32, #tpu.memory_space<hbm>>
        tpu.enqueue_indirect_dma source(%dma_start3A_206 : memref<40000x128xf32, #tpu.memory_space<hbm>>) target(%arg10 : memref<125x128xf32, #tpu.memory_space<vmem>>) offsets(%dma_start3A_203 : memref<125xi32, #tpu.memory_space<vmem>>) semaphore(%arg13 : memref<!tpu.dma_semaphore, #tpu.memory_space<semaphore_mem>>)
      } else {
      }
    }
    %scan3A_129 = arith.constant 20 : i32
    %barrier3A_130 = arith.constant 0 : index
    tpu.barrier barrier_id(%barrier3A_130)
    %mul3A_131 = arith.constant 625 : i32
    %mul3A_132 = arith.muli %arg1, %mul3A_131 : i32
    %mul3A_133 = arith.constant 16 : i32
    %mul3A_134 = arith.muli %add3A_69, %mul3A_133 : i32
    %add3A_135 = arith.addi %mul3A_134, %arg1 : i32
    "tpu.region"() ({
      %run_scoped3A = tpu.sem_alloc : memref<!tpu.dma_semaphore, #tpu.memory_space<semaphore_mem>>
      %dma_start3A_136 = arith.constant 0 : i32
      %dma_start3A_137 = arith.constant 0 : i32
      %dma_start3A_138 = tpu.memref_slice %arg6[%add3A_135, %dma_start3A_136, %dma_start3A_137] : memref<64x625x128xf32, #tpu.memory_space<hbm>> -> memref<1x625x128xf32, #tpu.memory_space<hbm>>
      %dma_start3A_139 = tpu.memref_squeeze %dma_start3A_138 : memref<1x625x128xf32, #tpu.memory_space<hbm>> -> memref<625x128xf32, #tpu.memory_space<hbm>>
      %dma_start3A_140 = arith.constant 0 : i32
      %dma_start3A_141 = tpu.memref_slice %arg11[%mul3A_132, %dma_start3A_140] : memref<10000x128xf32, #tpu.memory_space<vmem_shared>> -> memref<625x128xf32, #tpu.memory_space<vmem_shared>>
      tpu.enqueue_dma source(%dma_start3A_141 : memref<625x128xf32, #tpu.memory_space<vmem_shared>>) target(%dma_start3A_139 : memref<625x128xf32, #tpu.memory_space<hbm>>) target_semaphore(%run_scoped3A : memref<!tpu.dma_semaphore, #tpu.memory_space<semaphore_mem>>)
      %dma_wait3A = arith.constant 0 : i32
      %dma_wait3A_142 = arith.constant 0 : i32
      %dma_wait3A_143 = tpu.memref_slice %arg6[%add3A_135, %dma_wait3A, %dma_wait3A_142] : memref<64x625x128xf32, #tpu.memory_space<hbm>> -> memref<1x625x128xf32, #tpu.memory_space<hbm>>
      %dma_wait3A_144 = tpu.memref_squeeze %dma_wait3A_143 : memref<1x625x128xf32, #tpu.memory_space<hbm>> -> memref<625x128xf32, #tpu.memory_space<hbm>>
      %dma_wait3A_145 = arith.constant 0 : i32
      %dma_wait3A_146 = tpu.memref_slice %arg11[%mul3A_132, %dma_wait3A_145] : memref<10000x128xf32, #tpu.memory_space<vmem_shared>> -> memref<625x128xf32, #tpu.memory_space<vmem_shared>>
      tpu.wait_dma2 semaphore(%run_scoped3A : memref<!tpu.dma_semaphore, #tpu.memory_space<semaphore_mem>>) src(%dma_wait3A_146 : memref<625x128xf32, #tpu.memory_space<vmem_shared>>) dst(%dma_wait3A_144 : memref<625x128xf32, #tpu.memory_space<hbm>>)
      tpu.yield
    }) : () -> ()
    return
  }
}

module attributes {stable_mosaic.version = 14 : i64} {
  func.func @_k1_body(%arg0: i32, %arg1: i32, %arg2: memref<1000x128xf32, #tpu.memory_space<vmem>>, %arg3: memref<1x128x512xf32, #tpu.memory_space<vmem>>, %arg4: memref<1x512xf32, #tpu.memory_space<vmem>>, %arg5: memref<1000x512xbf16, #tpu.memory_space<vmem>>, %arg6: memref<8x512xf32, #tpu.memory_space<vmem>>, %arg7: memref<1000x512xf32, #tpu.memory_space<vmem>>, %arg8: memref<8x512xf32, #tpu.memory_space<vmem>>) attributes {dimension_semantics = [#tpu.dimension_semantics<arbitrary>, #tpu.dimension_semantics<arbitrary>], iteration_bounds = array<i64: 10, 2>, scalar_prefetch = 0 : i64, scratch_operands = 2 : i64, tpu.core_type = #tpu.core_type<tc>, window_params = [{transform_indices = @transform_0, window_bounds = array<i64: 1000, 128>}, {transform_indices = @transform_1, window_bounds = array<i64: 1, 128, 512>}, {pipeline_mode = #tpu.pipeline_mode<synchronous>, transform_indices = @transform_2, window_bounds = array<i64: 1, 512>}, {transform_indices = @transform_3, window_bounds = array<i64: 1000, 512>}, {pipeline_mode = #tpu.pipeline_mode<synchronous>, transform_indices = @transform_4, window_bounds = array<i64: 8, 512>}]} {
    %eq3A = arith.constant 0 : i32
    %eq3A_0 = arith.cmpi eq, %arg1, %eq3A : i32
    %convert_element_type3A = arith.extui %eq3A_0 : i1 to i32
    %cond3A = arith.constant 0 : i32
    %cond3A_1 = arith.cmpi ne, %convert_element_type3A, %cond3A : i32
    scf.if %cond3A_1 {
      %broadcast_in_dim3A = arith.constant 0.000000e+00 : f32
      %broadcast_in_dim3A_22 = vector.broadcast %broadcast_in_dim3A : f32 to vector<1000x512xf32>
      %swap3A_23 = arith.constant 0 : index
      %swap3A_24 = arith.constant 0 : index
      %swap3A_25 = vector.load %arg7[%swap3A_23, %swap3A_24] : memref<1000x512xf32, #tpu.memory_space<vmem>>, vector<1000x512xf32>
      tpu.vector_store %arg7[%swap3A_23, %swap3A_24], %broadcast_in_dim3A_22 {strides = array<i32>} : memref<1000x512xf32, #tpu.memory_space<vmem>>, vector<1000x512xf32>,
    } else {
    }
    %get3A = arith.constant 0 : index
    %get3A_2 = arith.constant 0 : index
    %get3A_3 = vector.load %arg7[%get3A, %get3A_2] : memref<1000x512xf32, #tpu.memory_space<vmem>>, vector<1000x512xf32>
    %get3A_4 = arith.constant 0 : index
    %get3A_5 = arith.constant 0 : index
    %get3A_6 = vector.load %arg2[%get3A_4, %get3A_5] : memref<1000x128xf32, #tpu.memory_space<vmem>>, vector<1000x128xf32>
    %get3A_7 = arith.constant 0 : index
    %get3A_8 = arith.constant 0 : index
    %get3A_9 = arith.constant 0 : index
    %get3A_10 = vector.load %arg3[%get3A_7, %get3A_8, %get3A_9] : memref<1x128x512xf32, #tpu.memory_space<vmem>>, vector<1x128x512xf32>
    %get3A_11 = vector.shape_cast %get3A_10 : vector<1x128x512xf32> to vector<128x512xf32>
    %convert_element_type3A_12 = arith.truncf %get3A_6 : vector<1000x128xf32> to vector<1000x128xbf16>
    %convert_element_type3A_13 = arith.truncf %get3A_11 : vector<128x512xf32> to vector<128x512xbf16>
    %dot_general3A = arith.constant dense<0.000000e+00> : vector<1000x512xf32>
    %dot_general3A_14 = tpu.matmul %convert_element_type3A_12, %convert_element_type3A_13, %dot_general3A {dimension_numbers = #tpu.dot_dimension_numbers<[1], [0], [0], [1], [0, 0, 1, 1], [], []>, transpose_lhs_hint = false} : vector<1000x128xbf16>, vector<128x512xbf16>, vector<1000x512xf32> -> vector<1000x512xf32>
    %add3A = arith.addf %get3A_3, %dot_general3A_14 : vector<1000x512xf32>
    %swap3A = arith.constant 0 : index
    %swap3A_15 = arith.constant 0 : index
    %swap3A_16 = vector.load %arg7[%swap3A, %swap3A_15] : memref<1000x512xf32, #tpu.memory_space<vmem>>, vector<1000x512xf32>
    tpu.vector_store %arg7[%swap3A, %swap3A_15], %add3A {strides = array<i32>} : memref<1000x512xf32, #tpu.memory_space<vmem>>, vector<1000x512xf32>,
    %eq3A_17 = arith.constant 1 : i32
    %eq3A_18 = arith.cmpi eq, %arg1, %eq3A_17 : i32
    %convert_element_type3A_19 = arith.extui %eq3A_18 : i1 to i32
    %cond3A_20 = arith.constant 0 : i32
    %cond3A_21 = arith.cmpi ne, %convert_element_type3A_19, %cond3A_20 : i32
    scf.if %cond3A_21 {
      %get3A_22 = arith.constant 0 : index
      %get3A_23 = arith.constant 0 : index
      %get3A_24 = vector.load %arg7[%get3A_22, %get3A_23] : memref<1000x512xf32, #tpu.memory_space<vmem>>, vector<1000x512xf32>
      %get3A_25 = arith.constant 0 : index
      %get3A_26 = arith.constant 0 : index
      %get3A_27 = vector.load %arg4[%get3A_25, %get3A_26] : memref<1x512xf32, #tpu.memory_space<vmem>>, vector<1x512xf32>
      %add3A_28 = vector.broadcast %get3A_27 : vector<1x512xf32> to vector<1000x512xf32>
      %add3A_29 = arith.addf %get3A_24, %add3A_28 : vector<1000x512xf32>
      %max3A = arith.constant 0.000000e+00 : f32
      %max3A_30 = vector.broadcast %max3A : f32 to vector<1000x512xf32>
      %max3A_31 = arith.maximumf %add3A_29, %max3A_30 : vector<1000x512xf32>
      %convert_element_type3A_32 = arith.truncf %max3A_31 : vector<1000x512xf32> to vector<1000x512xbf16>
      %swap3A_33 = arith.constant 0 : index
      %swap3A_34 = arith.constant 0 : index
      %swap3A_35 = vector.load %arg5[%swap3A_33, %swap3A_34] : memref<1000x512xbf16, #tpu.memory_space<vmem>>, vector<1000x512xbf16>
      tpu.vector_store %arg5[%swap3A_33, %swap3A_34], %convert_element_type3A_32 {strides = array<i32>} : memref<1000x512xbf16, #tpu.memory_space<vmem>>, vector<1000x512xbf16>,
      %eq3A_36 = arith.constant 0 : i32
      %eq3A_37 = arith.cmpi eq, %arg0, %eq3A_36 : i32
      %convert_element_type3A_38 = arith.extui %eq3A_37 : i1 to i32
      %cond3A_39 = arith.constant 0 : i32
      %cond3A_40 = arith.cmpi ne, %convert_element_type3A_38, %cond3A_39 : i32
      scf.if %cond3A_40 {
        %broadcast_in_dim3A_64 = arith.constant 0.000000e+00 : f32
        %broadcast_in_dim3A_65 = vector.broadcast %broadcast_in_dim3A_64 : f32 to vector<8x512xf32>
        %swap3A_66 = arith.constant 0 : index
        %swap3A_67 = arith.constant 0 : index
        %swap3A_68 = vector.load %arg8[%swap3A_66, %swap3A_67] : memref<8x512xf32, #tpu.memory_space<vmem>>, vector<8x512xf32>
        tpu.vector_store %arg8[%swap3A_66, %swap3A_67], %broadcast_in_dim3A_65 {strides = array<i32>} : memref<8x512xf32, #tpu.memory_space<vmem>>, vector<8x512xf32>,
      } else {
      }
      %get3A_41 = arith.constant 0 : index
      %get3A_42 = arith.constant 0 : index
      %get3A_43 = vector.load %arg8[%get3A_41, %get3A_42] : memref<8x512xf32, #tpu.memory_space<vmem>>, vector<1x512xf32>
      %reduce_sum3A = arith.constant dense<0.000000e+00> : vector<512xf32>
      %reduce_sum3A_44 = vector.multi_reduction <add>, %max3A_31, %reduce_sum3A [0] : vector<1000x512xf32> to vector<512xf32>
      %broadcast_in_dim3A = vector.shape_cast %reduce_sum3A_44 : vector<512xf32> to vector<1x512xf32>
      %add3A_45 = arith.addf %get3A_43, %broadcast_in_dim3A : vector<1x512xf32>
      %swap3A_46 = arith.constant 0 : index
      %swap3A_47 = arith.constant 0 : index
      %swap3A_48 = vector.load %arg8[%swap3A_46, %swap3A_47] : memref<8x512xf32, #tpu.memory_space<vmem>>, vector<1x512xf32>
      tpu.vector_store %arg8[%swap3A_46, %swap3A_47], %add3A_45 {strides = array<i32>} : memref<8x512xf32, #tpu.memory_space<vmem>>, vector<1x512xf32>,
      %get3A_49 = arith.constant 1 : index
      %get3A_50 = arith.constant 0 : index
      %get3A_51 = vector.load %arg8[%get3A_49, %get3A_50] : memref<8x512xf32, #tpu.memory_space<vmem>>, vector<1x512xf32>
      %mul3A = arith.mulf %max3A_31, %max3A_31 : vector<1000x512xf32>
      %reduce_sum3A_52 = arith.constant dense<0.000000e+00> : vector<512xf32>
      %reduce_sum3A_53 = vector.multi_reduction <add>, %mul3A, %reduce_sum3A_52 [0] : vector<1000x512xf32> to vector<512xf32>
      %broadcast_in_dim3A_54 = vector.shape_cast %reduce_sum3A_53 : vector<512xf32> to vector<1x512xf32>
      %add3A_55 = arith.addf %get3A_51, %broadcast_in_dim3A_54 : vector<1x512xf32>
      %swap3A_56 = arith.constant 1 : index
      %swap3A_57 = arith.constant 0 : index
      %swap3A_58 = vector.load %arg8[%swap3A_56, %swap3A_57] : memref<8x512xf32, #tpu.memory_space<vmem>>, vector<1x512xf32>
      tpu.vector_store %arg8[%swap3A_56, %swap3A_57], %add3A_55 {strides = array<i32>} : memref<8x512xf32, #tpu.memory_space<vmem>>, vector<1x512xf32>,
      %eq3A_59 = arith.constant 9 : i32
      %eq3A_60 = arith.cmpi eq, %arg0, %eq3A_59 : i32
      %convert_element_type3A_61 = arith.extui %eq3A_60 : i1 to i32
      %cond3A_62 = arith.constant 0 : i32
      %cond3A_63 = arith.cmpi ne, %convert_element_type3A_61, %cond3A_62 : i32
      scf.if %cond3A_63 {
        %get3A_64 = arith.constant 0 : index
        %get3A_65 = arith.constant 0 : index
        %get3A_66 = vector.load %arg8[%get3A_64, %get3A_65] : memref<8x512xf32, #tpu.memory_space<vmem>>, vector<8x512xf32>
        %swap3A_67 = arith.constant 0 : index
        %swap3A_68 = arith.constant 0 : index
        %swap3A_69 = vector.load %arg6[%swap3A_67, %swap3A_68] : memref<8x512xf32, #tpu.memory_space<vmem>>, vector<8x512xf32>
        tpu.vector_store %arg6[%swap3A_67, %swap3A_68], %get3A_66 {strides = array<i32>} : memref<8x512xf32, #tpu.memory_space<vmem>>, vector<8x512xf32>,
      } else {
      }
    } else {
    }
    return
  }
  func.func @transform_0(%arg0: i32, %arg1: i32) -> (i32, i32) {
    %mul3A = arith.constant 10 : i32
    %mul3A_0 = arith.muli %arg1, %mul3A : i32
    %add3A = arith.addi %mul3A_0, %arg0 : i32
    %c0_i32 = arith.constant 0 : i32
    %c0_i32_1 = arith.constant 0 : i32
    return %add3A, %c0_i32 : i32, i32
  }
  func.func @transform_1(%arg0: i32, %arg1: i32) -> (i32, i32, i32) {
    %c0_i32 = arith.constant 0 : i32
    %c0_i32_0 = arith.constant 0 : i32
    %c0_i32_1 = arith.constant 0 : i32
    return %arg1, %c0_i32, %c0_i32_0 : i32, i32, i32
  }
  func.func @transform_2(%arg0: i32, %arg1: i32) -> (i32, i32) {
    %c0_i32 = arith.constant 0 : i32
    %c0_i32_0 = arith.constant 0 : i32
    %c0_i32_1 = arith.constant 0 : i32
    return %c0_i32, %c0_i32_0 : i32, i32
  }
  func.func @transform_3(%arg0: i32, %arg1: i32) -> (i32, i32) {
    %c0_i32 = arith.constant 0 : i32
    %c0_i32_0 = arith.constant 0 : i32
    return %arg0, %c0_i32 : i32, i32
  }
  func.func @transform_4(%arg0: i32, %arg1: i32) -> (i32, i32) {
    %c0_i32 = arith.constant 0 : i32
    %c0_i32_0 = arith.constant 0 : i32
    %c0_i32_1 = arith.constant 0 : i32
    return %c0_i32, %c0_i32_0 : i32, i32
  }
}

module attributes {stable_mosaic.version = 14 : i64} {
  func.func @_k2_body(%arg0: i32, %arg1: memref<1000x512xbf16, #tpu.memory_space<vmem>>, %arg2: memref<8x512xf32, #tpu.memory_space<vmem>>, %arg3: memref<1x512xf32, #tpu.memory_space<vmem>>, %arg4: memref<1x512xf32, #tpu.memory_space<vmem>>, %arg5: memref<512x512xf32, #tpu.memory_space<vmem>>, %arg6: memref<1x512xf32, #tpu.memory_space<vmem>>, %arg7: memref<4x1000x128xf32, #tpu.memory_space<vmem>>, %arg8: memref<8x512xf32, #tpu.memory_space<vmem>>, %arg9: memref<8x512xf32, #tpu.memory_space<vmem>>) attributes {dimension_semantics = [#tpu.dimension_semantics<arbitrary>], iteration_bounds = array<i64: 10>, scalar_prefetch = 0 : i64, scratch_operands = 1 : i64, tpu.core_type = #tpu.core_type<tc>, window_params = [{transform_indices = @transform_0, window_bounds = array<i64: 1000, 512>}, {pipeline_mode = #tpu.pipeline_mode<synchronous>, transform_indices = @transform_1, window_bounds = array<i64: 8, 512>}, {pipeline_mode = #tpu.pipeline_mode<synchronous>, transform_indices = @transform_2, window_bounds = array<i64: 1, 512>}, {pipeline_mode = #tpu.pipeline_mode<synchronous>, transform_indices = @transform_3, window_bounds = array<i64: 1, 512>}, {pipeline_mode = #tpu.pipeline_mode<synchronous>, transform_indices = @transform_4, window_bounds = array<i64: 512, 512>}, {pipeline_mode = #tpu.pipeline_mode<synchronous>, transform_indices = @transform_5, window_bounds = array<i64: 1, 512>}, {transform_indices = @transform_6, window_bounds = array<i64: 4, 1000, 128>}, {pipeline_mode = #tpu.pipeline_mode<synchronous>, transform_indices = @transform_7, window_bounds = array<i64: 8, 512>}]} {
    %get3A = arith.constant 0 : index
    %get3A_0 = arith.constant 0 : index
    %get3A_1 = vector.load %arg2[%get3A, %get3A_0] : memref<8x512xf32, #tpu.memory_space<vmem>>, vector<1x512xf32>
    %mul3A = arith.constant 9.99999974E-5 : f32
    %mul3A_2 = vector.broadcast %mul3A : f32 to vector<1x512xf32>
    %mul3A_3 = arith.mulf %get3A_1, %mul3A_2 : vector<1x512xf32>
    %get3A_4 = arith.constant 1 : index
    %get3A_5 = arith.constant 0 : index
    %get3A_6 = vector.load %arg2[%get3A_4, %get3A_5] : memref<8x512xf32, #tpu.memory_space<vmem>>, vector<1x512xf32>
    %mul3A_7 = arith.constant 9.99999974E-5 : f32
    %mul3A_8 = vector.broadcast %mul3A_7 : f32 to vector<1x512xf32>
    %mul3A_9 = arith.mulf %get3A_6, %mul3A_8 : vector<1x512xf32>
    %mul3A_10 = arith.mulf %mul3A_3, %mul3A_3 : vector<1x512xf32>
    %sub3A = arith.subf %mul3A_9, %mul3A_10 : vector<1x512xf32>
    %get3A_11 = arith.constant 0 : index
    %get3A_12 = arith.constant 0 : index
    %get3A_13 = vector.load %arg3[%get3A_11, %get3A_12] : memref<1x512xf32, #tpu.memory_space<vmem>>, vector<1x512xf32>
    %add3A = arith.constant 9.99999974E-6 : f32
    %add3A_14 = vector.broadcast %add3A : f32 to vector<1x512xf32>
    %add3A_15 = arith.addf %sub3A, %add3A_14 : vector<1x512xf32>
    %rsqrt3A = math.rsqrt %add3A_15 : vector<1x512xf32>
    %mul3A_16 = arith.mulf %get3A_13, %rsqrt3A : vector<1x512xf32>
    %get3A_17 = arith.constant 0 : index
    %get3A_18 = arith.constant 0 : index
    %get3A_19 = vector.load %arg4[%get3A_17, %get3A_18] : memref<1x512xf32, #tpu.memory_space<vmem>>, vector<1x512xf32>
    %mul3A_20 = arith.mulf %mul3A_3, %mul3A_16 : vector<1x512xf32>
    %sub3A_21 = arith.subf %get3A_19, %mul3A_20 : vector<1x512xf32>
    %get3A_22 = arith.constant 0 : index
    %get3A_23 = arith.constant 0 : index
    %get3A_24 = vector.load %arg1[%get3A_22, %get3A_23] : memref<1000x512xbf16, #tpu.memory_space<vmem>>, vector<1000x512xbf16>
    %convert_element_type3A = arith.extf %get3A_24 : vector<1000x512xbf16> to vector<1000x512xf32>
    %mul3A_25 = vector.broadcast %mul3A_16 : vector<1x512xf32> to vector<1000x512xf32>
    %mul3A_26 = arith.mulf %convert_element_type3A, %mul3A_25 : vector<1000x512xf32>
    %add3A_27 = vector.broadcast %sub3A_21 : vector<1x512xf32> to vector<1000x512xf32>
    %add3A_28 = arith.addf %mul3A_26, %add3A_27 : vector<1000x512xf32>
    %get3A_29 = arith.constant 0 : index
    %get3A_30 = arith.constant 0 : index
    %get3A_31 = vector.load %arg5[%get3A_29, %get3A_30] : memref<512x512xf32, #tpu.memory_space<vmem>>, vector<512x512xf32>
    %convert_element_type3A_32 = arith.truncf %add3A_28 : vector<1000x512xf32> to vector<1000x512xbf16>
    %convert_element_type3A_33 = arith.truncf %get3A_31 : vector<512x512xf32> to vector<512x512xbf16>
    %dot_general3A = arith.constant dense<0.000000e+00> : vector<1000x512xf32>
    %dot_general3A_34 = tpu.matmul %convert_element_type3A_32, %convert_element_type3A_33, %dot_general3A {dimension_numbers = #tpu.dot_dimension_numbers<[1], [0], [0], [1], [0, 0, 1, 1], [], []>, transpose_lhs_hint = false} : vector<1000x512xbf16>, vector<512x512xbf16>, vector<1000x512xf32> -> vector<1000x512xf32>
    %get3A_35 = arith.constant 0 : index
    %get3A_36 = arith.constant 0 : index
    %get3A_37 = vector.load %arg6[%get3A_35, %get3A_36] : memref<1x512xf32, #tpu.memory_space<vmem>>, vector<1x512xf32>
    %add3A_38 = vector.broadcast %get3A_37 : vector<1x512xf32> to vector<1000x512xf32>
    %add3A_39 = arith.addf %dot_general3A_34, %add3A_38 : vector<1000x512xf32>
    %max3A = arith.constant 0.000000e+00 : f32
    %max3A_40 = vector.broadcast %max3A : f32 to vector<1000x512xf32>
    %max3A_41 = arith.maximumf %add3A_39, %max3A_40 : vector<1000x512xf32>
    %slice3A = vector.extract_strided_slice %max3A_41 {offsets = [0, 0], sizes = [1000, 128], strides = [1, 1]} : vector<1000x512xf32> to vector<1000x128xf32>
    %swap3A = arith.constant 0 : index
    %swap3A_42 = arith.constant 0 : index
    %swap3A_43 = arith.constant 0 : index
    %swap3A_44 = vector.load %arg7[%swap3A, %swap3A_42, %swap3A_43] : memref<4x1000x128xf32, #tpu.memory_space<vmem>>, vector<1x1000x128xf32>
    %swap3A_45 = vector.shape_cast %swap3A_44 : vector<1x1000x128xf32> to vector<1000x128xf32>
    %swap3A_46 = vector.shape_cast %slice3A : vector<1000x128xf32> to vector<1x1000x128xf32>
    tpu.vector_store %arg7[%swap3A, %swap3A_42, %swap3A_43], %swap3A_46 {strides = array<i32>} : memref<4x1000x128xf32, #tpu.memory_space<vmem>>, vector<1x1000x128xf32>,
    %slice3A_47 = vector.extract_strided_slice %max3A_41 {offsets = [0, 128], sizes = [1000, 128], strides = [1, 1]} : vector<1000x512xf32> to vector<1000x128xf32>
    %swap3A_48 = arith.constant 1 : index
    %swap3A_49 = arith.constant 0 : index
    %swap3A_50 = arith.constant 0 : index
    %swap3A_51 = vector.load %arg7[%swap3A_48, %swap3A_49, %swap3A_50] : memref<4x1000x128xf32, #tpu.memory_space<vmem>>, vector<1x1000x128xf32>
    %swap3A_52 = vector.shape_cast %swap3A_51 : vector<1x1000x128xf32> to vector<1000x128xf32>
    %swap3A_53 = vector.shape_cast %slice3A_47 : vector<1000x128xf32> to vector<1x1000x128xf32>
    tpu.vector_store %arg7[%swap3A_48, %swap3A_49, %swap3A_50], %swap3A_53 {strides = array<i32>} : memref<4x1000x128xf32, #tpu.memory_space<vmem>>, vector<1x1000x128xf32>,
    %slice3A_54 = vector.extract_strided_slice %max3A_41 {offsets = [0, 256], sizes = [1000, 128], strides = [1, 1]} : vector<1000x512xf32> to vector<1000x128xf32>
    %swap3A_55 = arith.constant 2 : index
    %swap3A_56 = arith.constant 0 : index
    %swap3A_57 = arith.constant 0 : index
    %swap3A_58 = vector.load %arg7[%swap3A_55, %swap3A_56, %swap3A_57] : memref<4x1000x128xf32, #tpu.memory_space<vmem>>, vector<1x1000x128xf32>
    %swap3A_59 = vector.shape_cast %swap3A_58 : vector<1x1000x128xf32> to vector<1000x128xf32>
    %swap3A_60 = vector.shape_cast %slice3A_54 : vector<1000x128xf32> to vector<1x1000x128xf32>
    tpu.vector_store %arg7[%swap3A_55, %swap3A_56, %swap3A_57], %swap3A_60 {strides = array<i32>} : memref<4x1000x128xf32, #tpu.memory_space<vmem>>, vector<1x1000x128xf32>,
    %slice3A_61 = vector.extract_strided_slice %max3A_41 {offsets = [0, 384], sizes = [1000, 128], strides = [1, 1]} : vector<1000x512xf32> to vector<1000x128xf32>
    %swap3A_62 = arith.constant 3 : index
    %swap3A_63 = arith.constant 0 : index
    %swap3A_64 = arith.constant 0 : index
    %swap3A_65 = vector.load %arg7[%swap3A_62, %swap3A_63, %swap3A_64] : memref<4x1000x128xf32, #tpu.memory_space<vmem>>, vector<1x1000x128xf32>
    %swap3A_66 = vector.shape_cast %swap3A_65 : vector<1x1000x128xf32> to vector<1000x128xf32>
    %swap3A_67 = vector.shape_cast %slice3A_61 : vector<1000x128xf32> to vector<1x1000x128xf32>
    tpu.vector_store %arg7[%swap3A_62, %swap3A_63, %swap3A_64], %swap3A_67 {strides = array<i32>} : memref<4x1000x128xf32, #tpu.memory_space<vmem>>, vector<1x1000x128xf32>,
    %eq3A = arith.constant 0 : i32
    %eq3A_68 = arith.cmpi eq, %arg0, %eq3A : i32
    %convert_element_type3A_69 = arith.extui %eq3A_68 : i1 to i32
    %cond3A = arith.constant 0 : i32
    %cond3A_70 = arith.cmpi ne, %convert_element_type3A_69, %cond3A : i32
    scf.if %cond3A_70 {
      %broadcast_in_dim3A_95 = arith.constant 0.000000e+00 : f32
      %broadcast_in_dim3A_96 = vector.broadcast %broadcast_in_dim3A_95 : f32 to vector<8x512xf32>
      %swap3A_97 = arith.constant 0 : index
      %swap3A_98 = arith.constant 0 : index
      %swap3A_99 = vector.load %arg9[%swap3A_97, %swap3A_98] : memref<8x512xf32, #tpu.memory_space<vmem>>, vector<8x512xf32>
      tpu.vector_store %arg9[%swap3A_97, %swap3A_98], %broadcast_in_dim3A_96 {strides = array<i32>} : memref<8x512xf32, #tpu.memory_space<vmem>>, vector<8x512xf32>,
    } else {
    }
    %get3A_71 = arith.constant 0 : index
    %get3A_72 = arith.constant 0 : index
    %get3A_73 = vector.load %arg9[%get3A_71, %get3A_72] : memref<8x512xf32, #tpu.memory_space<vmem>>, vector<1x512xf32>
    %reduce_sum3A = arith.constant dense<0.000000e+00> : vector<512xf32>
    %reduce_sum3A_74 = vector.multi_reduction <add>, %max3A_41, %reduce_sum3A [0] : vector<1000x512xf32> to vector<512xf32>
    %broadcast_in_dim3A = vector.shape_cast %reduce_sum3A_74 : vector<512xf32> to vector<1x512xf32>
    %add3A_75 = arith.addf %get3A_73, %broadcast_in_dim3A : vector<1x512xf32>
    %swap3A_76 = arith.constant 0 : index
    %swap3A_77 = arith.constant 0 : index
    %swap3A_78 = vector.load %arg9[%swap3A_76, %swap3A_77] : memref<8x512xf32, #tpu.memory_space<vmem>>, vector<1x512xf32>
    tpu.vector_store %arg9[%swap3A_76, %swap3A_77], %add3A_75 {strides = array<i32>} : memref<8x512xf32, #tpu.memory_space<vmem>>, vector<1x512xf32>,
    %get3A_79 = arith.constant 1 : index
    %get3A_80 = arith.constant 0 : index
    %get3A_81 = vector.load %arg9[%get3A_79, %get3A_80] : memref<8x512xf32, #tpu.memory_space<vmem>>, vector<1x512xf32>
    %mul3A_82 = arith.mulf %max3A_41, %max3A_41 : vector<1000x512xf32>
    %reduce_sum3A_83 = arith.constant dense<0.000000e+00> : vector<512xf32>
    %reduce_sum3A_84 = vector.multi_reduction <add>, %mul3A_82, %reduce_sum3A_83 [0] : vector<1000x512xf32> to vector<512xf32>
    %broadcast_in_dim3A_85 = vector.shape_cast %reduce_sum3A_84 : vector<512xf32> to vector<1x512xf32>
    %add3A_86 = arith.addf %get3A_81, %broadcast_in_dim3A_85 : vector<1x512xf32>
    %swap3A_87 = arith.constant 1 : index
    %swap3A_88 = arith.constant 0 : index
    %swap3A_89 = vector.load %arg9[%swap3A_87, %swap3A_88] : memref<8x512xf32, #tpu.memory_space<vmem>>, vector<1x512xf32>
    tpu.vector_store %arg9[%swap3A_87, %swap3A_88], %add3A_86 {strides = array<i32>} : memref<8x512xf32, #tpu.memory_space<vmem>>, vector<1x512xf32>,
    %eq3A_90 = arith.constant 9 : i32
    %eq3A_91 = arith.cmpi eq, %arg0, %eq3A_90 : i32
    %convert_element_type3A_92 = arith.extui %eq3A_91 : i1 to i32
    %cond3A_93 = arith.constant 0 : i32
    %cond3A_94 = arith.cmpi ne, %convert_element_type3A_92, %cond3A_93 : i32
    scf.if %cond3A_94 {
      %get3A_95 = arith.constant 0 : index
      %get3A_96 = arith.constant 0 : index
      %get3A_97 = vector.load %arg9[%get3A_95, %get3A_96] : memref<8x512xf32, #tpu.memory_space<vmem>>, vector<8x512xf32>
      %swap3A_98 = arith.constant 0 : index
      %swap3A_99 = arith.constant 0 : index
      %swap3A_100 = vector.load %arg8[%swap3A_98, %swap3A_99] : memref<8x512xf32, #tpu.memory_space<vmem>>, vector<8x512xf32>
      tpu.vector_store %arg8[%swap3A_98, %swap3A_99], %get3A_97 {strides = array<i32>} : memref<8x512xf32, #tpu.memory_space<vmem>>, vector<8x512xf32>,
    } else {
    }
    return
  }
  func.func @transform_0(%arg0: i32) -> (i32, i32) {
    %c0_i32 = arith.constant 0 : i32
    %c0_i32_0 = arith.constant 0 : i32
    return %arg0, %c0_i32 : i32, i32
  }
  func.func @transform_1(%arg0: i32) -> (i32, i32) {
    %c0_i32 = arith.constant 0 : i32
    %c0_i32_0 = arith.constant 0 : i32
    %c0_i32_1 = arith.constant 0 : i32
    return %c0_i32, %c0_i32_0 : i32, i32
  }
  func.func @transform_2(%arg0: i32) -> (i32, i32) {
    %c0_i32 = arith.constant 0 : i32
    %c0_i32_0 = arith.constant 0 : i32
    %c0_i32_1 = arith.constant 0 : i32
    return %c0_i32, %c0_i32_0 : i32, i32
  }
  func.func @transform_3(%arg0: i32) -> (i32, i32) {
    %c0_i32 = arith.constant 0 : i32
    %c0_i32_0 = arith.constant 0 : i32
    %c0_i32_1 = arith.constant 0 : i32
    return %c0_i32, %c0_i32_0 : i32, i32
  }
  func.func @transform_4(%arg0: i32) -> (i32, i32) {
    %c0_i32 = arith.constant 0 : i32
    %c0_i32_0 = arith.constant 0 : i32
    %c0_i32_1 = arith.constant 0 : i32
    return %c0_i32, %c0_i32_0 : i32, i32
  }
  func.func @transform_5(%arg0: i32) -> (i32, i32) {
    %c0_i32 = arith.constant 0 : i32
    %c0_i32_0 = arith.constant 0 : i32
    %c0_i32_1 = arith.constant 0 : i32
    return %c0_i32, %c0_i32_0 : i32, i32
  }
  func.func @transform_6(%arg0: i32) -> (i32, i32, i32) {
    %c0_i32 = arith.constant 0 : i32
    %c0_i32_0 = arith.constant 0 : i32
    %c0_i32_1 = arith.constant 0 : i32
    return %c0_i32, %arg0, %c0_i32_0 : i32, i32, i32
  }
  func.func @transform_7(%arg0: i32) -> (i32, i32) {
    %c0_i32 = arith.constant 0 : i32
    %c0_i32_0 = arith.constant 0 : i32
    %c0_i32_1 = arith.constant 0 : i32
    return %c0_i32, %c0_i32_0 : i32, i32
  }
}

module attributes {stable_mosaic.version = 14 : i64} {
  func.func @_k1n_body(%arg0: i32, %arg1: i32, %arg2: memref<1000x128xf32, #tpu.memory_space<vmem>>, %arg3: memref<1x128x512xf32, #tpu.memory_space<vmem>>, %arg4: memref<1x512xf32, #tpu.memory_space<vmem>>, %arg5: memref<1x8x128xf32, #tpu.memory_space<vmem>>, %arg6: memref<1x1x128xf32, #tpu.memory_space<vmem>>, %arg7: memref<1x1x128xf32, #tpu.memory_space<vmem>>, %arg8: memref<2x1000x128xf32, #tpu.memory_space<vmem>>, %arg9: memref<1000x512xbf16, #tpu.memory_space<vmem>>, %arg10: memref<8x512xf32, #tpu.memory_space<vmem>>, %arg11: memref<1000x512xf32, #tpu.memory_space<vmem>>, %arg12: memref<1x512xf32, #tpu.memory_space<vmem>>, %arg13: memref<8x512xf32, #tpu.memory_space<vmem>>) attributes {dimension_semantics = [#tpu.dimension_semantics<arbitrary>, #tpu.dimension_semantics<arbitrary>], iteration_bounds = array<i64: 10, 4>, scalar_prefetch = 0 : i64, scratch_operands = 3 : i64, tpu.core_type = #tpu.core_type<tc>, window_params = [{transform_indices = @transform_0, window_bounds = array<i64: 1000, 128>}, {transform_indices = @transform_1, window_bounds = array<i64: 1, 128, 512>}, {pipeline_mode = #tpu.pipeline_mode<synchronous>, transform_indices = @transform_2, window_bounds = array<i64: 1, 512>}, {transform_indices = @transform_3, window_bounds = array<i64: 1, 8, 128>}, {transform_indices = @transform_4, window_bounds = array<i64: 1, 1, 128>}, {transform_indices = @transform_5, window_bounds = array<i64: 1, 1, 128>}, {transform_indices = @transform_6, window_bounds = array<i64: 2, 1000, 128>}, {transform_indices = @transform_7, window_bounds = array<i64: 1000, 512>}, {pipeline_mode = #tpu.pipeline_mode<synchronous>, transform_indices = @transform_8, window_bounds = array<i64: 8, 512>}]} {
    %get3A = arith.constant 0 : index
    %get3A_0 = arith.constant 0 : index
    %get3A_1 = arith.constant 0 : index
    %get3A_2 = vector.load %arg5[%get3A, %get3A_0, %get3A_1] : memref<1x8x128xf32, #tpu.memory_space<vmem>>, vector<1x1x128xf32>
    %get3A_3 = vector.shape_cast %get3A_2 : vector<1x1x128xf32> to vector<1x128xf32>
    %mul3A = arith.constant 9.99999974E-5 : f32
    %mul3A_4 = vector.broadcast %mul3A : f32 to vector<1x128xf32>
    %mul3A_5 = arith.mulf %get3A_3, %mul3A_4 : vector<1x128xf32>
    %get3A_6 = arith.constant 0 : index
    %get3A_7 = arith.constant 1 : index
    %get3A_8 = arith.constant 0 : index
    %get3A_9 = vector.load %arg5[%get3A_6, %get3A_7, %get3A_8] : memref<1x8x128xf32, #tpu.memory_space<vmem>>, vector<1x1x128xf32>
    %get3A_10 = vector.shape_cast %get3A_9 : vector<1x1x128xf32> to vector<1x128xf32>
    %mul3A_11 = arith.constant 9.99999974E-5 : f32
    %mul3A_12 = vector.broadcast %mul3A_11 : f32 to vector<1x128xf32>
    %mul3A_13 = arith.mulf %get3A_10, %mul3A_12 : vector<1x128xf32>
    %mul3A_14 = arith.mulf %mul3A_5, %mul3A_5 : vector<1x128xf32>
    %sub3A = arith.subf %mul3A_13, %mul3A_14 : vector<1x128xf32>
    %get3A_15 = arith.constant 0 : index
    %get3A_16 = arith.constant 0 : index
    %get3A_17 = arith.constant 0 : index
    %get3A_18 = vector.load %arg6[%get3A_15, %get3A_16, %get3A_17] : memref<1x1x128xf32, #tpu.memory_space<vmem>>, vector<1x1x128xf32>
    %get3A_19 = vector.shape_cast %get3A_18 : vector<1x1x128xf32> to vector<1x128xf32>
    %add3A = arith.constant 9.99999974E-6 : f32
    %add3A_20 = vector.broadcast %add3A : f32 to vector<1x128xf32>
    %add3A_21 = arith.addf %sub3A, %add3A_20 : vector<1x128xf32>
    %rsqrt3A = math.rsqrt %add3A_21 : vector<1x128xf32>
    %mul3A_22 = arith.mulf %get3A_19, %rsqrt3A : vector<1x128xf32>
    %get3A_23 = arith.constant 0 : index
    %get3A_24 = arith.constant 0 : index
    %get3A_25 = arith.constant 0 : index
    %get3A_26 = vector.load %arg7[%get3A_23, %get3A_24, %get3A_25] : memref<1x1x128xf32, #tpu.memory_space<vmem>>, vector<1x1x128xf32>
    %get3A_27 = vector.shape_cast %get3A_26 : vector<1x1x128xf32> to vector<1x128xf32>
    %mul3A_28 = arith.mulf %mul3A_5, %mul3A_22 : vector<1x128xf32>
    %sub3A_29 = arith.subf %get3A_27, %mul3A_28 : vector<1x128xf32>
    %eq3A = arith.constant 0 : i32
    %eq3A_30 = arith.cmpi eq, %arg1, %eq3A : i32
    %convert_element_type3A = arith.extui %eq3A_30 : i1 to i32
    %cond3A = arith.constant 0 : i32
    %cond3A_31 = arith.cmpi ne, %convert_element_type3A, %cond3A : i32
    scf.if %cond3A_31 {
      %broadcast_in_dim3A = arith.constant 0.000000e+00 : f32
      %broadcast_in_dim3A_72 = vector.broadcast %broadcast_in_dim3A : f32 to vector<1000x512xf32>
      %swap3A_73 = arith.constant 0 : index
      %swap3A_74 = arith.constant 0 : index
      %swap3A_75 = vector.load %arg11[%swap3A_73, %swap3A_74] : memref<1000x512xf32, #tpu.memory_space<vmem>>, vector<1000x512xf32>
      tpu.vector_store %arg11[%swap3A_73, %swap3A_74], %broadcast_in_dim3A_72 {strides = array<i32>} : memref<1000x512xf32, #tpu.memory_space<vmem>>, vector<1000x512xf32>,
      %broadcast_in_dim3A_76 = arith.constant 0.000000e+00 : f32
      %broadcast_in_dim3A_77 = vector.broadcast %broadcast_in_dim3A_76 : f32 to vector<1x512xf32>
      %swap3A_78 = arith.constant 0 : index
      %swap3A_79 = arith.constant 0 : index
      %swap3A_80 = vector.load %arg12[%swap3A_78, %swap3A_79] : memref<1x512xf32, #tpu.memory_space<vmem>>, vector<1x512xf32>
      tpu.vector_store %arg12[%swap3A_78, %swap3A_79], %broadcast_in_dim3A_77 {strides = array<i32>} : memref<1x512xf32, #tpu.memory_space<vmem>>, vector<1x512xf32>,
    } else {
    }
    %get3A_32 = arith.constant 0 : index
    %get3A_33 = arith.constant 0 : index
    %get3A_34 = vector.load %arg11[%get3A_32, %get3A_33] : memref<1000x512xf32, #tpu.memory_space<vmem>>, vector<1000x512xf32>
    %get3A_35 = arith.constant 0 : index
    %get3A_36 = arith.constant 0 : index
    %get3A_37 = vector.load %arg2[%get3A_35, %get3A_36] : memref<1000x128xf32, #tpu.memory_space<vmem>>, vector<1000x128xf32>
    %mul3A_38 = vector.broadcast %mul3A_22 : vector<1x128xf32> to vector<1000x128xf32>
    %mul3A_39 = arith.mulf %get3A_37, %mul3A_38 : vector<1000x128xf32>
    %get3A_40 = arith.constant 0 : index
    %get3A_41 = arith.constant 0 : index
    %get3A_42 = arith.constant 0 : index
    %get3A_43 = vector.load %arg3[%get3A_40, %get3A_41, %get3A_42] : memref<1x128x512xf32, #tpu.memory_space<vmem>>, vector<1x128x512xf32>
    %get3A_44 = vector.shape_cast %get3A_43 : vector<1x128x512xf32> to vector<128x512xf32>
    %convert_element_type3A_45 = arith.truncf %mul3A_39 : vector<1000x128xf32> to vector<1000x128xbf16>
    %convert_element_type3A_46 = arith.truncf %get3A_44 : vector<128x512xf32> to vector<128x512xbf16>
    %dot_general3A = arith.constant dense<0.000000e+00> : vector<1000x512xf32>
    %dot_general3A_47 = tpu.matmul %convert_element_type3A_45, %convert_element_type3A_46, %dot_general3A {dimension_numbers = #tpu.dot_dimension_numbers<[1], [0], [0], [1], [0, 0, 1, 1], [], []>, transpose_lhs_hint = false} : vector<1000x128xbf16>, vector<128x512xbf16>, vector<1000x512xf32> -> vector<1000x512xf32>
    %add3A_48 = arith.addf %get3A_34, %dot_general3A_47 : vector<1000x512xf32>
    %swap3A = arith.constant 0 : index
    %swap3A_49 = arith.constant 0 : index
    %swap3A_50 = vector.load %arg11[%swap3A, %swap3A_49] : memref<1000x512xf32, #tpu.memory_space<vmem>>, vector<1000x512xf32>
    tpu.vector_store %arg11[%swap3A, %swap3A_49], %add3A_48 {strides = array<i32>} : memref<1000x512xf32, #tpu.memory_space<vmem>>, vector<1000x512xf32>,
    %get3A_51 = arith.constant 0 : index
    %get3A_52 = arith.constant 0 : index
    %get3A_53 = vector.load %arg12[%get3A_51, %get3A_52] : memref<1x512xf32, #tpu.memory_space<vmem>>, vector<1x512xf32>
    %get3A_54 = arith.constant 0 : index
    %get3A_55 = arith.constant 0 : index
    %get3A_56 = arith.constant 0 : index
    %get3A_57 = vector.load %arg3[%get3A_54, %get3A_55, %get3A_56] : memref<1x128x512xf32, #tpu.memory_space<vmem>>, vector<1x128x512xf32>
    %get3A_58 = vector.shape_cast %get3A_57 : vector<1x128x512xf32> to vector<128x512xf32>
    %convert_element_type3A_59 = arith.truncf %sub3A_29 : vector<1x128xf32> to vector<1x128xbf16>
    %convert_element_type3A_60 = arith.truncf %get3A_58 : vector<128x512xf32> to vector<128x512xbf16>
    %dot_general3A_61 = arith.constant dense<0.000000e+00> : vector<1x512xf32>
    %dot_general3A_62 = tpu.matmul %convert_element_type3A_59, %convert_element_type3A_60, %dot_general3A_61 {dimension_numbers = #tpu.dot_dimension_numbers<[1], [0], [0], [1], [0, 0, 1, 1], [], []>, transpose_lhs_hint = false} : vector<1x128xbf16>, vector<128x512xbf16>, vector<1x512xf32> -> vector<1x512xf32>
    %add3A_63 = arith.addf %get3A_53, %dot_general3A_62 : vector<1x512xf32>
    %swap3A_64 = arith.constant 0 : index
    %swap3A_65 = arith.constant 0 : index
    %swap3A_66 = vector.load %arg12[%swap3A_64, %swap3A_65] : memref<1x512xf32, #tpu.memory_space<vmem>>, vector<1x512xf32>
    tpu.vector_store %arg12[%swap3A_64, %swap3A_65], %add3A_63 {strides = array<i32>} : memref<1x512xf32, #tpu.memory_space<vmem>>, vector<1x512xf32>,
    %eq3A_67 = arith.constant 3 : i32
    %eq3A_68 = arith.cmpi eq, %arg1, %eq3A_67 : i32
    %convert_element_type3A_69 = arith.extui %eq3A_68 : i1 to i32
    %cond3A_70 = arith.constant 0 : i32
    %cond3A_71 = arith.cmpi ne, %convert_element_type3A_69, %cond3A_70 : i32
    scf.if %cond3A_71 {
      %get3A_72 = arith.constant 0 : index
      %get3A_73 = arith.constant 0 : index
      %get3A_74 = arith.constant 0 : index
      %get3A_75 = vector.load %arg8[%get3A_72, %get3A_73, %get3A_74] : memref<2x1000x128xf32, #tpu.memory_space<vmem>>, vector<1x1000x1xf32>
      %get3A_76 = vector.shape_cast %get3A_75 : vector<1x1000x1xf32> to vector<1000x1xf32>
      %get3A_77 = arith.constant 1 : index
      %get3A_78 = arith.constant 0 : index
      %get3A_79 = arith.constant 0 : index
      %get3A_80 = vector.load %arg8[%get3A_77, %get3A_78, %get3A_79] : memref<2x1000x128xf32, #tpu.memory_space<vmem>>, vector<1x1000x1xf32>
      %get3A_81 = vector.shape_cast %get3A_80 : vector<1x1000x1xf32> to vector<1000x1xf32>
      %add3A_82 = arith.addf %get3A_76, %get3A_81 : vector<1000x1xf32>
      %add3A_83 = arith.constant 1.000000e+00 : f32
      %add3A_84 = vector.broadcast %add3A_83 : f32 to vector<1000x1xf32>
      %add3A_85 = arith.addf %add3A_82, %add3A_84 : vector<1000x1xf32>
      %get3A_86 = arith.constant 0 : index
      %get3A_87 = arith.constant 0 : index
      %get3A_88 = vector.load %arg11[%get3A_86, %get3A_87] : memref<1000x512xf32, #tpu.memory_space<vmem>>, vector<1000x512xf32>
      %get3A_89 = arith.constant 0 : index
      %get3A_90 = arith.constant 0 : index
      %get3A_91 = vector.load %arg12[%get3A_89, %get3A_90] : memref<1x512xf32, #tpu.memory_space<vmem>>, vector<1x512xf32>
      %mul3A_92 = vector.broadcast %add3A_85 : vector<1000x1xf32> to vector<1000x512xf32>
      %mul3A_93 = vector.broadcast %get3A_91 : vector<1x512xf32> to vector<1000x512xf32>
      %mul3A_94 = arith.mulf %mul3A_92, %mul3A_93 : vector<1000x512xf32>
      %add3A_95 = arith.addf %get3A_88, %mul3A_94 : vector<1000x512xf32>
      %get3A_96 = arith.constant 0 : index
      %get3A_97 = arith.constant 0 : index
      %get3A_98 = vector.load %arg4[%get3A_96, %get3A_97] : memref<1x512xf32, #tpu.memory_space<vmem>>, vector<1x512xf32>
      %add3A_99 = vector.broadcast %get3A_98 : vector<1x512xf32> to vector<1000x512xf32>
      %add3A_100 = arith.addf %add3A_95, %add3A_99 : vector<1000x512xf32>
      %max3A = arith.constant 0.000000e+00 : f32
      %max3A_101 = vector.broadcast %max3A : f32 to vector<1000x512xf32>
      %max3A_102 = arith.maximumf %add3A_100, %max3A_101 : vector<1000x512xf32>
      %convert_element_type3A_103 = arith.truncf %max3A_102 : vector<1000x512xf32> to vector<1000x512xbf16>
      %swap3A_104 = arith.constant 0 : index
      %swap3A_105 = arith.constant 0 : index
      %swap3A_106 = vector.load %arg9[%swap3A_104, %swap3A_105] : memref<1000x512xbf16, #tpu.memory_space<vmem>>, vector<1000x512xbf16>
      tpu.vector_store %arg9[%swap3A_104, %swap3A_105], %convert_element_type3A_103 {strides = array<i32>} : memref<1000x512xbf16, #tpu.memory_space<vmem>>, vector<1000x512xbf16>,
      %eq3A_107 = arith.constant 0 : i32
      %eq3A_108 = arith.cmpi eq, %arg0, %eq3A_107 : i32
      %convert_element_type3A_109 = arith.extui %eq3A_108 : i1 to i32
      %cond3A_110 = arith.constant 0 : i32
      %cond3A_111 = arith.cmpi ne, %convert_element_type3A_109, %cond3A_110 : i32
      scf.if %cond3A_111 {
        %broadcast_in_dim3A_136 = arith.constant 0.000000e+00 : f32
        %broadcast_in_dim3A_137 = vector.broadcast %broadcast_in_dim3A_136 : f32 to vector<8x512xf32>
        %swap3A_138 = arith.constant 0 : index
        %swap3A_139 = arith.constant 0 : index
        %swap3A_140 = vector.load %arg13[%swap3A_138, %swap3A_139] : memref<8x512xf32, #tpu.memory_space<vmem>>, vector<8x512xf32>
        tpu.vector_store %arg13[%swap3A_138, %swap3A_139], %broadcast_in_dim3A_137 {strides = array<i32>} : memref<8x512xf32, #tpu.memory_space<vmem>>, vector<8x512xf32>,
      } else {
      }
      %get3A_112 = arith.constant 0 : index
      %get3A_113 = arith.constant 0 : index
      %get3A_114 = vector.load %arg13[%get3A_112, %get3A_113] : memref<8x512xf32, #tpu.memory_space<vmem>>, vector<1x512xf32>
      %reduce_sum3A = arith.constant dense<0.000000e+00> : vector<512xf32>
      %reduce_sum3A_115 = vector.multi_reduction <add>, %max3A_102, %reduce_sum3A [0] : vector<1000x512xf32> to vector<512xf32>
      %broadcast_in_dim3A = vector.shape_cast %reduce_sum3A_115 : vector<512xf32> to vector<1x512xf32>
      %add3A_116 = arith.addf %get3A_114, %broadcast_in_dim3A : vector<1x512xf32>
      %swap3A_117 = arith.constant 0 : index
      %swap3A_118 = arith.constant 0 : index
      %swap3A_119 = vector.load %arg13[%swap3A_117, %swap3A_118] : memref<8x512xf32, #tpu.memory_space<vmem>>, vector<1x512xf32>
      tpu.vector_store %arg13[%swap3A_117, %swap3A_118], %add3A_116 {strides = array<i32>} : memref<8x512xf32, #tpu.memory_space<vmem>>, vector<1x512xf32>,
      %get3A_120 = arith.constant 1 : index
      %get3A_121 = arith.constant 0 : index
      %get3A_122 = vector.load %arg13[%get3A_120, %get3A_121] : memref<8x512xf32, #tpu.memory_space<vmem>>, vector<1x512xf32>
      %mul3A_123 = arith.mulf %max3A_102, %max3A_102 : vector<1000x512xf32>
      %reduce_sum3A_124 = arith.constant dense<0.000000e+00> : vector<512xf32>
      %reduce_sum3A_125 = vector.multi_reduction <add>, %mul3A_123, %reduce_sum3A_124 [0] : vector<1000x512xf32> to vector<512xf32>
      %broadcast_in_dim3A_126 = vector.shape_cast %reduce_sum3A_125 : vector<512xf32> to vector<1x512xf32>
      %add3A_127 = arith.addf %get3A_122, %broadcast_in_dim3A_126 : vector<1x512xf32>
      %swap3A_128 = arith.constant 1 : index
      %swap3A_129 = arith.constant 0 : index
      %swap3A_130 = vector.load %arg13[%swap3A_128, %swap3A_129] : memref<8x512xf32, #tpu.memory_space<vmem>>, vector<1x512xf32>
      tpu.vector_store %arg13[%swap3A_128, %swap3A_129], %add3A_127 {strides = array<i32>} : memref<8x512xf32, #tpu.memory_space<vmem>>, vector<1x512xf32>,
      %eq3A_131 = arith.constant 9 : i32
      %eq3A_132 = arith.cmpi eq, %arg0, %eq3A_131 : i32
      %convert_element_type3A_133 = arith.extui %eq3A_132 : i1 to i32
      %cond3A_134 = arith.constant 0 : i32
      %cond3A_135 = arith.cmpi ne, %convert_element_type3A_133, %cond3A_134 : i32
      scf.if %cond3A_135 {
        %get3A_136 = arith.constant 0 : index
        %get3A_137 = arith.constant 0 : index
        %get3A_138 = vector.load %arg13[%get3A_136, %get3A_137] : memref<8x512xf32, #tpu.memory_space<vmem>>, vector<8x512xf32>
        %swap3A_139 = arith.constant 0 : index
        %swap3A_140 = arith.constant 0 : index
        %swap3A_141 = vector.load %arg10[%swap3A_139, %swap3A_140] : memref<8x512xf32, #tpu.memory_space<vmem>>, vector<8x512xf32>
        tpu.vector_store %arg10[%swap3A_139, %swap3A_140], %get3A_138 {strides = array<i32>} : memref<8x512xf32, #tpu.memory_space<vmem>>, vector<8x512xf32>,
      } else {
      }
    } else {
    }
    return
  }
  func.func @transform_0(%arg0: i32, %arg1: i32) -> (i32, i32) {
    %mul3A = arith.constant 10 : i32
    %mul3A_0 = arith.muli %arg1, %mul3A : i32
    %add3A = arith.addi %mul3A_0, %arg0 : i32
    %c0_i32 = arith.constant 0 : i32
    %c0_i32_1 = arith.constant 0 : i32
    return %add3A, %c0_i32 : i32, i32
  }
  func.func @transform_1(%arg0: i32, %arg1: i32) -> (i32, i32, i32) {
    %c0_i32 = arith.constant 0 : i32
    %c0_i32_0 = arith.constant 0 : i32
    %c0_i32_1 = arith.constant 0 : i32
    return %arg1, %c0_i32, %c0_i32_0 : i32, i32, i32
  }
  func.func @transform_2(%arg0: i32, %arg1: i32) -> (i32, i32) {
    %c0_i32 = arith.constant 0 : i32
    %c0_i32_0 = arith.constant 0 : i32
    %c0_i32_1 = arith.constant 0 : i32
    return %c0_i32, %c0_i32_0 : i32, i32
  }
  func.func @transform_3(%arg0: i32, %arg1: i32) -> (i32, i32, i32) {
    %c0_i32 = arith.constant 0 : i32
    %c0_i32_0 = arith.constant 0 : i32
    %c0_i32_1 = arith.constant 0 : i32
    return %arg1, %c0_i32, %c0_i32_0 : i32, i32, i32
  }
  func.func @transform_4(%arg0: i32, %arg1: i32) -> (i32, i32, i32) {
    %c0_i32 = arith.constant 0 : i32
    %c0_i32_0 = arith.constant 0 : i32
    %c0_i32_1 = arith.constant 0 : i32
    return %arg1, %c0_i32, %c0_i32_0 : i32, i32, i32
  }
  func.func @transform_5(%arg0: i32, %arg1: i32) -> (i32, i32, i32) {
    %c0_i32 = arith.constant 0 : i32
    %c0_i32_0 = arith.constant 0 : i32
    %c0_i32_1 = arith.constant 0 : i32
    return %arg1, %c0_i32, %c0_i32_0 : i32, i32, i32
  }
  func.func @transform_6(%arg0: i32, %arg1: i32) -> (i32, i32, i32) {
    %c0_i32 = arith.constant 0 : i32
    %c0_i32_0 = arith.constant 0 : i32
    %c0_i32_1 = arith.constant 0 : i32
    return %c0_i32, %arg0, %c0_i32_0 : i32, i32, i32
  }
  func.func @transform_7(%arg0: i32, %arg1: i32) -> (i32, i32) {
    %c0_i32 = arith.constant 0 : i32
    %c0_i32_0 = arith.constant 0 : i32
    return %arg0, %c0_i32 : i32, i32
  }
  func.func @transform_8(%arg0: i32, %arg1: i32) -> (i32, i32) {
    %c0_i32 = arith.constant 0 : i32
    %c0_i32_0 = arith.constant 0 : i32
    %c0_i32_1 = arith.constant 0 : i32
    return %c0_i32, %c0_i32_0 : i32, i32
  }
}

module attributes {stable_mosaic.version = 14 : i64} {
  func.func @_k3_body(%arg0: i32, %arg1: memref<4x1000x128xf32, #tpu.memory_space<vmem>>, %arg2: memref<1x1x1000xi32, #tpu.memory_space<vmem>>, %arg3: memref<8x512xf32, #tpu.memory_space<vmem>>, %arg4: memref<1x512xf32, #tpu.memory_space<vmem>>, %arg5: memref<1x512xf32, #tpu.memory_space<vmem>>, %arg6: memref<512x512xf32, #tpu.memory_space<vmem>>, %arg7: memref<1x512xf32, #tpu.memory_space<vmem>>, %arg8: memref<512x16xf32, #tpu.memory_space<vmem>>, %arg9: memref<1x16xf32, #tpu.memory_space<vmem>>, %arg10: memref<64x16xf32, #tpu.memory_space<vmem>>, %arg11: memref<4x64x128xf32, #tpu.memory_space<vmem>>, %arg12: memref<64x1xf32, #tpu.memory_space<vmem>>) attributes {dimension_semantics = [#tpu.dimension_semantics<arbitrary>], iteration_bounds = array<i64: 10>, scalar_prefetch = 0 : i64, scratch_operands = 2 : i64, tpu.core_type = #tpu.core_type<tc>, window_params = [{transform_indices = @transform_0, window_bounds = array<i64: 4, 1000, 128>}, {transform_indices = @transform_1, window_bounds = array<i64: 1, 1, 1000>}, {pipeline_mode = #tpu.pipeline_mode<synchronous>, transform_indices = @transform_2, window_bounds = array<i64: 8, 512>}, {pipeline_mode = #tpu.pipeline_mode<synchronous>, transform_indices = @transform_3, window_bounds = array<i64: 1, 512>}, {pipeline_mode = #tpu.pipeline_mode<synchronous>, transform_indices = @transform_4, window_bounds = array<i64: 1, 512>}, {pipeline_mode = #tpu.pipeline_mode<synchronous>, transform_indices = @transform_5, window_bounds = array<i64: 512, 512>}, {pipeline_mode = #tpu.pipeline_mode<synchronous>, transform_indices = @transform_6, window_bounds = array<i64: 1, 512>}, {pipeline_mode = #tpu.pipeline_mode<synchronous>, transform_indices = @transform_7, window_bounds = array<i64: 512, 16>}, {pipeline_mode = #tpu.pipeline_mode<synchronous>, transform_indices = @transform_8, window_bounds = array<i64: 1, 16>}, {pipeline_mode = #tpu.pipeline_mode<synchronous>, transform_indices = @transform_9, window_bounds = array<i64: 64, 16>}]} {
    %eq3A = arith.constant 0 : i32
    %eq3A_0 = arith.cmpi eq, %arg0, %eq3A : i32
    %convert_element_type3A = arith.extui %eq3A_0 : i1 to i32
    %cond3A = arith.constant 0 : i32
    %cond3A_1 = arith.cmpi ne, %convert_element_type3A, %cond3A : i32
    scf.if %cond3A_1 {
      %broadcast_in_dim3A_105 = arith.constant 0.000000e+00 : f32
      %broadcast_in_dim3A_106 = vector.broadcast %broadcast_in_dim3A_105 : f32 to vector<4x64x128xf32>
      %swap3A_107 = arith.constant 0 : index
      %swap3A_108 = arith.constant 0 : index
      %swap3A_109 = arith.constant 0 : index
      %swap3A_110 = vector.load %arg11[%swap3A_107, %swap3A_108, %swap3A_109] : memref<4x64x128xf32, #tpu.memory_space<vmem>>, vector<4x64x128xf32>
      tpu.vector_store %arg11[%swap3A_107, %swap3A_108, %swap3A_109], %broadcast_in_dim3A_106 {strides = array<i32>} : memref<4x64x128xf32, #tpu.memory_space<vmem>>, vector<4x64x128xf32>,
      %broadcast_in_dim3A_111 = arith.constant 0.000000e+00 : f32
      %broadcast_in_dim3A_112 = vector.broadcast %broadcast_in_dim3A_111 : f32 to vector<64x1xf32>
      %swap3A_113 = arith.constant 0 : index
      %swap3A_114 = arith.constant 0 : index
      %swap3A_115 = vector.load %arg12[%swap3A_113, %swap3A_114] : memref<64x1xf32, #tpu.memory_space<vmem>>, vector<64x1xf32>
      tpu.vector_store %arg12[%swap3A_113, %swap3A_114], %broadcast_in_dim3A_112 {strides = array<i32>} : memref<64x1xf32, #tpu.memory_space<vmem>>, vector<64x1xf32>,
    } else {
    }
    %get3A = arith.constant 0 : index
    %get3A_2 = arith.constant 0 : index
    %get3A_3 = arith.constant 0 : index
    %get3A_4 = vector.load %arg2[%get3A, %get3A_2, %get3A_3] : memref<1x1x1000xi32, #tpu.memory_space<vmem>>, vector<1x1x1000xi32>
    %get3A_5 = vector.shape_cast %get3A_4 : vector<1x1x1000xi32> to vector<1x1000xi32>
    %iota3A = tpu.iota {dimensions = array<i32: 0>} : vector<64x1xi32>
    %eq3A_6 = vector.broadcast %get3A_5 : vector<1x1000xi32> to vector<64x1000xi32>
    %eq3A_7 = vector.broadcast %iota3A : vector<64x1xi32> to vector<64x1000xi32>
    %eq3A_8 = arith.cmpi eq, %eq3A_6, %eq3A_7 : vector<64x1000xi32>
    %convert_element_type3A_9 = arith.extui %eq3A_8 : vector<64x1000xi1> to vector<64x1000xi32>
    %convert_element_type3A_10 = arith.sitofp %convert_element_type3A_9 : vector<64x1000xi32> to vector<64x1000xf32>
    %get3A_11 = arith.constant 0 : index
    %get3A_12 = arith.constant 0 : index
    %get3A_13 = arith.constant 0 : index
    %get3A_14 = vector.load %arg11[%get3A_11, %get3A_12, %get3A_13] : memref<4x64x128xf32, #tpu.memory_space<vmem>>, vector<1x64x128xf32>
    %get3A_15 = vector.shape_cast %get3A_14 : vector<1x64x128xf32> to vector<64x128xf32>
    %get3A_16 = arith.constant 0 : index
    %get3A_17 = arith.constant 0 : index
    %get3A_18 = arith.constant 0 : index
    %get3A_19 = vector.load %arg1[%get3A_16, %get3A_17, %get3A_18] : memref<4x1000x128xf32, #tpu.memory_space<vmem>>, vector<1x1000x128xf32>
    %get3A_20 = vector.shape_cast %get3A_19 : vector<1x1000x128xf32> to vector<1000x128xf32>
    %convert_element_type3A_21 = arith.truncf %convert_element_type3A_10 : vector<64x1000xf32> to vector<64x1000xbf16>
    %convert_element_type3A_22 = arith.truncf %get3A_20 : vector<1000x128xf32> to vector<1000x128xbf16>
    %dot_general3A = arith.constant dense<0.000000e+00> : vector<64x128xf32>
    %dot_general3A_23 = tpu.matmul %convert_element_type3A_21, %convert_element_type3A_22, %dot_general3A {dimension_numbers = #tpu.dot_dimension_numbers<[1], [0], [0], [1], [0, 0, 1, 1], [], []>, transpose_lhs_hint = false} : vector<64x1000xbf16>, vector<1000x128xbf16>, vector<64x128xf32> -> vector<64x128xf32>
    %add3A = arith.addf %get3A_15, %dot_general3A_23 : vector<64x128xf32>
    %swap3A = arith.constant 0 : index
    %swap3A_24 = arith.constant 0 : index
    %swap3A_25 = arith.constant 0 : index
    %swap3A_26 = vector.load %arg11[%swap3A, %swap3A_24, %swap3A_25] : memref<4x64x128xf32, #tpu.memory_space<vmem>>, vector<1x64x128xf32>
    %swap3A_27 = vector.shape_cast %swap3A_26 : vector<1x64x128xf32> to vector<64x128xf32>
    %swap3A_28 = vector.shape_cast %add3A : vector<64x128xf32> to vector<1x64x128xf32>
    tpu.vector_store %arg11[%swap3A, %swap3A_24, %swap3A_25], %swap3A_28 {strides = array<i32>} : memref<4x64x128xf32, #tpu.memory_space<vmem>>, vector<1x64x128xf32>,
    %get3A_29 = arith.constant 1 : index
    %get3A_30 = arith.constant 0 : index
    %get3A_31 = arith.constant 0 : index
    %get3A_32 = vector.load %arg11[%get3A_29, %get3A_30, %get3A_31] : memref<4x64x128xf32, #tpu.memory_space<vmem>>, vector<1x64x128xf32>
    %get3A_33 = vector.shape_cast %get3A_32 : vector<1x64x128xf32> to vector<64x128xf32>
    %get3A_34 = arith.constant 1 : index
    %get3A_35 = arith.constant 0 : index
    %get3A_36 = arith.constant 0 : index
    %get3A_37 = vector.load %arg1[%get3A_34, %get3A_35, %get3A_36] : memref<4x1000x128xf32, #tpu.memory_space<vmem>>, vector<1x1000x128xf32>
    %get3A_38 = vector.shape_cast %get3A_37 : vector<1x1000x128xf32> to vector<1000x128xf32>
    %convert_element_type3A_39 = arith.truncf %convert_element_type3A_10 : vector<64x1000xf32> to vector<64x1000xbf16>
    %convert_element_type3A_40 = arith.truncf %get3A_38 : vector<1000x128xf32> to vector<1000x128xbf16>
    %dot_general3A_41 = arith.constant dense<0.000000e+00> : vector<64x128xf32>
    %dot_general3A_42 = tpu.matmul %convert_element_type3A_39, %convert_element_type3A_40, %dot_general3A_41 {dimension_numbers = #tpu.dot_dimension_numbers<[1], [0], [0], [1], [0, 0, 1, 1], [], []>, transpose_lhs_hint = false} : vector<64x1000xbf16>, vector<1000x128xbf16>, vector<64x128xf32> -> vector<64x128xf32>
    %add3A_43 = arith.addf %get3A_33, %dot_general3A_42 : vector<64x128xf32>
    %swap3A_44 = arith.constant 1 : index
    %swap3A_45 = arith.constant 0 : index
    %swap3A_46 = arith.constant 0 : index
    %swap3A_47 = vector.load %arg11[%swap3A_44, %swap3A_45, %swap3A_46] : memref<4x64x128xf32, #tpu.memory_space<vmem>>, vector<1x64x128xf32>
    %swap3A_48 = vector.shape_cast %swap3A_47 : vector<1x64x128xf32> to vector<64x128xf32>
    %swap3A_49 = vector.shape_cast %add3A_43 : vector<64x128xf32> to vector<1x64x128xf32>
    tpu.vector_store %arg11[%swap3A_44, %swap3A_45, %swap3A_46], %swap3A_49 {strides = array<i32>} : memref<4x64x128xf32, #tpu.memory_space<vmem>>, vector<1x64x128xf32>,
    %get3A_50 = arith.constant 2 : index
    %get3A_51 = arith.constant 0 : index
    %get3A_52 = arith.constant 0 : index
    %get3A_53 = vector.load %arg11[%get3A_50, %get3A_51, %get3A_52] : memref<4x64x128xf32, #tpu.memory_space<vmem>>, vector<1x64x128xf32>
    %get3A_54 = vector.shape_cast %get3A_53 : vector<1x64x128xf32> to vector<64x128xf32>
    %get3A_55 = arith.constant 2 : index
    %get3A_56 = arith.constant 0 : index
    %get3A_57 = arith.constant 0 : index
    %get3A_58 = vector.load %arg1[%get3A_55, %get3A_56, %get3A_57] : memref<4x1000x128xf32, #tpu.memory_space<vmem>>, vector<1x1000x128xf32>
    %get3A_59 = vector.shape_cast %get3A_58 : vector<1x1000x128xf32> to vector<1000x128xf32>
    %convert_element_type3A_60 = arith.truncf %convert_element_type3A_10 : vector<64x1000xf32> to vector<64x1000xbf16>
    %convert_element_type3A_61 = arith.truncf %get3A_59 : vector<1000x128xf32> to vector<1000x128xbf16>
    %dot_general3A_62 = arith.constant dense<0.000000e+00> : vector<64x128xf32>
    %dot_general3A_63 = tpu.matmul %convert_element_type3A_60, %convert_element_type3A_61, %dot_general3A_62 {dimension_numbers = #tpu.dot_dimension_numbers<[1], [0], [0], [1], [0, 0, 1, 1], [], []>, transpose_lhs_hint = false} : vector<64x1000xbf16>, vector<1000x128xbf16>, vector<64x128xf32> -> vector<64x128xf32>
    %add3A_64 = arith.addf %get3A_54, %dot_general3A_63 : vector<64x128xf32>
    %swap3A_65 = arith.constant 2 : index
    %swap3A_66 = arith.constant 0 : index
    %swap3A_67 = arith.constant 0 : index
    %swap3A_68 = vector.load %arg11[%swap3A_65, %swap3A_66, %swap3A_67] : memref<4x64x128xf32, #tpu.memory_space<vmem>>, vector<1x64x128xf32>
    %swap3A_69 = vector.shape_cast %swap3A_68 : vector<1x64x128xf32> to vector<64x128xf32>
    %swap3A_70 = vector.shape_cast %add3A_64 : vector<64x128xf32> to vector<1x64x128xf32>
    tpu.vector_store %arg11[%swap3A_65, %swap3A_66, %swap3A_67], %swap3A_70 {strides = array<i32>} : memref<4x64x128xf32, #tpu.memory_space<vmem>>, vector<1x64x128xf32>,
    %get3A_71 = arith.constant 3 : index
    %get3A_72 = arith.constant 0 : index
    %get3A_73 = arith.constant 0 : index
    %get3A_74 = vector.load %arg11[%get3A_71, %get3A_72, %get3A_73] : memref<4x64x128xf32, #tpu.memory_space<vmem>>, vector<1x64x128xf32>
    %get3A_75 = vector.shape_cast %get3A_74 : vector<1x64x128xf32> to vector<64x128xf32>
    %get3A_76 = arith.constant 3 : index
    %get3A_77 = arith.constant 0 : index
    %get3A_78 = arith.constant 0 : index
    %get3A_79 = vector.load %arg1[%get3A_76, %get3A_77, %get3A_78] : memref<4x1000x128xf32, #tpu.memory_space<vmem>>, vector<1x1000x128xf32>
    %get3A_80 = vector.shape_cast %get3A_79 : vector<1x1000x128xf32> to vector<1000x128xf32>
    %convert_element_type3A_81 = arith.truncf %convert_element_type3A_10 : vector<64x1000xf32> to vector<64x1000xbf16>
    %convert_element_type3A_82 = arith.truncf %get3A_80 : vector<1000x128xf32> to vector<1000x128xbf16>
    %dot_general3A_83 = arith.constant dense<0.000000e+00> : vector<64x128xf32>
    %dot_general3A_84 = tpu.matmul %convert_element_type3A_81, %convert_element_type3A_82, %dot_general3A_83 {dimension_numbers = #tpu.dot_dimension_numbers<[1], [0], [0], [1], [0, 0, 1, 1], [], []>, transpose_lhs_hint = false} : vector<64x1000xbf16>, vector<1000x128xbf16>, vector<64x128xf32> -> vector<64x128xf32>
    %add3A_85 = arith.addf %get3A_75, %dot_general3A_84 : vector<64x128xf32>
    %swap3A_86 = arith.constant 3 : index
    %swap3A_87 = arith.constant 0 : index
    %swap3A_88 = arith.constant 0 : index
    %swap3A_89 = vector.load %arg11[%swap3A_86, %swap3A_87, %swap3A_88] : memref<4x64x128xf32, #tpu.memory_space<vmem>>, vector<1x64x128xf32>
    %swap3A_90 = vector.shape_cast %swap3A_89 : vector<1x64x128xf32> to vector<64x128xf32>
    %swap3A_91 = vector.shape_cast %add3A_85 : vector<64x128xf32> to vector<1x64x128xf32>
    tpu.vector_store %arg11[%swap3A_86, %swap3A_87, %swap3A_88], %swap3A_91 {strides = array<i32>} : memref<4x64x128xf32, #tpu.memory_space<vmem>>, vector<1x64x128xf32>,
    %get3A_92 = arith.constant 0 : index
    %get3A_93 = arith.constant 0 : index
    %get3A_94 = vector.load %arg12[%get3A_92, %get3A_93] : memref<64x1xf32, #tpu.memory_space<vmem>>, vector<64x1xf32>
    %reduce_sum3A = arith.constant dense<0.000000e+00> : vector<64xf32>
    %reduce_sum3A_95 = vector.multi_reduction <add>, %convert_element_type3A_10, %reduce_sum3A [1] : vector<64x1000xf32> to vector<64xf32>
    %broadcast_in_dim3A = vector.shape_cast %reduce_sum3A_95 : vector<64xf32> to vector<64x1xf32>
    %add3A_96 = arith.addf %get3A_94, %broadcast_in_dim3A : vector<64x1xf32>
    %swap3A_97 = arith.constant 0 : index
    %swap3A_98 = arith.constant 0 : index
    %swap3A_99 = vector.load %arg12[%swap3A_97, %swap3A_98] : memref<64x1xf32, #tpu.memory_space<vmem>>, vector<64x1xf32>
    tpu.vector_store %arg12[%swap3A_97, %swap3A_98], %add3A_96 {strides = array<i32>} : memref<64x1xf32, #tpu.memory_space<vmem>>, vector<64x1xf32>,
    %eq3A_100 = arith.constant 9 : i32
    %eq3A_101 = arith.cmpi eq, %arg0, %eq3A_100 : i32
    %convert_element_type3A_102 = arith.extui %eq3A_101 : i1 to i32
    %cond3A_103 = arith.constant 0 : i32
    %cond3A_104 = arith.cmpi ne, %convert_element_type3A_102, %cond3A_103 : i32
    scf.if %cond3A_104 {
      %get3A_105 = arith.constant 0 : index
      %get3A_106 = arith.constant 0 : index
      %get3A_107 = vector.load %arg3[%get3A_105, %get3A_106] : memref<8x512xf32, #tpu.memory_space<vmem>>, vector<1x512xf32>
      %mul3A = arith.constant 9.99999974E-5 : f32
      %mul3A_108 = vector.broadcast %mul3A : f32 to vector<1x512xf32>
      %mul3A_109 = arith.mulf %get3A_107, %mul3A_108 : vector<1x512xf32>
      %get3A_110 = arith.constant 1 : index
      %get3A_111 = arith.constant 0 : index
      %get3A_112 = vector.load %arg3[%get3A_110, %get3A_111] : memref<8x512xf32, #tpu.memory_space<vmem>>, vector<1x512xf32>
      %mul3A_113 = arith.constant 9.99999974E-5 : f32
      %mul3A_114 = vector.broadcast %mul3A_113 : f32 to vector<1x512xf32>
      %mul3A_115 = arith.mulf %get3A_112, %mul3A_114 : vector<1x512xf32>
      %mul3A_116 = arith.mulf %mul3A_109, %mul3A_109 : vector<1x512xf32>
      %sub3A = arith.subf %mul3A_115, %mul3A_116 : vector<1x512xf32>
      %get3A_117 = arith.constant 0 : index
      %get3A_118 = arith.constant 0 : index
      %get3A_119 = vector.load %arg4[%get3A_117, %get3A_118] : memref<1x512xf32, #tpu.memory_space<vmem>>, vector<1x512xf32>
      %add3A_120 = arith.constant 9.99999974E-6 : f32
      %add3A_121 = vector.broadcast %add3A_120 : f32 to vector<1x512xf32>
      %add3A_122 = arith.addf %sub3A, %add3A_121 : vector<1x512xf32>
      %rsqrt3A = math.rsqrt %add3A_122 : vector<1x512xf32>
      %mul3A_123 = arith.mulf %get3A_119, %rsqrt3A : vector<1x512xf32>
      %get3A_124 = arith.constant 0 : index
      %get3A_125 = arith.constant 0 : index
      %get3A_126 = vector.load %arg5[%get3A_124, %get3A_125] : memref<1x512xf32, #tpu.memory_space<vmem>>, vector<1x512xf32>
      %mul3A_127 = arith.mulf %mul3A_109, %mul3A_123 : vector<1x512xf32>
      %sub3A_128 = arith.subf %get3A_126, %mul3A_127 : vector<1x512xf32>
      %get3A_129 = arith.constant 0 : index
      %get3A_130 = arith.constant 0 : index
      %get3A_131 = vector.load %arg12[%get3A_129, %get3A_130] : memref<64x1xf32, #tpu.memory_space<vmem>>, vector<64x1xf32>
      %max3A = arith.constant 1.000000e+00 : f32
      %max3A_132 = vector.broadcast %max3A : f32 to vector<64x1xf32>
      %max3A_133 = arith.maximumf %get3A_131, %max3A_132 : vector<64x1xf32>
      %div3A = arith.constant 1.000000e+00 : f32
      %div3A_134 = vector.broadcast %div3A : f32 to vector<64x1xf32>
      %div3A_135 = arith.divf %div3A_134, %max3A_133 : vector<64x1xf32>
      %get3A_136 = arith.constant 0 : index
      %get3A_137 = arith.constant 0 : index
      %get3A_138 = vector.load %arg7[%get3A_136, %get3A_137] : memref<1x512xf32, #tpu.memory_space<vmem>>, vector<1x512xf32>
      %broadcast_in_dim3A_139 = arith.constant 0.000000e+00 : f32
      %broadcast_in_dim3A_140 = vector.broadcast %broadcast_in_dim3A_139 : f32 to vector<64x512xf32>
      %add3A_141 = vector.broadcast %get3A_138 : vector<1x512xf32> to vector<64x512xf32>
      %add3A_142 = arith.addf %add3A_141, %broadcast_in_dim3A_140 : vector<64x512xf32>
      %get3A_143 = arith.constant 0 : index
      %get3A_144 = arith.constant 0 : index
      %get3A_145 = arith.constant 0 : index
      %get3A_146 = vector.load %arg11[%get3A_143, %get3A_144, %get3A_145] : memref<4x64x128xf32, #tpu.memory_space<vmem>>, vector<1x64x128xf32>
      %get3A_147 = vector.shape_cast %get3A_146 : vector<1x64x128xf32> to vector<64x128xf32>
      %mul3A_148 = vector.broadcast %div3A_135 : vector<64x1xf32> to vector<64x128xf32>
      %mul3A_149 = arith.mulf %get3A_147, %mul3A_148 : vector<64x128xf32>
      %slice3A = vector.extract_strided_slice %mul3A_123 {offsets = [0, 0], sizes = [1, 128], strides = [1, 1]} : vector<1x512xf32> to vector<1x128xf32>
      %mul3A_150 = vector.broadcast %slice3A : vector<1x128xf32> to vector<64x128xf32>
      %mul3A_151 = arith.mulf %mul3A_149, %mul3A_150 : vector<64x128xf32>
      %slice3A_152 = vector.extract_strided_slice %sub3A_128 {offsets = [0, 0], sizes = [1, 128], strides = [1, 1]} : vector<1x512xf32> to vector<1x128xf32>
      %add3A_153 = vector.broadcast %slice3A_152 : vector<1x128xf32> to vector<64x128xf32>
      %add3A_154 = arith.addf %mul3A_151, %add3A_153 : vector<64x128xf32>
      %get3A_155 = arith.constant 0 : index
      %get3A_156 = arith.constant 0 : index
      %get3A_157 = vector.load %arg6[%get3A_155, %get3A_156] : memref<512x512xf32, #tpu.memory_space<vmem>>, vector<128x512xf32>
      %convert_element_type3A_158 = arith.truncf %add3A_154 : vector<64x128xf32> to vector<64x128xbf16>
      %convert_element_type3A_159 = arith.truncf %get3A_157 : vector<128x512xf32> to vector<128x512xbf16>
      %dot_general3A_160 = arith.constant dense<0.000000e+00> : vector<64x512xf32>
      %dot_general3A_161 = tpu.matmul %convert_element_type3A_158, %convert_element_type3A_159, %dot_general3A_160 {dimension_numbers = #tpu.dot_dimension_numbers<[1], [0], [0], [1], [0, 0, 1, 1], [], []>, transpose_lhs_hint = false} : vector<64x128xbf16>, vector<128x512xbf16>, vector<64x512xf32> -> vector<64x512xf32>
      %add3A_162 = arith.addf %add3A_142, %dot_general3A_161 : vector<64x512xf32>
      %get3A_163 = arith.constant 1 : index
      %get3A_164 = arith.constant 0 : index
      %get3A_165 = arith.constant 0 : index
      %get3A_166 = vector.load %arg11[%get3A_163, %get3A_164, %get3A_165] : memref<4x64x128xf32, #tpu.memory_space<vmem>>, vector<1x64x128xf32>
      %get3A_167 = vector.shape_cast %get3A_166 : vector<1x64x128xf32> to vector<64x128xf32>
      %mul3A_168 = vector.broadcast %div3A_135 : vector<64x1xf32> to vector<64x128xf32>
      %mul3A_169 = arith.mulf %get3A_167, %mul3A_168 : vector<64x128xf32>
      %slice3A_170 = vector.extract_strided_slice %mul3A_123 {offsets = [0, 128], sizes = [1, 128], strides = [1, 1]} : vector<1x512xf32> to vector<1x128xf32>
      %mul3A_171 = vector.broadcast %slice3A_170 : vector<1x128xf32> to vector<64x128xf32>
      %mul3A_172 = arith.mulf %mul3A_169, %mul3A_171 : vector<64x128xf32>
      %slice3A_173 = vector.extract_strided_slice %sub3A_128 {offsets = [0, 128], sizes = [1, 128], strides = [1, 1]} : vector<1x512xf32> to vector<1x128xf32>
      %add3A_174 = vector.broadcast %slice3A_173 : vector<1x128xf32> to vector<64x128xf32>
      %add3A_175 = arith.addf %mul3A_172, %add3A_174 : vector<64x128xf32>
      %get3A_176 = arith.constant 128 : index
      %get3A_177 = arith.constant 0 : index
      %get3A_178 = vector.load %arg6[%get3A_176, %get3A_177] : memref<512x512xf32, #tpu.memory_space<vmem>>, vector<128x512xf32>
      %convert_element_type3A_179 = arith.truncf %add3A_175 : vector<64x128xf32> to vector<64x128xbf16>
      %convert_element_type3A_180 = arith.truncf %get3A_178 : vector<128x512xf32> to vector<128x512xbf16>
      %dot_general3A_181 = arith.constant dense<0.000000e+00> : vector<64x512xf32>
      %dot_general3A_182 = tpu.matmul %convert_element_type3A_179, %convert_element_type3A_180, %dot_general3A_181 {dimension_numbers = #tpu.dot_dimension_numbers<[1], [0], [0], [1], [0, 0, 1, 1], [], []>, transpose_lhs_hint = false} : vector<64x128xbf16>, vector<128x512xbf16>, vector<64x512xf32> -> vector<64x512xf32>
      %add3A_183 = arith.addf %add3A_162, %dot_general3A_182 : vector<64x512xf32>
      %get3A_184 = arith.constant 2 : index
      %get3A_185 = arith.constant 0 : index
      %get3A_186 = arith.constant 0 : index
      %get3A_187 = vector.load %arg11[%get3A_184, %get3A_185, %get3A_186] : memref<4x64x128xf32, #tpu.memory_space<vmem>>, vector<1x64x128xf32>
      %get3A_188 = vector.shape_cast %get3A_187 : vector<1x64x128xf32> to vector<64x128xf32>
      %mul3A_189 = vector.broadcast %div3A_135 : vector<64x1xf32> to vector<64x128xf32>
      %mul3A_190 = arith.mulf %get3A_188, %mul3A_189 : vector<64x128xf32>
      %slice3A_191 = vector.extract_strided_slice %mul3A_123 {offsets = [0, 256], sizes = [1, 128], strides = [1, 1]} : vector<1x512xf32> to vector<1x128xf32>
      %mul3A_192 = vector.broadcast %slice3A_191 : vector<1x128xf32> to vector<64x128xf32>
      %mul3A_193 = arith.mulf %mul3A_190, %mul3A_192 : vector<64x128xf32>
      %slice3A_194 = vector.extract_strided_slice %sub3A_128 {offsets = [0, 256], sizes = [1, 128], strides = [1, 1]} : vector<1x512xf32> to vector<1x128xf32>
      %add3A_195 = vector.broadcast %slice3A_194 : vector<1x128xf32> to vector<64x128xf32>
      %add3A_196 = arith.addf %mul3A_193, %add3A_195 : vector<64x128xf32>
      %get3A_197 = arith.constant 256 : index
      %get3A_198 = arith.constant 0 : index
      %get3A_199 = vector.load %arg6[%get3A_197, %get3A_198] : memref<512x512xf32, #tpu.memory_space<vmem>>, vector<128x512xf32>
      %convert_element_type3A_200 = arith.truncf %add3A_196 : vector<64x128xf32> to vector<64x128xbf16>
      %convert_element_type3A_201 = arith.truncf %get3A_199 : vector<128x512xf32> to vector<128x512xbf16>
      %dot_general3A_202 = arith.constant dense<0.000000e+00> : vector<64x512xf32>
      %dot_general3A_203 = tpu.matmul %convert_element_type3A_200, %convert_element_type3A_201, %dot_general3A_202 {dimension_numbers = #tpu.dot_dimension_numbers<[1], [0], [0], [1], [0, 0, 1, 1], [], []>, transpose_lhs_hint = false} : vector<64x128xbf16>, vector<128x512xbf16>, vector<64x512xf32> -> vector<64x512xf32>
      %add3A_204 = arith.addf %add3A_183, %dot_general3A_203 : vector<64x512xf32>
      %get3A_205 = arith.constant 3 : index
      %get3A_206 = arith.constant 0 : index
      %get3A_207 = arith.constant 0 : index
      %get3A_208 = vector.load %arg11[%get3A_205, %get3A_206, %get3A_207] : memref<4x64x128xf32, #tpu.memory_space<vmem>>, vector<1x64x128xf32>
      %get3A_209 = vector.shape_cast %get3A_208 : vector<1x64x128xf32> to vector<64x128xf32>
      %mul3A_210 = vector.broadcast %div3A_135 : vector<64x1xf32> to vector<64x128xf32>
      %mul3A_211 = arith.mulf %get3A_209, %mul3A_210 : vector<64x128xf32>
      %slice3A_212 = vector.extract_strided_slice %mul3A_123 {offsets = [0, 384], sizes = [1, 128], strides = [1, 1]} : vector<1x512xf32> to vector<1x128xf32>
      %mul3A_213 = vector.broadcast %slice3A_212 : vector<1x128xf32> to vector<64x128xf32>
      %mul3A_214 = arith.mulf %mul3A_211, %mul3A_213 : vector<64x128xf32>
      %slice3A_215 = vector.extract_strided_slice %sub3A_128 {offsets = [0, 384], sizes = [1, 128], strides = [1, 1]} : vector<1x512xf32> to vector<1x128xf32>
      %add3A_216 = vector.broadcast %slice3A_215 : vector<1x128xf32> to vector<64x128xf32>
      %add3A_217 = arith.addf %mul3A_214, %add3A_216 : vector<64x128xf32>
      %get3A_218 = arith.constant 384 : index
      %get3A_219 = arith.constant 0 : index
      %get3A_220 = vector.load %arg6[%get3A_218, %get3A_219] : memref<512x512xf32, #tpu.memory_space<vmem>>, vector<128x512xf32>
      %convert_element_type3A_221 = arith.truncf %add3A_217 : vector<64x128xf32> to vector<64x128xbf16>
      %convert_element_type3A_222 = arith.truncf %get3A_220 : vector<128x512xf32> to vector<128x512xbf16>
      %dot_general3A_223 = arith.constant dense<0.000000e+00> : vector<64x512xf32>
      %dot_general3A_224 = tpu.matmul %convert_element_type3A_221, %convert_element_type3A_222, %dot_general3A_223 {dimension_numbers = #tpu.dot_dimension_numbers<[1], [0], [0], [1], [0, 0, 1, 1], [], []>, transpose_lhs_hint = false} : vector<64x128xbf16>, vector<128x512xbf16>, vector<64x512xf32> -> vector<64x512xf32>
      %add3A_225 = arith.addf %add3A_204, %dot_general3A_224 : vector<64x512xf32>
      %max3A_226 = arith.constant 0.000000e+00 : f32
      %max3A_227 = vector.broadcast %max3A_226 : f32 to vector<64x512xf32>
      %max3A_228 = arith.maximumf %add3A_225, %max3A_227 : vector<64x512xf32>
      %get3A_229 = arith.constant 0 : index
      %get3A_230 = arith.constant 0 : index
      %get3A_231 = vector.load %arg8[%get3A_229, %get3A_230] : memref<512x16xf32, #tpu.memory_space<vmem>>, vector<512x16xf32>
      %convert_element_type3A_232 = arith.truncf %max3A_228 : vector<64x512xf32> to vector<64x512xbf16>
      %convert_element_type3A_233 = arith.truncf %get3A_231 : vector<512x16xf32> to vector<512x16xbf16>
      %dot_general3A_234 = arith.constant dense<0.000000e+00> : vector<64x16xf32>
      %dot_general3A_235 = tpu.matmul %convert_element_type3A_232, %convert_element_type3A_233, %dot_general3A_234 {dimension_numbers = #tpu.dot_dimension_numbers<[1], [0], [0], [1], [0, 0, 1, 1], [], []>, transpose_lhs_hint = false} : vector<64x512xbf16>, vector<512x16xbf16>, vector<64x16xf32> -> vector<64x16xf32>
      %get3A_236 = arith.constant 0 : index
      %get3A_237 = arith.constant 0 : index
      %get3A_238 = vector.load %arg9[%get3A_236, %get3A_237] : memref<1x16xf32, #tpu.memory_space<vmem>>, vector<1x16xf32>
      %add3A_239 = vector.broadcast %get3A_238 : vector<1x16xf32> to vector<64x16xf32>
      %add3A_240 = arith.addf %dot_general3A_235, %add3A_239 : vector<64x16xf32>
      %reduce_max3A = arith.constant dense<0xFF800000> : vector<64xf32>
      %reduce_max3A_241 = vector.multi_reduction <maximumf>, %add3A_240, %reduce_max3A [1] : vector<64x16xf32> to vector<64xf32>
      %broadcast_in_dim3A_242 = vector.shape_cast %reduce_max3A_241 : vector<64xf32> to vector<64x1xf32>
      %sub3A_243 = vector.broadcast %broadcast_in_dim3A_242 : vector<64x1xf32> to vector<64x16xf32>
      %sub3A_244 = arith.subf %add3A_240, %sub3A_243 : vector<64x16xf32>
      %exp3A = math.exp %sub3A_244 : vector<64x16xf32>
      %reduce_sum3A_245 = arith.constant dense<0.000000e+00> : vector<64xf32>
      %reduce_sum3A_246 = vector.multi_reduction <add>, %exp3A, %reduce_sum3A_245 [1] : vector<64x16xf32> to vector<64xf32>
      %broadcast_in_dim3A_247 = vector.shape_cast %reduce_sum3A_246 : vector<64xf32> to vector<64x1xf32>
      %log3A = math.log %broadcast_in_dim3A_247 : vector<64x1xf32>
      %add3A_248 = arith.addf %log3A, %broadcast_in_dim3A_242 : vector<64x1xf32>
      %sub3A_249 = vector.broadcast %add3A_248 : vector<64x1xf32> to vector<64x16xf32>
      %sub3A_250 = arith.subf %add3A_240, %sub3A_249 : vector<64x16xf32>
      %swap3A_251 = arith.constant 0 : index
      %swap3A_252 = arith.constant 0 : index
      %swap3A_253 = vector.load %arg10[%swap3A_251, %swap3A_252] : memref<64x16xf32, #tpu.memory_space<vmem>>, vector<64x16xf32>
      tpu.vector_store %arg10[%swap3A_251, %swap3A_252], %sub3A_250 {strides = array<i32>} : memref<64x16xf32, #tpu.memory_space<vmem>>, vector<64x16xf32>,
    } else {
    }
    return
  }
  func.func @transform_0(%arg0: i32) -> (i32, i32, i32) {
    %c0_i32 = arith.constant 0 : i32
    %c0_i32_0 = arith.constant 0 : i32
    %c0_i32_1 = arith.constant 0 : i32
    return %c0_i32, %arg0, %c0_i32_0 : i32, i32, i32
  }
  func.func @transform_1(%arg0: i32) -> (i32, i32, i32) {
    %c0_i32 = arith.constant 0 : i32
    %c0_i32_0 = arith.constant 0 : i32
    %c0_i32_1 = arith.constant 0 : i32
    return %arg0, %c0_i32, %c0_i32_0 : i32, i32, i32
  }
  func.func @transform_2(%arg0: i32) -> (i32, i32) {
    %c0_i32 = arith.constant 0 : i32
    %c0_i32_0 = arith.constant 0 : i32
    %c0_i32_1 = arith.constant 0 : i32
    return %c0_i32, %c0_i32_0 : i32, i32
  }
  func.func @transform_3(%arg0: i32) -> (i32, i32) {
    %c0_i32 = arith.constant 0 : i32
    %c0_i32_0 = arith.constant 0 : i32
    %c0_i32_1 = arith.constant 0 : i32
    return %c0_i32, %c0_i32_0 : i32, i32
  }
  func.func @transform_4(%arg0: i32) -> (i32, i32) {
    %c0_i32 = arith.constant 0 : i32
    %c0_i32_0 = arith.constant 0 : i32
    %c0_i32_1 = arith.constant 0 : i32
    return %c0_i32, %c0_i32_0 : i32, i32
  }
  func.func @transform_5(%arg0: i32) -> (i32, i32) {
    %c0_i32 = arith.constant 0 : i32
    %c0_i32_0 = arith.constant 0 : i32
    %c0_i32_1 = arith.constant 0 : i32
    return %c0_i32, %c0_i32_0 : i32, i32
  }
  func.func @transform_6(%arg0: i32) -> (i32, i32) {
    %c0_i32 = arith.constant 0 : i32
    %c0_i32_0 = arith.constant 0 : i32
    %c0_i32_1 = arith.constant 0 : i32
    return %c0_i32, %c0_i32_0 : i32, i32
  }
  func.func @transform_7(%arg0: i32) -> (i32, i32) {
    %c0_i32 = arith.constant 0 : i32
    %c0_i32_0 = arith.constant 0 : i32
    %c0_i32_1 = arith.constant 0 : i32
    return %c0_i32, %c0_i32_0 : i32, i32
  }
  func.func @transform_8(%arg0: i32) -> (i32, i32) {
    %c0_i32 = arith.constant 0 : i32
    %c0_i32_0 = arith.constant 0 : i32
    %c0_i32_1 = arith.constant 0 : i32
    return %c0_i32, %c0_i32_0 : i32, i32
  }
  func.func @transform_9(%arg0: i32) -> (i32, i32) {
    %c0_i32 = arith.constant 0 : i32
    %c0_i32_0 = arith.constant 0 : i32
    %c0_i32_1 = arith.constant 0 : i32
    return %c0_i32, %c0_i32_0 : i32, i32
  }
}

</mosaic_0001>

<sc_bundles>
// kernel: kernel.16.cloned.1.call-start
scs
__scs_entry_jumppad:
0x0: {  	(pc) =	sbr.rel $0x88, $3  }
0x1: {  	(tag) =	ssettag $0x0;
	lr =	simm.s32 $0x1  }
0x2: {  	[smem:$0x3F8A] =	sst lr;
	_ =	strace $0xD0000000  }
0x3: {  	_ = 	snop  }
0x4: {  	_ = 	snop  }
0x5: {  	_ = 	snop  }
0x6: {  	_ = 	snop  }
0x7: {  	_ = 	snop  }
__scs_overlays_trampoline_lowered:
0x8: {  	[smem:$0x3F99] =	sst s0  }
0x9: {  	[smem:$0x3F9A] =	sst s1  }
0xa: {  	[smem:$0x3F9B] =	sst s2  }
0xb: {  	[smem:$0x3F9C] =	sst s3  }
0xc: {  	[smem:$0x3F9D] =	sst s4  }
0xd: {  	[smem:$0x3F9E] =	sst s5  }
0xe: {  	[smem:$0x3F9F] =	sst s6  }
0xf: {  	[smem:$0x3FA0] =	sst s7  }
0x10: {  	[smem:$0x3FA1] =	sst s8  }
0x11: {  	[smem:$0x3FA2] =	sst s9;
	s0 =	simm.s32 @!p0 $0x0  }
0x12: {  	s1 =	sld [smem:$0x3F88];
	s0 =	simm.s32 @p0 $0x1  }
0x13: {  	[smem:$0x3FA3] =	sst s0;
	s0 =	simm.s32 @!p1 $0x0  }
0x14: {  	s2 =	sld [smem:$0x3F87];
	s0 =	simm.s32 @p1 $0x1  }
0x15: {  	[smem:$0x3FA4] =	sst s0;
	s0 =	simm.s32 @!p2 $0x0  }
0x16: {  	s3 =	sld [smem:$0x3FDB];
	s0 =	simm.s32 @p2 $0x1  }
0x17: {  	s4 =	simm.s32 $0x1BF5;
	[smem:$0x3FA6] =	sst s0  }
0x18: {  	s0 =	sld [smem:$0x3F89];
	_ =	swait.ge [sflag:s4], $0x0  }
0x19: {  	s7 =	sld [smem:$0x3F8A]  }
0x1a: {  	s8 =	sadd.s32 $0xFFFFE003, lr  }
0x1b: {  	s9 =	sadd.s32 $0xFFFFFEF7, lr;
	s5 =	simm.s32 $0xFFFFFFFF;
	p2 =	slt.u32 s8, $0xFFFFF086  }
0x1c: {  	p1 =	slt.u32 s9, $0xF7A;
	s5 =	simm.s32 @!p2 $0x0  }
0x1d: {  	s5 =	simm.s32 @p1 $0x1;
	p0 =	seq.s32 s7, s2  }
0x1e: {  	s7 =	smul.u32 @!p0 $0xF7A, s2;
	p2 =	seq.s32 @!p0 s5, $0x0  }
0x1f: {  	s9 =	smul.u32 $0xF7A, s1;
	s8 =	simm.s32 @!p0 $0x1BF5;
	p2 =	por !p2, p0  }
0x20: {  	[sflag:s8] =	ssyncset.s32 @!p0 $0xFFFFF086;
	s6 =	sadd.s32 @!p0 s3, s7;
	s7 =	simm.s32 @!p0 $0x108  }
0x21: {  	s3 =	sadd.s32 s3, s9;
	s6 =	sadd.s32 @!p0 $0x88, s6;
	s7 =	simm.s32 @p2 $0x1082  }
0x22: {  	[simem:s7], [sflag:s8] =	dma.local @!p0 [hbm:s6], $0xF7A  }
0x23: {  	s9 =	sor.u32 $0xD0000000, s2;
	s6 =	simm.s32 $0x108;
	_ =	swait.ge @!p0 [sflag:s8], $0x0  }
0x24: {  	s3 =	sadd.s32 $0x88, s3;
	s6 =	simm.s32 @!p1 $0x1082;
	[sflag:s4] =	ssyncset.s32 $0xFFFFF086  }
0x25: {  	[simem:s6], [sflag:s4] =	dma.local [hbm:s3], $0xF7A  }
0x26: {  	[smem:$0x3F8A] =	sst s1;
	(tag) =	ssettag s2;
	_ =	strace s9  }
0x27: {  	s1 =	sld [smem:$0x3F9A]  }
0x28: {  	s2 =	sld [smem:$0x3F9B]  }
0x29: {  	s4 =	sld [smem:$0x3F9D]  }
0x2a: {  	p0 =	seq.s32 s5, $0x0;
	s5 =	sld [smem:$0x3F9E]  }
0x2b: {  	s6 =	sld [smem:$0x3F9F]  }
0x2c: {  	s7 =	sld [smem:$0x3FA0]  }
0x2d: {  	s3 =	simm.s32 $0x108;
	s8 =	sld [smem:$0x3FA1]  }
0x2e: {  	s3 =	simm.s32 @!p0 $0x1082;
	s9 =	sld [smem:$0x3FA2]  }
0x2f: {  	lr =	sadd.s32 s0, s3;
	s0 =	sld [smem:$0x3F99]  }
0x30: {  	s3 =	sld [smem:$0x3F9C]  }
0x31: {  	[smem:$0x3FA5] =	sst s10  }
0x32: {  	s10 =	sld [smem:$0x3FA3];
	_ =	sdelay $0x3  }
0x33: {  	p0 =	seq.s32 s10, $0x1;
	s10 =	sld [smem:$0x3FA5];
	_ =	sdelay $0x3  }
0x34: {  	[smem:$0x3FA5] =	sst s10  }
0x35: {  	s10 =	sld [smem:$0x3FA4];
	_ =	sdelay $0x3  }
0x36: {  	p1 =	seq.s32 s10, $0x1;
	s10 =	sld [smem:$0x3FA5];
	_ =	sdelay $0x3  }
0x37: {  	[smem:$0x3FA5] =	sst s10  }
0x38: {  	s10 =	sld [smem:$0x3FA6]  }
0x39: {  	_ = 	snop;
	(pc) =	sbr.ind lr, $3  }
0x3a: {  	_ = 	snop  }
0x3b: {  	_ = 	snop  }
0x3c: {  	p2 =	seq.s32 s10, $0x1;
	s10 =	sld [smem:$0x3FA5]  }
0x3d: {  	_ =	shalt  }
0x3e: {  	_ =	shalt  }
0x3f: {  	_ =	shalt  }
0x40: {  	_ =	shalt  }
0x41: {  	_ =	shalt  }
0x42: {  	_ =	shalt  }
0x43: {  	_ =	shalt  }
0x44: {  	_ =	shalt  }
0x45: {  	_ =	shalt  }
0x46: {  	_ =	shalt  }
0x47: {  	_ =	shalt  }
0x48: {  	_ =	shalt  }
0x49: {  	_ =	shalt  }
0x4a: {  	_ =	shalt  }
0x4b: {  	_ =	shalt  }
0x4c: {  	_ =	shalt  }
0x4d: {  	_ =	shalt  }
0x4e: {  	_ =	shalt  }
0x4f: {  	_ =	shalt  }
0x50: {  	_ =	shalt  }
0x51: {  	_ =	shalt  }
0x52: {  	_ =	shalt  }
0x53: {  	_ =	shalt  }
0x54: {  	_ =	shalt  }
0x55: {  	_ =	shalt  }
0x56: {  	_ =	shalt  }
0x57: {  	_ =	shalt  }
0x58: {  	_ =	shalt  }
0x59: {  	_ =	shalt  }
0x5a: {  	_ =	shalt  }
0x5b: {  	_ =	shalt  }
0x5c: {  	_ =	shalt  }
0x5d: {  	_ =	shalt  }
0x5e: {  	_ =	shalt  }
0x5f: {  	_ =	shalt  }
0x60: {  	_ =	shalt  }
0x61: {  	_ =	shalt  }
0x62: {  	_ =	shalt  }
0x63: {  	_ =	shalt  }
0x64: {  	_ =	shalt  }
0x65: {  	_ =	shalt  }
0x66: {  	_ =	shalt  }
0x67: {  	_ =	shalt  }
0x68: {  	_ =	shalt  }
0x69: {  	_ =	shalt  }
0x6a: {  	_ =	shalt  }
0x6b: {  	_ =	shalt  }
0x6c: {  	_ =	shalt  }
0x6d: {  	_ =	shalt  }
0x6e: {  	_ =	shalt  }
0x6f: {  	_ =	shalt  }
0x70: {  	_ =	shalt  }
0x71: {  	_ =	shalt  }
0x72: {  	_ =	shalt  }
0x73: {  	_ =	shalt  }
0x74: {  	_ =	shalt  }
0x75: {  	_ =	shalt  }
0x76: {  	_ =	shalt  }
0x77: {  	_ =	shalt  }
0x78: {  	_ =	shalt  }
0x79: {  	_ =	shalt  }
0x7a: {  	_ =	shalt  }
0x7b: {  	_ =	shalt  }
0x7c: {  	_ =	shalt  }
0x7d: {  	_ =	shalt  }
0x7e: {  	_ =	shalt  }
0x7f: {  	_ =	shalt  }
0x80: {  	_ =	shalt  }
0x81: {  	_ =	shalt  }
0x82: {  	_ =	shalt  }
0x83: {  	_ =	shalt  }
0x84: {  	_ =	shalt  }
0x85: {  	_ =	shalt  }
0x86: {  	_ =	shalt  }
0x87: {  	_ =	shalt  }
.Lfunc_end0:
.L_simem_size_0:
called_computation_lowered:
.L_overlay_start_0:
0x88: {  	s2 =	sld [smem:$0x3FD9]  }
0x89: {  	s3 =	sld [smem:$0x3FFE];
	_ =	sdelay $0x1  }
0x8a: {  	s1 =	srdreg.scid  }
0x8b: {  	s0 =	sand.u32 $0x1, s1  }
0x8c: {  	s17 =	sshll.u32 s0, $0xA;
	s2 =	sadd.s32 s3, s2  }
0x8d: {  	s2 =	sadd.s32 s2, s17  }
0x8e: {  	[smem:$0x3FB1] =	sst s2  }
0x8f: {  	_ = 	snop  }
0x90: {  	(tm) =	ssettm $0x1  }
0x91: {  	s18 =	sld [smem:$0x3FFB];
	_ =	sdelay $0x3  }
0x92: {  	_ =	strace s18  }
0x93: {  	s2 =	sld [smem:$0x3FFC];
	_ =	sdelay $0x3  }
0x94: {  	_ =	strace s2  }
0x95: {  	s2 =	sld [smem:$0x3FFD];
	_ =	sdelay $0x3  }
0x96: {  	_ =	strace s2  }
0x97: {  	_ =	strace $0x8FFFFFFF  }
0x98: {  	s19 =	sld [smem:$0x3FDB];
	_ =	sdelay $0x1  }
0x99: {  	s20 =	simm.s32 $_scs_section_size  }
0x9a: {  	s4 =	simm.s32 $_size__tile_overlayer_lowered;
	s5 =	simm.s32 $_tile_overlayer_lowered  }
0x9b: {  	s6 =	simm.s32 $0x1BFF;
	s21 =	sshll.u32 s5, $0x1;
	s3 =	sadd.s32 s20, s19  }
0x9c: {  	s22 =	simm.s32 $0x0;
	s4 =	sshll.u32 s4, $0x1;
	s5 =	sadd.s32 s21, s3  }
0x9d: {  	[timem:s22], [sflag:s6] =	dma.local [hbm:s5], s4  }
0x9e: {  	_ =	swait.ge [sflag:s6], s4  }
0x9f: {  	s4 =	ssub.s32 $0x0, s4;
	[sflag:s6] =	ssyncset.done $0x0  }
0xa0: {  	[sflag:s6] =	ssyncadd.s32 s4;
	_ =	sdelay $0x1  }
0xa1: {  	s23 =	simm.s32 $0x1B8B  }
0xa2: {  	_ =	swait.ge [sflag:s23], $0x1  }
0xa3: {  	[sflag:s23] =	ssyncset.done $0x0  }
0xa4: {  	[sflag:s23] =	ssyncadd.s32 $0xFFFFFFFF  }
0xa5: {  	s4 =	sld [smem:$0x0]  }
0xa6: {  	s5 =	sand.u32 $0xFFFFFFFE, s1  }
0xa7: {  	p0 =	sne.s32 s1, s5  }
0xa8: {  	s5 =	sshll.u32 @p0 s5, $0xE  }
0xa9: {  	s5 =	sadd.s32 @p0 $0x11B8D, s5;
	s6 =	sshll.u32 @p0 s4, $0x11  }
0xaa: {  	s5 =	sor.u32 @p0 s6, s5  }
0xab: {  	[sflag:s5] =	ssyncadd.remote.s32 @p0 $0x1;
	_ =	sdelay $0x1  }
0xac: {  	s5 =	simm.s32 @p0 $0x1B8D  }
0xad: {  	_ =	swait.eq @p0 [sflag:s5], $0x1  }
0xae: {  	[sflag:s5] =	ssyncadd.s32 @p0 $0xFFFFFFFF  }
0xaf: {  	s6 =	sshll.u32 @!p0 s1, $0xE  }
0xb0: {  	s6 =	sor.u32 @!p0 $0x4000, s6;
	s5 =	simm.s32 @!p0 $0x1B8D  }
0xb1: {  	s4 =	sshll.u32 @!p0 s4, $0x11;
	s6 =	sadd.s32 @!p0 $0x11B8D, s6;
	_ =	swait.eq @!p0 [sflag:s5], $0x1  }
0xb2: {  	s4 =	sor.u32 @!p0 s4, s6;
	[sflag:s5] =	ssyncadd.s32 @!p0 $0xFFFFFFFF  }
0xb3: {  	s25 =	simm.s32 $0x1B8E;
	s24 =	sld [smem:$0x3FFE];
	[sflag:s4] =	ssyncadd.remote.s32 @!p0 $0x1  }
0xb4: {  	s26 =	simm.s32 $execute0_lowered;
	[smem:$0x3FD2] =	sst s25  }
0xb5: {  	s5 =	sshll.u32 s26, $0x1;
	_ =	strace $0x80000049;
	[dreg:$0x1] =	wrdreg $0xFFFFFFFF  }
0xb6: {  	s28 =	simm.s32 $_size_execute0_lowered;
	s3 =	sadd.s32 s3, s5;
	[dreg:$0x0] =	wrdreg $0x0  }
0xb7: {  	s5 =	sshll.u32 s28, $0x1;
	[dreg:$0x2] =	wrdreg s3  }
0xb8: {  	[dreg:$0x3] =	wrdreg s5  }
0xb9: {  	[dreg:$0x4] =	wrdreg $0xC0  }
0xba: {  	_ =	task [dreg:s22], $0x5FFFF  }
0xbb: {  	[dreg:$0x1] =	wrdreg $0xFFFFFFFF  }
0xbc: {  	[dreg:$0x0] =	wrdreg $0x60  }
0xbd: {  	[dreg:$0x2] =	wrdreg s24  }
0xbe: {  	[dreg:$0x3] =	wrdreg $0x68000  }
0xbf: {  	[dreg:$0x4] =	wrdreg $0x9  }
0xc0: {  	_ =	task.clear_ibuf [dreg:s22], $0x5FFFF;
	_ =	strace $0x90000049  }
0xc1: {  	s29 =	simm.s32 $0x9;
	_ =	strace $0x8000004B  }
0xc2: {  	_ =	swait.ge [sflag:s29], $0x1  }
0xc3: {  	[sflag:s29] =	ssyncadd.s32 $0xFFFFFFFF  }
0xc4: {  	_ =	strace $0x9000004B  }
0xc5: {  	_ =	sfence  }
0xc6: {  	s30 =	sld [smem:$0x0];
	_ =	sdelay $0x2  }
0xc7: {  	s31 =	sshll.u32 s1, $0xD;
	s1 =	sshrl.u32 s1, $0x2  }
0xc8: {  	s4 =	sand.u32 $0x4000, s31;
	s1 =	sadd.s32 s1, s30  }
0xc9: {  	s0 =	sor.u32 s4, s0;
	s1 =	sshll.u32 s1, $0x11  }
0xca: {  	s0 =	sor.u32 s1, s0  }
0xcb: {  	s0 =	sadd.s32 $0x8F2B, s0  }
0xcc: {  	[sflag:s0] =	ssyncadd.remote.s32 $0x1  }
0xcd: {  	_ =	sfence.sel $0xFFFF  }
0xce: {  	[dreg:$0x0] =	wrdreg $0xFFFFFFFF;
	(pc) =	sbr.abs _section_cstart, $3  }
0xcf: {  	[dreg:$0x1] =	wrdreg $0xFFFFFFFF  }
0xd0: {  	_ =	task.clear_ibuf [dreg:s22], $0x2FFFF;
	_ =	strace $0x9FFFFFFF  }
0xd1: {  	(tm) =	ssettm $0x7FFFFFFF  }
tec
execute0_lowered:
.L_overlay_start_1:
0x0: {  	(tag) =	ssettag $0x1  }
0x1: {  	s4 =	rddreg [dreg:$0x0]  }
0x2: {  	s0 =	srdreg.scid;
	s2 =	rddreg [dreg:$0x1];
	s3 =	simm.s32 $0x0  }
0x3: {  	s16 =	simm.s32 $0x3;
	s7 =	sand.u32 $0x1, s0;
	s0 =	stileid.u32  }
0x4: {  	s17 =	simm.s32 $0x2800;
	s18 =	simm.s32 $0x7D;
	s5 =	smul.u32 $0x500, s0  }
0x5: {  	s19 =	simm.s32 $0x1;
	s20 =	simm.s32 $0x2;
	s8 =	smul.u32 $0x4E200, s0  }
0x6: {  	s21 =	simm.s32 $0x0;
	[smem:$0x7FF] =	sst s3;
	s31 =	smul.u32 $0x5000, s7  }
0x7: {  	s1 =	sshll.u32 s7, $0x4;
	s9 =	ssub.s32 $0x2, s7;
	s15 =	smul.u32 $0x28, s7  }
0x8: {  	s6 =	sor.u32 s0, s1;
	s1 =	rddreg [dreg:$0x2];
	_ =	strace $0x8000004A  }
0x9: {  	s29 =	sshrl.u32 s9, $0x1;
	s6 =	smul.u32 $0x2780, s6;
	s5 =	sadd.s32 s5, s4  }
0xa: {  	s30 =	sshrl.u32 s8, $0x2;
	s14 =	ssub.s32 s9, s29;
	s9 =	sshrl.u32 s31, $0x2  }
0xb: {  	s12 =	sadd.s32 $0x28, s15;
	s15 =	sor.u32 $0x3, s15;
	s5 =	sadd.s32 $0x6A00, s5  }
0xc: {  	s11 =	sor.u32 $0x80, s9;
	s13 =	sadd.s32 s6, s4;
	s4 =	sadd.s32 s30, s2  }
0xd: {  	s14 =	smax.u32 s14, $0x1;
	s6 =	sadd.s32 $0x3E80, s4;
	s7 =	sadd.s32 $0x7D00, s4  }
0xe: {  	v0 =	vimm.f32 $0.0e+00;
	v1 =	vimm.f32 $1.000000000e+00;
	s8 =	sadd.s32 $0xBB80, s4;
	s10 =	sadd.s32 $0xFA00, s4;
	s13 =	sadd.s32 $0x101C00, s13  }
.LBB2_1:
0xf: {  	[tilespmem:s3], [sflag:$0x3] =	stream.linear.gather [hbm4b:s5+s3], $0x2800, $0x38;
	[tilespmem:$0x1A080] =	vst v63  }
0x10: {  	_ =	swait.ge [sflag:s16], $0x2800  }
0x11: {  	[sflag:s16] =	ssyncset.done $0x0  }
0x12: {  	s22 =	simm.s32 $0x0;
	s23 =	simm.s32 $0x200;
	[sflag:s16] =	ssyncadd.s32 $0xFFFFD800  }
.LBB2_2:
0x13: {  	p0 =	sne.s32 s23, $0xF800;
	[tilespmem:s22+$0x2870] =	vst v0  }
0x14: {  	[tilespmem:s22+$0x2800] =	vst v0  }
0x15: {  	[tilespmem:s22+$0x2810] =	vst v0  }
.Ltmp0:
0x16: {  	[tilespmem:s22+$0x2820] =	vst v0;
	(pc) =	sbr.rel @p0 .LBB2_2-.Ltmp0, $4  }
0x17: {  	[tilespmem:s22+$0x2830] =	vst v0  }
0x18: {  	[tilespmem:s22+$0x2840] =	vst v0  }
0x19: {  	[tilespmem:s22+$0x2850] =	vst v0  }
0x1a: {  	[tilespmem:s22+$0x2860] =	vst v0;
	s22 =	sshra.s32 s23, $0x2;
	s23 =	sadd.s32 $0x200, s23  }
0x1b: {  	[tilespmem:s22+$0x2870] =	vst v0  }
0x1c: {  	[tilespmem:s22+$0x2800] =	vst v0  }
0x1d: {  	[tilespmem:s22+$0x2810] =	vst v0  }
0x1e: {  	[tilespmem:s22+$0x2820] =	vst v0  }
0x1f: {  	[tilespmem:s22+$0x2830] =	vst v0  }
0x20: {  	[tilespmem:s22+$0x2840] =	vst v0  }
0x21: {  	[tilespmem:s22+$0x2850] =	vst v0  }
0x22: {  	[tilespmem:s22+$0x2860] =	vst v0  }
0x23: {  	[spmem:s4] =	stream.linear.scatter [tilespmem:s17], [sflag:$0x3], $0x3E80, $0x38;
	[tilespmem:$0x1A080] =	vst v63  }
0x24: {  	_ =	swait.ge [sflag:s16], $0x3E80  }
0x25: {  	[sflag:s16] =	ssyncset.done $0x0  }
0x26: {  	[sflag:s16] =	ssyncadd.s32 $0xFFFFC180  }
0x27: {  	[spmem:s6] =	stream.linear.scatter [tilespmem:s17], [sflag:$0x3], $0x3E80, $0x38;
	[tilespmem:$0x1A080] =	vst v63  }
0x28: {  	_ =	swait.ge [sflag:s16], $0x3E80  }
0x29: {  	[sflag:s16] =	ssyncset.done $0x0  }
0x2a: {  	[sflag:s16] =	ssyncadd.s32 $0xFFFFC180  }
0x2b: {  	[spmem:s7] =	stream.linear.scatter [tilespmem:s17], [sflag:$0x3], $0x3E80, $0x38;
	[tilespmem:$0x1A080] =	vst v63  }
0x2c: {  	_ =	swait.ge [sflag:s16], $0x3E80  }
0x2d: {  	[sflag:s16] =	ssyncset.done $0x0  }
0x2e: {  	[sflag:s16] =	ssyncadd.s32 $0xFFFFC180  }
0x2f: {  	[spmem:s8] =	stream.linear.scatter [tilespmem:s17], [sflag:$0x3], $0x3E80, $0x38;
	[tilespmem:$0x1A080] =	vst v63  }
0x30: {  	_ =	swait.ge [sflag:s16], $0x3E80  }
0x31: {  	[sflag:s16] =	ssyncset.done $0x0  }
0x32: {  	[sflag:s16] =	ssyncadd.s32 $0xFFFFC180  }
0x33: {  	[spmem:s10] =	stream.linear.scatter [tilespmem:s17], [sflag:$0x3], $0x3E80, $0x38;
	[tilespmem:$0x1A080] =	vst v63  }
0x34: {  	_ =	swait.ge [sflag:s16], $0x3E80  }
0x35: {  	[sflag:s16] =	ssyncset.done $0x0  }
0x36: {  	s22 =	simm.s32 $0x0;
	s23 =	simm.s32 $0x200;
	[sflag:s16] =	ssyncadd.s32 $0xFFFFC180  }
.LBB2_4:
0x37: {  	p0 =	sne.s32 s23, $0xF800;
	[tilespmem:s22+$0x2870] =	vst v1  }
0x38: {  	[tilespmem:s22+$0x2800] =	vst v1  }
0x39: {  	[tilespmem:s22+$0x2810] =	vst v1  }
.Ltmp1:
0x3a: {  	[tilespmem:s22+$0x2820] =	vst v1;
	(pc) =	sbr.rel @p0 .LBB2_4-.Ltmp1, $4  }
0x3b: {  	[tilespmem:s22+$0x2830] =	vst v1  }
0x3c: {  	[tilespmem:s22+$0x2840] =	vst v1  }
0x3d: {  	[tilespmem:s22+$0x2850] =	vst v1  }
0x3e: {  	[tilespmem:s22+$0x2860] =	vst v1;
	s22 =	sshra.s32 s23, $0x2;
	s23 =	sadd.s32 $0x200, s23  }
0x3f: {  	[tilespmem:s22+$0x2870] =	vst v1  }
0x40: {  	[tilespmem:s22+$0x2800] =	vst v1  }
0x41: {  	[tilespmem:s22+$0x2810] =	vst v1  }
0x42: {  	[tilespmem:s22+$0x2820] =	vst v1  }
0x43: {  	[tilespmem:s22+$0x2830] =	vst v1  }
0x44: {  	[tilespmem:s22+$0x2840] =	vst v1  }
0x45: {  	[tilespmem:s22+$0x2850] =	vst v1  }
0x46: {  	[tilespmem:s22+$0x2860] =	vst v1  }
0x47: {  	[bflag:$0x0] =	sbarrier.arrive $0xFFFF  }
0x48: {  	[spmem:s2] =	stream.indirect.scatter.add.f32 [tilespmem:s17], [sflag:$0x1], $0x80, s9, s18, $0xb8;
	[tilespmem:$0x1A080] =	vst v63  }
0x49: {  	s23 =	sadd.s32 $0xFFFFFFFF, s15  }
0x4a: {  	[spmem:s2] =	stream.indirect.scatter.add.f32 [tilespmem:s17], [sflag:$0x2], $0x80, s11, s18, $0xb8;
	[tilespmem:$0x1A080] =	vst v63  }
0x4b: {  	s22 =	simm.s32 $0xFFFFB800;
	p0 =	sge.u32 s23, s12;
	_ =	swait.ge [sflag:s19], $0x3E80  }
0x4c: {  	s23 =	simm.s32 @!p0 $0x2800;
	s24 =	sadd.s32 @!p0 $0xFFFFED00, s9;
	[sflag:s19] =	ssyncset.done $0x0  }
0x4d: {  	s25 =	simm.s32 @!p0 $0x7D;
	s24 =	sadd.s32 @!p0 $0x1400, s24;
	[sflag:s19] =	ssyncadd.s32 $0xFFFFC180  }
0x4e: {  	[spmem:s2] =	stream.indirect.scatter.add.f32 @!p0 [tilespmem:s23], [sflag:$0x1], $0x80, s24, s25, $0xb8;
	[tilespmem:$0x1A080] =	vst v63  }
0x4f: {  	p0 =	sge.u32 s15, s12;
	s23 =	sadd.s32 $0x2, s15;
	_ =	swait.ge [sflag:s20], $0x3E80  }
0x50: {  	s25 =	sadd.s32 @!p0 $0xFFFFED00, s9;
	s24 =	simm.s32 @!p0 $0x2800;
	[sflag:s20] =	ssyncset.done $0x0  }
0x51: {  	s26 =	simm.s32 @!p0 $0x7D;
	s25 =	sadd.s32 @!p0 $0x1480, s25;
	[sflag:s20] =	ssyncadd.s32 $0xFFFFC180  }
.LBB2_6:
0x52: {  	[spmem:s2] =	stream.indirect.scatter.add.f32 @!p0 [tilespmem:s24], [sflag:$0x2], $0x80, s25, s26, $0xb8;
	[tilespmem:$0x1A080] =	vst v63  }
0x53: {  	s24 =	sadd.s32 $0xFFFFFFFF, s23;
	s25 =	smov.u32 s22;
	s22 =	sadd.s32 $0x400, s22  }
0x54: {  	p0 =	sge.u32 s23, s12;
	p2 =	sge.u32 s24, s12;
	p1 =	sne.s32 s22, $0x0  }
0x55: {  	s24 =	sshra.s32 @!p2 s25, $0x2;
	s26 =	simm.s32 @!p2 $0x2800;
	_ =	swait.ge [sflag:s19], $0x3E80  }
0x56: {  	s28 =	simm.s32 @!p2 $0x7D;
	s24 =	sadd.s32 @!p2 s24, s9;
	[sflag:s19] =	ssyncset.done $0x0  }
.Ltmp2:
0x57: {  	s24 =	sadd.s32 @!p2 $0x1400, s24;
	[sflag:s19] =	ssyncadd.s32 $0xFFFFC180;
	(pc) =	sbr.rel @p1 .LBB2_6-.Ltmp2, $4  }
0x58: {  	[spmem:s2] =	stream.indirect.scatter.add.f32 @!p2 [tilespmem:s26], [sflag:$0x1], $0x80, s24, s28, $0xb8;
	[tilespmem:$0x1A080] =	vst v63  }
0x59: {  	s23 =	sadd.s32 $0x2, s23;
	s24 =	sshra.s32 @!p0 s25, $0x2;
	_ =	swait.ge [sflag:s20], $0x3E80  }
0x5a: {  	s25 =	sadd.s32 @!p0 s24, s9;
	s24 =	simm.s32 @!p0 $0x2800;
	[sflag:s20] =	ssyncset.done $0x0  }
0x5b: {  	s26 =	simm.s32 @!p0 $0x7D;
	s25 =	sadd.s32 @!p0 $0x1480, s25;
	[sflag:s20] =	ssyncadd.s32 $0xFFFFC180  }
0x5c: {  	[spmem:s2] =	stream.indirect.scatter.add.f32 @!p0 [tilespmem:s24], [sflag:$0x2], $0x80, s25, s26, $0xb8;
	[tilespmem:$0x1A080] =	vst v63  }
0x5d: {  	_ =	swait.ge [sflag:s19], $0x3E80  }
0x5e: {  	[sflag:s19] =	ssyncset.done $0x0  }
0x5f: {  	[sflag:s19] =	ssyncadd.s32 $0xFFFFC180  }
0x60: {  	_ =	swait.ge [sflag:s20], $0x3E80  }
0x61: {  	s22 =	sshll.u32 s0, $0x6;
	s21 =	sadd.s32 $0x1, s21;
	[sflag:s20] =	ssyncset.done $0x0  }
0x62: {  	s23 =	sshrl.u32 s4, $0x3;
	p0 =	sne.s32 s21, s14;
	[sflag:s20] =	ssyncadd.s32 $0xFFFFC180  }
.Ltmp3:
0x63: {  	s22 =	sor.u32 $0x1C03, s22;
	[bflag:$0x0] =	sbarrier.arrive $0xFFFF;
	(pc) =	sbr.rel @p0 .LBB2_1-.Ltmp3, $4  }
0x64: {  	[hbm:s13], [sflag:s22] =	dma.local [spmem:s23], $0x2710  }
0x65: {  	_ =	swait.ge [sflag:s16], $0x2710  }
0x66: {  	[sflag:s16] =	ssyncset.done $0x0  }
0x67: {  	[sflag:s16] =	ssyncadd.s32 $0xFFFFD8F0  }
0x68: {  	_ =	sfence.sel $0x180000  }
0x69: {  	[bflag:$0x0] =	sbarrier.arrive $0xFFFF  }
0x6a: {  	p0 =	sne.s32 s0, $0x0;
	_ =	strace $0x9000004A  }
0x6b: {  	s0 =	sadd.s32 @!p0 $0x100000, s1;
	[bflag:$0x2] =	sbarrier.arrive $0xFFFF  }
0x6c: {  	[sflag:s0] =	ssyncadd.tile.s32 @!p0 $0x1;
	_ =	shalt  }
.Lfunc_end2:
_tile_overlayer_lowered:
.L_overlay_start_2:
0x6d: {  	(tag) =	ssettag $0x2  }
0x6e: {  	s0 =	rddreg [dreg:$0x0];
	s2 =	stileid.u32  }
0x6f: {  	s1 =	rddreg [dreg:$0x1];
	p0 =	sne.s32 s2, $0x0  }
0x70: {  	s3 =	rddreg [dreg:$0x2];
	[bflag:$0x3] =	sbarrier.arrive $0xFFFF;
	s2 =	simm.s32 @!p0 $0x1C03  }
0x71: {  	[timem:s3], [sflag:s2] =	dma.local @!p0 [hbm:s0], s1  }
0x72: {  	s0 =	simm.s32 @!p0 $0x3  }
0x73: {  	_ =	swait.ge @!p0 [sflag:s0], s1  }
0x74: {  	s1 =	ssub.s32 @!p0 $0x0, s1;
	[sflag:s0] =	ssyncset.done @!p0 $0x0  }
0x75: {  	[sflag:s0] =	ssyncadd.s32 @!p0 s1  }
0x76: {  	[bflag:$0x3] =	sbarrier.arrive $0xFFFF  }
0x77: {  	_ =	shalt  }

// kernel: kernel.19.cloned.1.call-start
scs
__scs_entry_jumppad:
0x0: {  	(pc) =	sbr.rel $0x88, $3  }
0x1: {  	(tag) =	ssettag $0x0;
	lr =	simm.s32 $0x1  }
0x2: {  	[smem:$0x3F8A] =	sst lr;
	_ =	strace $0xD0000000  }
0x3: {  	_ = 	snop  }
0x4: {  	_ = 	snop  }
0x5: {  	_ = 	snop  }
0x6: {  	_ = 	snop  }
0x7: {  	_ = 	snop  }
__scs_overlays_trampoline_lowered:
0x8: {  	[smem:$0x3F99] =	sst s0  }
0x9: {  	[smem:$0x3F9A] =	sst s1  }
0xa: {  	[smem:$0x3F9B] =	sst s2  }
0xb: {  	[smem:$0x3F9C] =	sst s3  }
0xc: {  	[smem:$0x3F9D] =	sst s4  }
0xd: {  	[smem:$0x3F9E] =	sst s5  }
0xe: {  	[smem:$0x3F9F] =	sst s6  }
0xf: {  	[smem:$0x3FA0] =	sst s7  }
0x10: {  	[smem:$0x3FA1] =	sst s8  }
0x11: {  	[smem:$0x3FA2] =	sst s9;
	s0 =	simm.s32 @!p0 $0x0  }
0x12: {  	s1 =	sld [smem:$0x3F88];
	s0 =	simm.s32 @p0 $0x1  }
0x13: {  	[smem:$0x3FA3] =	sst s0;
	s0 =	simm.s32 @!p1 $0x0  }
0x14: {  	s2 =	sld [smem:$0x3F87];
	s0 =	simm.s32 @p1 $0x1  }
0x15: {  	[smem:$0x3FA4] =	sst s0;
	s0 =	simm.s32 @!p2 $0x0  }
0x16: {  	s3 =	sld [smem:$0x3FDB];
	s0 =	simm.s32 @p2 $0x1  }
0x17: {  	s4 =	simm.s32 $0x1BF5;
	[smem:$0x3FA6] =	sst s0  }
0x18: {  	s0 =	sld [smem:$0x3F89];
	_ =	swait.ge [sflag:s4], $0x0  }
0x19: {  	s7 =	sld [smem:$0x3F8A]  }
0x1a: {  	s8 =	sadd.s32 $0xFFFFE003, lr  }
0x1b: {  	s9 =	sadd.s32 $0xFFFFFEF7, lr;
	s5 =	simm.s32 $0xFFFFFFFF;
	p2 =	slt.u32 s8, $0xFFFFF086  }
0x1c: {  	p1 =	slt.u32 s9, $0xF7A;
	s5 =	simm.s32 @!p2 $0x0  }
0x1d: {  	s5 =	simm.s32 @p1 $0x1;
	p0 =	seq.s32 s7, s2  }
0x1e: {  	s7 =	smul.u32 @!p0 $0xF7A, s2;
	p2 =	seq.s32 @!p0 s5, $0x0  }
0x1f: {  	s9 =	smul.u32 $0xF7A, s1;
	s8 =	simm.s32 @!p0 $0x1BF5;
	p2 =	por !p2, p0  }
0x20: {  	[sflag:s8] =	ssyncset.s32 @!p0 $0xFFFFF086;
	s6 =	sadd.s32 @!p0 s3, s7;
	s7 =	simm.s32 @!p0 $0x108  }
0x21: {  	s3 =	sadd.s32 s3, s9;
	s6 =	sadd.s32 @!p0 $0x88, s6;
	s7 =	simm.s32 @p2 $0x1082  }
0x22: {  	[simem:s7], [sflag:s8] =	dma.local @!p0 [hbm:s6], $0xF7A  }
0x23: {  	s9 =	sor.u32 $0xD0000000, s2;
	s6 =	simm.s32 $0x108;
	_ =	swait.ge @!p0 [sflag:s8], $0x0  }
0x24: {  	s3 =	sadd.s32 $0x88, s3;
	s6 =	simm.s32 @!p1 $0x1082;
	[sflag:s4] =	ssyncset.s32 $0xFFFFF086  }
0x25: {  	[simem:s6], [sflag:s4] =	dma.local [hbm:s3], $0xF7A  }
0x26: {  	[smem:$0x3F8A] =	sst s1;
	(tag) =	ssettag s2;
	_ =	strace s9  }
0x27: {  	s1 =	sld [smem:$0x3F9A]  }
0x28: {  	s2 =	sld [smem:$0x3F9B]  }
0x29: {  	s4 =	sld [smem:$0x3F9D]  }
0x2a: {  	p0 =	seq.s32 s5, $0x0;
	s5 =	sld [smem:$0x3F9E]  }
0x2b: {  	s6 =	sld [smem:$0x3F9F]  }
0x2c: {  	s7 =	sld [smem:$0x3FA0]  }
0x2d: {  	s3 =	simm.s32 $0x108;
	s8 =	sld [smem:$0x3FA1]  }
0x2e: {  	s3 =	simm.s32 @!p0 $0x1082;
	s9 =	sld [smem:$0x3FA2]  }
0x2f: {  	lr =	sadd.s32 s0, s3;
	s0 =	sld [smem:$0x3F99]  }
0x30: {  	s3 =	sld [smem:$0x3F9C]  }
0x31: {  	[smem:$0x3FA5] =	sst s10  }
0x32: {  	s10 =	sld [smem:$0x3FA3];
	_ =	sdelay $0x3  }
0x33: {  	p0 =	seq.s32 s10, $0x1;
	s10 =	sld [smem:$0x3FA5];
	_ =	sdelay $0x3  }
0x34: {  	[smem:$0x3FA5] =	sst s10  }
0x35: {  	s10 =	sld [smem:$0x3FA4];
	_ =	sdelay $0x3  }
0x36: {  	p1 =	seq.s32 s10, $0x1;
	s10 =	sld [smem:$0x3FA5];
	_ =	sdelay $0x3  }
0x37: {  	[smem:$0x3FA5] =	sst s10  }
0x38: {  	s10 =	sld [smem:$0x3FA6]  }
0x39: {  	_ = 	snop;
	(pc) =	sbr.ind lr, $3  }
0x3a: {  	_ = 	snop  }
0x3b: {  	_ = 	snop  }
0x3c: {  	p2 =	seq.s32 s10, $0x1;
	s10 =	sld [smem:$0x3FA5]  }
0x3d: {  	_ =	shalt  }
0x3e: {  	_ =	shalt  }
0x3f: {  	_ =	shalt  }
0x40: {  	_ =	shalt  }
0x41: {  	_ =	shalt  }
0x42: {  	_ =	shalt  }
0x43: {  	_ =	shalt  }
0x44: {  	_ =	shalt  }
0x45: {  	_ =	shalt  }
0x46: {  	_ =	shalt  }
0x47: {  	_ =	shalt  }
0x48: {  	_ =	shalt  }
0x49: {  	_ =	shalt  }
0x4a: {  	_ =	shalt  }
0x4b: {  	_ =	shalt  }
0x4c: {  	_ =	shalt  }
0x4d: {  	_ =	shalt  }
0x4e: {  	_ =	shalt  }
0x4f: {  	_ =	shalt  }
0x50: {  	_ =	shalt  }
0x51: {  	_ =	shalt  }
0x52: {  	_ =	shalt  }
0x53: {  	_ =	shalt  }
0x54: {  	_ =	shalt  }
0x55: {  	_ =	shalt  }
0x56: {  	_ =	shalt  }
0x57: {  	_ =	shalt  }
0x58: {  	_ =	shalt  }
0x59: {  	_ =	shalt  }
0x5a: {  	_ =	shalt  }
0x5b: {  	_ =	shalt  }
0x5c: {  	_ =	shalt  }
0x5d: {  	_ =	shalt  }
0x5e: {  	_ =	shalt  }
0x5f: {  	_ =	shalt  }
0x60: {  	_ =	shalt  }
0x61: {  	_ =	shalt  }
0x62: {  	_ =	shalt  }
0x63: {  	_ =	shalt  }
0x64: {  	_ =	shalt  }
0x65: {  	_ =	shalt  }
0x66: {  	_ =	shalt  }
0x67: {  	_ =	shalt  }
0x68: {  	_ =	shalt  }
0x69: {  	_ =	shalt  }
0x6a: {  	_ =	shalt  }
0x6b: {  	_ =	shalt  }
0x6c: {  	_ =	shalt  }
0x6d: {  	_ =	shalt  }
0x6e: {  	_ =	shalt  }
0x6f: {  	_ =	shalt  }
0x70: {  	_ =	shalt  }
0x71: {  	_ =	shalt  }
0x72: {  	_ =	shalt  }
0x73: {  	_ =	shalt  }
0x74: {  	_ =	shalt  }
0x75: {  	_ =	shalt  }
0x76: {  	_ =	shalt  }
0x77: {  	_ =	shalt  }
0x78: {  	_ =	shalt  }
0x79: {  	_ =	shalt  }
0x7a: {  	_ =	shalt  }
0x7b: {  	_ =	shalt  }
0x7c: {  	_ =	shalt  }
0x7d: {  	_ =	shalt  }
0x7e: {  	_ =	shalt  }
0x7f: {  	_ =	shalt  }
0x80: {  	_ =	shalt  }
0x81: {  	_ =	shalt  }
0x82: {  	_ =	shalt  }
0x83: {  	_ =	shalt  }
0x84: {  	_ =	shalt  }
0x85: {  	_ =	shalt  }
0x86: {  	_ =	shalt  }
0x87: {  	_ =	shalt  }
.Lfunc_end0:
.L_simem_size_0:
called_computation.1_lowered:
.L_overlay_start_0:
0x88: {  	s2 =	sld [smem:$0x3FD9]  }
0x89: {  	s3 =	sld [smem:$0x3FFE];
	_ =	sdelay $0x1  }
0x8a: {  	s1 =	srdreg.scid  }
0x8b: {  	s0 =	sand.u32 $0x1, s1  }
0x8c: {  	s16 =	sshll.u32 s0, $0xA;
	s2 =	sadd.s32 s3, s2  }
0x8d: {  	s2 =	sadd.s32 s2, s16  }
0x8e: {  	[smem:$0x3FB1] =	sst s2  }
0x8f: {  	_ = 	snop  }
0x90: {  	(tm) =	ssettm $0x1  }
0x91: {  	s17 =	sld [smem:$0x3FFB];
	_ =	sdelay $0x3  }
0x92: {  	_ =	strace s17  }
0x93: {  	s2 =	sld [smem:$0x3FFC];
	_ =	sdelay $0x3  }
0x94: {  	_ =	strace s2  }
0x95: {  	s2 =	sld [smem:$0x3FFD];
	_ =	sdelay $0x3  }
0x96: {  	_ =	strace s2  }
0x97: {  	_ =	strace $0x8FFFFFFF  }
0x98: {  	s18 =	sld [smem:$0x3FDB];
	_ =	sdelay $0x1  }
0x99: {  	s19 =	simm.s32 $_scs_section_size  }
0x9a: {  	s4 =	simm.s32 $_size__tile_overlayer_lowered;
	s5 =	simm.s32 $_tile_overlayer_lowered  }
0x9b: {  	s22 =	simm.s32 $0x1BFF;
	s21 =	sshll.u32 s5, $0x1;
	s2 =	sadd.s32 s19, s18  }
0x9c: {  	s6 =	simm.s32 $0x0;
	s20 =	sshll.u32 s4, $0x1;
	s4 =	sadd.s32 s21, s2  }
0x9d: {  	[timem:s6], [sflag:s22] =	dma.local [hbm:s4], s20  }
0x9e: {  	_ =	swait.ge [sflag:s22], s20  }
0x9f: {  	s3 =	ssub.s32 $0x0, s20;
	[sflag:s22] =	ssyncset.done $0x0  }
0xa0: {  	[sflag:s22] =	ssyncadd.s32 s3;
	_ =	sdelay $0x1  }
0xa1: {  	s23 =	simm.s32 $0x1B8B  }
0xa2: {  	_ =	swait.ge [sflag:s23], $0x1  }
0xa3: {  	[sflag:s23] =	ssyncset.done $0x0  }
0xa4: {  	s25 =	simm.s32 $0x1B8E;
	s24 =	sld [smem:$0x3FFE];
	[sflag:s23] =	ssyncadd.s32 $0xFFFFFFFF  }
0xa5: {  	s26 =	simm.s32 $execute0_lowered;
	[smem:$0x3FD2] =	sst s25  }
0xa6: {  	s4 =	sshll.u32 s26, $0x1;
	_ =	strace $0x80000046;
	[dreg:$0x1] =	wrdreg $0xFFFFFFFF  }
0xa7: {  	s28 =	simm.s32 $_size_execute0_lowered;
	s2 =	sadd.s32 s2, s4;
	[dreg:$0x0] =	wrdreg $0x0  }
0xa8: {  	s4 =	sshll.u32 s28, $0x1;
	[dreg:$0x2] =	wrdreg s2  }
0xa9: {  	[dreg:$0x3] =	wrdreg s4  }
0xaa: {  	[dreg:$0x4] =	wrdreg $0xC0  }
0xab: {  	_ =	task [dreg:s6], $0x5FFFF  }
0xac: {  	[dreg:$0x1] =	wrdreg $0xFFFFFFFF  }
0xad: {  	[dreg:$0x0] =	wrdreg $0x60  }
0xae: {  	[dreg:$0x2] =	wrdreg s24  }
0xaf: {  	[dreg:$0x3] =	wrdreg $0xBC000  }
0xb0: {  	[dreg:$0x4] =	wrdreg $0xA  }
0xb1: {  	_ =	task.clear_ibuf [dreg:s6], $0x5FFFF;
	_ =	strace $0x90000046  }
0xb2: {  	s29 =	simm.s32 $0xA;
	_ =	strace $0x80000048  }
0xb3: {  	_ =	swait.ge [sflag:s29], $0x1  }
0xb4: {  	[sflag:s29] =	ssyncadd.s32 $0xFFFFFFFF  }
0xb5: {  	_ =	strace $0x90000048  }
0xb6: {  	_ =	sfence  }
0xb7: {  	s30 =	sld [smem:$0x0];
	_ =	sdelay $0x2  }
0xb8: {  	s31 =	sshll.u32 s1, $0xD;
	s1 =	sshrl.u32 s1, $0x2  }
0xb9: {  	s3 =	sand.u32 $0x4000, s31;
	s1 =	sadd.s32 s1, s30  }
0xba: {  	s0 =	sor.u32 s3, s0;
	s1 =	sshll.u32 s1, $0x11  }
0xbb: {  	s0 =	sor.u32 s1, s0  }
0xbc: {  	s0 =	sadd.s32 $0x8F2B, s0  }
0xbd: {  	[sflag:s0] =	ssyncadd.remote.s32 $0x1  }
0xbe: {  	_ =	sfence.sel $0xFFFF  }
0xbf: {  	[dreg:$0x0] =	wrdreg $0xFFFFFFFF;
	(pc) =	sbr.abs _section_cstart, $3  }
0xc0: {  	[dreg:$0x1] =	wrdreg $0xFFFFFFFF  }
0xc1: {  	_ =	task.clear_ibuf [dreg:s6], $0x2FFFF;
	_ =	strace $0x9FFFFFFF  }
0xc2: {  	(tm) =	ssettm $0x7FFFFFFF  }
0xc3: {  	_ =	shalt  }
tec
execute0_lowered:
.L_overlay_start_1:
0x0: {  	(tag) =	ssettag $0x1  }
0x1: {  	s5 =	rddreg [dreg:$0x0]  }
0x2: {  	s1 =	rddreg [dreg:$0x1];
	s2 =	srdreg.scid  }
0x3: {  	s0 =	rddreg [dreg:$0x2];
	s3 =	simm.s32 $0x0;
	s15 =	simm.s32 $0x7D  }
0x4: {  	s16 =	simm.s32 $0x3C00;
	s17 =	simm.s32 $0x80;
	s18 =	simm.s32 $0x7C00  }
0x5: {  	s19 =	simm.s32 $0x1;
	s20 =	simm.s32 $0x3;
	s21 =	simm.s32 $0x2  }
0x6: {  	s22 =	simm.s32 $0x4;
	s23 =	simm.s32 $0x2700;
	s24 =	simm.s32 $0x2780  }
0x7: {  	s28 =	simm.s32 $0x0;
	s6 =	sand.u32 $0x1, s2;
	[smem:$0x7FF] =	sst s3  }
0x8: {  	s2 =	stileid.u32;
	s9 =	sadd.s32 $0xA8C00, s5;
	s4 =	sshll.u32 s6, $0x4  }
0x9: {  	_ =	strace $0x80000047;
	s7 =	smul.u32 $0x500, s2;
	s6 =	ssub.s32 $0x2, s6  }
0xa: {  	s11 =	smul.u32 $0x4E200, s2;
	s31 =	sshll.u32 s2, $0x6;
	s8 =	sor.u32 s2, s4  }
0xb: {  	s4 =	sadd.s32 $0xBA00, s5;
	s25 =	sshrl.u32 s6, $0x1;
	s10 =	smul.u32 $0x2780, s8  }
0xc: {  	s7 =	sadd.s32 s7, s5;
	s12 =	smul.u32 $0x2800, s8;
	s13 =	ssub.s32 s6, s25  }
0xd: {  	s26 =	sshrl.u32 s11, $0x2;
	s8 =	smul.u32 $0x500, s8;
	s11 =	simm.s32 $0x1400  }
0xe: {  	s25 =	simm.s32 $0x3B00;
	s14 =	sadd.s32 s26, s1;
	s26 =	simm.s32 $0x3B80  }
0xf: {  	s10 =	sadd.s32 s10, s5;
	s5 =	sadd.s32 $0x6A00, s7;
	s29 =	sshrl.u32 s12, $0x3  }
0x10: {  	s7 =	sadd.s32 s9, s8;
	s12 =	simm.s32 $0x5;
	s14 =	sshrl.u32 s14, $0x3  }
0x11: {  	s6 =	sadd.s32 $0x59C00, s10;
	s30 =	sadd.s32 s9, s29;
	s9 =	sadd.s32 $0xB2C00, s10  }
0x12: {  	s10 =	smax.u32 s13, $0x1;
	s13 =	sor.u32 $0x1C05, s31;
	s8 =	sadd.s32 $0x280, s30  }
.LBB2_1:
0x13: {  	[tilespmem:s11], [sflag:$0x5] =	stream.linear.gather [hbm4b:s5+s3], $0x2800, $0x38;
	[tilespmem:$0x1F480] =	vst v63  }
0x14: {  	_ =	swait.ge [sflag:s12], $0x2800  }
0x15: {  	[sflag:s12] =	ssyncset.done $0x0  }
0x16: {  	[sflag:s12] =	ssyncadd.s32 $0xFFFFD800  }
0x17: {  	[spmem:s14], [sflag:s13] =	dma.local [hbm:s6], $0x2710  }
0x18: {  	_ =	swait.ge [sflag:s12], $0x2710  }
0x19: {  	[sflag:s12] =	ssyncset.done $0x0  }
0x1a: {  	[sflag:s12] =	ssyncadd.s32 $0xFFFFD8F0  }
0x1b: {  	[bflag:$0x0] =	sbarrier.arrive $0xFFFF  }
0x1c: {  	[tilespmem:s3], [sflag:$0x5] =	stream.linear.gather [hbm4b:s7+s3], $0x1400, $0x38;
	[tilespmem:$0x1F480] =	vst v63  }
0x1d: {  	_ =	swait.ge [sflag:s12], $0x1400  }
0x1e: {  	[sflag:s12] =	ssyncset.done $0x0  }
0x1f: {  	[sflag:s12] =	ssyncadd.s32 $0xFFFFEC00  }
0x20: {  	[tilespmem:s16], [sflag:$0x1] =	stream.indirect.gather [hbm4b:s4+s15], $0x80, s3, s15, $0xb8;
	[tilespmem:$0x1F480] =	vst v63  }
0x21: {  	_ = 	snop  }
0x22: {  	[tilespmem:s18], [sflag:$0x2] =	stream.indirect.gather [hbm4b:s4+s15], $0x80, s17, s15, $0xb8;
	[tilespmem:$0x1F480] =	vst v63  }
0x23: {  	_ =	swait.ge [sflag:s19], $0x3E80  }
0x24: {  	[sflag:s19] =	ssyncset.done $0x0  }
0x25: {  	s29 =	simm.s32 $0x1400;
	[sflag:s19] =	ssyncadd.s32 $0xFFFFC180  }
0x26: {  	[spmem:s1] =	stream.indirect.scatter.add.f32 [tilespmem:s16], [sflag:$0x3], $0x80, s29, s15, $0xb8;
	[tilespmem:$0x1F480] =	vst v63  }
0x27: {  	_ =	swait.ge [sflag:s20], $0x3E80  }
0x28: {  	[sflag:s20] =	ssyncset.done $0x0  }
0x29: {  	s29 =	simm.s32 $0x100;
	[sflag:s20] =	ssyncadd.s32 $0xFFFFC180  }
0x2a: {  	[tilespmem:s16], [sflag:$0x1] =	stream.indirect.gather [hbm4b:s4+s15], $0x80, s29, s15, $0xb8;
	[tilespmem:$0x1F480] =	vst v63  }
0x2b: {  	_ =	swait.ge [sflag:s21], $0x3E80  }
0x2c: {  	[sflag:s21] =	ssyncset.done $0x0  }
0x2d: {  	s29 =	simm.s32 $0x1480;
	[sflag:s21] =	ssyncadd.s32 $0xFFFFC180  }
0x2e: {  	[spmem:s1] =	stream.indirect.scatter.add.f32 [tilespmem:s18], [sflag:$0x4], $0x80, s29, s15, $0xb8;
	[tilespmem:$0x1F480] =	vst v63  }
0x2f: {  	_ =	swait.ge [sflag:s22], $0x3E80  }
0x30: {  	[sflag:s22] =	ssyncset.done $0x0  }
0x31: {  	s30 =	simm.s32 $0x180;
	s29 =	simm.s32 $0x400;
	[sflag:s22] =	ssyncadd.s32 $0xFFFFC180  }
.LBB2_2:
0x32: {  	[tilespmem:s18], [sflag:$0x2] =	stream.indirect.gather [hbm4b:s4+s15], $0x80, s30, s15, $0xb8;
	[tilespmem:$0x1F480] =	vst v63  }
0x33: {  	s30 =	smov.u32 s29  }
0x34: {  	p0 =	sne.s32 s29, $0x4800;
	s29 =	sadd.s32 $0x400, s29;
	_ =	swait.ge [sflag:s19], $0x3E80  }
0x35: {  	s30 =	sshra.s32 s30, $0x2;
	[sflag:s19] =	ssyncset.done $0x0  }
0x36: {  	s31 =	sadd.s32 $0x1400, s30;
	[sflag:s19] =	ssyncadd.s32 $0xFFFFC180  }
0x37: {  	[spmem:s1] =	stream.indirect.scatter.add.f32 [tilespmem:s16], [sflag:$0x3], $0x80, s31, s15, $0xb8;
	[tilespmem:$0x1F480] =	vst v63  }
0x38: {  	_ =	swait.ge [sflag:s20], $0x3E80  }
0x39: {  	[sflag:s20] =	ssyncset.done $0x0  }
0x3a: {  	s31 =	sadd.s32 $0x100, s30;
	[sflag:s20] =	ssyncadd.s32 $0xFFFFC180  }
0x3b: {  	[tilespmem:s16], [sflag:$0x1] =	stream.indirect.gather [hbm4b:s4+s15], $0x80, s31, s15, $0xb8;
	[tilespmem:$0x1F480] =	vst v63  }
0x3c: {  	_ =	swait.ge [sflag:s21], $0x3E80  }
0x3d: {  	[sflag:s21] =	ssyncset.done $0x0  }
.Ltmp0:
0x3e: {  	s31 =	sadd.s32 $0x1480, s30;
	[sflag:s21] =	ssyncadd.s32 $0xFFFFC180;
	(pc) =	sbr.rel @p0 .LBB2_2-.Ltmp0, $4  }
0x3f: {  	[spmem:s1] =	stream.indirect.scatter.add.f32 [tilespmem:s18], [sflag:$0x4], $0x80, s31, s15, $0xb8;
	[tilespmem:$0x1F480] =	vst v63  }
0x40: {  	_ =	swait.ge [sflag:s22], $0x3E80  }
0x41: {  	[sflag:s22] =	ssyncset.done $0x0  }
0x42: {  	s30 =	sadd.s32 $0x180, s30;
	[sflag:s22] =	ssyncadd.s32 $0xFFFFC180  }
0x43: {  	[tilespmem:s18], [sflag:$0x2] =	stream.indirect.gather [hbm4b:s4+s15], $0x80, s30, s15, $0xb8;
	[tilespmem:$0x1F480] =	vst v63  }
0x44: {  	_ =	swait.ge [sflag:s19], $0x3E80  }
0x45: {  	[sflag:s19] =	ssyncset.done $0x0  }
0x46: {  	[sflag:s19] =	ssyncadd.s32 $0xFFFFC180  }
0x47: {  	[spmem:s1] =	stream.indirect.scatter.add.f32 [tilespmem:s16], [sflag:$0x3], $0x80, s23, s15, $0xb8;
	[tilespmem:$0x1F480] =	vst v63  }
0x48: {  	_ =	swait.ge [sflag:s20], $0x3E80  }
0x49: {  	[sflag:s20] =	ssyncset.done $0x0  }
0x4a: {  	[sflag:s20] =	ssyncadd.s32 $0xFFFFC180  }
0x4b: {  	_ =	swait.ge [sflag:s21], $0x3E80  }
0x4c: {  	[sflag:s21] =	ssyncset.done $0x0  }
0x4d: {  	[sflag:s21] =	ssyncadd.s32 $0xFFFFC180  }
0x4e: {  	[spmem:s1] =	stream.indirect.scatter.add.f32 [tilespmem:s18], [sflag:$0x4], $0x80, s24, s15, $0xb8;
	[tilespmem:$0x1F480] =	vst v63  }
0x4f: {  	_ =	swait.ge [sflag:s22], $0x3E80  }
0x50: {  	[sflag:s22] =	ssyncset.done $0x0  }
0x51: {  	[sflag:s22] =	ssyncadd.s32 $0xFFFFC180  }
0x52: {  	[tilespmem:s3], [sflag:$0x5] =	stream.linear.gather [hbm4b:s8+s3], $0x1400, $0x38;
	[tilespmem:$0x1F480] =	vst v63  }
0x53: {  	_ =	swait.ge [sflag:s12], $0x1400  }
0x54: {  	[sflag:s12] =	ssyncset.done $0x0  }
0x55: {  	[sflag:s12] =	ssyncadd.s32 $0xFFFFEC00  }
0x56: {  	[tilespmem:s16], [sflag:$0x1] =	stream.indirect.gather [hbm4b:s4+s15], $0x80, s3, s15, $0xb8;
	[tilespmem:$0x1F480] =	vst v63  }
0x57: {  	_ = 	snop  }
0x58: {  	[tilespmem:s18], [sflag:$0x2] =	stream.indirect.gather [hbm4b:s4+s15], $0x80, s17, s15, $0xb8;
	[tilespmem:$0x1F480] =	vst v63  }
0x59: {  	_ =	swait.ge [sflag:s19], $0x3E80  }
0x5a: {  	[sflag:s19] =	ssyncset.done $0x0  }
0x5b: {  	s29 =	simm.s32 $0x2800;
	[sflag:s19] =	ssyncadd.s32 $0xFFFFC180  }
0x5c: {  	[spmem:s1] =	stream.indirect.scatter.add.f32 [tilespmem:s16], [sflag:$0x3], $0x80, s29, s15, $0xb8;
	[tilespmem:$0x1F480] =	vst v63  }
0x5d: {  	_ =	swait.ge [sflag:s20], $0x3E80  }
0x5e: {  	[sflag:s20] =	ssyncset.done $0x0  }
0x5f: {  	s29 =	simm.s32 $0x100;
	[sflag:s20] =	ssyncadd.s32 $0xFFFFC180  }
0x60: {  	[tilespmem:s16], [sflag:$0x1] =	stream.indirect.gather [hbm4b:s4+s15], $0x80, s29, s15, $0xb8;
	[tilespmem:$0x1F480] =	vst v63  }
0x61: {  	_ =	swait.ge [sflag:s21], $0x3E80  }
0x62: {  	[sflag:s21] =	ssyncset.done $0x0  }
0x63: {  	s29 =	simm.s32 $0x2880;
	[sflag:s21] =	ssyncadd.s32 $0xFFFFC180  }
0x64: {  	[spmem:s1] =	stream.indirect.scatter.add.f32 [tilespmem:s18], [sflag:$0x4], $0x80, s29, s15, $0xb8;
	[tilespmem:$0x1F480] =	vst v63  }
0x65: {  	_ =	swait.ge [sflag:s22], $0x3E80  }
0x66: {  	[sflag:s22] =	ssyncset.done $0x0  }
0x67: {  	s30 =	simm.s32 $0x180;
	s29 =	simm.s32 $0xFFFFB800;
	[sflag:s22] =	ssyncadd.s32 $0xFFFFC180  }
.LBB2_4:
0x68: {  	[tilespmem:s18], [sflag:$0x2] =	stream.indirect.gather [hbm4b:s4+s15], $0x80, s30, s15, $0xb8;
	[tilespmem:$0x1F480] =	vst v63  }
0x69: {  	s30 =	smov.u32 s29  }
0x6a: {  	p0 =	sne.s32 s29, $0xFFFFFC00;
	s29 =	sadd.s32 $0x400, s29;
	_ =	swait.ge [sflag:s19], $0x3E80  }
0x6b: {  	s30 =	sshra.s32 s30, $0x2;
	[sflag:s19] =	ssyncset.done $0x0  }
0x6c: {  	s31 =	sadd.s32 $0x3B00, s30;
	[sflag:s19] =	ssyncadd.s32 $0xFFFFC180  }
0x6d: {  	[spmem:s1] =	stream.indirect.scatter.add.f32 [tilespmem:s16], [sflag:$0x3], $0x80, s31, s15, $0xb8;
	[tilespmem:$0x1F480] =	vst v63  }
0x6e: {  	_ =	swait.ge [sflag:s20], $0x3E80  }
0x6f: {  	[sflag:s20] =	ssyncset.done $0x0  }
0x70: {  	s31 =	sadd.s32 $0x1400, s30;
	[sflag:s20] =	ssyncadd.s32 $0xFFFFC180  }
0x71: {  	[tilespmem:s16], [sflag:$0x1] =	stream.indirect.gather [hbm4b:s4+s15], $0x80, s31, s15, $0xb8;
	[tilespmem:$0x1F480] =	vst v63  }
0x72: {  	_ =	swait.ge [sflag:s21], $0x3E80  }
0x73: {  	[sflag:s21] =	ssyncset.done $0x0  }
.Ltmp1:
0x74: {  	s31 =	sadd.s32 $0x3B80, s30;
	[sflag:s21] =	ssyncadd.s32 $0xFFFFC180;
	(pc) =	sbr.rel @p0 .LBB2_4-.Ltmp1, $4  }
0x75: {  	[spmem:s1] =	stream.indirect.scatter.add.f32 [tilespmem:s18], [sflag:$0x4], $0x80, s31, s15, $0xb8;
	[tilespmem:$0x1F480] =	vst v63  }
0x76: {  	_ =	swait.ge [sflag:s22], $0x3E80  }
0x77: {  	[sflag:s22] =	ssyncset.done $0x0  }
0x78: {  	s30 =	sadd.s32 $0x1480, s30;
	[sflag:s22] =	ssyncadd.s32 $0xFFFFC180  }
0x79: {  	[tilespmem:s18], [sflag:$0x2] =	stream.indirect.gather [hbm4b:s4+s15], $0x80, s30, s15, $0xb8;
	[tilespmem:$0x1F480] =	vst v63  }
0x7a: {  	_ =	swait.ge [sflag:s19], $0x3E80  }
0x7b: {  	[sflag:s19] =	ssyncset.done $0x0  }
0x7c: {  	[sflag:s19] =	ssyncadd.s32 $0xFFFFC180  }
0x7d: {  	[spmem:s1] =	stream.indirect.scatter.add.f32 [tilespmem:s16], [sflag:$0x3], $0x80, s25, s15, $0xb8;
	[tilespmem:$0x1F480] =	vst v63  }
0x7e: {  	_ =	swait.ge [sflag:s20], $0x3E80  }
0x7f: {  	[sflag:s20] =	ssyncset.done $0x0  }
0x80: {  	[sflag:s20] =	ssyncadd.s32 $0xFFFFC180  }
0x81: {  	_ =	swait.ge [sflag:s21], $0x3E80  }
0x82: {  	[sflag:s21] =	ssyncset.done $0x0  }
0x83: {  	[sflag:s21] =	ssyncadd.s32 $0xFFFFC180  }
0x84: {  	[spmem:s1] =	stream.indirect.scatter.add.f32 [tilespmem:s18], [sflag:$0x4], $0x80, s26, s15, $0xb8;
	[tilespmem:$0x1F480] =	vst v63  }
0x85: {  	_ =	swait.ge [sflag:s22], $0x3E80  }
0x86: {  	s28 =	sadd.s32 $0x1, s28;
	[sflag:s22] =	ssyncset.done $0x0  }
0x87: {  	p0 =	sne.s32 s28, s10;
	[sflag:s22] =	ssyncadd.s32 $0xFFFFC180  }
.Ltmp2:
0x88: {  	[bflag:$0x0] =	sbarrier.arrive $0xFFFF;
	(pc) =	sbr.rel @p0 .LBB2_1-.Ltmp2, $4  }
0x89: {  	[hbm:s9], [sflag:s13] =	dma.local [spmem:s14], $0x2710  }
0x8a: {  	_ =	swait.ge [sflag:s12], $0x2710  }
0x8b: {  	[sflag:s12] =	ssyncset.done $0x0  }
0x8c: {  	[sflag:s12] =	ssyncadd.s32 $0xFFFFD8F0  }
0x8d: {  	_ =	sfence.sel $0x180000  }
0x8e: {  	[bflag:$0x0] =	sbarrier.arrive $0xFFFF  }
0x8f: {  	p0 =	sne.s32 s2, $0x0;
	_ =	strace $0x90000047  }
0x90: {  	s0 =	sadd.s32 @!p0 $0x100000, s0;
	[bflag:$0x2] =	sbarrier.arrive $0xFFFF  }
0x91: {  	[sflag:s0] =	ssyncadd.tile.s32 @!p0 $0x1;
	_ =	shalt  }
.Lfunc_end2:
_tile_overlayer_lowered:
.L_overlay_start_2:
0x92: {  	(tag) =	ssettag $0x2  }
0x93: {  	s0 =	rddreg [dreg:$0x0];
	s2 =	stileid.u32  }
0x94: {  	s1 =	rddreg [dreg:$0x1];
	p0 =	sne.s32 s2, $0x0  }
0x95: {  	s3 =	rddreg [dreg:$0x2];
	[bflag:$0x3] =	sbarrier.arrive $0xFFFF;
	s2 =	simm.s32 @!p0 $0x1C05  }
0x96: {  	[timem:s3], [sflag:s2] =	dma.local @!p0 [hbm:s0], s1  }
0x97: {  	s0 =	simm.s32 @!p0 $0x5  }
0x98: {  	_ =	swait.ge @!p0 [sflag:s0], s1  }
0x99: {  	s1 =	ssub.s32 @!p0 $0x0, s1;
	[sflag:s0] =	ssyncset.done @!p0 $0x0  }
0x9a: {  	[sflag:s0] =	ssyncadd.s32 @!p0 s1  }
0x9b: {  	[bflag:$0x3] =	sbarrier.arrive $0xFFFF  }
0x9c: {  	_ =	shalt  }

// kernel: kernel.22.cloned.1.call-start
scs
__scs_entry_jumppad:
0x0: {  	(pc) =	sbr.rel $0x88, $3  }
0x1: {  	(tag) =	ssettag $0x0;
	lr =	simm.s32 $0x1  }
0x2: {  	[smem:$0x3F8A] =	sst lr;
	_ =	strace $0xD0000000  }
0x3: {  	_ = 	snop  }
0x4: {  	_ = 	snop  }
0x5: {  	_ = 	snop  }
0x6: {  	_ = 	snop  }
0x7: {  	_ = 	snop  }
__scs_overlays_trampoline_lowered:
0x8: {  	[smem:$0x3F99] =	sst s0  }
0x9: {  	[smem:$0x3F9A] =	sst s1  }
0xa: {  	[smem:$0x3F9B] =	sst s2  }
0xb: {  	[smem:$0x3F9C] =	sst s3  }
0xc: {  	[smem:$0x3F9D] =	sst s4  }
0xd: {  	[smem:$0x3F9E] =	sst s5  }
0xe: {  	[smem:$0x3F9F] =	sst s6  }
0xf: {  	[smem:$0x3FA0] =	sst s7  }
0x10: {  	[smem:$0x3FA1] =	sst s8  }
0x11: {  	[smem:$0x3FA2] =	sst s9;
	s0 =	simm.s32 @!p0 $0x0  }
0x12: {  	s1 =	sld [smem:$0x3F88];
	s0 =	simm.s32 @p0 $0x1  }
0x13: {  	[smem:$0x3FA3] =	sst s0;
	s0 =	simm.s32 @!p1 $0x0  }
0x14: {  	s2 =	sld [smem:$0x3F87];
	s0 =	simm.s32 @p1 $0x1  }
0x15: {  	[smem:$0x3FA4] =	sst s0;
	s0 =	simm.s32 @!p2 $0x0  }
0x16: {  	s3 =	sld [smem:$0x3FDB];
	s0 =	simm.s32 @p2 $0x1  }
0x17: {  	s4 =	simm.s32 $0x1BF5;
	[smem:$0x3FA6] =	sst s0  }
0x18: {  	s0 =	sld [smem:$0x3F89];
	_ =	swait.ge [sflag:s4], $0x0  }
0x19: {  	s7 =	sld [smem:$0x3F8A]  }
0x1a: {  	s8 =	sadd.s32 $0xFFFFE003, lr  }
0x1b: {  	s9 =	sadd.s32 $0xFFFFFEF7, lr;
	s5 =	simm.s32 $0xFFFFFFFF;
	p2 =	slt.u32 s8, $0xFFFFF086  }
0x1c: {  	p1 =	slt.u32 s9, $0xF7A;
	s5 =	simm.s32 @!p2 $0x0  }
0x1d: {  	s5 =	simm.s32 @p1 $0x1;
	p0 =	seq.s32 s7, s2  }
0x1e: {  	s7 =	smul.u32 @!p0 $0xF7A, s2;
	p2 =	seq.s32 @!p0 s5, $0x0  }
0x1f: {  	s9 =	smul.u32 $0xF7A, s1;
	s8 =	simm.s32 @!p0 $0x1BF5;
	p2 =	por !p2, p0  }
0x20: {  	[sflag:s8] =	ssyncset.s32 @!p0 $0xFFFFF086;
	s6 =	sadd.s32 @!p0 s3, s7;
	s7 =	simm.s32 @!p0 $0x108  }
0x21: {  	s3 =	sadd.s32 s3, s9;
	s6 =	sadd.s32 @!p0 $0x88, s6;
	s7 =	simm.s32 @p2 $0x1082  }
0x22: {  	[simem:s7], [sflag:s8] =	dma.local @!p0 [hbm:s6], $0xF7A  }
0x23: {  	s9 =	sor.u32 $0xD0000000, s2;
	s6 =	simm.s32 $0x108;
	_ =	swait.ge @!p0 [sflag:s8], $0x0  }
0x24: {  	s3 =	sadd.s32 $0x88, s3;
	s6 =	simm.s32 @!p1 $0x1082;
	[sflag:s4] =	ssyncset.s32 $0xFFFFF086  }
0x25: {  	[simem:s6], [sflag:s4] =	dma.local [hbm:s3], $0xF7A  }
0x26: {  	[smem:$0x3F8A] =	sst s1;
	(tag) =	ssettag s2;
	_ =	strace s9  }
0x27: {  	s1 =	sld [smem:$0x3F9A]  }
0x28: {  	s2 =	sld [smem:$0x3F9B]  }
0x29: {  	s4 =	sld [smem:$0x3F9D]  }
0x2a: {  	p0 =	seq.s32 s5, $0x0;
	s5 =	sld [smem:$0x3F9E]  }
0x2b: {  	s6 =	sld [smem:$0x3F9F]  }
0x2c: {  	s7 =	sld [smem:$0x3FA0]  }
0x2d: {  	s3 =	simm.s32 $0x108;
	s8 =	sld [smem:$0x3FA1]  }
0x2e: {  	s3 =	simm.s32 @!p0 $0x1082;
	s9 =	sld [smem:$0x3FA2]  }
0x2f: {  	lr =	sadd.s32 s0, s3;
	s0 =	sld [smem:$0x3F99]  }
0x30: {  	s3 =	sld [smem:$0x3F9C]  }
0x31: {  	[smem:$0x3FA5] =	sst s10  }
0x32: {  	s10 =	sld [smem:$0x3FA3];
	_ =	sdelay $0x3  }
0x33: {  	p0 =	seq.s32 s10, $0x1;
	s10 =	sld [smem:$0x3FA5];
	_ =	sdelay $0x3  }
0x34: {  	[smem:$0x3FA5] =	sst s10  }
0x35: {  	s10 =	sld [smem:$0x3FA4];
	_ =	sdelay $0x3  }
0x36: {  	p1 =	seq.s32 s10, $0x1;
	s10 =	sld [smem:$0x3FA5];
	_ =	sdelay $0x3  }
0x37: {  	[smem:$0x3FA5] =	sst s10  }
0x38: {  	s10 =	sld [smem:$0x3FA6]  }
0x39: {  	_ = 	snop;
	(pc) =	sbr.ind lr, $3  }
0x3a: {  	_ = 	snop  }
0x3b: {  	_ = 	snop  }
0x3c: {  	p2 =	seq.s32 s10, $0x1;
	s10 =	sld [smem:$0x3FA5]  }
0x3d: {  	_ =	shalt  }
0x3e: {  	_ =	shalt  }
0x3f: {  	_ =	shalt  }
0x40: {  	_ =	shalt  }
0x41: {  	_ =	shalt  }
0x42: {  	_ =	shalt  }
0x43: {  	_ =	shalt  }
0x44: {  	_ =	shalt  }
0x45: {  	_ =	shalt  }
0x46: {  	_ =	shalt  }
0x47: {  	_ =	shalt  }
0x48: {  	_ =	shalt  }
0x49: {  	_ =	shalt  }
0x4a: {  	_ =	shalt  }
0x4b: {  	_ =	shalt  }
0x4c: {  	_ =	shalt  }
0x4d: {  	_ =	shalt  }
0x4e: {  	_ =	shalt  }
0x4f: {  	_ =	shalt  }
0x50: {  	_ =	shalt  }
0x51: {  	_ =	shalt  }
0x52: {  	_ =	shalt  }
0x53: {  	_ =	shalt  }
0x54: {  	_ =	shalt  }
0x55: {  	_ =	shalt  }
0x56: {  	_ =	shalt  }
0x57: {  	_ =	shalt  }
0x58: {  	_ =	shalt  }
0x59: {  	_ =	shalt  }
0x5a: {  	_ =	shalt  }
0x5b: {  	_ =	shalt  }
0x5c: {  	_ =	shalt  }
0x5d: {  	_ =	shalt  }
0x5e: {  	_ =	shalt  }
0x5f: {  	_ =	shalt  }
0x60: {  	_ =	shalt  }
0x61: {  	_ =	shalt  }
0x62: {  	_ =	shalt  }
0x63: {  	_ =	shalt  }
0x64: {  	_ =	shalt  }
0x65: {  	_ =	shalt  }
0x66: {  	_ =	shalt  }
0x67: {  	_ =	shalt  }
0x68: {  	_ =	shalt  }
0x69: {  	_ =	shalt  }
0x6a: {  	_ =	shalt  }
0x6b: {  	_ =	shalt  }
0x6c: {  	_ =	shalt  }
0x6d: {  	_ =	shalt  }
0x6e: {  	_ =	shalt  }
0x6f: {  	_ =	shalt  }
0x70: {  	_ =	shalt  }
0x71: {  	_ =	shalt  }
0x72: {  	_ =	shalt  }
0x73: {  	_ =	shalt  }
0x74: {  	_ =	shalt  }
0x75: {  	_ =	shalt  }
0x76: {  	_ =	shalt  }
0x77: {  	_ =	shalt  }
0x78: {  	_ =	shalt  }
0x79: {  	_ =	shalt  }
0x7a: {  	_ =	shalt  }
0x7b: {  	_ =	shalt  }
0x7c: {  	_ =	shalt  }
0x7d: {  	_ =	shalt  }
0x7e: {  	_ =	shalt  }
0x7f: {  	_ =	shalt  }
0x80: {  	_ =	shalt  }
0x81: {  	_ =	shalt  }
0x82: {  	_ =	shalt  }
0x83: {  	_ =	shalt  }
0x84: {  	_ =	shalt  }
0x85: {  	_ =	shalt  }
0x86: {  	_ =	shalt  }
0x87: {  	_ =	shalt  }
.Lfunc_end0:
.L_simem_size_0:
called_computation.2_lowered:
.L_overlay_start_0:
0x88: {  	s2 =	sld [smem:$0x3FD9]  }
0x89: {  	s3 =	sld [smem:$0x3FFE];
	_ =	sdelay $0x1  }
0x8a: {  	s1 =	srdreg.scid  }
0x8b: {  	s0 =	sand.u32 $0x1, s1  }
0x8c: {  	s17 =	sshll.u32 s0, $0xA;
	s2 =	sadd.s32 s3, s2  }
0x8d: {  	s2 =	sadd.s32 s2, s17  }
0x8e: {  	[smem:$0x3FB1] =	sst s2  }
0x8f: {  	_ = 	snop  }
0x90: {  	(tm) =	ssettm $0x1  }
0x91: {  	s18 =	sld [smem:$0x3FFB];
	_ =	sdelay $0x3  }
0x92: {  	_ =	strace s18  }
0x93: {  	s2 =	sld [smem:$0x3FFC];
	_ =	sdelay $0x3  }
0x94: {  	_ =	strace s2  }
0x95: {  	s2 =	sld [smem:$0x3FFD];
	_ =	sdelay $0x3  }
0x96: {  	_ =	strace s2  }
0x97: {  	_ =	strace $0x8FFFFFFF  }
0x98: {  	s19 =	sld [smem:$0x3FDB];
	_ =	sdelay $0x1  }
0x99: {  	s20 =	simm.s32 $_scs_section_size  }
0x9a: {  	s4 =	simm.s32 $_size__tile_overlayer_lowered;
	s5 =	simm.s32 $_tile_overlayer_lowered  }
0x9b: {  	s6 =	simm.s32 $0x1BFF;
	s21 =	sshll.u32 s5, $0x1;
	s3 =	sadd.s32 s20, s19  }
0x9c: {  	s22 =	simm.s32 $0x0;
	s4 =	sshll.u32 s4, $0x1;
	s5 =	sadd.s32 s21, s3  }
0x9d: {  	[timem:s22], [sflag:s6] =	dma.local [hbm:s5], s4  }
0x9e: {  	_ =	swait.ge [sflag:s6], s4  }
0x9f: {  	s4 =	ssub.s32 $0x0, s4;
	[sflag:s6] =	ssyncset.done $0x0  }
0xa0: {  	[sflag:s6] =	ssyncadd.s32 s4;
	_ =	sdelay $0x1  }
0xa1: {  	s23 =	simm.s32 $0x1B8B  }
0xa2: {  	_ =	swait.ge [sflag:s23], $0x1  }
0xa3: {  	[sflag:s23] =	ssyncset.done $0x0  }
0xa4: {  	[sflag:s23] =	ssyncadd.s32 $0xFFFFFFFF  }
0xa5: {  	s4 =	sld [smem:$0x0]  }
0xa6: {  	s5 =	sand.u32 $0xFFFFFFFE, s1  }
0xa7: {  	p0 =	sne.s32 s1, s5  }
0xa8: {  	s5 =	sshll.u32 @p0 s5, $0xE  }
0xa9: {  	s5 =	sadd.s32 @p0 $0x11B8D, s5;
	s6 =	sshll.u32 @p0 s4, $0x11  }
0xaa: {  	s5 =	sor.u32 @p0 s6, s5  }
0xab: {  	[sflag:s5] =	ssyncadd.remote.s32 @p0 $0x1;
	_ =	sdelay $0x1  }
0xac: {  	s5 =	simm.s32 @p0 $0x1B8D  }
0xad: {  	_ =	swait.eq @p0 [sflag:s5], $0x1  }
0xae: {  	[sflag:s5] =	ssyncadd.s32 @p0 $0xFFFFFFFF  }
0xaf: {  	s6 =	sshll.u32 @!p0 s1, $0xE  }
0xb0: {  	s6 =	sor.u32 @!p0 $0x4000, s6;
	s5 =	simm.s32 @!p0 $0x1B8D  }
0xb1: {  	s4 =	sshll.u32 @!p0 s4, $0x11;
	s6 =	sadd.s32 @!p0 $0x11B8D, s6;
	_ =	swait.eq @!p0 [sflag:s5], $0x1  }
0xb2: {  	s4 =	sor.u32 @!p0 s4, s6;
	[sflag:s5] =	ssyncadd.s32 @!p0 $0xFFFFFFFF  }
0xb3: {  	s25 =	simm.s32 $0x1B8E;
	s24 =	sld [smem:$0x3FFE];
	[sflag:s4] =	ssyncadd.remote.s32 @!p0 $0x1  }
0xb4: {  	s26 =	simm.s32 $execute0_lowered;
	[smem:$0x3FD2] =	sst s25  }
0xb5: {  	s5 =	sshll.u32 s26, $0x1;
	_ =	strace $0x8000004C;
	[dreg:$0x1] =	wrdreg $0xFFFFFFFF  }
0xb6: {  	s28 =	simm.s32 $_size_execute0_lowered;
	s3 =	sadd.s32 s3, s5;
	[dreg:$0x0] =	wrdreg $0x0  }
0xb7: {  	s5 =	sshll.u32 s28, $0x1;
	[dreg:$0x2] =	wrdreg s3  }
0xb8: {  	[dreg:$0x3] =	wrdreg s5  }
0xb9: {  	[dreg:$0x4] =	wrdreg $0xC0  }
0xba: {  	_ =	task [dreg:s22], $0x5FFFF  }
0xbb: {  	[dreg:$0x1] =	wrdreg $0xFFFFFFFF  }
0xbc: {  	[dreg:$0x0] =	wrdreg $0x60  }
0xbd: {  	[dreg:$0x2] =	wrdreg s24  }
0xbe: {  	[dreg:$0x3] =	wrdreg $0xBC000  }
0xbf: {  	[dreg:$0x4] =	wrdreg $0xA  }
0xc0: {  	_ =	task.clear_ibuf [dreg:s22], $0x5FFFF;
	_ =	strace $0x9000004C  }
0xc1: {  	s29 =	simm.s32 $0xA;
	_ =	strace $0x8000004E  }
0xc2: {  	_ =	swait.ge [sflag:s29], $0x1  }
0xc3: {  	[sflag:s29] =	ssyncadd.s32 $0xFFFFFFFF  }
0xc4: {  	_ =	strace $0x9000004E  }
0xc5: {  	_ =	sfence  }
0xc6: {  	s30 =	sld [smem:$0x0];
	_ =	sdelay $0x2  }
0xc7: {  	s31 =	sshll.u32 s1, $0xD;
	s1 =	sshrl.u32 s1, $0x2  }
0xc8: {  	s4 =	sand.u32 $0x4000, s31;
	s1 =	sadd.s32 s1, s30  }
0xc9: {  	s0 =	sor.u32 s4, s0;
	s1 =	sshll.u32 s1, $0x11  }
0xca: {  	s0 =	sor.u32 s1, s0  }
0xcb: {  	s0 =	sadd.s32 $0x8F2B, s0  }
0xcc: {  	[sflag:s0] =	ssyncadd.remote.s32 $0x1  }
0xcd: {  	_ =	sfence.sel $0xFFFF  }
0xce: {  	[dreg:$0x0] =	wrdreg $0xFFFFFFFF;
	(pc) =	sbr.abs _section_cstart, $3  }
0xcf: {  	[dreg:$0x1] =	wrdreg $0xFFFFFFFF  }
0xd0: {  	_ =	task.clear_ibuf [dreg:s22], $0x2FFFF;
	_ =	strace $0x9FFFFFFF  }
0xd1: {  	(tm) =	ssettm $0x7FFFFFFF  }
tec
execute0_lowered:
.L_overlay_start_1:
0x0: {  	(tag) =	ssettag $0x1  }
0x1: {  	s0 =	rddreg [dreg:$0x0]  }
0x2: {  	s1 =	rddreg [dreg:$0x1];
	s2 =	simm.s32 $0x0;
	s3 =	srdreg.scid  }
0x3: {  	s17 =	stileid.u32;
	s19 =	simm.s32 $0x7D;
	s20 =	simm.s32 $0x3C00  }
0x4: {  	s21 =	simm.s32 $0x80;
	s28 =	simm.s32 $0x2700;
	s29 =	simm.s32 $0x2780  }
0x5: {  	s30 =	simm.s32 $0x3B00;
	s31 =	simm.s32 $0x3B80;
	[smem:$0x7FF] =	sst s2  }
0x6: {  	s4 =	sadd.s32 $0xBA00, s0;
	s10 =	sadd.s32 $0x164C00, s0;
	s5 =	smul.u32 $0x500, s17  }
0x7: {  	s3 =	sand.u32 $0x1, s3;
	s12 =	sadd.s32 $0x150C00, s0;
	s7 =	smul.u32 $0x4E200, s17  }
0x8: {  	s26 =	sshll.u32 s17, $0x6;
	_ =	strace $0x8000004D;
	s6 =	sshll.u32 s3, $0x5  }
0x9: {  	s3 =	ssub.s32 $0x2, s3;
	s6 =	sor.u32 s17, s6;
	s5 =	sadd.s32 s5, s0  }
0xa: {  	s8 =	sshrl.u32 s3, $0x1;
	s0 =	sadd.s32 $0x202C00, s0;
	s9 =	smul.u32 $0x2780, s6  }
0xb: {  	s7 =	sshrl.u32 s7, $0x2;
	s17 =	sor.u32 $0x1C05, s26;
	s22 =	smul.u32 $0x500, s6  }
0xc: {  	s26 =	simm.s32 $0x4;
	s11 =	smul.u32 $0x2800, s6;
	s13 =	sor.u32 $0x10, s6  }
0xd: {  	s3 =	ssub.s32 s3, s8;
	s5 =	sadd.s32 $0x6A00, s5;
	s14 =	smul.u32 $0x2780, s13  }
0xe: {  	s15 =	sadd.s32 s7, s1;
	[dreg:$0x3] =	wrdreg s5;
	s16 =	smul.u32 $0x2800, s13  }
0xf: {  	s24 =	smul.u32 $0x500, s13;
	s18 =	sshrl.u32 s15, $0x3;
	s6 =	sadd.s32 s10, s9  }
0x10: {  	s11 =	sshrl.u32 s11, $0x3;
	s7 =	sadd.s32 s12, s22;
	s9 =	sadd.s32 s0, s9  }
0x11: {  	s22 =	simm.s32 $0x7C00;
	s23 =	sadd.s32 s12, s11;
	s25 =	sshrl.u32 s16, $0x3  }
0x12: {  	s10 =	sadd.s32 s10, s14;
	s11 =	sadd.s32 s12, s24;
	s13 =	sadd.s32 s0, s14  }
0x13: {  	s14 =	smax.u32 s3, $0x1;
	s16 =	simm.s32 $0x5;
	s24 =	simm.s32 $0x3  }
0x14: {  	s0 =	simm.s32 $0x0;
	s8 =	sadd.s32 $0x280, s23;
	s12 =	sadd.s32 s12, s25  }
0x15: {  	s23 =	simm.s32 $0x1;
	s25 =	simm.s32 $0x2;
	s12 =	sadd.s32 $0x280, s12  }
.LBB2_1:
0x16: {  	s3 =	rddreg [dreg:$0x3];
	s5 =	simm.s32 $0x1400  }
0x17: {  	[tilespmem:s5], [sflag:$0x5] =	stream.linear.gather [hbm4b:s3+s2], $0x2800, $0x38;
	[tilespmem:$0x1F480] =	vst v63  }
0x18: {  	_ =	swait.ge [sflag:s16], $0x2800  }
0x19: {  	[sflag:s16] =	ssyncset.done $0x0  }
0x1a: {  	[sflag:s16] =	ssyncadd.s32 $0xFFFFD800  }
0x1b: {  	[spmem:s18], [sflag:s17] =	dma.local [hbm:s6], $0x2710  }
0x1c: {  	_ =	swait.ge [sflag:s16], $0x2710  }
0x1d: {  	[sflag:s16] =	ssyncset.done $0x0  }
0x1e: {  	[sflag:s16] =	ssyncadd.s32 $0xFFFFD8F0  }
0x1f: {  	[bflag:$0x0] =	sbarrier.arrive $0xFFFF  }
0x20: {  	[tilespmem:s2], [sflag:$0x5] =	stream.linear.gather [hbm4b:s7+s2], $0x1400, $0x38;
	[tilespmem:$0x1F480] =	vst v63  }
0x21: {  	_ =	swait.ge [sflag:s16], $0x1400  }
0x22: {  	[sflag:s16] =	ssyncset.done $0x0  }
0x23: {  	[sflag:s16] =	ssyncadd.s32 $0xFFFFEC00  }
0x24: {  	[tilespmem:s20], [sflag:$0x1] =	stream.indirect.gather [hbm4b:s4+s19], $0x80, s2, s19, $0xb8;
	[tilespmem:$0x1F480] =	vst v63  }
0x25: {  	_ = 	snop  }
0x26: {  	[tilespmem:s22], [sflag:$0x2] =	stream.indirect.gather [hbm4b:s4+s19], $0x80, s21, s19, $0xb8;
	[tilespmem:$0x1F480] =	vst v63  }
0x27: {  	_ =	swait.ge [sflag:s23], $0x3E80  }
0x28: {  	[sflag:s23] =	ssyncset.done $0x0  }
0x29: {  	s15 =	simm.s32 $0x1400;
	[sflag:s23] =	ssyncadd.s32 $0xFFFFC180  }
0x2a: {  	[spmem:s1] =	stream.indirect.scatter.add.f32 [tilespmem:s20], [sflag:$0x3], $0x80, s15, s19, $0xb8;
	[tilespmem:$0x1F480] =	vst v63  }
0x2b: {  	_ =	swait.ge [sflag:s24], $0x3E80  }
0x2c: {  	[sflag:s24] =	ssyncset.done $0x0  }
0x2d: {  	s5 =	simm.s32 $0x100;
	[sflag:s24] =	ssyncadd.s32 $0xFFFFC180  }
0x2e: {  	[tilespmem:s20], [sflag:$0x1] =	stream.indirect.gather [hbm4b:s4+s19], $0x80, s5, s19, $0xb8;
	[tilespmem:$0x1F480] =	vst v63  }
0x2f: {  	_ =	swait.ge [sflag:s25], $0x3E80  }
0x30: {  	[sflag:s25] =	ssyncset.done $0x0  }
0x31: {  	s15 =	simm.s32 $0x1480;
	[sflag:s25] =	ssyncadd.s32 $0xFFFFC180  }
0x32: {  	[spmem:s1] =	stream.indirect.scatter.add.f32 [tilespmem:s22], [sflag:$0x4], $0x80, s15, s19, $0xb8;
	[tilespmem:$0x1F480] =	vst v63  }
0x33: {  	_ =	swait.ge [sflag:s26], $0x3E80  }
0x34: {  	[sflag:s26] =	ssyncset.done $0x0  }
0x35: {  	s3 =	simm.s32 $0x400;
	s15 =	simm.s32 $0x180;
	[sflag:s26] =	ssyncadd.s32 $0xFFFFC180  }
.LBB2_2:
0x36: {  	[tilespmem:s22], [sflag:$0x2] =	stream.indirect.gather [hbm4b:s4+s19], $0x80, s15, s19, $0xb8;
	[tilespmem:$0x1F480] =	vst v63  }
0x37: {  	s15 =	smov.u32 s3  }
0x38: {  	p0 =	sne.s32 s3, $0x4800;
	s3 =	sadd.s32 $0x400, s3;
	_ =	swait.ge [sflag:s23], $0x3E80  }
0x39: {  	s15 =	sshra.s32 s15, $0x2;
	[sflag:s23] =	ssyncset.done $0x0  }
0x3a: {  	s5 =	sadd.s32 $0x1400, s15;
	[sflag:s23] =	ssyncadd.s32 $0xFFFFC180  }
0x3b: {  	[spmem:s1] =	stream.indirect.scatter.add.f32 [tilespmem:s20], [sflag:$0x3], $0x80, s5, s19, $0xb8;
	[tilespmem:$0x1F480] =	vst v63  }
0x3c: {  	_ =	swait.ge [sflag:s24], $0x3E80  }
0x3d: {  	[sflag:s24] =	ssyncset.done $0x0  }
0x3e: {  	s5 =	sadd.s32 $0x100, s15;
	[sflag:s24] =	ssyncadd.s32 $0xFFFFC180  }
0x3f: {  	[tilespmem:s20], [sflag:$0x1] =	stream.indirect.gather [hbm4b:s4+s19], $0x80, s5, s19, $0xb8;
	[tilespmem:$0x1F480] =	vst v63  }
0x40: {  	_ =	swait.ge [sflag:s25], $0x3E80  }
0x41: {  	[sflag:s25] =	ssyncset.done $0x0  }
.Ltmp0:
0x42: {  	s5 =	sadd.s32 $0x1480, s15;
	[sflag:s25] =	ssyncadd.s32 $0xFFFFC180;
	(pc) =	sbr.rel @p0 .LBB2_2-.Ltmp0, $4  }
0x43: {  	[spmem:s1] =	stream.indirect.scatter.add.f32 [tilespmem:s22], [sflag:$0x4], $0x80, s5, s19, $0xb8;
	[tilespmem:$0x1F480] =	vst v63  }
0x44: {  	_ =	swait.ge [sflag:s26], $0x3E80  }
0x45: {  	[sflag:s26] =	ssyncset.done $0x0  }
0x46: {  	s15 =	sadd.s32 $0x180, s15;
	[sflag:s26] =	ssyncadd.s32 $0xFFFFC180  }
0x47: {  	[tilespmem:s22], [sflag:$0x2] =	stream.indirect.gather [hbm4b:s4+s19], $0x80, s15, s19, $0xb8;
	[tilespmem:$0x1F480] =	vst v63  }
0x48: {  	_ =	swait.ge [sflag:s23], $0x3E80  }
0x49: {  	[sflag:s23] =	ssyncset.done $0x0  }
0x4a: {  	[sflag:s23] =	ssyncadd.s32 $0xFFFFC180  }
0x4b: {  	[spmem:s1] =	stream.indirect.scatter.add.f32 [tilespmem:s20], [sflag:$0x3], $0x80, s28, s19, $0xb8;
	[tilespmem:$0x1F480] =	vst v63  }
0x4c: {  	_ =	swait.ge [sflag:s24], $0x3E80  }
0x4d: {  	[sflag:s24] =	ssyncset.done $0x0  }
0x4e: {  	[sflag:s24] =	ssyncadd.s32 $0xFFFFC180  }
0x4f: {  	_ =	swait.ge [sflag:s25], $0x3E80  }
0x50: {  	[sflag:s25] =	ssyncset.done $0x0  }
0x51: {  	[sflag:s25] =	ssyncadd.s32 $0xFFFFC180  }
0x52: {  	[spmem:s1] =	stream.indirect.scatter.add.f32 [tilespmem:s22], [sflag:$0x4], $0x80, s29, s19, $0xb8;
	[tilespmem:$0x1F480] =	vst v63  }
0x53: {  	_ =	swait.ge [sflag:s26], $0x3E80  }
0x54: {  	[sflag:s26] =	ssyncset.done $0x0  }
0x55: {  	[sflag:s26] =	ssyncadd.s32 $0xFFFFC180  }
0x56: {  	[tilespmem:s2], [sflag:$0x5] =	stream.linear.gather [hbm4b:s8+s2], $0x1400, $0x38;
	[tilespmem:$0x1F480] =	vst v63  }
0x57: {  	_ =	swait.ge [sflag:s16], $0x1400  }
0x58: {  	[sflag:s16] =	ssyncset.done $0x0  }
0x59: {  	[sflag:s16] =	ssyncadd.s32 $0xFFFFEC00  }
0x5a: {  	[tilespmem:s20], [sflag:$0x1] =	stream.indirect.gather [hbm4b:s4+s19], $0x80, s2, s19, $0xb8;
	[tilespmem:$0x1F480] =	vst v63  }
0x5b: {  	_ = 	snop  }
0x5c: {  	[tilespmem:s22], [sflag:$0x2] =	stream.indirect.gather [hbm4b:s4+s19], $0x80, s21, s19, $0xb8;
	[tilespmem:$0x1F480] =	vst v63  }
0x5d: {  	_ =	swait.ge [sflag:s23], $0x3E80  }
0x5e: {  	[sflag:s23] =	ssyncset.done $0x0  }
0x5f: {  	s3 =	simm.s32 $0x2800;
	[sflag:s23] =	ssyncadd.s32 $0xFFFFC180  }
0x60: {  	[spmem:s1] =	stream.indirect.scatter.add.f32 [tilespmem:s20], [sflag:$0x3], $0x80, s3, s19, $0xb8;
	[tilespmem:$0x1F480] =	vst v63  }
0x61: {  	_ =	swait.ge [sflag:s24], $0x3E80  }
0x62: {  	[sflag:s24] =	ssyncset.done $0x0  }
0x63: {  	s5 =	simm.s32 $0x100;
	[sflag:s24] =	ssyncadd.s32 $0xFFFFC180  }
0x64: {  	[tilespmem:s20], [sflag:$0x1] =	stream.indirect.gather [hbm4b:s4+s19], $0x80, s5, s19, $0xb8;
	[tilespmem:$0x1F480] =	vst v63  }
0x65: {  	_ =	swait.ge [sflag:s25], $0x3E80  }
0x66: {  	[sflag:s25] =	ssyncset.done $0x0  }
0x67: {  	s15 =	simm.s32 $0x2880;
	[sflag:s25] =	ssyncadd.s32 $0xFFFFC180  }
0x68: {  	[spmem:s1] =	stream.indirect.scatter.add.f32 [tilespmem:s22], [sflag:$0x4], $0x80, s15, s19, $0xb8;
	[tilespmem:$0x1F480] =	vst v63  }
0x69: {  	_ =	swait.ge [sflag:s26], $0x3E80  }
0x6a: {  	[sflag:s26] =	ssyncset.done $0x0  }
0x6b: {  	s3 =	simm.s32 $0xFFFFB800;
	s15 =	simm.s32 $0x180;
	[sflag:s26] =	ssyncadd.s32 $0xFFFFC180  }
.LBB2_4:
0x6c: {  	[tilespmem:s22], [sflag:$0x2] =	stream.indirect.gather [hbm4b:s4+s19], $0x80, s15, s19, $0xb8;
	[tilespmem:$0x1F480] =	vst v63  }
0x6d: {  	s5 =	smov.u32 s3  }
0x6e: {  	p0 =	sne.s32 s3, $0xFFFFFC00;
	s3 =	sadd.s32 $0x400, s3;
	_ =	swait.ge [sflag:s23], $0x3E80  }
0x6f: {  	s5 =	sshra.s32 s5, $0x2;
	[sflag:s23] =	ssyncset.done $0x0  }
0x70: {  	s15 =	sadd.s32 $0x3B00, s5;
	[sflag:s23] =	ssyncadd.s32 $0xFFFFC180  }
0x71: {  	[spmem:s1] =	stream.indirect.scatter.add.f32 [tilespmem:s20], [sflag:$0x3], $0x80, s15, s19, $0xb8;
	[tilespmem:$0x1F480] =	vst v63  }
0x72: {  	_ =	swait.ge [sflag:s24], $0x3E80  }
0x73: {  	[sflag:s24] =	ssyncset.done $0x0  }
0x74: {  	s15 =	sadd.s32 $0x1400, s5;
	[sflag:s24] =	ssyncadd.s32 $0xFFFFC180  }
0x75: {  	[tilespmem:s20], [sflag:$0x1] =	stream.indirect.gather [hbm4b:s4+s19], $0x80, s15, s19, $0xb8;
	[tilespmem:$0x1F480] =	vst v63  }
0x76: {  	_ =	swait.ge [sflag:s25], $0x3E80  }
0x77: {  	[sflag:s25] =	ssyncset.done $0x0  }
.Ltmp1:
0x78: {  	s15 =	sadd.s32 $0x3B80, s5;
	[sflag:s25] =	ssyncadd.s32 $0xFFFFC180;
	(pc) =	sbr.rel @p0 .LBB2_4-.Ltmp1, $4  }
0x79: {  	[spmem:s1] =	stream.indirect.scatter.add.f32 [tilespmem:s22], [sflag:$0x4], $0x80, s15, s19, $0xb8;
	[tilespmem:$0x1F480] =	vst v63  }
0x7a: {  	_ =	swait.ge [sflag:s26], $0x3E80  }
0x7b: {  	[sflag:s26] =	ssyncset.done $0x0  }
0x7c: {  	s15 =	sadd.s32 $0x1480, s5;
	[sflag:s26] =	ssyncadd.s32 $0xFFFFC180  }
0x7d: {  	[tilespmem:s22], [sflag:$0x2] =	stream.indirect.gather [hbm4b:s4+s19], $0x80, s15, s19, $0xb8;
	[tilespmem:$0x1F480] =	vst v63  }
0x7e: {  	_ =	swait.ge [sflag:s23], $0x3E80  }
0x7f: {  	[sflag:s23] =	ssyncset.done $0x0  }
0x80: {  	[sflag:s23] =	ssyncadd.s32 $0xFFFFC180  }
0x81: {  	[spmem:s1] =	stream.indirect.scatter.add.f32 [tilespmem:s20], [sflag:$0x3], $0x80, s30, s19, $0xb8;
	[tilespmem:$0x1F480] =	vst v63  }
0x82: {  	_ =	swait.ge [sflag:s24], $0x3E80  }
0x83: {  	[sflag:s24] =	ssyncset.done $0x0  }
0x84: {  	[sflag:s24] =	ssyncadd.s32 $0xFFFFC180  }
0x85: {  	_ =	swait.ge [sflag:s25], $0x3E80  }
0x86: {  	[sflag:s25] =	ssyncset.done $0x0  }
0x87: {  	[sflag:s25] =	ssyncadd.s32 $0xFFFFC180  }
0x88: {  	[spmem:s1] =	stream.indirect.scatter.add.f32 [tilespmem:s22], [sflag:$0x4], $0x80, s31, s19, $0xb8;
	[tilespmem:$0x1F480] =	vst v63  }
0x89: {  	_ =	swait.ge [sflag:s26], $0x3E80  }
0x8a: {  	[sflag:s26] =	ssyncset.done $0x0  }
0x8b: {  	[sflag:s26] =	ssyncadd.s32 $0xFFFFC180  }
0x8c: {  	[bflag:$0x0] =	sbarrier.arrive $0xFFFF  }
0x8d: {  	[hbm:s9], [sflag:s17] =	dma.local [spmem:s18], $0x2710  }
0x8e: {  	_ =	swait.ge [sflag:s16], $0x2710  }
0x8f: {  	[sflag:s16] =	ssyncset.done $0x0  }
0x90: {  	[sflag:s16] =	ssyncadd.s32 $0xFFFFD8F0  }
0x91: {  	[bflag:$0x0] =	sbarrier.arrive $0xFFFF  }
0x92: {  	[spmem:s18], [sflag:s17] =	dma.local [hbm:s10], $0x2710  }
0x93: {  	_ =	swait.ge [sflag:s16], $0x2710  }
0x94: {  	[sflag:s16] =	ssyncset.done $0x0  }
0x95: {  	[sflag:s16] =	ssyncadd.s32 $0xFFFFD8F0  }
0x96: {  	s3 =	simm.s32 $0x0;
	[bflag:$0x0] =	sbarrier.arrive $0xFFFF  }
0x97: {  	[tilespmem:s3], [sflag:$0x5] =	stream.linear.gather [hbm4b:s11+s3], $0x1400, $0x38;
	[tilespmem:$0x1F480] =	vst v63  }
0x98: {  	_ =	swait.ge [sflag:s16], $0x1400  }
0x99: {  	[sflag:s16] =	ssyncset.done $0x0  }
0x9a: {  	[sflag:s16] =	ssyncadd.s32 $0xFFFFEC00  }
0x9b: {  	[tilespmem:s20], [sflag:$0x1] =	stream.indirect.gather [hbm4b:s4+s19], $0x80, s3, s19, $0xb8;
	[tilespmem:$0x1F480] =	vst v63  }
0x9c: {  	_ = 	snop  }
0x9d: {  	[tilespmem:s22], [sflag:$0x2] =	stream.indirect.gather [hbm4b:s4+s19], $0x80, s21, s19, $0xb8;
	[tilespmem:$0x1F480] =	vst v63  }
0x9e: {  	_ =	swait.ge [sflag:s23], $0x3E80  }
0x9f: {  	[sflag:s23] =	ssyncset.done $0x0  }
0xa0: {  	s15 =	simm.s32 $0x1400;
	[sflag:s23] =	ssyncadd.s32 $0xFFFFC180  }
0xa1: {  	[spmem:s1] =	stream.indirect.scatter.add.f32 [tilespmem:s20], [sflag:$0x3], $0x80, s15, s19, $0xb8;
	[tilespmem:$0x1F480] =	vst v63  }
0xa2: {  	_ =	swait.ge [sflag:s24], $0x3E80  }
0xa3: {  	[sflag:s24] =	ssyncset.done $0x0  }
0xa4: {  	s5 =	simm.s32 $0x100;
	[sflag:s24] =	ssyncadd.s32 $0xFFFFC180  }
0xa5: {  	[tilespmem:s20], [sflag:$0x1] =	stream.indirect.gather [hbm4b:s4+s19], $0x80, s5, s19, $0xb8;
	[tilespmem:$0x1F480] =	vst v63  }
0xa6: {  	_ =	swait.ge [sflag:s25], $0x3E80  }
0xa7: {  	[sflag:s25] =	ssyncset.done $0x0  }
0xa8: {  	s15 =	simm.s32 $0x1480;
	[sflag:s25] =	ssyncadd.s32 $0xFFFFC180  }
0xa9: {  	[spmem:s1] =	stream.indirect.scatter.add.f32 [tilespmem:s22], [sflag:$0x4], $0x80, s15, s19, $0xb8;
	[tilespmem:$0x1F480] =	vst v63  }
0xaa: {  	_ =	swait.ge [sflag:s26], $0x3E80  }
0xab: {  	[sflag:s26] =	ssyncset.done $0x0  }
0xac: {  	s3 =	simm.s32 $0x400;
	s15 =	simm.s32 $0x180;
	[sflag:s26] =	ssyncadd.s32 $0xFFFFC180  }
.LBB2_6:
0xad: {  	[tilespmem:s22], [sflag:$0x2] =	stream.indirect.gather [hbm4b:s4+s19], $0x80, s15, s19, $0xb8;
	[tilespmem:$0x1F480] =	vst v63  }
0xae: {  	s5 =	smov.u32 s3  }
0xaf: {  	p0 =	sne.s32 s3, $0x4800;
	s3 =	sadd.s32 $0x400, s3;
	_ =	swait.ge [sflag:s23], $0x3E80  }
0xb0: {  	s5 =	sshra.s32 s5, $0x2;
	[sflag:s23] =	ssyncset.done $0x0  }
0xb1: {  	s15 =	sadd.s32 $0x1400, s5;
	[sflag:s23] =	ssyncadd.s32 $0xFFFFC180  }
0xb2: {  	[spmem:s1] =	stream.indirect.scatter.add.f32 [tilespmem:s20], [sflag:$0x3], $0x80, s15, s19, $0xb8;
	[tilespmem:$0x1F480] =	vst v63  }
0xb3: {  	_ =	swait.ge [sflag:s24], $0x3E80  }
0xb4: {  	[sflag:s24] =	ssyncset.done $0x0  }
0xb5: {  	s15 =	sadd.s32 $0x100, s5;
	[sflag:s24] =	ssyncadd.s32 $0xFFFFC180  }
0xb6: {  	[tilespmem:s20], [sflag:$0x1] =	stream.indirect.gather [hbm4b:s4+s19], $0x80, s15, s19, $0xb8;
	[tilespmem:$0x1F480] =	vst v63  }
0xb7: {  	_ =	swait.ge [sflag:s25], $0x3E80  }
0xb8: {  	[sflag:s25] =	ssyncset.done $0x0  }
.Ltmp2:
0xb9: {  	s15 =	sadd.s32 $0x1480, s5;
	[sflag:s25] =	ssyncadd.s32 $0xFFFFC180;
	(pc) =	sbr.rel @p0 .LBB2_6-.Ltmp2, $4  }
0xba: {  	[spmem:s1] =	stream.indirect.scatter.add.f32 [tilespmem:s22], [sflag:$0x4], $0x80, s15, s19, $0xb8;
	[tilespmem:$0x1F480] =	vst v63  }
0xbb: {  	_ =	swait.ge [sflag:s26], $0x3E80  }
0xbc: {  	[sflag:s26] =	ssyncset.done $0x0  }
0xbd: {  	s15 =	sadd.s32 $0x180, s5;
	[sflag:s26] =	ssyncadd.s32 $0xFFFFC180  }
0xbe: {  	[tilespmem:s22], [sflag:$0x2] =	stream.indirect.gather [hbm4b:s4+s19], $0x80, s15, s19, $0xb8;
	[tilespmem:$0x1F480] =	vst v63  }
0xbf: {  	_ =	swait.ge [sflag:s23], $0x3E80  }
0xc0: {  	[sflag:s23] =	ssyncset.done $0x0  }
0xc1: {  	[sflag:s23] =	ssyncadd.s32 $0xFFFFC180  }
0xc2: {  	[spmem:s1] =	stream.indirect.scatter.add.f32 [tilespmem:s20], [sflag:$0x3], $0x80, s28, s19, $0xb8;
	[tilespmem:$0x1F480] =	vst v63  }
0xc3: {  	_ =	swait.ge [sflag:s24], $0x3E80  }
0xc4: {  	[sflag:s24] =	ssyncset.done $0x0  }
0xc5: {  	[sflag:s24] =	ssyncadd.s32 $0xFFFFC180  }
0xc6: {  	_ =	swait.ge [sflag:s25], $0x3E80  }
0xc7: {  	[sflag:s25] =	ssyncset.done $0x0  }
0xc8: {  	[sflag:s25] =	ssyncadd.s32 $0xFFFFC180  }
0xc9: {  	[spmem:s1] =	stream.indirect.scatter.add.f32 [tilespmem:s22], [sflag:$0x4], $0x80, s29, s19, $0xb8;
	[tilespmem:$0x1F480] =	vst v63  }
0xca: {  	_ =	swait.ge [sflag:s26], $0x3E80  }
0xcb: {  	[sflag:s26] =	ssyncset.done $0x0  }
0xcc: {  	[sflag:s26] =	ssyncadd.s32 $0xFFFFC180  }
0xcd: {  	[tilespmem:s2], [sflag:$0x5] =	stream.linear.gather [hbm4b:s12+s2], $0x1400, $0x38;
	[tilespmem:$0x1F480] =	vst v63  }
0xce: {  	_ =	swait.ge [sflag:s16], $0x1400  }
0xcf: {  	[sflag:s16] =	ssyncset.done $0x0  }
0xd0: {  	[sflag:s16] =	ssyncadd.s32 $0xFFFFEC00  }
0xd1: {  	[tilespmem:s20], [sflag:$0x1] =	stream.indirect.gather [hbm4b:s4+s19], $0x80, s2, s19, $0xb8;
	[tilespmem:$0x1F480] =	vst v63  }
0xd2: {  	_ = 	snop  }
0xd3: {  	[tilespmem:s22], [sflag:$0x2] =	stream.indirect.gather [hbm4b:s4+s19], $0x80, s21, s19, $0xb8;
	[tilespmem:$0x1F480] =	vst v63  }
0xd4: {  	_ =	swait.ge [sflag:s23], $0x3E80  }
0xd5: {  	[sflag:s23] =	ssyncset.done $0x0  }
0xd6: {  	s3 =	simm.s32 $0x2800;
	[sflag:s23] =	ssyncadd.s32 $0xFFFFC180  }
0xd7: {  	[spmem:s1] =	stream.indirect.scatter.add.f32 [tilespmem:s20], [sflag:$0x3], $0x80, s3, s19, $0xb8;
	[tilespmem:$0x1F480] =	vst v63  }
0xd8: {  	_ =	swait.ge [sflag:s24], $0x3E80  }
0xd9: {  	[sflag:s24] =	ssyncset.done $0x0  }
0xda: {  	s5 =	simm.s32 $0x100;
	[sflag:s24] =	ssyncadd.s32 $0xFFFFC180  }
0xdb: {  	[tilespmem:s20], [sflag:$0x1] =	stream.indirect.gather [hbm4b:s4+s19], $0x80, s5, s19, $0xb8;
	[tilespmem:$0x1F480] =	vst v63  }
0xdc: {  	_ =	swait.ge [sflag:s25], $0x3E80  }
0xdd: {  	[sflag:s25] =	ssyncset.done $0x0  }
0xde: {  	s15 =	simm.s32 $0x2880;
	[sflag:s25] =	ssyncadd.s32 $0xFFFFC180  }
0xdf: {  	[spmem:s1] =	stream.indirect.scatter.add.f32 [tilespmem:s22], [sflag:$0x4], $0x80, s15, s19, $0xb8;
	[tilespmem:$0x1F480] =	vst v63  }
0xe0: {  	_ =	swait.ge [sflag:s26], $0x3E80  }
0xe1: {  	[sflag:s26] =	ssyncset.done $0x0  }
0xe2: {  	s3 =	simm.s32 $0xFFFFB800;
	s15 =	simm.s32 $0x180;
	[sflag:s26] =	ssyncadd.s32 $0xFFFFC180  }
.LBB2_8:
0xe3: {  	[tilespmem:s22], [sflag:$0x2] =	stream.indirect.gather [hbm4b:s4+s19], $0x80, s15, s19, $0xb8;
	[tilespmem:$0x1F480] =	vst v63  }
0xe4: {  	s5 =	smov.u32 s3  }
0xe5: {  	p0 =	sne.s32 s3, $0xFFFFFC00;
	s3 =	sadd.s32 $0x400, s3;
	_ =	swait.ge [sflag:s23], $0x3E80  }
0xe6: {  	s5 =	sshra.s32 s5, $0x2;
	[sflag:s23] =	ssyncset.done $0x0  }
0xe7: {  	s15 =	sadd.s32 $0x3B00, s5;
	[sflag:s23] =	ssyncadd.s32 $0xFFFFC180  }
0xe8: {  	[spmem:s1] =	stream.indirect.scatter.add.f32 [tilespmem:s20], [sflag:$0x3], $0x80, s15, s19, $0xb8;
	[tilespmem:$0x1F480] =	vst v63  }
0xe9: {  	_ =	swait.ge [sflag:s24], $0x3E80  }
0xea: {  	[sflag:s24] =	ssyncset.done $0x0  }
0xeb: {  	s15 =	sadd.s32 $0x1400, s5;
	[sflag:s24] =	ssyncadd.s32 $0xFFFFC180  }
0xec: {  	[tilespmem:s20], [sflag:$0x1] =	stream.indirect.gather [hbm4b:s4+s19], $0x80, s15, s19, $0xb8;
	[tilespmem:$0x1F480] =	vst v63  }
0xed: {  	_ =	swait.ge [sflag:s25], $0x3E80  }
0xee: {  	[sflag:s25] =	ssyncset.done $0x0  }
.Ltmp3:
0xef: {  	s15 =	sadd.s32 $0x3B80, s5;
	[sflag:s25] =	ssyncadd.s32 $0xFFFFC180;
	(pc) =	sbr.rel @p0 .LBB2_8-.Ltmp3, $4  }
0xf0: {  	[spmem:s1] =	stream.indirect.scatter.add.f32 [tilespmem:s22], [sflag:$0x4], $0x80, s15, s19, $0xb8;
	[tilespmem:$0x1F480] =	vst v63  }
0xf1: {  	_ =	swait.ge [sflag:s26], $0x3E80  }
0xf2: {  	[sflag:s26] =	ssyncset.done $0x0  }
0xf3: {  	s15 =	sadd.s32 $0x1480, s5;
	[sflag:s26] =	ssyncadd.s32 $0xFFFFC180  }
0xf4: {  	[tilespmem:s22], [sflag:$0x2] =	stream.indirect.gather [hbm4b:s4+s19], $0x80, s15, s19, $0xb8;
	[tilespmem:$0x1F480] =	vst v63  }
0xf5: {  	_ =	swait.ge [sflag:s23], $0x3E80  }
0xf6: {  	[sflag:s23] =	ssyncset.done $0x0  }
0xf7: {  	[sflag:s23] =	ssyncadd.s32 $0xFFFFC180  }
0xf8: {  	[spmem:s1] =	stream.indirect.scatter.add.f32 [tilespmem:s20], [sflag:$0x3], $0x80, s30, s19, $0xb8;
	[tilespmem:$0x1F480] =	vst v63  }
0xf9: {  	_ =	swait.ge [sflag:s24], $0x3E80  }
0xfa: {  	[sflag:s24] =	ssyncset.done $0x0  }
0xfb: {  	[sflag:s24] =	ssyncadd.s32 $0xFFFFC180  }
0xfc: {  	_ =	swait.ge [sflag:s25], $0x3E80  }
0xfd: {  	[sflag:s25] =	ssyncset.done $0x0  }
0xfe: {  	[sflag:s25] =	ssyncadd.s32 $0xFFFFC180  }
0xff: {  	[spmem:s1] =	stream.indirect.scatter.add.f32 [tilespmem:s22], [sflag:$0x4], $0x80, s31, s19, $0xb8;
	[tilespmem:$0x1F480] =	vst v63  }
0x100: {  	_ =	swait.ge [sflag:s26], $0x3E80  }
0x101: {  	s0 =	sadd.s32 $0x1, s0;
	[sflag:s26] =	ssyncset.done $0x0  }
0x102: {  	p0 =	sne.s32 s0, s14;
	[sflag:s26] =	ssyncadd.s32 $0xFFFFC180  }
.Ltmp4:
0x103: {  	[bflag:$0x0] =	sbarrier.arrive $0xFFFF;
	(pc) =	sbr.rel @p0 .LBB2_1-.Ltmp4, $4  }
0x104: {  	[hbm:s13], [sflag:s17] =	dma.local [spmem:s18], $0x2710  }
0x105: {  	_ =	swait.ge [sflag:s16], $0x2710  }
0x106: {  	[sflag:s16] =	ssyncset.done $0x0  }
0x107: {  	[sflag:s16] =	ssyncadd.s32 $0xFFFFD8F0  }
0x108: {  	_ =	sfence.sel $0x180000  }
0x109: {  	[bflag:$0x0] =	sbarrier.arrive $0xFFFF  }
0x10a: {  	_ =	strace $0x9000004D  }
0x10b: {  	s0 =	stileid.u32;
	[bflag:$0x2] =	sbarrier.arrive $0xFFFF  }
0x10c: {  	p0 =	sne.s32 s0, $0x0;
	s0 =	rddreg [dreg:$0x2]  }
0x10d: {  	s0 =	sadd.s32 @!p0 $0x100000, s0  }
0x10e: {  	[sflag:s0] =	ssyncadd.tile.s32 @!p0 $0x1;
	_ =	shalt  }
.Lfunc_end2:
_tile_overlayer_lowered:
.L_overlay_start_2:
0x10f: {  	(tag) =	ssettag $0x2  }
0x110: {  	s0 =	rddreg [dreg:$0x0];
	s2 =	stileid.u32  }
0x111: {  	s1 =	rddreg [dreg:$0x1];
	p0 =	sne.s32 s2, $0x0  }
0x112: {  	s3 =	rddreg [dreg:$0x2];
	[bflag:$0x3] =	sbarrier.arrive $0xFFFF;
	s2 =	simm.s32 @!p0 $0x1C05  }
0x113: {  	[timem:s3], [sflag:s2] =	dma.local @!p0 [hbm:s0], s1  }
0x114: {  	s0 =	simm.s32 @!p0 $0x5  }
0x115: {  	_ =	swait.ge @!p0 [sflag:s0], s1  }
0x116: {  	s1 =	ssub.s32 @!p0 $0x0, s1;
	[sflag:s0] =	ssyncset.done @!p0 $0x0  }
0x117: {  	[sflag:s0] =	ssyncadd.s32 @!p0 s1  }
0x118: {  	[bflag:$0x3] =	sbarrier.arrive $0xFFFF  }
0x119: {  	_ =	shalt  }

// kernel: kernel.25.cloned.1.call-start
scs
__scs_entry_jumppad:
0x0: {  	(pc) =	sbr.rel $0x88, $3  }
0x1: {  	(tag) =	ssettag $0x0;
	lr =	simm.s32 $0x1  }
0x2: {  	[smem:$0x3F8A] =	sst lr;
	_ =	strace $0xD0000000  }
0x3: {  	_ = 	snop  }
0x4: {  	_ = 	snop  }
0x5: {  	_ = 	snop  }
0x6: {  	_ = 	snop  }
0x7: {  	_ = 	snop  }
__scs_overlays_trampoline_lowered:
0x8: {  	[smem:$0x3F99] =	sst s0  }
0x9: {  	[smem:$0x3F9A] =	sst s1  }
0xa: {  	[smem:$0x3F9B] =	sst s2  }
0xb: {  	[smem:$0x3F9C] =	sst s3  }
0xc: {  	[smem:$0x3F9D] =	sst s4  }
0xd: {  	[smem:$0x3F9E] =	sst s5  }
0xe: {  	[smem:$0x3F9F] =	sst s6  }
0xf: {  	[smem:$0x3FA0] =	sst s7  }
0x10: {  	[smem:$0x3FA1] =	sst s8  }
0x11: {  	[smem:$0x3FA2] =	sst s9;
	s0 =	simm.s32 @!p0 $0x0  }
0x12: {  	s1 =	sld [smem:$0x3F88];
	s0 =	simm.s32 @p0 $0x1  }
0x13: {  	[smem:$0x3FA3] =	sst s0;
	s0 =	simm.s32 @!p1 $0x0  }
0x14: {  	s2 =	sld [smem:$0x3F87];
	s0 =	simm.s32 @p1 $0x1  }
0x15: {  	[smem:$0x3FA4] =	sst s0;
	s0 =	simm.s32 @!p2 $0x0  }
0x16: {  	s3 =	sld [smem:$0x3FDB];
	s0 =	simm.s32 @p2 $0x1  }
0x17: {  	s4 =	simm.s32 $0x1BF5;
	[smem:$0x3FA6] =	sst s0  }
0x18: {  	s0 =	sld [smem:$0x3F89];
	_ =	swait.ge [sflag:s4], $0x0  }
0x19: {  	s7 =	sld [smem:$0x3F8A]  }
0x1a: {  	s8 =	sadd.s32 $0xFFFFE003, lr  }
0x1b: {  	s9 =	sadd.s32 $0xFFFFFEF7, lr;
	s5 =	simm.s32 $0xFFFFFFFF;
	p2 =	slt.u32 s8, $0xFFFFF086  }
0x1c: {  	p1 =	slt.u32 s9, $0xF7A;
	s5 =	simm.s32 @!p2 $0x0  }
0x1d: {  	s5 =	simm.s32 @p1 $0x1;
	p0 =	seq.s32 s7, s2  }
0x1e: {  	s7 =	smul.u32 @!p0 $0xF7A, s2;
	p2 =	seq.s32 @!p0 s5, $0x0  }
0x1f: {  	s9 =	smul.u32 $0xF7A, s1;
	s8 =	simm.s32 @!p0 $0x1BF5;
	p2 =	por !p2, p0  }
0x20: {  	[sflag:s8] =	ssyncset.s32 @!p0 $0xFFFFF086;
	s6 =	sadd.s32 @!p0 s3, s7;
	s7 =	simm.s32 @!p0 $0x108  }
0x21: {  	s3 =	sadd.s32 s3, s9;
	s6 =	sadd.s32 @!p0 $0x88, s6;
	s7 =	simm.s32 @p2 $0x1082  }
0x22: {  	[simem:s7], [sflag:s8] =	dma.local @!p0 [hbm:s6], $0xF7A  }
0x23: {  	s9 =	sor.u32 $0xD0000000, s2;
	s6 =	simm.s32 $0x108;
	_ =	swait.ge @!p0 [sflag:s8], $0x0  }
0x24: {  	s3 =	sadd.s32 $0x88, s3;
	s6 =	simm.s32 @!p1 $0x1082;
	[sflag:s4] =	ssyncset.s32 $0xFFFFF086  }
0x25: {  	[simem:s6], [sflag:s4] =	dma.local [hbm:s3], $0xF7A  }
0x26: {  	[smem:$0x3F8A] =	sst s1;
	(tag) =	ssettag s2;
	_ =	strace s9  }
0x27: {  	s1 =	sld [smem:$0x3F9A]  }
0x28: {  	s2 =	sld [smem:$0x3F9B]  }
0x29: {  	s4 =	sld [smem:$0x3F9D]  }
0x2a: {  	p0 =	seq.s32 s5, $0x0;
	s5 =	sld [smem:$0x3F9E]  }
0x2b: {  	s6 =	sld [smem:$0x3F9F]  }
0x2c: {  	s7 =	sld [smem:$0x3FA0]  }
0x2d: {  	s3 =	simm.s32 $0x108;
	s8 =	sld [smem:$0x3FA1]  }
0x2e: {  	s3 =	simm.s32 @!p0 $0x1082;
	s9 =	sld [smem:$0x3FA2]  }
0x2f: {  	lr =	sadd.s32 s0, s3;
	s0 =	sld [smem:$0x3F99]  }
0x30: {  	s3 =	sld [smem:$0x3F9C]  }
0x31: {  	[smem:$0x3FA5] =	sst s10  }
0x32: {  	s10 =	sld [smem:$0x3FA3];
	_ =	sdelay $0x3  }
0x33: {  	p0 =	seq.s32 s10, $0x1;
	s10 =	sld [smem:$0x3FA5];
	_ =	sdelay $0x3  }
0x34: {  	[smem:$0x3FA5] =	sst s10  }
0x35: {  	s10 =	sld [smem:$0x3FA4];
	_ =	sdelay $0x3  }
0x36: {  	p1 =	seq.s32 s10, $0x1;
	s10 =	sld [smem:$0x3FA5];
	_ =	sdelay $0x3  }
0x37: {  	[smem:$0x3FA5] =	sst s10  }
0x38: {  	s10 =	sld [smem:$0x3FA6]  }
0x39: {  	_ = 	snop;
	(pc) =	sbr.ind lr, $3  }
0x3a: {  	_ = 	snop  }
0x3b: {  	_ = 	snop  }
0x3c: {  	p2 =	seq.s32 s10, $0x1;
	s10 =	sld [smem:$0x3FA5]  }
0x3d: {  	_ =	shalt  }
0x3e: {  	_ =	shalt  }
0x3f: {  	_ =	shalt  }
0x40: {  	_ =	shalt  }
0x41: {  	_ =	shalt  }
0x42: {  	_ =	shalt  }
0x43: {  	_ =	shalt  }
0x44: {  	_ =	shalt  }
0x45: {  	_ =	shalt  }
0x46: {  	_ =	shalt  }
0x47: {  	_ =	shalt  }
0x48: {  	_ =	shalt  }
0x49: {  	_ =	shalt  }
0x4a: {  	_ =	shalt  }
0x4b: {  	_ =	shalt  }
0x4c: {  	_ =	shalt  }
0x4d: {  	_ =	shalt  }
0x4e: {  	_ =	shalt  }
0x4f: {  	_ =	shalt  }
0x50: {  	_ =	shalt  }
0x51: {  	_ =	shalt  }
0x52: {  	_ =	shalt  }
0x53: {  	_ =	shalt  }
0x54: {  	_ =	shalt  }
0x55: {  	_ =	shalt  }
0x56: {  	_ =	shalt  }
0x57: {  	_ =	shalt  }
0x58: {  	_ =	shalt  }
0x59: {  	_ =	shalt  }
0x5a: {  	_ =	shalt  }
0x5b: {  	_ =	shalt  }
0x5c: {  	_ =	shalt  }
0x5d: {  	_ =	shalt  }
0x5e: {  	_ =	shalt  }
0x5f: {  	_ =	shalt  }
0x60: {  	_ =	shalt  }
0x61: {  	_ =	shalt  }
0x62: {  	_ =	shalt  }
0x63: {  	_ =	shalt  }
0x64: {  	_ =	shalt  }
0x65: {  	_ =	shalt  }
0x66: {  	_ =	shalt  }
0x67: {  	_ =	shalt  }
0x68: {  	_ =	shalt  }
0x69: {  	_ =	shalt  }
0x6a: {  	_ =	shalt  }
0x6b: {  	_ =	shalt  }
0x6c: {  	_ =	shalt  }
0x6d: {  	_ =	shalt  }
0x6e: {  	_ =	shalt  }
0x6f: {  	_ =	shalt  }
0x70: {  	_ =	shalt  }
0x71: {  	_ =	shalt  }
0x72: {  	_ =	shalt  }
0x73: {  	_ =	shalt  }
0x74: {  	_ =	shalt  }
0x75: {  	_ =	shalt  }
0x76: {  	_ =	shalt  }
0x77: {  	_ =	shalt  }
0x78: {  	_ =	shalt  }
0x79: {  	_ =	shalt  }
0x7a: {  	_ =	shalt  }
0x7b: {  	_ =	shalt  }
0x7c: {  	_ =	shalt  }
0x7d: {  	_ =	shalt  }
0x7e: {  	_ =	shalt  }
0x7f: {  	_ =	shalt  }
0x80: {  	_ =	shalt  }
0x81: {  	_ =	shalt  }
0x82: {  	_ =	shalt  }
0x83: {  	_ =	shalt  }
0x84: {  	_ =	shalt  }
0x85: {  	_ =	shalt  }
0x86: {  	_ =	shalt  }
0x87: {  	_ =	shalt  }
.Lfunc_end0:
.L_simem_size_0:
called_computation.3_lowered:
.L_overlay_start_0:
0x88: {  	s2 =	sld [smem:$0x3FD9]  }
0x89: {  	s3 =	sld [smem:$0x3FFE];
	_ =	sdelay $0x1  }
0x8a: {  	s1 =	srdreg.scid  }
0x8b: {  	s0 =	sand.u32 $0x1, s1  }
0x8c: {  	s16 =	sshll.u32 s0, $0xA;
	s2 =	sadd.s32 s3, s2  }
0x8d: {  	s2 =	sadd.s32 s2, s16  }
0x8e: {  	[smem:$0x3FB1] =	sst s2  }
0x8f: {  	_ = 	snop  }
0x90: {  	(tm) =	ssettm $0x1  }
0x91: {  	s17 =	sld [smem:$0x3FFB];
	_ =	sdelay $0x3  }
0x92: {  	_ =	strace s17  }
0x93: {  	s2 =	sld [smem:$0x3FFC];
	_ =	sdelay $0x3  }
0x94: {  	_ =	strace s2  }
0x95: {  	s2 =	sld [smem:$0x3FFD];
	_ =	sdelay $0x3  }
0x96: {  	_ =	strace s2  }
0x97: {  	_ =	strace $0x8FFFFFFF  }
0x98: {  	s18 =	sld [smem:$0x3FDB];
	_ =	sdelay $0x1  }
0x99: {  	s19 =	simm.s32 $_scs_section_size  }
0x9a: {  	s4 =	simm.s32 $_size__tile_overlayer_lowered;
	s5 =	simm.s32 $_tile_overlayer_lowered  }
0x9b: {  	s22 =	simm.s32 $0x1BFF;
	s21 =	sshll.u32 s5, $0x1;
	s2 =	sadd.s32 s19, s18  }
0x9c: {  	s6 =	simm.s32 $0x0;
	s20 =	sshll.u32 s4, $0x1;
	s4 =	sadd.s32 s21, s2  }
0x9d: {  	[timem:s6], [sflag:s22] =	dma.local [hbm:s4], s20  }
0x9e: {  	_ =	swait.ge [sflag:s22], s20  }
0x9f: {  	s3 =	ssub.s32 $0x0, s20;
	[sflag:s22] =	ssyncset.done $0x0  }
0xa0: {  	[sflag:s22] =	ssyncadd.s32 s3;
	_ =	sdelay $0x1  }
0xa1: {  	s23 =	simm.s32 $0x1B8B  }
0xa2: {  	_ =	swait.ge [sflag:s23], $0x1  }
0xa3: {  	[sflag:s23] =	ssyncset.done $0x0  }
0xa4: {  	s25 =	simm.s32 $0x1B8E;
	s24 =	sld [smem:$0x3FFE];
	[sflag:s23] =	ssyncadd.s32 $0xFFFFFFFF  }
0xa5: {  	s26 =	simm.s32 $execute0_lowered;
	[smem:$0x3FD2] =	sst s25  }
0xa6: {  	s4 =	sshll.u32 s26, $0x1;
	_ =	strace $0x8000004F;
	[dreg:$0x1] =	wrdreg $0xFFFFFFFF  }
0xa7: {  	s28 =	simm.s32 $_size_execute0_lowered;
	s2 =	sadd.s32 s2, s4;
	[dreg:$0x0] =	wrdreg $0x0  }
0xa8: {  	s4 =	sshll.u32 s28, $0x1;
	[dreg:$0x2] =	wrdreg s2  }
0xa9: {  	[dreg:$0x3] =	wrdreg s4  }
0xaa: {  	[dreg:$0x4] =	wrdreg $0xC0  }
0xab: {  	_ =	task [dreg:s6], $0x5FFFF  }
0xac: {  	[dreg:$0x1] =	wrdreg $0xFFFFFFFF  }
0xad: {  	[dreg:$0x0] =	wrdreg $0x60  }
0xae: {  	[dreg:$0x2] =	wrdreg s24  }
0xaf: {  	[dreg:$0x3] =	wrdreg $0xBC000  }
0xb0: {  	[dreg:$0x4] =	wrdreg $0x9  }
0xb1: {  	_ =	task.clear_ibuf [dreg:s6], $0x5FFFF;
	_ =	strace $0x9000004F  }
0xb2: {  	s29 =	simm.s32 $0x9;
	_ =	strace $0x80000051  }
0xb3: {  	_ =	swait.ge [sflag:s29], $0x1  }
0xb4: {  	[sflag:s29] =	ssyncadd.s32 $0xFFFFFFFF  }
0xb5: {  	_ =	strace $0x90000051  }
0xb6: {  	_ =	sfence  }
0xb7: {  	s30 =	sld [smem:$0x0];
	_ =	sdelay $0x2  }
0xb8: {  	s31 =	sshll.u32 s1, $0xD;
	s1 =	sshrl.u32 s1, $0x2  }
0xb9: {  	s3 =	sand.u32 $0x4000, s31;
	s1 =	sadd.s32 s1, s30  }
0xba: {  	s0 =	sor.u32 s3, s0;
	s1 =	sshll.u32 s1, $0x11  }
0xbb: {  	s0 =	sor.u32 s1, s0  }
0xbc: {  	s0 =	sadd.s32 $0x8F2B, s0  }
0xbd: {  	[sflag:s0] =	ssyncadd.remote.s32 $0x1  }
0xbe: {  	_ =	sfence.sel $0xFFFF  }
0xbf: {  	[dreg:$0x0] =	wrdreg $0xFFFFFFFF;
	(pc) =	sbr.abs _section_cstart, $3  }
0xc0: {  	[dreg:$0x1] =	wrdreg $0xFFFFFFFF  }
0xc1: {  	_ =	task.clear_ibuf [dreg:s6], $0x2FFFF;
	_ =	strace $0x9FFFFFFF  }
0xc2: {  	(tm) =	ssettm $0x7FFFFFFF  }
0xc3: {  	_ =	shalt  }
tec
execute0_lowered:
.L_overlay_start_1:
0x0: {  	(tag) =	ssettag $0x1  }
0x1: {  	s0 =	rddreg [dreg:$0x0]  }
0x2: {  	s1 =	rddreg [dreg:$0x1];
	s2 =	simm.s32 $0x0;
	s3 =	srdreg.scid  }
0x3: {  	s17 =	stileid.u32;
	s19 =	simm.s32 $0x7D;
	s20 =	simm.s32 $0x3C00  }
0x4: {  	s21 =	simm.s32 $0x80;
	s28 =	simm.s32 $0x2700;
	s29 =	simm.s32 $0x2780  }
0x5: {  	s30 =	simm.s32 $0x3B00;
	s31 =	simm.s32 $0x3B80;
	[smem:$0x7FF] =	sst s2  }
0x6: {  	s4 =	sadd.s32 $0xBA00, s0;
	s10 =	sadd.s32 $0x164C00, s0;
	s5 =	smul.u32 $0x500, s17  }
0x7: {  	s3 =	sand.u32 $0x1, s3;
	s12 =	sadd.s32 $0x150C00, s0;
	s7 =	smul.u32 $0x4E200, s17  }
0x8: {  	s26 =	sshll.u32 s17, $0x6;
	_ =	strace $0x80000050;
	s6 =	sshll.u32 s3, $0x5  }
0x9: {  	s3 =	ssub.s32 $0x2, s3;
	s6 =	sor.u32 s17, s6;
	s5 =	sadd.s32 s5, s0  }
0xa: {  	s8 =	sshrl.u32 s3, $0x1;
	s0 =	sadd.s32 $0x202C00, s0;
	s9 =	smul.u32 $0x2780, s6  }
0xb: {  	s7 =	sshrl.u32 s7, $0x2;
	s17 =	sor.u32 $0x1C05, s26;
	s22 =	smul.u32 $0x500, s6  }
0xc: {  	s26 =	simm.s32 $0x4;
	s11 =	smul.u32 $0x2800, s6;
	s13 =	sor.u32 $0x10, s6  }
0xd: {  	s3 =	ssub.s32 s3, s8;
	s5 =	sadd.s32 $0x6A00, s5;
	s14 =	smul.u32 $0x2780, s13  }
0xe: {  	s15 =	sadd.s32 s7, s1;
	[dreg:$0x3] =	wrdreg s5;
	s16 =	smul.u32 $0x2800, s13  }
0xf: {  	s24 =	smul.u32 $0x500, s13;
	s18 =	sshrl.u32 s15, $0x3;
	s6 =	sadd.s32 s10, s9  }
0x10: {  	s11 =	sshrl.u32 s11, $0x3;
	s7 =	sadd.s32 s12, s22;
	s9 =	sadd.s32 s0, s9  }
0x11: {  	s22 =	simm.s32 $0x7C00;
	s23 =	sadd.s32 s12, s11;
	s25 =	sshrl.u32 s16, $0x3  }
0x12: {  	s10 =	sadd.s32 s10, s14;
	s11 =	sadd.s32 s12, s24;
	s13 =	sadd.s32 s0, s14  }
0x13: {  	s14 =	smax.u32 s3, $0x1;
	s16 =	simm.s32 $0x5;
	s24 =	simm.s32 $0x3  }
0x14: {  	s0 =	simm.s32 $0x0;
	s8 =	sadd.s32 $0x280, s23;
	s12 =	sadd.s32 s12, s25  }
0x15: {  	s23 =	simm.s32 $0x1;
	s25 =	simm.s32 $0x2;
	s12 =	sadd.s32 $0x280, s12  }
.LBB2_1:
0x16: {  	s3 =	rddreg [dreg:$0x3];
	s5 =	simm.s32 $0x1400  }
0x17: {  	[tilespmem:s5], [sflag:$0x5] =	stream.linear.gather [hbm4b:s3+s2], $0x2800, $0x38;
	[tilespmem:$0x1F480] =	vst v63  }
0x18: {  	_ =	swait.ge [sflag:s16], $0x2800  }
0x19: {  	[sflag:s16] =	ssyncset.done $0x0  }
0x1a: {  	[sflag:s16] =	ssyncadd.s32 $0xFFFFD800  }
0x1b: {  	[spmem:s18], [sflag:s17] =	dma.local [hbm:s6], $0x2710  }
0x1c: {  	_ =	swait.ge [sflag:s16], $0x2710  }
0x1d: {  	[sflag:s16] =	ssyncset.done $0x0  }
0x1e: {  	[sflag:s16] =	ssyncadd.s32 $0xFFFFD8F0  }
0x1f: {  	[bflag:$0x0] =	sbarrier.arrive $0xFFFF  }
0x20: {  	[tilespmem:s2], [sflag:$0x5] =	stream.linear.gather [hbm4b:s7+s2], $0x1400, $0x38;
	[tilespmem:$0x1F480] =	vst v63  }
0x21: {  	_ =	swait.ge [sflag:s16], $0x1400  }
0x22: {  	[sflag:s16] =	ssyncset.done $0x0  }
0x23: {  	[sflag:s16] =	ssyncadd.s32 $0xFFFFEC00  }
0x24: {  	[tilespmem:s20], [sflag:$0x1] =	stream.indirect.gather [hbm4b:s4+s19], $0x80, s2, s19, $0xb8;
	[tilespmem:$0x1F480] =	vst v63  }
0x25: {  	_ = 	snop  }
0x26: {  	[tilespmem:s22], [sflag:$0x2] =	stream.indirect.gather [hbm4b:s4+s19], $0x80, s21, s19, $0xb8;
	[tilespmem:$0x1F480] =	vst v63  }
0x27: {  	_ =	swait.ge [sflag:s23], $0x3E80  }
0x28: {  	[sflag:s23] =	ssyncset.done $0x0  }
0x29: {  	s15 =	simm.s32 $0x1400;
	[sflag:s23] =	ssyncadd.s32 $0xFFFFC180  }
0x2a: {  	[spmem:s1] =	stream.indirect.scatter.add.f32 [tilespmem:s20], [sflag:$0x3], $0x80, s15, s19, $0xb8;
	[tilespmem:$0x1F480] =	vst v63  }
0x2b: {  	_ =	swait.ge [sflag:s24], $0x3E80  }
0x2c: {  	[sflag:s24] =	ssyncset.done $0x0  }
0x2d: {  	s5 =	simm.s32 $0x100;
	[sflag:s24] =	ssyncadd.s32 $0xFFFFC180  }
0x2e: {  	[tilespmem:s20], [sflag:$0x1] =	stream.indirect.gather [hbm4b:s4+s19], $0x80, s5, s19, $0xb8;
	[tilespmem:$0x1F480] =	vst v63  }
0x2f: {  	_ =	swait.ge [sflag:s25], $0x3E80  }
0x30: {  	[sflag:s25] =	ssyncset.done $0x0  }
0x31: {  	s15 =	simm.s32 $0x1480;
	[sflag:s25] =	ssyncadd.s32 $0xFFFFC180  }
0x32: {  	[spmem:s1] =	stream.indirect.scatter.add.f32 [tilespmem:s22], [sflag:$0x4], $0x80, s15, s19, $0xb8;
	[tilespmem:$0x1F480] =	vst v63  }
0x33: {  	_ =	swait.ge [sflag:s26], $0x3E80  }
0x34: {  	[sflag:s26] =	ssyncset.done $0x0  }
0x35: {  	s3 =	simm.s32 $0x400;
	s15 =	simm.s32 $0x180;
	[sflag:s26] =	ssyncadd.s32 $0xFFFFC180  }
.LBB2_2:
0x36: {  	[tilespmem:s22], [sflag:$0x2] =	stream.indirect.gather [hbm4b:s4+s19], $0x80, s15, s19, $0xb8;
	[tilespmem:$0x1F480] =	vst v63  }
0x37: {  	s15 =	smov.u32 s3  }
0x38: {  	p0 =	sne.s32 s3, $0x4800;
	s3 =	sadd.s32 $0x400, s3;
	_ =	swait.ge [sflag:s23], $0x3E80  }
0x39: {  	s15 =	sshra.s32 s15, $0x2;
	[sflag:s23] =	ssyncset.done $0x0  }
0x3a: {  	s5 =	sadd.s32 $0x1400, s15;
	[sflag:s23] =	ssyncadd.s32 $0xFFFFC180  }
0x3b: {  	[spmem:s1] =	stream.indirect.scatter.add.f32 [tilespmem:s20], [sflag:$0x3], $0x80, s5, s19, $0xb8;
	[tilespmem:$0x1F480] =	vst v63  }
0x3c: {  	_ =	swait.ge [sflag:s24], $0x3E80  }
0x3d: {  	[sflag:s24] =	ssyncset.done $0x0  }
0x3e: {  	s5 =	sadd.s32 $0x100, s15;
	[sflag:s24] =	ssyncadd.s32 $0xFFFFC180  }
0x3f: {  	[tilespmem:s20], [sflag:$0x1] =	stream.indirect.gather [hbm4b:s4+s19], $0x80, s5, s19, $0xb8;
	[tilespmem:$0x1F480] =	vst v63  }
0x40: {  	_ =	swait.ge [sflag:s25], $0x3E80  }
0x41: {  	[sflag:s25] =	ssyncset.done $0x0  }
.Ltmp0:
0x42: {  	s5 =	sadd.s32 $0x1480, s15;
	[sflag:s25] =	ssyncadd.s32 $0xFFFFC180;
	(pc) =	sbr.rel @p0 .LBB2_2-.Ltmp0, $4  }
0x43: {  	[spmem:s1] =	stream.indirect.scatter.add.f32 [tilespmem:s22], [sflag:$0x4], $0x80, s5, s19, $0xb8;
	[tilespmem:$0x1F480] =	vst v63  }
0x44: {  	_ =	swait.ge [sflag:s26], $0x3E80  }
0x45: {  	[sflag:s26] =	ssyncset.done $0x0  }
0x46: {  	s15 =	sadd.s32 $0x180, s15;
	[sflag:s26] =	ssyncadd.s32 $0xFFFFC180  }
0x47: {  	[tilespmem:s22], [sflag:$0x2] =	stream.indirect.gather [hbm4b:s4+s19], $0x80, s15, s19, $0xb8;
	[tilespmem:$0x1F480] =	vst v63  }
0x48: {  	_ =	swait.ge [sflag:s23], $0x3E80  }
0x49: {  	[sflag:s23] =	ssyncset.done $0x0  }
0x4a: {  	[sflag:s23] =	ssyncadd.s32 $0xFFFFC180  }
0x4b: {  	[spmem:s1] =	stream.indirect.scatter.add.f32 [tilespmem:s20], [sflag:$0x3], $0x80, s28, s19, $0xb8;
	[tilespmem:$0x1F480] =	vst v63  }
0x4c: {  	_ =	swait.ge [sflag:s24], $0x3E80  }
0x4d: {  	[sflag:s24] =	ssyncset.done $0x0  }
0x4e: {  	[sflag:s24] =	ssyncadd.s32 $0xFFFFC180  }
0x4f: {  	_ =	swait.ge [sflag:s25], $0x3E80  }
0x50: {  	[sflag:s25] =	ssyncset.done $0x0  }
0x51: {  	[sflag:s25] =	ssyncadd.s32 $0xFFFFC180  }
0x52: {  	[spmem:s1] =	stream.indirect.scatter.add.f32 [tilespmem:s22], [sflag:$0x4], $0x80, s29, s19, $0xb8;
	[tilespmem:$0x1F480] =	vst v63  }
0x53: {  	_ =	swait.ge [sflag:s26], $0x3E80  }
0x54: {  	[sflag:s26] =	ssyncset.done $0x0  }
0x55: {  	[sflag:s26] =	ssyncadd.s32 $0xFFFFC180  }
0x56: {  	[tilespmem:s2], [sflag:$0x5] =	stream.linear.gather [hbm4b:s8+s2], $0x1400, $0x38;
	[tilespmem:$0x1F480] =	vst v63  }
0x57: {  	_ =	swait.ge [sflag:s16], $0x1400  }
0x58: {  	[sflag:s16] =	ssyncset.done $0x0  }
0x59: {  	[sflag:s16] =	ssyncadd.s32 $0xFFFFEC00  }
0x5a: {  	[tilespmem:s20], [sflag:$0x1] =	stream.indirect.gather [hbm4b:s4+s19], $0x80, s2, s19, $0xb8;
	[tilespmem:$0x1F480] =	vst v63  }
0x5b: {  	_ = 	snop  }
0x5c: {  	[tilespmem:s22], [sflag:$0x2] =	stream.indirect.gather [hbm4b:s4+s19], $0x80, s21, s19, $0xb8;
	[tilespmem:$0x1F480] =	vst v63  }
0x5d: {  	_ =	swait.ge [sflag:s23], $0x3E80  }
0x5e: {  	[sflag:s23] =	ssyncset.done $0x0  }
0x5f: {  	s3 =	simm.s32 $0x2800;
	[sflag:s23] =	ssyncadd.s32 $0xFFFFC180  }
0x60: {  	[spmem:s1] =	stream.indirect.scatter.add.f32 [tilespmem:s20], [sflag:$0x3], $0x80, s3, s19, $0xb8;
	[tilespmem:$0x1F480] =	vst v63  }
0x61: {  	_ =	swait.ge [sflag:s24], $0x3E80  }
0x62: {  	[sflag:s24] =	ssyncset.done $0x0  }
0x63: {  	s5 =	simm.s32 $0x100;
	[sflag:s24] =	ssyncadd.s32 $0xFFFFC180  }
0x64: {  	[tilespmem:s20], [sflag:$0x1] =	stream.indirect.gather [hbm4b:s4+s19], $0x80, s5, s19, $0xb8;
	[tilespmem:$0x1F480] =	vst v63  }
0x65: {  	_ =	swait.ge [sflag:s25], $0x3E80  }
0x66: {  	[sflag:s25] =	ssyncset.done $0x0  }
0x67: {  	s15 =	simm.s32 $0x2880;
	[sflag:s25] =	ssyncadd.s32 $0xFFFFC180  }
0x68: {  	[spmem:s1] =	stream.indirect.scatter.add.f32 [tilespmem:s22], [sflag:$0x4], $0x80, s15, s19, $0xb8;
	[tilespmem:$0x1F480] =	vst v63  }
0x69: {  	_ =	swait.ge [sflag:s26], $0x3E80  }
0x6a: {  	[sflag:s26] =	ssyncset.done $0x0  }
0x6b: {  	s3 =	simm.s32 $0xFFFFB800;
	s15 =	simm.s32 $0x180;
	[sflag:s26] =	ssyncadd.s32 $0xFFFFC180  }
.LBB2_4:
0x6c: {  	[tilespmem:s22], [sflag:$0x2] =	stream.indirect.gather [hbm4b:s4+s19], $0x80, s15, s19, $0xb8;
	[tilespmem:$0x1F480] =	vst v63  }
0x6d: {  	s5 =	smov.u32 s3  }
0x6e: {  	p0 =	sne.s32 s3, $0xFFFFFC00;
	s3 =	sadd.s32 $0x400, s3;
	_ =	swait.ge [sflag:s23], $0x3E80  }
0x6f: {  	s5 =	sshra.s32 s5, $0x2;
	[sflag:s23] =	ssyncset.done $0x0  }
0x70: {  	s15 =	sadd.s32 $0x3B00, s5;
	[sflag:s23] =	ssyncadd.s32 $0xFFFFC180  }
0x71: {  	[spmem:s1] =	stream.indirect.scatter.add.f32 [tilespmem:s20], [sflag:$0x3], $0x80, s15, s19, $0xb8;
	[tilespmem:$0x1F480] =	vst v63  }
0x72: {  	_ =	swait.ge [sflag:s24], $0x3E80  }
0x73: {  	[sflag:s24] =	ssyncset.done $0x0  }
0x74: {  	s15 =	sadd.s32 $0x1400, s5;
	[sflag:s24] =	ssyncadd.s32 $0xFFFFC180  }
0x75: {  	[tilespmem:s20], [sflag:$0x1] =	stream.indirect.gather [hbm4b:s4+s19], $0x80, s15, s19, $0xb8;
	[tilespmem:$0x1F480] =	vst v63  }
0x76: {  	_ =	swait.ge [sflag:s25], $0x3E80  }
0x77: {  	[sflag:s25] =	ssyncset.done $0x0  }
.Ltmp1:
0x78: {  	s15 =	sadd.s32 $0x3B80, s5;
	[sflag:s25] =	ssyncadd.s32 $0xFFFFC180;
	(pc) =	sbr.rel @p0 .LBB2_4-.Ltmp1, $4  }
0x79: {  	[spmem:s1] =	stream.indirect.scatter.add.f32 [tilespmem:s22], [sflag:$0x4], $0x80, s15, s19, $0xb8;
	[tilespmem:$0x1F480] =	vst v63  }
0x7a: {  	_ =	swait.ge [sflag:s26], $0x3E80  }
0x7b: {  	[sflag:s26] =	ssyncset.done $0x0  }
0x7c: {  	s15 =	sadd.s32 $0x1480, s5;
	[sflag:s26] =	ssyncadd.s32 $0xFFFFC180  }
0x7d: {  	[tilespmem:s22], [sflag:$0x2] =	stream.indirect.gather [hbm4b:s4+s19], $0x80, s15, s19, $0xb8;
	[tilespmem:$0x1F480] =	vst v63  }
0x7e: {  	_ =	swait.ge [sflag:s23], $0x3E80  }
0x7f: {  	[sflag:s23] =	ssyncset.done $0x0  }
0x80: {  	[sflag:s23] =	ssyncadd.s32 $0xFFFFC180  }
0x81: {  	[spmem:s1] =	stream.indirect.scatter.add.f32 [tilespmem:s20], [sflag:$0x3], $0x80, s30, s19, $0xb8;
	[tilespmem:$0x1F480] =	vst v63  }
0x82: {  	_ =	swait.ge [sflag:s24], $0x3E80  }
0x83: {  	[sflag:s24] =	ssyncset.done $0x0  }
0x84: {  	[sflag:s24] =	ssyncadd.s32 $0xFFFFC180  }
0x85: {  	_ =	swait.ge [sflag:s25], $0x3E80  }
0x86: {  	[sflag:s25] =	ssyncset.done $0x0  }
0x87: {  	[sflag:s25] =	ssyncadd.s32 $0xFFFFC180  }
0x88: {  	[spmem:s1] =	stream.indirect.scatter.add.f32 [tilespmem:s22], [sflag:$0x4], $0x80, s31, s19, $0xb8;
	[tilespmem:$0x1F480] =	vst v63  }
0x89: {  	_ =	swait.ge [sflag:s26], $0x3E80  }
0x8a: {  	[sflag:s26] =	ssyncset.done $0x0  }
0x8b: {  	[sflag:s26] =	ssyncadd.s32 $0xFFFFC180  }
0x8c: {  	[bflag:$0x0] =	sbarrier.arrive $0xFFFF  }
0x8d: {  	[hbm:s9], [sflag:s17] =	dma.local [spmem:s18], $0x2710  }
0x8e: {  	_ =	swait.ge [sflag:s16], $0x2710  }
0x8f: {  	[sflag:s16] =	ssyncset.done $0x0  }
0x90: {  	[sflag:s16] =	ssyncadd.s32 $0xFFFFD8F0  }
0x91: {  	[bflag:$0x0] =	sbarrier.arrive $0xFFFF  }
0x92: {  	[spmem:s18], [sflag:s17] =	dma.local [hbm:s10], $0x2710  }
0x93: {  	_ =	swait.ge [sflag:s16], $0x2710  }
0x94: {  	[sflag:s16] =	ssyncset.done $0x0  }
0x95: {  	[sflag:s16] =	ssyncadd.s32 $0xFFFFD8F0  }
0x96: {  	s3 =	simm.s32 $0x0;
	[bflag:$0x0] =	sbarrier.arrive $0xFFFF  }
0x97: {  	[tilespmem:s3], [sflag:$0x5] =	stream.linear.gather [hbm4b:s11+s3], $0x1400, $0x38;
	[tilespmem:$0x1F480] =	vst v63  }
0x98: {  	_ =	swait.ge [sflag:s16], $0x1400  }
0x99: {  	[sflag:s16] =	ssyncset.done $0x0  }
0x9a: {  	[sflag:s16] =	ssyncadd.s32 $0xFFFFEC00  }
0x9b: {  	[tilespmem:s20], [sflag:$0x1] =	stream.indirect.gather [hbm4b:s4+s19], $0x80, s3, s19, $0xb8;
	[tilespmem:$0x1F480] =	vst v63  }
0x9c: {  	_ = 	snop  }
0x9d: {  	[tilespmem:s22], [sflag:$0x2] =	stream.indirect.gather [hbm4b:s4+s19], $0x80, s21, s19, $0xb8;
	[tilespmem:$0x1F480] =	vst v63  }
0x9e: {  	_ =	swait.ge [sflag:s23], $0x3E80  }
0x9f: {  	[sflag:s23] =	ssyncset.done $0x0  }
0xa0: {  	s15 =	simm.s32 $0x1400;
	[sflag:s23] =	ssyncadd.s32 $0xFFFFC180  }
0xa1: {  	[spmem:s1] =	stream.indirect.scatter.add.f32 [tilespmem:s20], [sflag:$0x3], $0x80, s15, s19, $0xb8;
	[tilespmem:$0x1F480] =	vst v63  }
0xa2: {  	_ =	swait.ge [sflag:s24], $0x3E80  }
0xa3: {  	[sflag:s24] =	ssyncset.done $0x0  }
0xa4: {  	s5 =	simm.s32 $0x100;
	[sflag:s24] =	ssyncadd.s32 $0xFFFFC180  }
0xa5: {  	[tilespmem:s20], [sflag:$0x1] =	stream.indirect.gather [hbm4b:s4+s19], $0x80, s5, s19, $0xb8;
	[tilespmem:$0x1F480] =	vst v63  }
0xa6: {  	_ =	swait.ge [sflag:s25], $0x3E80  }
0xa7: {  	[sflag:s25] =	ssyncset.done $0x0  }
0xa8: {  	s15 =	simm.s32 $0x1480;
	[sflag:s25] =	ssyncadd.s32 $0xFFFFC180  }
0xa9: {  	[spmem:s1] =	stream.indirect.scatter.add.f32 [tilespmem:s22], [sflag:$0x4], $0x80, s15, s19, $0xb8;
	[tilespmem:$0x1F480] =	vst v63  }
0xaa: {  	_ =	swait.ge [sflag:s26], $0x3E80  }
0xab: {  	[sflag:s26] =	ssyncset.done $0x0  }
0xac: {  	s3 =	simm.s32 $0x400;
	s15 =	simm.s32 $0x180;
	[sflag:s26] =	ssyncadd.s32 $0xFFFFC180  }
.LBB2_6:
0xad: {  	[tilespmem:s22], [sflag:$0x2] =	stream.indirect.gather [hbm4b:s4+s19], $0x80, s15, s19, $0xb8;
	[tilespmem:$0x1F480] =	vst v63  }
0xae: {  	s5 =	smov.u32 s3  }
0xaf: {  	p0 =	sne.s32 s3, $0x4800;
	s3 =	sadd.s32 $0x400, s3;
	_ =	swait.ge [sflag:s23], $0x3E80  }
0xb0: {  	s5 =	sshra.s32 s5, $0x2;
	[sflag:s23] =	ssyncset.done $0x0  }
0xb1: {  	s15 =	sadd.s32 $0x1400, s5;
	[sflag:s23] =	ssyncadd.s32 $0xFFFFC180  }
0xb2: {  	[spmem:s1] =	stream.indirect.scatter.add.f32 [tilespmem:s20], [sflag:$0x3], $0x80, s15, s19, $0xb8;
	[tilespmem:$0x1F480] =	vst v63  }
0xb3: {  	_ =	swait.ge [sflag:s24], $0x3E80  }
0xb4: {  	[sflag:s24] =	ssyncset.done $0x0  }
0xb5: {  	s15 =	sadd.s32 $0x100, s5;
	[sflag:s24] =	ssyncadd.s32 $0xFFFFC180  }
0xb6: {  	[tilespmem:s20], [sflag:$0x1] =	stream.indirect.gather [hbm4b:s4+s19], $0x80, s15, s19, $0xb8;
	[tilespmem:$0x1F480] =	vst v63  }
0xb7: {  	_ =	swait.ge [sflag:s25], $0x3E80  }
0xb8: {  	[sflag:s25] =	ssyncset.done $0x0  }
.Ltmp2:
0xb9: {  	s15 =	sadd.s32 $0x1480, s5;
	[sflag:s25] =	ssyncadd.s32 $0xFFFFC180;
	(pc) =	sbr.rel @p0 .LBB2_6-.Ltmp2, $4  }
0xba: {  	[spmem:s1] =	stream.indirect.scatter.add.f32 [tilespmem:s22], [sflag:$0x4], $0x80, s15, s19, $0xb8;
	[tilespmem:$0x1F480] =	vst v63  }
0xbb: {  	_ =	swait.ge [sflag:s26], $0x3E80  }
0xbc: {  	[sflag:s26] =	ssyncset.done $0x0  }
0xbd: {  	s15 =	sadd.s32 $0x180, s5;
	[sflag:s26] =	ssyncadd.s32 $0xFFFFC180  }
0xbe: {  	[tilespmem:s22], [sflag:$0x2] =	stream.indirect.gather [hbm4b:s4+s19], $0x80, s15, s19, $0xb8;
	[tilespmem:$0x1F480] =	vst v63  }
0xbf: {  	_ =	swait.ge [sflag:s23], $0x3E80  }
0xc0: {  	[sflag:s23] =	ssyncset.done $0x0  }
0xc1: {  	[sflag:s23] =	ssyncadd.s32 $0xFFFFC180  }
0xc2: {  	[spmem:s1] =	stream.indirect.scatter.add.f32 [tilespmem:s20], [sflag:$0x3], $0x80, s28, s19, $0xb8;
	[tilespmem:$0x1F480] =	vst v63  }
0xc3: {  	_ =	swait.ge [sflag:s24], $0x3E80  }
0xc4: {  	[sflag:s24] =	ssyncset.done $0x0  }
0xc5: {  	[sflag:s24] =	ssyncadd.s32 $0xFFFFC180  }
0xc6: {  	_ =	swait.ge [sflag:s25], $0x3E80  }
0xc7: {  	[sflag:s25] =	ssyncset.done $0x0  }
0xc8: {  	[sflag:s25] =	ssyncadd.s32 $0xFFFFC180  }
0xc9: {  	[spmem:s1] =	stream.indirect.scatter.add.f32 [tilespmem:s22], [sflag:$0x4], $0x80, s29, s19, $0xb8;
	[tilespmem:$0x1F480] =	vst v63  }
0xca: {  	_ =	swait.ge [sflag:s26], $0x3E80  }
0xcb: {  	[sflag:s26] =	ssyncset.done $0x0  }
0xcc: {  	[sflag:s26] =	ssyncadd.s32 $0xFFFFC180  }
0xcd: {  	[tilespmem:s2], [sflag:$0x5] =	stream.linear.gather [hbm4b:s12+s2], $0x1400, $0x38;
	[tilespmem:$0x1F480] =	vst v63  }
0xce: {  	_ =	swait.ge [sflag:s16], $0x1400  }
0xcf: {  	[sflag:s16] =	ssyncset.done $0x0  }
0xd0: {  	[sflag:s16] =	ssyncadd.s32 $0xFFFFEC00  }
0xd1: {  	[tilespmem:s20], [sflag:$0x1] =	stream.indirect.gather [hbm4b:s4+s19], $0x80, s2, s19, $0xb8;
	[tilespmem:$0x1F480] =	vst v63  }
0xd2: {  	_ = 	snop  }
0xd3: {  	[tilespmem:s22], [sflag:$0x2] =	stream.indirect.gather [hbm4b:s4+s19], $0x80, s21, s19, $0xb8;
	[tilespmem:$0x1F480] =	vst v63  }
0xd4: {  	_ =	swait.ge [sflag:s23], $0x3E80  }
0xd5: {  	[sflag:s23] =	ssyncset.done $0x0  }
0xd6: {  	s3 =	simm.s32 $0x2800;
	[sflag:s23] =	ssyncadd.s32 $0xFFFFC180  }
0xd7: {  	[spmem:s1] =	stream.indirect.scatter.add.f32 [tilespmem:s20], [sflag:$0x3], $0x80, s3, s19, $0xb8;
	[tilespmem:$0x1F480] =	vst v63  }
0xd8: {  	_ =	swait.ge [sflag:s24], $0x3E80  }
0xd9: {  	[sflag:s24] =	ssyncset.done $0x0  }
0xda: {  	s5 =	simm.s32 $0x100;
	[sflag:s24] =	ssyncadd.s32 $0xFFFFC180  }
0xdb: {  	[tilespmem:s20], [sflag:$0x1] =	stream.indirect.gather [hbm4b:s4+s19], $0x80, s5, s19, $0xb8;
	[tilespmem:$0x1F480] =	vst v63  }
0xdc: {  	_ =	swait.ge [sflag:s25], $0x3E80  }
0xdd: {  	[sflag:s25] =	ssyncset.done $0x0  }
0xde: {  	s15 =	simm.s32 $0x2880;
	[sflag:s25] =	ssyncadd.s32 $0xFFFFC180  }
0xdf: {  	[spmem:s1] =	stream.indirect.scatter.add.f32 [tilespmem:s22], [sflag:$0x4], $0x80, s15, s19, $0xb8;
	[tilespmem:$0x1F480] =	vst v63  }
0xe0: {  	_ =	swait.ge [sflag:s26], $0x3E80  }
0xe1: {  	[sflag:s26] =	ssyncset.done $0x0  }
0xe2: {  	s3 =	simm.s32 $0xFFFFB800;
	s15 =	simm.s32 $0x180;
	[sflag:s26] =	ssyncadd.s32 $0xFFFFC180  }
.LBB2_8:
0xe3: {  	[tilespmem:s22], [sflag:$0x2] =	stream.indirect.gather [hbm4b:s4+s19], $0x80, s15, s19, $0xb8;
	[tilespmem:$0x1F480] =	vst v63  }
0xe4: {  	s5 =	smov.u32 s3  }
0xe5: {  	p0 =	sne.s32 s3, $0xFFFFFC00;
	s3 =	sadd.s32 $0x400, s3;
	_ =	swait.ge [sflag:s23], $0x3E80  }
0xe6: {  	s5 =	sshra.s32 s5, $0x2;
	[sflag:s23] =	ssyncset.done $0x0  }
0xe7: {  	s15 =	sadd.s32 $0x3B00, s5;
	[sflag:s23] =	ssyncadd.s32 $0xFFFFC180  }
0xe8: {  	[spmem:s1] =	stream.indirect.scatter.add.f32 [tilespmem:s20], [sflag:$0x3], $0x80, s15, s19, $0xb8;
	[tilespmem:$0x1F480] =	vst v63  }
0xe9: {  	_ =	swait.ge [sflag:s24], $0x3E80  }
0xea: {  	[sflag:s24] =	ssyncset.done $0x0  }
0xeb: {  	s15 =	sadd.s32 $0x1400, s5;
	[sflag:s24] =	ssyncadd.s32 $0xFFFFC180  }
0xec: {  	[tilespmem:s20], [sflag:$0x1] =	stream.indirect.gather [hbm4b:s4+s19], $0x80, s15, s19, $0xb8;
	[tilespmem:$0x1F480] =	vst v63  }
0xed: {  	_ =	swait.ge [sflag:s25], $0x3E80  }
0xee: {  	[sflag:s25] =	ssyncset.done $0x0  }
.Ltmp3:
0xef: {  	s15 =	sadd.s32 $0x3B80, s5;
	[sflag:s25] =	ssyncadd.s32 $0xFFFFC180;
	(pc) =	sbr.rel @p0 .LBB2_8-.Ltmp3, $4  }
0xf0: {  	[spmem:s1] =	stream.indirect.scatter.add.f32 [tilespmem:s22], [sflag:$0x4], $0x80, s15, s19, $0xb8;
	[tilespmem:$0x1F480] =	vst v63  }
0xf1: {  	_ =	swait.ge [sflag:s26], $0x3E80  }
0xf2: {  	[sflag:s26] =	ssyncset.done $0x0  }
0xf3: {  	s15 =	sadd.s32 $0x1480, s5;
	[sflag:s26] =	ssyncadd.s32 $0xFFFFC180  }
0xf4: {  	[tilespmem:s22], [sflag:$0x2] =	stream.indirect.gather [hbm4b:s4+s19], $0x80, s15, s19, $0xb8;
	[tilespmem:$0x1F480] =	vst v63  }
0xf5: {  	_ =	swait.ge [sflag:s23], $0x3E80  }
0xf6: {  	[sflag:s23] =	ssyncset.done $0x0  }
0xf7: {  	[sflag:s23] =	ssyncadd.s32 $0xFFFFC180  }
0xf8: {  	[spmem:s1] =	stream.indirect.scatter.add.f32 [tilespmem:s20], [sflag:$0x3], $0x80, s30, s19, $0xb8;
	[tilespmem:$0x1F480] =	vst v63  }
0xf9: {  	_ =	swait.ge [sflag:s24], $0x3E80  }
0xfa: {  	[sflag:s24] =	ssyncset.done $0x0  }
0xfb: {  	[sflag:s24] =	ssyncadd.s32 $0xFFFFC180  }
0xfc: {  	_ =	swait.ge [sflag:s25], $0x3E80  }
0xfd: {  	[sflag:s25] =	ssyncset.done $0x0  }
0xfe: {  	[sflag:s25] =	ssyncadd.s32 $0xFFFFC180  }
0xff: {  	[spmem:s1] =	stream.indirect.scatter.add.f32 [tilespmem:s22], [sflag:$0x4], $0x80, s31, s19, $0xb8;
	[tilespmem:$0x1F480] =	vst v63  }
0x100: {  	_ =	swait.ge [sflag:s26], $0x3E80  }
0x101: {  	s0 =	sadd.s32 $0x1, s0;
	[sflag:s26] =	ssyncset.done $0x0  }
0x102: {  	p0 =	sne.s32 s0, s14;
	[sflag:s26] =	ssyncadd.s32 $0xFFFFC180  }
.Ltmp4:
0x103: {  	[bflag:$0x0] =	sbarrier.arrive $0xFFFF;
	(pc) =	sbr.rel @p0 .LBB2_1-.Ltmp4, $4  }
0x104: {  	[hbm:s13], [sflag:s17] =	dma.local [spmem:s18], $0x2710  }
0x105: {  	_ =	swait.ge [sflag:s16], $0x2710  }
0x106: {  	[sflag:s16] =	ssyncset.done $0x0  }
0x107: {  	[sflag:s16] =	ssyncadd.s32 $0xFFFFD8F0  }
0x108: {  	_ =	sfence.sel $0x180000  }
0x109: {  	[bflag:$0x0] =	sbarrier.arrive $0xFFFF  }
0x10a: {  	_ =	strace $0x90000050  }
0x10b: {  	s0 =	stileid.u32;
	[bflag:$0x2] =	sbarrier.arrive $0xFFFF  }
0x10c: {  	p0 =	sne.s32 s0, $0x0;
	s0 =	rddreg [dreg:$0x2]  }
0x10d: {  	s0 =	sadd.s32 @!p0 $0x100000, s0  }
0x10e: {  	[sflag:s0] =	ssyncadd.tile.s32 @!p0 $0x1;
	_ =	shalt  }
.Lfunc_end2:
_tile_overlayer_lowered:
.L_overlay_start_2:
0x10f: {  	(tag) =	ssettag $0x2  }
0x110: {  	s0 =	rddreg [dreg:$0x0];
	s2 =	stileid.u32  }
0x111: {  	s1 =	rddreg [dreg:$0x1];
	p0 =	sne.s32 s2, $0x0  }
0x112: {  	s3 =	rddreg [dreg:$0x2];
	[bflag:$0x3] =	sbarrier.arrive $0xFFFF;
	s2 =	simm.s32 @!p0 $0x1C05  }
0x113: {  	[timem:s3], [sflag:s2] =	dma.local @!p0 [hbm:s0], s1  }
0x114: {  	s0 =	simm.s32 @!p0 $0x5  }
0x115: {  	_ =	swait.ge @!p0 [sflag:s0], s1  }
0x116: {  	s1 =	ssub.s32 @!p0 $0x0, s1;
	[sflag:s0] =	ssyncset.done @!p0 $0x0  }
0x117: {  	[sflag:s0] =	ssyncadd.s32 @!p0 s1  }
0x118: {  	[bflag:$0x3] =	sbarrier.arrive $0xFFFF  }
0x119: {  	_ =	shalt  }

// kernel: kernel.28.cloned.1.call-start
scs
__scs_entry_jumppad:
0x0: {  	(pc) =	sbr.rel $0x88, $3  }
0x1: {  	(tag) =	ssettag $0x0;
	lr =	simm.s32 $0x1  }
0x2: {  	[smem:$0x3F8A] =	sst lr;
	_ =	strace $0xD0000000  }
0x3: {  	_ = 	snop  }
0x4: {  	_ = 	snop  }
0x5: {  	_ = 	snop  }
0x6: {  	_ = 	snop  }
0x7: {  	_ = 	snop  }
__scs_overlays_trampoline_lowered:
0x8: {  	[smem:$0x3F99] =	sst s0  }
0x9: {  	[smem:$0x3F9A] =	sst s1  }
0xa: {  	[smem:$0x3F9B] =	sst s2  }
0xb: {  	[smem:$0x3F9C] =	sst s3  }
0xc: {  	[smem:$0x3F9D] =	sst s4  }
0xd: {  	[smem:$0x3F9E] =	sst s5  }
0xe: {  	[smem:$0x3F9F] =	sst s6  }
0xf: {  	[smem:$0x3FA0] =	sst s7  }
0x10: {  	[smem:$0x3FA1] =	sst s8  }
0x11: {  	[smem:$0x3FA2] =	sst s9;
	s0 =	simm.s32 @!p0 $0x0  }
0x12: {  	s1 =	sld [smem:$0x3F88];
	s0 =	simm.s32 @p0 $0x1  }
0x13: {  	[smem:$0x3FA3] =	sst s0;
	s0 =	simm.s32 @!p1 $0x0  }
0x14: {  	s2 =	sld [smem:$0x3F87];
	s0 =	simm.s32 @p1 $0x1  }
0x15: {  	[smem:$0x3FA4] =	sst s0;
	s0 =	simm.s32 @!p2 $0x0  }
0x16: {  	s3 =	sld [smem:$0x3FDB];
	s0 =	simm.s32 @p2 $0x1  }
0x17: {  	s4 =	simm.s32 $0x1BF5;
	[smem:$0x3FA6] =	sst s0  }
0x18: {  	s0 =	sld [smem:$0x3F89];
	_ =	swait.ge [sflag:s4], $0x0  }
0x19: {  	s7 =	sld [smem:$0x3F8A]  }
0x1a: {  	s8 =	sadd.s32 $0xFFFFE003, lr  }
0x1b: {  	s9 =	sadd.s32 $0xFFFFFEF7, lr;
	s5 =	simm.s32 $0xFFFFFFFF;
	p2 =	slt.u32 s8, $0xFFFFF086  }
0x1c: {  	p1 =	slt.u32 s9, $0xF7A;
	s5 =	simm.s32 @!p2 $0x0  }
0x1d: {  	s5 =	simm.s32 @p1 $0x1;
	p0 =	seq.s32 s7, s2  }
0x1e: {  	s7 =	smul.u32 @!p0 $0xF7A, s2;
	p2 =	seq.s32 @!p0 s5, $0x0  }
0x1f: {  	s9 =	smul.u32 $0xF7A, s1;
	s8 =	simm.s32 @!p0 $0x1BF5;
	p2 =	por !p2, p0  }
0x20: {  	[sflag:s8] =	ssyncset.s32 @!p0 $0xFFFFF086;
	s6 =	sadd.s32 @!p0 s3, s7;
	s7 =	simm.s32 @!p0 $0x108  }
0x21: {  	s3 =	sadd.s32 s3, s9;
	s6 =	sadd.s32 @!p0 $0x88, s6;
	s7 =	simm.s32 @p2 $0x1082  }
0x22: {  	[simem:s7], [sflag:s8] =	dma.local @!p0 [hbm:s6], $0xF7A  }
0x23: {  	s9 =	sor.u32 $0xD0000000, s2;
	s6 =	simm.s32 $0x108;
	_ =	swait.ge @!p0 [sflag:s8], $0x0  }
0x24: {  	s3 =	sadd.s32 $0x88, s3;
	s6 =	simm.s32 @!p1 $0x1082;
	[sflag:s4] =	ssyncset.s32 $0xFFFFF086  }
0x25: {  	[simem:s6], [sflag:s4] =	dma.local [hbm:s3], $0xF7A  }
0x26: {  	[smem:$0x3F8A] =	sst s1;
	(tag) =	ssettag s2;
	_ =	strace s9  }
0x27: {  	s1 =	sld [smem:$0x3F9A]  }
0x28: {  	s2 =	sld [smem:$0x3F9B]  }
0x29: {  	s4 =	sld [smem:$0x3F9D]  }
0x2a: {  	p0 =	seq.s32 s5, $0x0;
	s5 =	sld [smem:$0x3F9E]  }
0x2b: {  	s6 =	sld [smem:$0x3F9F]  }
0x2c: {  	s7 =	sld [smem:$0x3FA0]  }
0x2d: {  	s3 =	simm.s32 $0x108;
	s8 =	sld [smem:$0x3FA1]  }
0x2e: {  	s3 =	simm.s32 @!p0 $0x1082;
	s9 =	sld [smem:$0x3FA2]  }
0x2f: {  	lr =	sadd.s32 s0, s3;
	s0 =	sld [smem:$0x3F99]  }
0x30: {  	s3 =	sld [smem:$0x3F9C]  }
0x31: {  	[smem:$0x3FA5] =	sst s10  }
0x32: {  	s10 =	sld [smem:$0x3FA3];
	_ =	sdelay $0x3  }
0x33: {  	p0 =	seq.s32 s10, $0x1;
	s10 =	sld [smem:$0x3FA5];
	_ =	sdelay $0x3  }
0x34: {  	[smem:$0x3FA5] =	sst s10  }
0x35: {  	s10 =	sld [smem:$0x3FA4];
	_ =	sdelay $0x3  }
0x36: {  	p1 =	seq.s32 s10, $0x1;
	s10 =	sld [smem:$0x3FA5];
	_ =	sdelay $0x3  }
0x37: {  	[smem:$0x3FA5] =	sst s10  }
0x38: {  	s10 =	sld [smem:$0x3FA6]  }
0x39: {  	_ = 	snop;
	(pc) =	sbr.ind lr, $3  }
0x3a: {  	_ = 	snop  }
0x3b: {  	_ = 	snop  }
0x3c: {  	p2 =	seq.s32 s10, $0x1;
	s10 =	sld [smem:$0x3FA5]  }
0x3d: {  	_ =	shalt  }
0x3e: {  	_ =	shalt  }
0x3f: {  	_ =	shalt  }
0x40: {  	_ =	shalt  }
0x41: {  	_ =	shalt  }
0x42: {  	_ =	shalt  }
0x43: {  	_ =	shalt  }
0x44: {  	_ =	shalt  }
0x45: {  	_ =	shalt  }
0x46: {  	_ =	shalt  }
0x47: {  	_ =	shalt  }
0x48: {  	_ =	shalt  }
0x49: {  	_ =	shalt  }
0x4a: {  	_ =	shalt  }
0x4b: {  	_ =	shalt  }
0x4c: {  	_ =	shalt  }
0x4d: {  	_ =	shalt  }
0x4e: {  	_ =	shalt  }
0x4f: {  	_ =	shalt  }
0x50: {  	_ =	shalt  }
0x51: {  	_ =	shalt  }
0x52: {  	_ =	shalt  }
0x53: {  	_ =	shalt  }
0x54: {  	_ =	shalt  }
0x55: {  	_ =	shalt  }
0x56: {  	_ =	shalt  }
0x57: {  	_ =	shalt  }
0x58: {  	_ =	shalt  }
0x59: {  	_ =	shalt  }
0x5a: {  	_ =	shalt  }
0x5b: {  	_ =	shalt  }
0x5c: {  	_ =	shalt  }
0x5d: {  	_ =	shalt  }
0x5e: {  	_ =	shalt  }
0x5f: {  	_ =	shalt  }
0x60: {  	_ =	shalt  }
0x61: {  	_ =	shalt  }
0x62: {  	_ =	shalt  }
0x63: {  	_ =	shalt  }
0x64: {  	_ =	shalt  }
0x65: {  	_ =	shalt  }
0x66: {  	_ =	shalt  }
0x67: {  	_ =	shalt  }
0x68: {  	_ =	shalt  }
0x69: {  	_ =	shalt  }
0x6a: {  	_ =	shalt  }
0x6b: {  	_ =	shalt  }
0x6c: {  	_ =	shalt  }
0x6d: {  	_ =	shalt  }
0x6e: {  	_ =	shalt  }
0x6f: {  	_ =	shalt  }
0x70: {  	_ =	shalt  }
0x71: {  	_ =	shalt  }
0x72: {  	_ =	shalt  }
0x73: {  	_ =	shalt  }
0x74: {  	_ =	shalt  }
0x75: {  	_ =	shalt  }
0x76: {  	_ =	shalt  }
0x77: {  	_ =	shalt  }
0x78: {  	_ =	shalt  }
0x79: {  	_ =	shalt  }
0x7a: {  	_ =	shalt  }
0x7b: {  	_ =	shalt  }
0x7c: {  	_ =	shalt  }
0x7d: {  	_ =	shalt  }
0x7e: {  	_ =	shalt  }
0x7f: {  	_ =	shalt  }
0x80: {  	_ =	shalt  }
0x81: {  	_ =	shalt  }
0x82: {  	_ =	shalt  }
0x83: {  	_ =	shalt  }
0x84: {  	_ =	shalt  }
0x85: {  	_ =	shalt  }
0x86: {  	_ =	shalt  }
0x87: {  	_ =	shalt  }
.Lfunc_end0:
.L_simem_size_0:
called_computation.4_lowered:
.L_overlay_start_0:
0x88: {  	s2 =	sld [smem:$0x3FD9]  }
0x89: {  	s3 =	sld [smem:$0x3FFE];
	_ =	sdelay $0x1  }
0x8a: {  	s1 =	srdreg.scid  }
0x8b: {  	s0 =	sand.u32 $0x1, s1  }
0x8c: {  	s16 =	sshll.u32 s0, $0xA;
	s2 =	sadd.s32 s3, s2  }
0x8d: {  	s2 =	sadd.s32 s2, s16  }
0x8e: {  	[smem:$0x3FB1] =	sst s2  }
0x8f: {  	_ = 	snop  }
0x90: {  	(tm) =	ssettm $0x1  }
0x91: {  	s17 =	sld [smem:$0x3FFB];
	_ =	sdelay $0x3  }
0x92: {  	_ =	strace s17  }
0x93: {  	s2 =	sld [smem:$0x3FFC];
	_ =	sdelay $0x3  }
0x94: {  	_ =	strace s2  }
0x95: {  	s2 =	sld [smem:$0x3FFD];
	_ =	sdelay $0x3  }
0x96: {  	_ =	strace s2  }
0x97: {  	_ =	strace $0x8FFFFFFF  }
0x98: {  	s18 =	sld [smem:$0x3FDB];
	_ =	sdelay $0x1  }
0x99: {  	s19 =	simm.s32 $_scs_section_size  }
0x9a: {  	s4 =	simm.s32 $_size__tile_overlayer_lowered;
	s5 =	simm.s32 $_tile_overlayer_lowered  }
0x9b: {  	s22 =	simm.s32 $0x1BFF;
	s21 =	sshll.u32 s5, $0x1;
	s2 =	sadd.s32 s19, s18  }
0x9c: {  	s6 =	simm.s32 $0x0;
	s20 =	sshll.u32 s4, $0x1;
	s4 =	sadd.s32 s21, s2  }
0x9d: {  	[timem:s6], [sflag:s22] =	dma.local [hbm:s4], s20  }
0x9e: {  	_ =	swait.ge [sflag:s22], s20  }
0x9f: {  	s3 =	ssub.s32 $0x0, s20;
	[sflag:s22] =	ssyncset.done $0x0  }
0xa0: {  	[sflag:s22] =	ssyncadd.s32 s3;
	_ =	sdelay $0x1  }
0xa1: {  	s23 =	simm.s32 $0x1B8B  }
0xa2: {  	_ =	swait.ge [sflag:s23], $0x1  }
0xa3: {  	[sflag:s23] =	ssyncset.done $0x0  }
0xa4: {  	s25 =	simm.s32 $0x1B8E;
	s24 =	sld [smem:$0x3FFE];
	[sflag:s23] =	ssyncadd.s32 $0xFFFFFFFF  }
0xa5: {  	s26 =	simm.s32 $execute0_lowered;
	[smem:$0x3FD2] =	sst s25  }
0xa6: {  	s4 =	sshll.u32 s26, $0x1;
	_ =	strace $0x80000052;
	[dreg:$0x1] =	wrdreg $0xFFFFFFFF  }
0xa7: {  	s28 =	simm.s32 $_size_execute0_lowered;
	s2 =	sadd.s32 s2, s4;
	[dreg:$0x0] =	wrdreg $0x0  }
0xa8: {  	s4 =	sshll.u32 s28, $0x1;
	[dreg:$0x2] =	wrdreg s2  }
0xa9: {  	[dreg:$0x3] =	wrdreg s4  }
0xaa: {  	[dreg:$0x4] =	wrdreg $0xC0  }
0xab: {  	_ =	task [dreg:s6], $0x5FFFF  }
0xac: {  	[dreg:$0x1] =	wrdreg $0xFFFFFFFF  }
0xad: {  	[dreg:$0x0] =	wrdreg $0x60  }
0xae: {  	[dreg:$0x2] =	wrdreg s24  }
0xaf: {  	[dreg:$0x3] =	wrdreg $0xBC000  }
0xb0: {  	[dreg:$0x4] =	wrdreg $0x9  }
0xb1: {  	_ =	task.clear_ibuf [dreg:s6], $0x5FFFF;
	_ =	strace $0x90000052  }
0xb2: {  	s29 =	simm.s32 $0x9;
	_ =	strace $0x80000054  }
0xb3: {  	_ =	swait.ge [sflag:s29], $0x1  }
0xb4: {  	[sflag:s29] =	ssyncadd.s32 $0xFFFFFFFF  }
0xb5: {  	_ =	strace $0x90000054  }
0xb6: {  	_ =	sfence  }
0xb7: {  	s30 =	sld [smem:$0x0];
	_ =	sdelay $0x2  }
0xb8: {  	s31 =	sshll.u32 s1, $0xD;
	s1 =	sshrl.u32 s1, $0x2  }
0xb9: {  	s3 =	sand.u32 $0x4000, s31;
	s1 =	sadd.s32 s1, s30  }
0xba: {  	s0 =	sor.u32 s3, s0;
	s1 =	sshll.u32 s1, $0x11  }
0xbb: {  	s0 =	sor.u32 s1, s0  }
0xbc: {  	s0 =	sadd.s32 $0x8F2B, s0  }
0xbd: {  	[sflag:s0] =	ssyncadd.remote.s32 $0x1  }
0xbe: {  	_ =	sfence.sel $0xFFFF  }
0xbf: {  	[dreg:$0x0] =	wrdreg $0xFFFFFFFF;
	(pc) =	sbr.abs _section_cstart, $3  }
0xc0: {  	[dreg:$0x1] =	wrdreg $0xFFFFFFFF  }
0xc1: {  	_ =	task.clear_ibuf [dreg:s6], $0x2FFFF;
	_ =	strace $0x9FFFFFFF  }
0xc2: {  	(tm) =	ssettm $0x7FFFFFFF  }
0xc3: {  	_ =	shalt  }
tec
execute0_lowered:
.L_overlay_start_1:
0x0: {  	(tag) =	ssettag $0x1  }
0x1: {  	s0 =	rddreg [dreg:$0x0]  }
0x2: {  	s1 =	rddreg [dreg:$0x1];
	s2 =	simm.s32 $0x0;
	s3 =	srdreg.scid  }
0x3: {  	s17 =	stileid.u32;
	s19 =	simm.s32 $0x7D;
	s20 =	simm.s32 $0x3C00  }
0x4: {  	s21 =	simm.s32 $0x80;
	s28 =	simm.s32 $0x2700;
	s29 =	simm.s32 $0x2780  }
0x5: {  	s30 =	simm.s32 $0x3B00;
	s31 =	simm.s32 $0x3B80;
	[smem:$0x7FF] =	sst s2  }
0x6: {  	s4 =	sadd.s32 $0xBA00, s0;
	s10 =	sadd.s32 $0x164C00, s0;
	s5 =	smul.u32 $0x500, s17  }
0x7: {  	s3 =	sand.u32 $0x1, s3;
	s12 =	sadd.s32 $0x150C00, s0;
	s7 =	smul.u32 $0x4E200, s17  }
0x8: {  	s26 =	sshll.u32 s17, $0x6;
	_ =	strace $0x80000053;
	s6 =	sshll.u32 s3, $0x5  }
0x9: {  	s3 =	ssub.s32 $0x2, s3;
	s6 =	sor.u32 s17, s6;
	s5 =	sadd.s32 s5, s0  }
0xa: {  	s8 =	sshrl.u32 s3, $0x1;
	s0 =	sadd.s32 $0x202C00, s0;
	s9 =	smul.u32 $0x2780, s6  }
0xb: {  	s7 =	sshrl.u32 s7, $0x2;
	s17 =	sor.u32 $0x1C05, s26;
	s22 =	smul.u32 $0x500, s6  }
0xc: {  	s26 =	simm.s32 $0x4;
	s11 =	smul.u32 $0x2800, s6;
	s13 =	sor.u32 $0x10, s6  }
0xd: {  	s3 =	ssub.s32 s3, s8;
	s5 =	sadd.s32 $0x6A00, s5;
	s14 =	smul.u32 $0x2780, s13  }
0xe: {  	s15 =	sadd.s32 s7, s1;
	[dreg:$0x3] =	wrdreg s5;
	s16 =	smul.u32 $0x2800, s13  }
0xf: {  	s24 =	smul.u32 $0x500, s13;
	s18 =	sshrl.u32 s15, $0x3;
	s6 =	sadd.s32 s10, s9  }
0x10: {  	s11 =	sshrl.u32 s11, $0x3;
	s7 =	sadd.s32 s12, s22;
	s9 =	sadd.s32 s0, s9  }
0x11: {  	s22 =	simm.s32 $0x7C00;
	s23 =	sadd.s32 s12, s11;
	s25 =	sshrl.u32 s16, $0x3  }
0x12: {  	s10 =	sadd.s32 s10, s14;
	s11 =	sadd.s32 s12, s24;
	s13 =	sadd.s32 s0, s14  }
0x13: {  	s14 =	smax.u32 s3, $0x1;
	s16 =	simm.s32 $0x5;
	s24 =	simm.s32 $0x3  }
0x14: {  	s0 =	simm.s32 $0x0;
	s8 =	sadd.s32 $0x280, s23;
	s12 =	sadd.s32 s12, s25  }
0x15: {  	s23 =	simm.s32 $0x1;
	s25 =	simm.s32 $0x2;
	s12 =	sadd.s32 $0x280, s12  }
.LBB2_1:
0x16: {  	s3 =	rddreg [dreg:$0x3];
	s5 =	simm.s32 $0x1400  }
0x17: {  	[tilespmem:s5], [sflag:$0x5] =	stream.linear.gather [hbm4b:s3+s2], $0x2800, $0x38;
	[tilespmem:$0x1F480] =	vst v63  }
0x18: {  	_ =	swait.ge [sflag:s16], $0x2800  }
0x19: {  	[sflag:s16] =	ssyncset.done $0x0  }
0x1a: {  	[sflag:s16] =	ssyncadd.s32 $0xFFFFD800  }
0x1b: {  	[spmem:s18], [sflag:s17] =	dma.local [hbm:s6], $0x2710  }
0x1c: {  	_ =	swait.ge [sflag:s16], $0x2710  }
0x1d: {  	[sflag:s16] =	ssyncset.done $0x0  }
0x1e: {  	[sflag:s16] =	ssyncadd.s32 $0xFFFFD8F0  }
0x1f: {  	[bflag:$0x0] =	sbarrier.arrive $0xFFFF  }
0x20: {  	[tilespmem:s2], [sflag:$0x5] =	stream.linear.gather [hbm4b:s7+s2], $0x1400, $0x38;
	[tilespmem:$0x1F480] =	vst v63  }
0x21: {  	_ =	swait.ge [sflag:s16], $0x1400  }
0x22: {  	[sflag:s16] =	ssyncset.done $0x0  }
0x23: {  	[sflag:s16] =	ssyncadd.s32 $0xFFFFEC00  }
0x24: {  	[tilespmem:s20], [sflag:$0x1] =	stream.indirect.gather [hbm4b:s4+s19], $0x80, s2, s19, $0xb8;
	[tilespmem:$0x1F480] =	vst v63  }
0x25: {  	_ = 	snop  }
0x26: {  	[tilespmem:s22], [sflag:$0x2] =	stream.indirect.gather [hbm4b:s4+s19], $0x80, s21, s19, $0xb8;
	[tilespmem:$0x1F480] =	vst v63  }
0x27: {  	_ =	swait.ge [sflag:s23], $0x3E80  }
0x28: {  	[sflag:s23] =	ssyncset.done $0x0  }
0x29: {  	s15 =	simm.s32 $0x1400;
	[sflag:s23] =	ssyncadd.s32 $0xFFFFC180  }
0x2a: {  	[spmem:s1] =	stream.indirect.scatter.add.f32 [tilespmem:s20], [sflag:$0x3], $0x80, s15, s19, $0xb8;
	[tilespmem:$0x1F480] =	vst v63  }
0x2b: {  	_ =	swait.ge [sflag:s24], $0x3E80  }
0x2c: {  	[sflag:s24] =	ssyncset.done $0x0  }
0x2d: {  	s5 =	simm.s32 $0x100;
	[sflag:s24] =	ssyncadd.s32 $0xFFFFC180  }
0x2e: {  	[tilespmem:s20], [sflag:$0x1] =	stream.indirect.gather [hbm4b:s4+s19], $0x80, s5, s19, $0xb8;
	[tilespmem:$0x1F480] =	vst v63  }
0x2f: {  	_ =	swait.ge [sflag:s25], $0x3E80  }
0x30: {  	[sflag:s25] =	ssyncset.done $0x0  }
0x31: {  	s15 =	simm.s32 $0x1480;
	[sflag:s25] =	ssyncadd.s32 $0xFFFFC180  }
0x32: {  	[spmem:s1] =	stream.indirect.scatter.add.f32 [tilespmem:s22], [sflag:$0x4], $0x80, s15, s19, $0xb8;
	[tilespmem:$0x1F480] =	vst v63  }
0x33: {  	_ =	swait.ge [sflag:s26], $0x3E80  }
0x34: {  	[sflag:s26] =	ssyncset.done $0x0  }
0x35: {  	s3 =	simm.s32 $0x400;
	s15 =	simm.s32 $0x180;
	[sflag:s26] =	ssyncadd.s32 $0xFFFFC180  }
.LBB2_2:
0x36: {  	[tilespmem:s22], [sflag:$0x2] =	stream.indirect.gather [hbm4b:s4+s19], $0x80, s15, s19, $0xb8;
	[tilespmem:$0x1F480] =	vst v63  }
0x37: {  	s15 =	smov.u32 s3  }
0x38: {  	p0 =	sne.s32 s3, $0x4800;
	s3 =	sadd.s32 $0x400, s3;
	_ =	swait.ge [sflag:s23], $0x3E80  }
0x39: {  	s15 =	sshra.s32 s15, $0x2;
	[sflag:s23] =	ssyncset.done $0x0  }
0x3a: {  	s5 =	sadd.s32 $0x1400, s15;
	[sflag:s23] =	ssyncadd.s32 $0xFFFFC180  }
0x3b: {  	[spmem:s1] =	stream.indirect.scatter.add.f32 [tilespmem:s20], [sflag:$0x3], $0x80, s5, s19, $0xb8;
	[tilespmem:$0x1F480] =	vst v63  }
0x3c: {  	_ =	swait.ge [sflag:s24], $0x3E80  }
0x3d: {  	[sflag:s24] =	ssyncset.done $0x0  }
0x3e: {  	s5 =	sadd.s32 $0x100, s15;
	[sflag:s24] =	ssyncadd.s32 $0xFFFFC180  }
0x3f: {  	[tilespmem:s20], [sflag:$0x1] =	stream.indirect.gather [hbm4b:s4+s19], $0x80, s5, s19, $0xb8;
	[tilespmem:$0x1F480] =	vst v63  }
0x40: {  	_ =	swait.ge [sflag:s25], $0x3E80  }
0x41: {  	[sflag:s25] =	ssyncset.done $0x0  }
.Ltmp0:
0x42: {  	s5 =	sadd.s32 $0x1480, s15;
	[sflag:s25] =	ssyncadd.s32 $0xFFFFC180;
	(pc) =	sbr.rel @p0 .LBB2_2-.Ltmp0, $4  }
0x43: {  	[spmem:s1] =	stream.indirect.scatter.add.f32 [tilespmem:s22], [sflag:$0x4], $0x80, s5, s19, $0xb8;
	[tilespmem:$0x1F480] =	vst v63  }
0x44: {  	_ =	swait.ge [sflag:s26], $0x3E80  }
0x45: {  	[sflag:s26] =	ssyncset.done $0x0  }
0x46: {  	s15 =	sadd.s32 $0x180, s15;
	[sflag:s26] =	ssyncadd.s32 $0xFFFFC180  }
0x47: {  	[tilespmem:s22], [sflag:$0x2] =	stream.indirect.gather [hbm4b:s4+s19], $0x80, s15, s19, $0xb8;
	[tilespmem:$0x1F480] =	vst v63  }
0x48: {  	_ =	swait.ge [sflag:s23], $0x3E80  }
0x49: {  	[sflag:s23] =	ssyncset.done $0x0  }
0x4a: {  	[sflag:s23] =	ssyncadd.s32 $0xFFFFC180  }
0x4b: {  	[spmem:s1] =	stream.indirect.scatter.add.f32 [tilespmem:s20], [sflag:$0x3], $0x80, s28, s19, $0xb8;
	[tilespmem:$0x1F480] =	vst v63  }
0x4c: {  	_ =	swait.ge [sflag:s24], $0x3E80  }
0x4d: {  	[sflag:s24] =	ssyncset.done $0x0  }
0x4e: {  	[sflag:s24] =	ssyncadd.s32 $0xFFFFC180  }
0x4f: {  	_ =	swait.ge [sflag:s25], $0x3E80  }
0x50: {  	[sflag:s25] =	ssyncset.done $0x0  }
0x51: {  	[sflag:s25] =	ssyncadd.s32 $0xFFFFC180  }
0x52: {  	[spmem:s1] =	stream.indirect.scatter.add.f32 [tilespmem:s22], [sflag:$0x4], $0x80, s29, s19, $0xb8;
	[tilespmem:$0x1F480] =	vst v63  }
0x53: {  	_ =	swait.ge [sflag:s26], $0x3E80  }
0x54: {  	[sflag:s26] =	ssyncset.done $0x0  }
0x55: {  	[sflag:s26] =	ssyncadd.s32 $0xFFFFC180  }
0x56: {  	[tilespmem:s2], [sflag:$0x5] =	stream.linear.gather [hbm4b:s8+s2], $0x1400, $0x38;
	[tilespmem:$0x1F480] =	vst v63  }
0x57: {  	_ =	swait.ge [sflag:s16], $0x1400  }
0x58: {  	[sflag:s16] =	ssyncset.done $0x0  }
0x59: {  	[sflag:s16] =	ssyncadd.s32 $0xFFFFEC00  }
0x5a: {  	[tilespmem:s20], [sflag:$0x1] =	stream.indirect.gather [hbm4b:s4+s19], $0x80, s2, s19, $0xb8;
	[tilespmem:$0x1F480] =	vst v63  }
0x5b: {  	_ = 	snop  }
0x5c: {  	[tilespmem:s22], [sflag:$0x2] =	stream.indirect.gather [hbm4b:s4+s19], $0x80, s21, s19, $0xb8;
	[tilespmem:$0x1F480] =	vst v63  }
0x5d: {  	_ =	swait.ge [sflag:s23], $0x3E80  }
0x5e: {  	[sflag:s23] =	ssyncset.done $0x0  }
0x5f: {  	s3 =	simm.s32 $0x2800;
	[sflag:s23] =	ssyncadd.s32 $0xFFFFC180  }
0x60: {  	[spmem:s1] =	stream.indirect.scatter.add.f32 [tilespmem:s20], [sflag:$0x3], $0x80, s3, s19, $0xb8;
	[tilespmem:$0x1F480] =	vst v63  }
0x61: {  	_ =	swait.ge [sflag:s24], $0x3E80  }
0x62: {  	[sflag:s24] =	ssyncset.done $0x0  }
0x63: {  	s5 =	simm.s32 $0x100;
	[sflag:s24] =	ssyncadd.s32 $0xFFFFC180  }
0x64: {  	[tilespmem:s20], [sflag:$0x1] =	stream.indirect.gather [hbm4b:s4+s19], $0x80, s5, s19, $0xb8;
	[tilespmem:$0x1F480] =	vst v63  }
0x65: {  	_ =	swait.ge [sflag:s25], $0x3E80  }
0x66: {  	[sflag:s25] =	ssyncset.done $0x0  }
0x67: {  	s15 =	simm.s32 $0x2880;
	[sflag:s25] =	ssyncadd.s32 $0xFFFFC180  }
0x68: {  	[spmem:s1] =	stream.indirect.scatter.add.f32 [tilespmem:s22], [sflag:$0x4], $0x80, s15, s19, $0xb8;
	[tilespmem:$0x1F480] =	vst v63  }
0x69: {  	_ =	swait.ge [sflag:s26], $0x3E80  }
0x6a: {  	[sflag:s26] =	ssyncset.done $0x0  }
0x6b: {  	s3 =	simm.s32 $0xFFFFB800;
	s15 =	simm.s32 $0x180;
	[sflag:s26] =	ssyncadd.s32 $0xFFFFC180  }
.LBB2_4:
0x6c: {  	[tilespmem:s22], [sflag:$0x2] =	stream.indirect.gather [hbm4b:s4+s19], $0x80, s15, s19, $0xb8;
	[tilespmem:$0x1F480] =	vst v63  }
0x6d: {  	s5 =	smov.u32 s3  }
0x6e: {  	p0 =	sne.s32 s3, $0xFFFFFC00;
	s3 =	sadd.s32 $0x400, s3;
	_ =	swait.ge [sflag:s23], $0x3E80  }
0x6f: {  	s5 =	sshra.s32 s5, $0x2;
	[sflag:s23] =	ssyncset.done $0x0  }
0x70: {  	s15 =	sadd.s32 $0x3B00, s5;
	[sflag:s23] =	ssyncadd.s32 $0xFFFFC180  }
0x71: {  	[spmem:s1] =	stream.indirect.scatter.add.f32 [tilespmem:s20], [sflag:$0x3], $0x80, s15, s19, $0xb8;
	[tilespmem:$0x1F480] =	vst v63  }
0x72: {  	_ =	swait.ge [sflag:s24], $0x3E80  }
0x73: {  	[sflag:s24] =	ssyncset.done $0x0  }
0x74: {  	s15 =	sadd.s32 $0x1400, s5;
	[sflag:s24] =	ssyncadd.s32 $0xFFFFC180  }
0x75: {  	[tilespmem:s20], [sflag:$0x1] =	stream.indirect.gather [hbm4b:s4+s19], $0x80, s15, s19, $0xb8;
	[tilespmem:$0x1F480] =	vst v63  }
0x76: {  	_ =	swait.ge [sflag:s25], $0x3E80  }
0x77: {  	[sflag:s25] =	ssyncset.done $0x0  }
.Ltmp1:
0x78: {  	s15 =	sadd.s32 $0x3B80, s5;
	[sflag:s25] =	ssyncadd.s32 $0xFFFFC180;
	(pc) =	sbr.rel @p0 .LBB2_4-.Ltmp1, $4  }
0x79: {  	[spmem:s1] =	stream.indirect.scatter.add.f32 [tilespmem:s22], [sflag:$0x4], $0x80, s15, s19, $0xb8;
	[tilespmem:$0x1F480] =	vst v63  }
0x7a: {  	_ =	swait.ge [sflag:s26], $0x3E80  }
0x7b: {  	[sflag:s26] =	ssyncset.done $0x0  }
0x7c: {  	s15 =	sadd.s32 $0x1480, s5;
	[sflag:s26] =	ssyncadd.s32 $0xFFFFC180  }
0x7d: {  	[tilespmem:s22], [sflag:$0x2] =	stream.indirect.gather [hbm4b:s4+s19], $0x80, s15, s19, $0xb8;
	[tilespmem:$0x1F480] =	vst v63  }
0x7e: {  	_ =	swait.ge [sflag:s23], $0x3E80  }
0x7f: {  	[sflag:s23] =	ssyncset.done $0x0  }
0x80: {  	[sflag:s23] =	ssyncadd.s32 $0xFFFFC180  }
0x81: {  	[spmem:s1] =	stream.indirect.scatter.add.f32 [tilespmem:s20], [sflag:$0x3], $0x80, s30, s19, $0xb8;
	[tilespmem:$0x1F480] =	vst v63  }
0x82: {  	_ =	swait.ge [sflag:s24], $0x3E80  }
0x83: {  	[sflag:s24] =	ssyncset.done $0x0  }
0x84: {  	[sflag:s24] =	ssyncadd.s32 $0xFFFFC180  }
0x85: {  	_ =	swait.ge [sflag:s25], $0x3E80  }
0x86: {  	[sflag:s25] =	ssyncset.done $0x0  }
0x87: {  	[sflag:s25] =	ssyncadd.s32 $0xFFFFC180  }
0x88: {  	[spmem:s1] =	stream.indirect.scatter.add.f32 [tilespmem:s22], [sflag:$0x4], $0x80, s31, s19, $0xb8;
	[tilespmem:$0x1F480] =	vst v63  }
0x89: {  	_ =	swait.ge [sflag:s26], $0x3E80  }
0x8a: {  	[sflag:s26] =	ssyncset.done $0x0  }
0x8b: {  	[sflag:s26] =	ssyncadd.s32 $0xFFFFC180  }
0x8c: {  	[bflag:$0x0] =	sbarrier.arrive $0xFFFF  }
0x8d: {  	[hbm:s9], [sflag:s17] =	dma.local [spmem:s18], $0x2710  }
0x8e: {  	_ =	swait.ge [sflag:s16], $0x2710  }
0x8f: {  	[sflag:s16] =	ssyncset.done $0x0  }
0x90: {  	[sflag:s16] =	ssyncadd.s32 $0xFFFFD8F0  }
0x91: {  	[bflag:$0x0] =	sbarrier.arrive $0xFFFF  }
0x92: {  	[spmem:s18], [sflag:s17] =	dma.local [hbm:s10], $0x2710  }
0x93: {  	_ =	swait.ge [sflag:s16], $0x2710  }
0x94: {  	[sflag:s16] =	ssyncset.done $0x0  }
0x95: {  	[sflag:s16] =	ssyncadd.s32 $0xFFFFD8F0  }
0x96: {  	s3 =	simm.s32 $0x0;
	[bflag:$0x0] =	sbarrier.arrive $0xFFFF  }
0x97: {  	[tilespmem:s3], [sflag:$0x5] =	stream.linear.gather [hbm4b:s11+s3], $0x1400, $0x38;
	[tilespmem:$0x1F480] =	vst v63  }
0x98: {  	_ =	swait.ge [sflag:s16], $0x1400  }
0x99: {  	[sflag:s16] =	ssyncset.done $0x0  }
0x9a: {  	[sflag:s16] =	ssyncadd.s32 $0xFFFFEC00  }
0x9b: {  	[tilespmem:s20], [sflag:$0x1] =	stream.indirect.gather [hbm4b:s4+s19], $0x80, s3, s19, $0xb8;
	[tilespmem:$0x1F480] =	vst v63  }
0x9c: {  	_ = 	snop  }
0x9d: {  	[tilespmem:s22], [sflag:$0x2] =	stream.indirect.gather [hbm4b:s4+s19], $0x80, s21, s19, $0xb8;
	[tilespmem:$0x1F480] =	vst v63  }
0x9e: {  	_ =	swait.ge [sflag:s23], $0x3E80  }
0x9f: {  	[sflag:s23] =	ssyncset.done $0x0  }
0xa0: {  	s15 =	simm.s32 $0x1400;
	[sflag:s23] =	ssyncadd.s32 $0xFFFFC180  }
0xa1: {  	[spmem:s1] =	stream.indirect.scatter.add.f32 [tilespmem:s20], [sflag:$0x3], $0x80, s15, s19, $0xb8;
	[tilespmem:$0x1F480] =	vst v63  }
0xa2: {  	_ =	swait.ge [sflag:s24], $0x3E80  }
0xa3: {  	[sflag:s24] =	ssyncset.done $0x0  }
0xa4: {  	s5 =	simm.s32 $0x100;
	[sflag:s24] =	ssyncadd.s32 $0xFFFFC180  }
0xa5: {  	[tilespmem:s20], [sflag:$0x1] =	stream.indirect.gather [hbm4b:s4+s19], $0x80, s5, s19, $0xb8;
	[tilespmem:$0x1F480] =	vst v63  }
0xa6: {  	_ =	swait.ge [sflag:s25], $0x3E80  }
0xa7: {  	[sflag:s25] =	ssyncset.done $0x0  }
0xa8: {  	s15 =	simm.s32 $0x1480;
	[sflag:s25] =	ssyncadd.s32 $0xFFFFC180  }
0xa9: {  	[spmem:s1] =	stream.indirect.scatter.add.f32 [tilespmem:s22], [sflag:$0x4], $0x80, s15, s19, $0xb8;
	[tilespmem:$0x1F480] =	vst v63  }
0xaa: {  	_ =	swait.ge [sflag:s26], $0x3E80  }
0xab: {  	[sflag:s26] =	ssyncset.done $0x0  }
0xac: {  	s3 =	simm.s32 $0x400;
	s15 =	simm.s32 $0x180;
	[sflag:s26] =	ssyncadd.s32 $0xFFFFC180  }
.LBB2_6:
0xad: {  	[tilespmem:s22], [sflag:$0x2] =	stream.indirect.gather [hbm4b:s4+s19], $0x80, s15, s19, $0xb8;
	[tilespmem:$0x1F480] =	vst v63  }
0xae: {  	s5 =	smov.u32 s3  }
0xaf: {  	p0 =	sne.s32 s3, $0x4800;
	s3 =	sadd.s32 $0x400, s3;
	_ =	swait.ge [sflag:s23], $0x3E80  }
0xb0: {  	s5 =	sshra.s32 s5, $0x2;
	[sflag:s23] =	ssyncset.done $0x0  }
0xb1: {  	s15 =	sadd.s32 $0x1400, s5;
	[sflag:s23] =	ssyncadd.s32 $0xFFFFC180  }
0xb2: {  	[spmem:s1] =	stream.indirect.scatter.add.f32 [tilespmem:s20], [sflag:$0x3], $0x80, s15, s19, $0xb8;
	[tilespmem:$0x1F480] =	vst v63  }
0xb3: {  	_ =	swait.ge [sflag:s24], $0x3E80  }
0xb4: {  	[sflag:s24] =	ssyncset.done $0x0  }
0xb5: {  	s15 =	sadd.s32 $0x100, s5;
	[sflag:s24] =	ssyncadd.s32 $0xFFFFC180  }
0xb6: {  	[tilespmem:s20], [sflag:$0x1] =	stream.indirect.gather [hbm4b:s4+s19], $0x80, s15, s19, $0xb8;
	[tilespmem:$0x1F480] =	vst v63  }
0xb7: {  	_ =	swait.ge [sflag:s25], $0x3E80  }
0xb8: {  	[sflag:s25] =	ssyncset.done $0x0  }
.Ltmp2:
0xb9: {  	s15 =	sadd.s32 $0x1480, s5;
	[sflag:s25] =	ssyncadd.s32 $0xFFFFC180;
	(pc) =	sbr.rel @p0 .LBB2_6-.Ltmp2, $4  }
0xba: {  	[spmem:s1] =	stream.indirect.scatter.add.f32 [tilespmem:s22], [sflag:$0x4], $0x80, s15, s19, $0xb8;
	[tilespmem:$0x1F480] =	vst v63  }
0xbb: {  	_ =	swait.ge [sflag:s26], $0x3E80  }
0xbc: {  	[sflag:s26] =	ssyncset.done $0x0  }
0xbd: {  	s15 =	sadd.s32 $0x180, s5;
	[sflag:s26] =	ssyncadd.s32 $0xFFFFC180  }
0xbe: {  	[tilespmem:s22], [sflag:$0x2] =	stream.indirect.gather [hbm4b:s4+s19], $0x80, s15, s19, $0xb8;
	[tilespmem:$0x1F480] =	vst v63  }
0xbf: {  	_ =	swait.ge [sflag:s23], $0x3E80  }
0xc0: {  	[sflag:s23] =	ssyncset.done $0x0  }
0xc1: {  	[sflag:s23] =	ssyncadd.s32 $0xFFFFC180  }
0xc2: {  	[spmem:s1] =	stream.indirect.scatter.add.f32 [tilespmem:s20], [sflag:$0x3], $0x80, s28, s19, $0xb8;
	[tilespmem:$0x1F480] =	vst v63  }
0xc3: {  	_ =	swait.ge [sflag:s24], $0x3E80  }
0xc4: {  	[sflag:s24] =	ssyncset.done $0x0  }
0xc5: {  	[sflag:s24] =	ssyncadd.s32 $0xFFFFC180  }
0xc6: {  	_ =	swait.ge [sflag:s25], $0x3E80  }
0xc7: {  	[sflag:s25] =	ssyncset.done $0x0  }
0xc8: {  	[sflag:s25] =	ssyncadd.s32 $0xFFFFC180  }
0xc9: {  	[spmem:s1] =	stream.indirect.scatter.add.f32 [tilespmem:s22], [sflag:$0x4], $0x80, s29, s19, $0xb8;
	[tilespmem:$0x1F480] =	vst v63  }
0xca: {  	_ =	swait.ge [sflag:s26], $0x3E80  }
0xcb: {  	[sflag:s26] =	ssyncset.done $0x0  }
0xcc: {  	[sflag:s26] =	ssyncadd.s32 $0xFFFFC180  }
0xcd: {  	[tilespmem:s2], [sflag:$0x5] =	stream.linear.gather [hbm4b:s12+s2], $0x1400, $0x38;
	[tilespmem:$0x1F480] =	vst v63  }
0xce: {  	_ =	swait.ge [sflag:s16], $0x1400  }
0xcf: {  	[sflag:s16] =	ssyncset.done $0x0  }
0xd0: {  	[sflag:s16] =	ssyncadd.s32 $0xFFFFEC00  }
0xd1: {  	[tilespmem:s20], [sflag:$0x1] =	stream.indirect.gather [hbm4b:s4+s19], $0x80, s2, s19, $0xb8;
	[tilespmem:$0x1F480] =	vst v63  }
0xd2: {  	_ = 	snop  }
0xd3: {  	[tilespmem:s22], [sflag:$0x2] =	stream.indirect.gather [hbm4b:s4+s19], $0x80, s21, s19, $0xb8;
	[tilespmem:$0x1F480] =	vst v63  }
0xd4: {  	_ =	swait.ge [sflag:s23], $0x3E80  }
0xd5: {  	[sflag:s23] =	ssyncset.done $0x0  }
0xd6: {  	s3 =	simm.s32 $0x2800;
	[sflag:s23] =	ssyncadd.s32 $0xFFFFC180  }
0xd7: {  	[spmem:s1] =	stream.indirect.scatter.add.f32 [tilespmem:s20], [sflag:$0x3], $0x80, s3, s19, $0xb8;
	[tilespmem:$0x1F480] =	vst v63  }
0xd8: {  	_ =	swait.ge [sflag:s24], $0x3E80  }
0xd9: {  	[sflag:s24] =	ssyncset.done $0x0  }
0xda: {  	s5 =	simm.s32 $0x100;
	[sflag:s24] =	ssyncadd.s32 $0xFFFFC180  }
0xdb: {  	[tilespmem:s20], [sflag:$0x1] =	stream.indirect.gather [hbm4b:s4+s19], $0x80, s5, s19, $0xb8;
	[tilespmem:$0x1F480] =	vst v63  }
0xdc: {  	_ =	swait.ge [sflag:s25], $0x3E80  }
0xdd: {  	[sflag:s25] =	ssyncset.done $0x0  }
0xde: {  	s15 =	simm.s32 $0x2880;
	[sflag:s25] =	ssyncadd.s32 $0xFFFFC180  }
0xdf: {  	[spmem:s1] =	stream.indirect.scatter.add.f32 [tilespmem:s22], [sflag:$0x4], $0x80, s15, s19, $0xb8;
	[tilespmem:$0x1F480] =	vst v63  }
0xe0: {  	_ =	swait.ge [sflag:s26], $0x3E80  }
0xe1: {  	[sflag:s26] =	ssyncset.done $0x0  }
0xe2: {  	s3 =	simm.s32 $0xFFFFB800;
	s15 =	simm.s32 $0x180;
	[sflag:s26] =	ssyncadd.s32 $0xFFFFC180  }
.LBB2_8:
0xe3: {  	[tilespmem:s22], [sflag:$0x2] =	stream.indirect.gather [hbm4b:s4+s19], $0x80, s15, s19, $0xb8;
	[tilespmem:$0x1F480] =	vst v63  }
0xe4: {  	s5 =	smov.u32 s3  }
0xe5: {  	p0 =	sne.s32 s3, $0xFFFFFC00;
	s3 =	sadd.s32 $0x400, s3;
	_ =	swait.ge [sflag:s23], $0x3E80  }
0xe6: {  	s5 =	sshra.s32 s5, $0x2;
	[sflag:s23] =	ssyncset.done $0x0  }
0xe7: {  	s15 =	sadd.s32 $0x3B00, s5;
	[sflag:s23] =	ssyncadd.s32 $0xFFFFC180  }
0xe8: {  	[spmem:s1] =	stream.indirect.scatter.add.f32 [tilespmem:s20], [sflag:$0x3], $0x80, s15, s19, $0xb8;
	[tilespmem:$0x1F480] =	vst v63  }
0xe9: {  	_ =	swait.ge [sflag:s24], $0x3E80  }
0xea: {  	[sflag:s24] =	ssyncset.done $0x0  }
0xeb: {  	s15 =	sadd.s32 $0x1400, s5;
	[sflag:s24] =	ssyncadd.s32 $0xFFFFC180  }
0xec: {  	[tilespmem:s20], [sflag:$0x1] =	stream.indirect.gather [hbm4b:s4+s19], $0x80, s15, s19, $0xb8;
	[tilespmem:$0x1F480] =	vst v63  }
0xed: {  	_ =	swait.ge [sflag:s25], $0x3E80  }
0xee: {  	[sflag:s25] =	ssyncset.done $0x0  }
.Ltmp3:
0xef: {  	s15 =	sadd.s32 $0x3B80, s5;
	[sflag:s25] =	ssyncadd.s32 $0xFFFFC180;
	(pc) =	sbr.rel @p0 .LBB2_8-.Ltmp3, $4  }
0xf0: {  	[spmem:s1] =	stream.indirect.scatter.add.f32 [tilespmem:s22], [sflag:$0x4], $0x80, s15, s19, $0xb8;
	[tilespmem:$0x1F480] =	vst v63  }
0xf1: {  	_ =	swait.ge [sflag:s26], $0x3E80  }
0xf2: {  	[sflag:s26] =	ssyncset.done $0x0  }
0xf3: {  	s15 =	sadd.s32 $0x1480, s5;
	[sflag:s26] =	ssyncadd.s32 $0xFFFFC180  }
0xf4: {  	[tilespmem:s22], [sflag:$0x2] =	stream.indirect.gather [hbm4b:s4+s19], $0x80, s15, s19, $0xb8;
	[tilespmem:$0x1F480] =	vst v63  }
0xf5: {  	_ =	swait.ge [sflag:s23], $0x3E80  }
0xf6: {  	[sflag:s23] =	ssyncset.done $0x0  }
0xf7: {  	[sflag:s23] =	ssyncadd.s32 $0xFFFFC180  }
0xf8: {  	[spmem:s1] =	stream.indirect.scatter.add.f32 [tilespmem:s20], [sflag:$0x3], $0x80, s30, s19, $0xb8;
	[tilespmem:$0x1F480] =	vst v63  }
0xf9: {  	_ =	swait.ge [sflag:s24], $0x3E80  }
0xfa: {  	[sflag:s24] =	ssyncset.done $0x0  }
0xfb: {  	[sflag:s24] =	ssyncadd.s32 $0xFFFFC180  }
0xfc: {  	_ =	swait.ge [sflag:s25], $0x3E80  }
0xfd: {  	[sflag:s25] =	ssyncset.done $0x0  }
0xfe: {  	[sflag:s25] =	ssyncadd.s32 $0xFFFFC180  }
0xff: {  	[spmem:s1] =	stream.indirect.scatter.add.f32 [tilespmem:s22], [sflag:$0x4], $0x80, s31, s19, $0xb8;
	[tilespmem:$0x1F480] =	vst v63  }
0x100: {  	_ =	swait.ge [sflag:s26], $0x3E80  }
0x101: {  	s0 =	sadd.s32 $0x1, s0;
	[sflag:s26] =	ssyncset.done $0x0  }
0x102: {  	p0 =	sne.s32 s0, s14;
	[sflag:s26] =	ssyncadd.s32 $0xFFFFC180  }
.Ltmp4:
0x103: {  	[bflag:$0x0] =	sbarrier.arrive $0xFFFF;
	(pc) =	sbr.rel @p0 .LBB2_1-.Ltmp4, $4  }
0x104: {  	[hbm:s13], [sflag:s17] =	dma.local [spmem:s18], $0x2710  }
0x105: {  	_ =	swait.ge [sflag:s16], $0x2710  }
0x106: {  	[sflag:s16] =	ssyncset.done $0x0  }
0x107: {  	[sflag:s16] =	ssyncadd.s32 $0xFFFFD8F0  }
0x108: {  	_ =	sfence.sel $0x180000  }
0x109: {  	[bflag:$0x0] =	sbarrier.arrive $0xFFFF  }
0x10a: {  	_ =	strace $0x90000053  }
0x10b: {  	s0 =	stileid.u32;
	[bflag:$0x2] =	sbarrier.arrive $0xFFFF  }
0x10c: {  	p0 =	sne.s32 s0, $0x0;
	s0 =	rddreg [dreg:$0x2]  }
0x10d: {  	s0 =	sadd.s32 @!p0 $0x100000, s0  }
0x10e: {  	[sflag:s0] =	ssyncadd.tile.s32 @!p0 $0x1;
	_ =	shalt  }
.Lfunc_end2:
_tile_overlayer_lowered:
.L_overlay_start_2:
0x10f: {  	(tag) =	ssettag $0x2  }
0x110: {  	s0 =	rddreg [dreg:$0x0];
	s2 =	stileid.u32  }
0x111: {  	s1 =	rddreg [dreg:$0x1];
	p0 =	sne.s32 s2, $0x0  }
0x112: {  	s3 =	rddreg [dreg:$0x2];
	[bflag:$0x3] =	sbarrier.arrive $0xFFFF;
	s2 =	simm.s32 @!p0 $0x1C05  }
0x113: {  	[timem:s3], [sflag:s2] =	dma.local @!p0 [hbm:s0], s1  }
0x114: {  	s0 =	simm.s32 @!p0 $0x5  }
0x115: {  	_ =	swait.ge @!p0 [sflag:s0], s1  }
0x116: {  	s1 =	ssub.s32 @!p0 $0x0, s1;
	[sflag:s0] =	ssyncset.done @!p0 $0x0  }
0x117: {  	[sflag:s0] =	ssyncadd.s32 @!p0 s1  }
0x118: {  	[bflag:$0x3] =	sbarrier.arrive $0xFFFF  }
0x119: {  	_ =	shalt  }

</sc_bundles>
